<compile_context>
chip_gen: v7x
topology: tpu7x:2x2x1
jax: 0.10.2.dev20260603
libtpu: 0.0.44.dev20260713+nightly
codegen_flags: <defaults>
</compile_context>

<pallas_src>
import functools

import jax
import jax.numpy as jnp
from jax import lax
from jax.experimental import pallas as pl
from jax.experimental.pallas import tpu as pltpu
from jax.experimental.pallas import tpu_sc as plsc

N_NODES_ = 10000
N_EDGES_ = 320000
D_ = 128

NC = 2
NS = 16
NW = NC * NS

CH = 128
CPW = 80
EPW = CPW * CH
EPAD = EPW * NW
NBUF = 2


def _make_sc_kernel():
    mesh = plsc.VectorSubcoreMesh(core_axis_name="c", subcore_axis_name="s")

    @functools.partial(
        pl.kernel,
        mesh=mesh,
        out_type=jax.ShapeDtypeStruct((EPAD,), jnp.float32),
        compiler_params=pltpu.CompilerParams(needs_layout_passes=False),
        scratch_types=[
            pltpu.VMEM((EPW,), jnp.int32),
            pltpu.VMEM((EPW,), jnp.int32),
            pltpu.VMEM((CH, D_), jnp.float32),
            pltpu.VMEM((CH, D_), jnp.float32),
            pltpu.VMEM((CH, D_), jnp.float32),
            pltpu.VMEM((CH, D_), jnp.float32),
            pltpu.VMEM((EPW,), jnp.float32),
            pltpu.SemaphoreType.DMA,
            pltpu.SemaphoreType.DMA,
        ],
    )
    def sc_kernel(ei_hbm, h_hbm, out_hbm, idx_s, idx_d, rows_s0, rows_s1,
                  rows_d0, rows_d1, scores, sem0, sem1):
        rows_s = (rows_s0, rows_s1)
        rows_d = (rows_d0, rows_d1)
        wid = lax.axis_index("s") * NC + lax.axis_index("c")
        base = wid * EPW

        pltpu.sync_copy(ei_hbm.at[0, pl.ds(base, EPW)], idx_s)
        pltpu.sync_copy(ei_hbm.at[1, pl.ds(base, EPW)], idx_d)

        sems = (sem0, sem1)

        def issue(c, slot):
            pltpu.async_copy(
                h_hbm.at[idx_s.at[pl.ds(c * CH, CH)]], rows_s[slot],
                sems[slot])
            pltpu.async_copy(
                h_hbm.at[idx_d.at[pl.ds(c * CH, CH)]], rows_d[slot],
                sems[slot])

        def wait(slot):
            pltpu.make_async_copy(
                h_hbm.at[idx_s.at[pl.ds(0, CH)]], rows_s[slot],
                sems[slot]).wait()
            pltpu.make_async_copy(
                h_hbm.at[idx_d.at[pl.ds(0, CH)]], rows_d[slot],
                sems[slot]).wait()

        def compute(c, slot):
            def grp(g, carry):
                e0 = g * 16
                idx_e = e0 + lax.iota(jnp.int32, 16)
                accs = [jnp.zeros((16,), jnp.float32) for _ in range(4)]
                for d in range(D_):
                    col = jnp.full((16,), d, jnp.int32)
                    a = plsc.load_gather(rows_s[slot], [idx_e, col])
                    b = plsc.load_gather(rows_d[slot], [idx_e, col])
                    accs[d % 4] = accs[d % 4] + a * b
                acc = (accs[0] + accs[1]) + (accs[2] + accs[3])
                scores[pl.ds(c * CH + e0, 16)] = acc
                return carry
            lax.fori_loop(0, CH // 16, grp, 0)

        issue(0, 0)

        def chunk_pair(i, carry):
            c0 = 2 * i
            issue(c0 + 1, 1)
            wait(0)
            compute(c0, 0)
            issue(jnp.minimum(c0 + 2, CPW - 1), 0)
            wait(1)
            compute(c0 + 1, 1)
            return carry

        lax.fori_loop(0, CPW // 2, chunk_pair, 0)
        wait(0)

        pltpu.sync_copy(scores, out_hbm.at[pl.ds(base, EPW)])

    return sc_kernel


_sc_kernel = _make_sc_kernel()


@jax.jit
def kernel(h, edge_index):
    ei = edge_index.astype(jnp.int32)
    ei = jnp.pad(ei, ((0, 0), (0, EPAD - N_EDGES_)))
    out = _sc_kernel(ei, h)
    return out[:N_EDGES_, None]

# --- scband reference (transcript-rebuilt; emitter-appended) ---
"""Pipeline reference for scband-hetero-dot-product-predictor-31361851196214 (READ-ONLY COPY).

The authoritative reference and input builder live on the scoring server;
editing this copy changes nothing except your own understanding.
"""

import jax, jax.numpy as jnp
import numpy as np

N_NODES = 10000
N_EDGES = 320000
D_FEAT = 128

def setup_inputs(seed: int = 0) -> dict:
    key = jax.random.key(seed)
    k1, k2 = jax.random.split(key)
    h = jax.random.normal(k1, (N_NODES, D_FEAT), dtype=jnp.float32)
    edge_index = jax.random.randint(k2, (2, N_EDGES), 0, N_NODES, dtype=jnp.int64)
    return {"h": h, "edge_index": edge_index}

def reference(h, edge_index):
    # DGL HeteroDotProductPredictor: graph.apply_edges(fn.u_dot_v('h','h','score'), etype=etype)
    # For each edge e with endpoints (u, v): score[e] = dot(h[u], h[v])
    # DGL's u_dot_v keeps the reduced dim, producing shape [E, 1].
    src = edge_index[0]
    dst = edge_index[1]
    h_src = jnp.take(h, src, axis=0)  # gather [E, d]
    h_dst = jnp.take(h, dst, axis=0)  # gather [E, d]
    score = jnp.sum(h_src * h_dst, axis=-1, keepdims=True)  # [E, 1]
    return score

if __name__ == "__main__":
    import jax
    _d = setup_inputs()
    print(jax.jit(kernel)(*tuple(_d.values())))

</pallas_src>

<mosaic_0001>
#map = affine_map<(d0, d1) -> (0, 0)>
#map1 = affine_map<(d0, d1) -> (0)>
module attributes {stable_mosaic.version = 14 : i64} {
  func.func @sc_kernel(%arg0: i32, %arg1: i32, %arg2: memref<2x327680xi32, #tpu.memory_space<hbm>>, %arg3: memref<10000x128xf32, #tpu.memory_space<hbm>>, %arg4: memref<327680xf32, #tpu.memory_space<hbm>>, %arg5: memref<10240xi32, #tpu.memory_space<vmem>>, %arg6: memref<10240xi32, #tpu.memory_space<vmem>>, %arg7: memref<128x128xf32, #tpu.memory_space<vmem>>, %arg8: memref<128x128xf32, #tpu.memory_space<vmem>>, %arg9: memref<128x128xf32, #tpu.memory_space<vmem>>, %arg10: memref<128x128xf32, #tpu.memory_space<vmem>>, %arg11: memref<10240xf32, #tpu.memory_space<vmem>>, %arg12: memref<!tpu.dma_semaphore, #tpu.memory_space<semaphore_mem>>, %arg13: memref<!tpu.dma_semaphore, #tpu.memory_space<semaphore_mem>>) attributes {dimension_semantics = [#tpu.dimension_semantics<core_parallel>, #tpu.dimension_semantics<subcore_parallel>], iteration_bounds = array<i64: 2, 16>, scalar_prefetch = 0 : i64, scratch_operands = 9 : i64, tpu.core_type = #tpu.core_type<sc_vector_subcore>, window_params = [{transform_indices = #map}, {transform_indices = #map}, {transform_indices = #map1}]} {
    %mul3A = arith.constant 2 : i32
    %mul3A_0 = arith.muli %arg1, %mul3A : i32
    %add3A = arith.addi %mul3A_0, %arg0 : i32
    %mul3A_1 = arith.constant 10240 : i32
    %mul3A_2 = arith.muli %add3A, %mul3A_1 : i32
    %run_scoped3A = arith.constant 0 : i32
    "tpu.region"() ({
      %run_scoped3A_27 = tpu.sem_alloc : memref<!tpu.dma_semaphore, #tpu.memory_space<semaphore_mem>>
      %dma_start3A_28 = tpu.memref_slice %arg2[%run_scoped3A, %mul3A_2] : memref<2x327680xi32, #tpu.memory_space<hbm>> -> memref<1x10240xi32, #tpu.memory_space<hbm>>
      %dma_start3A_29 = tpu.memref_squeeze %dma_start3A_28 : memref<1x10240xi32, #tpu.memory_space<hbm>> -> memref<10240xi32, #tpu.memory_space<hbm>>
      %dma_start3A_30 = tpu.memref_slice %arg2[%run_scoped3A, %mul3A_2] : memref<2x327680xi32, #tpu.memory_space<hbm>> -> memref<1x10240xi32, #tpu.memory_space<hbm>>
      %dma_start3A_31 = tpu.memref_squeeze %dma_start3A_30 : memref<1x10240xi32, #tpu.memory_space<hbm>> -> memref<10240xi32, #tpu.memory_space<hbm>>
      tpu.enqueue_dma source(%dma_start3A_31 : memref<10240xi32, #tpu.memory_space<hbm>>) target(%arg5 : memref<10240xi32, #tpu.memory_space<vmem>>) target_semaphore(%run_scoped3A_27 : memref<!tpu.dma_semaphore, #tpu.memory_space<semaphore_mem>>)
      %dma_wait3A_32 = tpu.memref_slice %arg2[%run_scoped3A, %mul3A_2] : memref<2x327680xi32, #tpu.memory_space<hbm>> -> memref<1x10240xi32, #tpu.memory_space<hbm>>
      %dma_wait3A_33 = tpu.memref_squeeze %dma_wait3A_32 : memref<1x10240xi32, #tpu.memory_space<hbm>> -> memref<10240xi32, #tpu.memory_space<hbm>>
      %dma_wait3A_34 = tpu.memref_slice %arg2[%run_scoped3A, %mul3A_2] : memref<2x327680xi32, #tpu.memory_space<hbm>> -> memref<1x10240xi32, #tpu.memory_space<hbm>>
      %dma_wait3A_35 = tpu.memref_squeeze %dma_wait3A_34 : memref<1x10240xi32, #tpu.memory_space<hbm>> -> memref<10240xi32, #tpu.memory_space<hbm>>
      tpu.wait_dma2 semaphore(%run_scoped3A_27 : memref<!tpu.dma_semaphore, #tpu.memory_space<semaphore_mem>>) src(%dma_wait3A_35 : memref<10240xi32, #tpu.memory_space<hbm>>) dst(%arg5 : memref<10240xi32, #tpu.memory_space<vmem>>)
      tpu.yield
    }) : () -> ()
    %run_scoped3A_3 = arith.constant 1 : i32
    "tpu.region"() ({
      %run_scoped3A_27 = tpu.sem_alloc : memref<!tpu.dma_semaphore, #tpu.memory_space<semaphore_mem>>
      %dma_start3A_28 = tpu.memref_slice %arg2[%run_scoped3A_3, %mul3A_2] : memref<2x327680xi32, #tpu.memory_space<hbm>> -> memref<1x10240xi32, #tpu.memory_space<hbm>>
      %dma_start3A_29 = tpu.memref_squeeze %dma_start3A_28 : memref<1x10240xi32, #tpu.memory_space<hbm>> -> memref<10240xi32, #tpu.memory_space<hbm>>
      %dma_start3A_30 = tpu.memref_slice %arg2[%run_scoped3A_3, %mul3A_2] : memref<2x327680xi32, #tpu.memory_space<hbm>> -> memref<1x10240xi32, #tpu.memory_space<hbm>>
      %dma_start3A_31 = tpu.memref_squeeze %dma_start3A_30 : memref<1x10240xi32, #tpu.memory_space<hbm>> -> memref<10240xi32, #tpu.memory_space<hbm>>
      tpu.enqueue_dma source(%dma_start3A_31 : memref<10240xi32, #tpu.memory_space<hbm>>) target(%arg6 : memref<10240xi32, #tpu.memory_space<vmem>>) target_semaphore(%run_scoped3A_27 : memref<!tpu.dma_semaphore, #tpu.memory_space<semaphore_mem>>)
      %dma_wait3A_32 = tpu.memref_slice %arg2[%run_scoped3A_3, %mul3A_2] : memref<2x327680xi32, #tpu.memory_space<hbm>> -> memref<1x10240xi32, #tpu.memory_space<hbm>>
      %dma_wait3A_33 = tpu.memref_squeeze %dma_wait3A_32 : memref<1x10240xi32, #tpu.memory_space<hbm>> -> memref<10240xi32, #tpu.memory_space<hbm>>
      %dma_wait3A_34 = tpu.memref_slice %arg2[%run_scoped3A_3, %mul3A_2] : memref<2x327680xi32, #tpu.memory_space<hbm>> -> memref<1x10240xi32, #tpu.memory_space<hbm>>
      %dma_wait3A_35 = tpu.memref_squeeze %dma_wait3A_34 : memref<1x10240xi32, #tpu.memory_space<hbm>> -> memref<10240xi32, #tpu.memory_space<hbm>>
      tpu.wait_dma2 semaphore(%run_scoped3A_27 : memref<!tpu.dma_semaphore, #tpu.memory_space<semaphore_mem>>) src(%dma_wait3A_35 : memref<10240xi32, #tpu.memory_space<hbm>>) dst(%arg6 : memref<10240xi32, #tpu.memory_space<vmem>>)
      tpu.yield
    }) : () -> ()
    %dma_start3A = arith.constant 0 : i32
    %dma_start3A_4 = tpu.memref_slice %arg5[%dma_start3A] : memref<10240xi32, #tpu.memory_space<vmem>> -> memref<128xi32, #tpu.memory_space<vmem>>
    %dma_start3A_5 = arith.constant 0 : i32
    %dma_start3A_6 = arith.constant 0 : i32
    %dma_start3A_7 = tpu.memref_slice %arg3[%dma_start3A_5, %dma_start3A_6] : memref<10000x128xf32, #tpu.memory_space<hbm>> -> memref<10000x128xf32, #tpu.memory_space<hbm>>
    tpu.enqueue_indirect_dma source(%dma_start3A_7 : memref<10000x128xf32, #tpu.memory_space<hbm>>) target(%arg7 : memref<128x128xf32, #tpu.memory_space<vmem>>) offsets(%dma_start3A_4 : memref<128xi32, #tpu.memory_space<vmem>>) semaphore(%arg12 : memref<!tpu.dma_semaphore, #tpu.memory_space<semaphore_mem>>)
    %dma_start3A_8 = arith.constant 0 : i32
    %dma_start3A_9 = tpu.memref_slice %arg6[%dma_start3A_8] : memref<10240xi32, #tpu.memory_space<vmem>> -> memref<128xi32, #tpu.memory_space<vmem>>
    %dma_start3A_10 = arith.constant 0 : i32
    %dma_start3A_11 = arith.constant 0 : i32
    %dma_start3A_12 = tpu.memref_slice %arg3[%dma_start3A_10, %dma_start3A_11] : memref<10000x128xf32, #tpu.memory_space<hbm>> -> memref<10000x128xf32, #tpu.memory_space<hbm>>
    tpu.enqueue_indirect_dma source(%dma_start3A_12 : memref<10000x128xf32, #tpu.memory_space<hbm>>) target(%arg9 : memref<128x128xf32, #tpu.memory_space<vmem>>) offsets(%dma_start3A_9 : memref<128xi32, #tpu.memory_space<vmem>>) semaphore(%arg12 : memref<!tpu.dma_semaphore, #tpu.memory_space<semaphore_mem>>)
    %scan3A = arith.constant 0 : i32
    %scan3A_13 = arith.constant 0 : i32
    %scan3A_14 = arith.constant 40 : i32
    %scan3A_15 = arith.addi %scan3A_13, %scan3A_14 : i32
    %scan3A_16 = arith.constant 1 : i32
    scf.for %scan3A_27 = %scan3A_13 to %scan3A_15 step %scan3A_16  : i32 {
      %mul3A_28 = arith.constant 2 : i32
      %mul3A_29 = arith.muli %mul3A_28, %scan3A_27 : i32
      %add3A_30 = arith.constant 1 : i32
      %add3A_31 = arith.addi %mul3A_29, %add3A_30 : i32
      %mul3A_32 = arith.constant 128 : i32
      %mul3A_33 = arith.muli %add3A_31, %mul3A_32 : i32
      %dma_start3A_34 = tpu.memref_slice %arg5[%mul3A_33] : memref<10240xi32, #tpu.memory_space<vmem>> -> memref<128xi32, #tpu.memory_space<vmem>>
      %dma_start3A_35 = arith.constant 0 : i32
      %dma_start3A_36 = arith.constant 0 : i32
      %dma_start3A_37 = tpu.memref_slice %arg3[%dma_start3A_35, %dma_start3A_36] : memref<10000x128xf32, #tpu.memory_space<hbm>> -> memref<10000x128xf32, #tpu.memory_space<hbm>>
      tpu.enqueue_indirect_dma source(%dma_start3A_37 : memref<10000x128xf32, #tpu.memory_space<hbm>>) target(%arg8 : memref<128x128xf32, #tpu.memory_space<vmem>>) offsets(%dma_start3A_34 : memref<128xi32, #tpu.memory_space<vmem>>) semaphore(%arg13 : memref<!tpu.dma_semaphore, #tpu.memory_space<semaphore_mem>>)
      %mul3A_38 = arith.constant 128 : i32
      %mul3A_39 = arith.muli %add3A_31, %mul3A_38 : i32
      %dma_start3A_40 = tpu.memref_slice %arg6[%mul3A_39] : memref<10240xi32, #tpu.memory_space<vmem>> -> memref<128xi32, #tpu.memory_space<vmem>>
      %dma_start3A_41 = arith.constant 0 : i32
      %dma_start3A_42 = arith.constant 0 : i32
      %dma_start3A_43 = tpu.memref_slice %arg3[%dma_start3A_41, %dma_start3A_42] : memref<10000x128xf32, #tpu.memory_space<hbm>> -> memref<10000x128xf32, #tpu.memory_space<hbm>>
      tpu.enqueue_indirect_dma source(%dma_start3A_43 : memref<10000x128xf32, #tpu.memory_space<hbm>>) target(%arg10 : memref<128x128xf32, #tpu.memory_space<vmem>>) offsets(%dma_start3A_40 : memref<128xi32, #tpu.memory_space<vmem>>) semaphore(%arg13 : memref<!tpu.dma_semaphore, #tpu.memory_space<semaphore_mem>>)
      %dma_wait3A_44 = arith.constant 0 : i32
      %dma_wait3A_45 = tpu.memref_slice %arg5[%dma_wait3A_44] : memref<10240xi32, #tpu.memory_space<vmem>> -> memref<128xi32, #tpu.memory_space<vmem>>
      %dma_wait3A_46 = arith.constant 0 : i32
      %dma_wait3A_47 = arith.constant 0 : i32
      %dma_wait3A_48 = tpu.memref_slice %arg3[%dma_wait3A_46, %dma_wait3A_47] : memref<10000x128xf32, #tpu.memory_space<hbm>> -> memref<10000x128xf32, #tpu.memory_space<hbm>>
      tpu.wait_indirect_dma semaphore(%arg12 : memref<!tpu.dma_semaphore, #tpu.memory_space<semaphore_mem>>) src(%dma_wait3A_48 : memref<10000x128xf32, #tpu.memory_space<hbm>>) dst(%arg7 : memref<128x128xf32, #tpu.memory_space<vmem>>)
      %dma_wait3A_49 = arith.constant 0 : i32
      %dma_wait3A_50 = tpu.memref_slice %arg6[%dma_wait3A_49] : memref<10240xi32, #tpu.memory_space<vmem>> -> memref<128xi32, #tpu.memory_space<vmem>>
      %dma_wait3A_51 = arith.constant 0 : i32
      %dma_wait3A_52 = arith.constant 0 : i32
      %dma_wait3A_53 = tpu.memref_slice %arg3[%dma_wait3A_51, %dma_wait3A_52] : memref<10000x128xf32, #tpu.memory_space<hbm>> -> memref<10000x128xf32, #tpu.memory_space<hbm>>
      tpu.wait_indirect_dma semaphore(%arg12 : memref<!tpu.dma_semaphore, #tpu.memory_space<semaphore_mem>>) src(%dma_wait3A_53 : memref<10000x128xf32, #tpu.memory_space<hbm>>) dst(%arg9 : memref<128x128xf32, #tpu.memory_space<vmem>>)
      %scan3A_54 = arith.constant 0 : i32
      %scan3A_55 = arith.constant 0 : i32
      %scan3A_56 = arith.constant 8 : i32
      %scan3A_57 = arith.addi %scan3A_55, %scan3A_56 : i32
      %scan3A_58 = arith.constant 1 : i32
      scf.for %scan3A_93 = %scan3A_55 to %scan3A_57 step %scan3A_58  : i32 {
        %mul3A_94 = arith.constant 16 : i32
        %mul3A_95 = arith.muli %scan3A_93, %mul3A_94 : i32
        %iota3A = tpu.iota {dimensions = array<i32: 0>} : vector<16xi32>
        %add3A_96 = vector.broadcast %mul3A_95 : i32 to vector<16xi32>
        %add3A_97 = arith.addi %add3A_96, %iota3A : vector<16xi32>
        %broadcast_in_dim3A = arith.constant 0.000000e+00 : f32
        %broadcast_in_dim3A_98 = vector.broadcast %broadcast_in_dim3A : f32 to vector<16xf32>
        %broadcast_in_dim3A_99 = arith.constant 0.000000e+00 : f32
        %broadcast_in_dim3A_100 = vector.broadcast %broadcast_in_dim3A_99 : f32 to vector<16xf32>
        %broadcast_in_dim3A_101 = arith.constant 0.000000e+00 : f32
        %broadcast_in_dim3A_102 = vector.broadcast %broadcast_in_dim3A_101 : f32 to vector<16xf32>
        %broadcast_in_dim3A_103 = arith.constant 0.000000e+00 : f32
        %broadcast_in_dim3A_104 = vector.broadcast %broadcast_in_dim3A_103 : f32 to vector<16xf32>
        %broadcast_in_dim3A_105 = arith.constant 0 : i32
        %broadcast_in_dim3A_106 = vector.broadcast %broadcast_in_dim3A_105 : i32 to vector<16xi32>
        %gather3A = tpu.vector_load_idx %arg7[%add3A_97, %broadcast_in_dim3A_106] : memref<128x128xf32, #tpu.memory_space<vmem>>[vector<16xi32>, vector<16xi32>], vector<16xf32>,
        %gather3A_107 = tpu.vector_load_idx %arg9[%add3A_97, %broadcast_in_dim3A_106] : memref<128x128xf32, #tpu.memory_space<vmem>>[vector<16xi32>, vector<16xi32>], vector<16xf32>,
        %mul3A_108 = arith.mulf %gather3A, %gather3A_107 : vector<16xf32>
        %add3A_109 = arith.addf %broadcast_in_dim3A_98, %mul3A_108 : vector<16xf32>
        %broadcast_in_dim3A_110 = arith.constant 1 : i32
        %broadcast_in_dim3A_111 = vector.broadcast %broadcast_in_dim3A_110 : i32 to vector<16xi32>
        %gather3A_112 = tpu.vector_load_idx %arg7[%add3A_97, %broadcast_in_dim3A_111] : memref<128x128xf32, #tpu.memory_space<vmem>>[vector<16xi32>, vector<16xi32>], vector<16xf32>,
        %gather3A_113 = tpu.vector_load_idx %arg9[%add3A_97, %broadcast_in_dim3A_111] : memref<128x128xf32, #tpu.memory_space<vmem>>[vector<16xi32>, vector<16xi32>], vector<16xf32>,
        %mul3A_114 = arith.mulf %gather3A_112, %gather3A_113 : vector<16xf32>
        %add3A_115 = arith.addf %broadcast_in_dim3A_100, %mul3A_114 : vector<16xf32>
        %broadcast_in_dim3A_116 = arith.constant 2 : i32
        %broadcast_in_dim3A_117 = vector.broadcast %broadcast_in_dim3A_116 : i32 to vector<16xi32>
        %gather3A_118 = tpu.vector_load_idx %arg7[%add3A_97, %broadcast_in_dim3A_117] : memref<128x128xf32, #tpu.memory_space<vmem>>[vector<16xi32>, vector<16xi32>], vector<16xf32>,
        %gather3A_119 = tpu.vector_load_idx %arg9[%add3A_97, %broadcast_in_dim3A_117] : memref<128x128xf32, #tpu.memory_space<vmem>>[vector<16xi32>, vector<16xi32>], vector<16xf32>,
        %mul3A_120 = arith.mulf %gather3A_118, %gather3A_119 : vector<16xf32>
        %add3A_121 = arith.addf %broadcast_in_dim3A_102, %mul3A_120 : vector<16xf32>
        %broadcast_in_dim3A_122 = arith.constant 3 : i32
        %broadcast_in_dim3A_123 = vector.broadcast %broadcast_in_dim3A_122 : i32 to vector<16xi32>
        %gather3A_124 = tpu.vector_load_idx %arg7[%add3A_97, %broadcast_in_dim3A_123] : memref<128x128xf32, #tpu.memory_space<vmem>>[vector<16xi32>, vector<16xi32>], vector<16xf32>,
        %gather3A_125 = tpu.vector_load_idx %arg9[%add3A_97, %broadcast_in_dim3A_123] : memref<128x128xf32, #tpu.memory_space<vmem>>[vector<16xi32>, vector<16xi32>], vector<16xf32>,
        %mul3A_126 = arith.mulf %gather3A_124, %gather3A_125 : vector<16xf32>
        %add3A_127 = arith.addf %broadcast_in_dim3A_104, %mul3A_126 : vector<16xf32>
        %broadcast_in_dim3A_128 = arith.constant 4 : i32
        %broadcast_in_dim3A_129 = vector.broadcast %broadcast_in_dim3A_128 : i32 to vector<16xi32>
        %gather3A_130 = tpu.vector_load_idx %arg7[%add3A_97, %broadcast_in_dim3A_129] : memref<128x128xf32, #tpu.memory_space<vmem>>[vector<16xi32>, vector<16xi32>], vector<16xf32>,
        %gather3A_131 = tpu.vector_load_idx %arg9[%add3A_97, %broadcast_in_dim3A_129] : memref<128x128xf32, #tpu.memory_space<vmem>>[vector<16xi32>, vector<16xi32>], vector<16xf32>,
        %mul3A_132 = arith.mulf %gather3A_130, %gather3A_131 : vector<16xf32>
        %add3A_133 = arith.addf %add3A_109, %mul3A_132 : vector<16xf32>
        %broadcast_in_dim3A_134 = arith.constant 5 : i32
        %broadcast_in_dim3A_135 = vector.broadcast %broadcast_in_dim3A_134 : i32 to vector<16xi32>
        %gather3A_136 = tpu.vector_load_idx %arg7[%add3A_97, %broadcast_in_dim3A_135] : memref<128x128xf32, #tpu.memory_space<vmem>>[vector<16xi32>, vector<16xi32>], vector<16xf32>,
        %gather3A_137 = tpu.vector_load_idx %arg9[%add3A_97, %broadcast_in_dim3A_135] : memref<128x128xf32, #tpu.memory_space<vmem>>[vector<16xi32>, vector<16xi32>], vector<16xf32>,
        %mul3A_138 = arith.mulf %gather3A_136, %gather3A_137 : vector<16xf32>
        %add3A_139 = arith.addf %add3A_115, %mul3A_138 : vector<16xf32>
        %broadcast_in_dim3A_140 = arith.constant 6 : i32
        %broadcast_in_dim3A_141 = vector.broadcast %broadcast_in_dim3A_140 : i32 to vector<16xi32>
        %gather3A_142 = tpu.vector_load_idx %arg7[%add3A_97, %broadcast_in_dim3A_141] : memref<128x128xf32, #tpu.memory_space<vmem>>[vector<16xi32>, vector<16xi32>], vector<16xf32>,
        %gather3A_143 = tpu.vector_load_idx %arg9[%add3A_97, %broadcast_in_dim3A_141] : memref<128x128xf32, #tpu.memory_space<vmem>>[vector<16xi32>, vector<16xi32>], vector<16xf32>,
        %mul3A_144 = arith.mulf %gather3A_142, %gather3A_143 : vector<16xf32>
        %add3A_145 = arith.addf %add3A_121, %mul3A_144 : vector<16xf32>
        %broadcast_in_dim3A_146 = arith.constant 7 : i32
        %broadcast_in_dim3A_147 = vector.broadcast %broadcast_in_dim3A_146 : i32 to vector<16xi32>
        %gather3A_148 = tpu.vector_load_idx %arg7[%add3A_97, %broadcast_in_dim3A_147] : memref<128x128xf32, #tpu.memory_space<vmem>>[vector<16xi32>, vector<16xi32>], vector<16xf32>,
        %gather3A_149 = tpu.vector_load_idx %arg9[%add3A_97, %broadcast_in_dim3A_147] : memref<128x128xf32, #tpu.memory_space<vmem>>[vector<16xi32>, vector<16xi32>], vector<16xf32>,
        %mul3A_150 = arith.mulf %gather3A_148, %gather3A_149 : vector<16xf32>
        %add3A_151 = arith.addf %add3A_127, %mul3A_150 : vector<16xf32>
        %broadcast_in_dim3A_152 = arith.constant 8 : i32
        %broadcast_in_dim3A_153 = vector.broadcast %broadcast_in_dim3A_152 : i32 to vector<16xi32>
        %gather3A_154 = tpu.vector_load_idx %arg7[%add3A_97, %broadcast_in_dim3A_153] : memref<128x128xf32, #tpu.memory_space<vmem>>[vector<16xi32>, vector<16xi32>], vector<16xf32>,
        %gather3A_155 = tpu.vector_load_idx %arg9[%add3A_97, %broadcast_in_dim3A_153] : memref<128x128xf32, #tpu.memory_space<vmem>>[vector<16xi32>, vector<16xi32>], vector<16xf32>,
        %mul3A_156 = arith.mulf %gather3A_154, %gather3A_155 : vector<16xf32>
        %add3A_157 = arith.addf %add3A_133, %mul3A_156 : vector<16xf32>
        %broadcast_in_dim3A_158 = arith.constant 9 : i32
        %broadcast_in_dim3A_159 = vector.broadcast %broadcast_in_dim3A_158 : i32 to vector<16xi32>
        %gather3A_160 = tpu.vector_load_idx %arg7[%add3A_97, %broadcast_in_dim3A_159] : memref<128x128xf32, #tpu.memory_space<vmem>>[vector<16xi32>, vector<16xi32>], vector<16xf32>,
        %gather3A_161 = tpu.vector_load_idx %arg9[%add3A_97, %broadcast_in_dim3A_159] : memref<128x128xf32, #tpu.memory_space<vmem>>[vector<16xi32>, vector<16xi32>], vector<16xf32>,
        %mul3A_162 = arith.mulf %gather3A_160, %gather3A_161 : vector<16xf32>
        %add3A_163 = arith.addf %add3A_139, %mul3A_162 : vector<16xf32>
        %broadcast_in_dim3A_164 = arith.constant 10 : i32
        %broadcast_in_dim3A_165 = vector.broadcast %broadcast_in_dim3A_164 : i32 to vector<16xi32>
        %gather3A_166 = tpu.vector_load_idx %arg7[%add3A_97, %broadcast_in_dim3A_165] : memref<128x128xf32, #tpu.memory_space<vmem>>[vector<16xi32>, vector<16xi32>], vector<16xf32>,
        %gather3A_167 = tpu.vector_load_idx %arg9[%add3A_97, %broadcast_in_dim3A_165] : memref<128x128xf32, #tpu.memory_space<vmem>>[vector<16xi32>, vector<16xi32>], vector<16xf32>,
        %mul3A_168 = arith.mulf %gather3A_166, %gather3A_167 : vector<16xf32>
        %add3A_169 = arith.addf %add3A_145, %mul3A_168 : vector<16xf32>
        %broadcast_in_dim3A_170 = arith.constant 11 : i32
        %broadcast_in_dim3A_171 = vector.broadcast %broadcast_in_dim3A_170 : i32 to vector<16xi32>
        %gather3A_172 = tpu.vector_load_idx %arg7[%add3A_97, %broadcast_in_dim3A_171] : memref<128x128xf32, #tpu.memory_space<vmem>>[vector<16xi32>, vector<16xi32>], vector<16xf32>,
        %gather3A_173 = tpu.vector_load_idx %arg9[%add3A_97, %broadcast_in_dim3A_171] : memref<128x128xf32, #tpu.memory_space<vmem>>[vector<16xi32>, vector<16xi32>], vector<16xf32>,
        %mul3A_174 = arith.mulf %gather3A_172, %gather3A_173 : vector<16xf32>
        %add3A_175 = arith.addf %add3A_151, %mul3A_174 : vector<16xf32>
        %broadcast_in_dim3A_176 = arith.constant 12 : i32
        %broadcast_in_dim3A_177 = vector.broadcast %broadcast_in_dim3A_176 : i32 to vector<16xi32>
        %gather3A_178 = tpu.vector_load_idx %arg7[%add3A_97, %broadcast_in_dim3A_177] : memref<128x128xf32, #tpu.memory_space<vmem>>[vector<16xi32>, vector<16xi32>], vector<16xf32>,
        %gather3A_179 = tpu.vector_load_idx %arg9[%add3A_97, %broadcast_in_dim3A_177] : memref<128x128xf32, #tpu.memory_space<vmem>>[vector<16xi32>, vector<16xi32>], vector<16xf32>,
        %mul3A_180 = arith.mulf %gather3A_178, %gather3A_179 : vector<16xf32>
        %add3A_181 = arith.addf %add3A_157, %mul3A_180 : vector<16xf32>
        %broadcast_in_dim3A_182 = arith.constant 13 : i32
        %broadcast_in_dim3A_183 = vector.broadcast %broadcast_in_dim3A_182 : i32 to vector<16xi32>
        %gather3A_184 = tpu.vector_load_idx %arg7[%add3A_97, %broadcast_in_dim3A_183] : memref<128x128xf32, #tpu.memory_space<vmem>>[vector<16xi32>, vector<16xi32>], vector<16xf32>,
        %gather3A_185 = tpu.vector_load_idx %arg9[%add3A_97, %broadcast_in_dim3A_183] : memref<128x128xf32, #tpu.memory_space<vmem>>[vector<16xi32>, vector<16xi32>], vector<16xf32>,
        %mul3A_186 = arith.mulf %gather3A_184, %gather3A_185 : vector<16xf32>
        %add3A_187 = arith.addf %add3A_163, %mul3A_186 : vector<16xf32>
        %broadcast_in_dim3A_188 = arith.constant 14 : i32
        %broadcast_in_dim3A_189 = vector.broadcast %broadcast_in_dim3A_188 : i32 to vector<16xi32>
        %gather3A_190 = tpu.vector_load_idx %arg7[%add3A_97, %broadcast_in_dim3A_189] : memref<128x128xf32, #tpu.memory_space<vmem>>[vector<16xi32>, vector<16xi32>], vector<16xf32>,
        %gather3A_191 = tpu.vector_load_idx %arg9[%add3A_97, %broadcast_in_dim3A_189] : memref<128x128xf32, #tpu.memory_space<vmem>>[vector<16xi32>, vector<16xi32>], vector<16xf32>,
        %mul3A_192 = arith.mulf %gather3A_190, %gather3A_191 : vector<16xf32>
        %add3A_193 = arith.addf %add3A_169, %mul3A_192 : vector<16xf32>
        %broadcast_in_dim3A_194 = arith.constant 15 : i32
        %broadcast_in_dim3A_195 = vector.broadcast %broadcast_in_dim3A_194 : i32 to vector<16xi32>
        %gather3A_196 = tpu.vector_load_idx %arg7[%add3A_97, %broadcast_in_dim3A_195] : memref<128x128xf32, #tpu.memory_space<vmem>>[vector<16xi32>, vector<16xi32>], vector<16xf32>,
        %gather3A_197 = tpu.vector_load_idx %arg9[%add3A_97, %broadcast_in_dim3A_195] : memref<128x128xf32, #tpu.memory_space<vmem>>[vector<16xi32>, vector<16xi32>], vector<16xf32>,
        %mul3A_198 = arith.mulf %gather3A_196, %gather3A_197 : vector<16xf32>
        %add3A_199 = arith.addf %add3A_175, %mul3A_198 : vector<16xf32>
        %broadcast_in_dim3A_200 = arith.constant 16 : i32
        %broadcast_in_dim3A_201 = vector.broadcast %broadcast_in_dim3A_200 : i32 to vector<16xi32>
        %gather3A_202 = tpu.vector_load_idx %arg7[%add3A_97, %broadcast_in_dim3A_201] : memref<128x128xf32, #tpu.memory_space<vmem>>[vector<16xi32>, vector<16xi32>], vector<16xf32>,
        %gather3A_203 = tpu.vector_load_idx %arg9[%add3A_97, %broadcast_in_dim3A_201] : memref<128x128xf32, #tpu.memory_space<vmem>>[vector<16xi32>, vector<16xi32>], vector<16xf32>,
        %mul3A_204 = arith.mulf %gather3A_202, %gather3A_203 : vector<16xf32>
        %add3A_205 = arith.addf %add3A_181, %mul3A_204 : vector<16xf32>
        %broadcast_in_dim3A_206 = arith.constant 17 : i32
        %broadcast_in_dim3A_207 = vector.broadcast %broadcast_in_dim3A_206 : i32 to vector<16xi32>
        %gather3A_208 = tpu.vector_load_idx %arg7[%add3A_97, %broadcast_in_dim3A_207] : memref<128x128xf32, #tpu.memory_space<vmem>>[vector<16xi32>, vector<16xi32>], vector<16xf32>,
        %gather3A_209 = tpu.vector_load_idx %arg9[%add3A_97, %broadcast_in_dim3A_207] : memref<128x128xf32, #tpu.memory_space<vmem>>[vector<16xi32>, vector<16xi32>], vector<16xf32>,
        %mul3A_210 = arith.mulf %gather3A_208, %gather3A_209 : vector<16xf32>
        %add3A_211 = arith.addf %add3A_187, %mul3A_210 : vector<16xf32>
        %broadcast_in_dim3A_212 = arith.constant 18 : i32
        %broadcast_in_dim3A_213 = vector.broadcast %broadcast_in_dim3A_212 : i32 to vector<16xi32>
        %gather3A_214 = tpu.vector_load_idx %arg7[%add3A_97, %broadcast_in_dim3A_213] : memref<128x128xf32, #tpu.memory_space<vmem>>[vector<16xi32>, vector<16xi32>], vector<16xf32>,
        %gather3A_215 = tpu.vector_load_idx %arg9[%add3A_97, %broadcast_in_dim3A_213] : memref<128x128xf32, #tpu.memory_space<vmem>>[vector<16xi32>, vector<16xi32>], vector<16xf32>,
        %mul3A_216 = arith.mulf %gather3A_214, %gather3A_215 : vector<16xf32>
        %add3A_217 = arith.addf %add3A_193, %mul3A_216 : vector<16xf32>
        %broadcast_in_dim3A_218 = arith.constant 19 : i32
        %broadcast_in_dim3A_219 = vector.broadcast %broadcast_in_dim3A_218 : i32 to vector<16xi32>
        %gather3A_220 = tpu.vector_load_idx %arg7[%add3A_97, %broadcast_in_dim3A_219] : memref<128x128xf32, #tpu.memory_space<vmem>>[vector<16xi32>, vector<16xi32>], vector<16xf32>,
        %gather3A_221 = tpu.vector_load_idx %arg9[%add3A_97, %broadcast_in_dim3A_219] : memref<128x128xf32, #tpu.memory_space<vmem>>[vector<16xi32>, vector<16xi32>], vector<16xf32>,
        %mul3A_222 = arith.mulf %gather3A_220, %gather3A_221 : vector<16xf32>
        %add3A_223 = arith.addf %add3A_199, %mul3A_222 : vector<16xf32>
        %broadcast_in_dim3A_224 = arith.constant 20 : i32
        %broadcast_in_dim3A_225 = vector.broadcast %broadcast_in_dim3A_224 : i32 to vector<16xi32>
        %gather3A_226 = tpu.vector_load_idx %arg7[%add3A_97, %broadcast_in_dim3A_225] : memref<128x128xf32, #tpu.memory_space<vmem>>[vector<16xi32>, vector<16xi32>], vector<16xf32>,
        %gather3A_227 = tpu.vector_load_idx %arg9[%add3A_97, %broadcast_in_dim3A_225] : memref<128x128xf32, #tpu.memory_space<vmem>>[vector<16xi32>, vector<16xi32>], vector<16xf32>,
        %mul3A_228 = arith.mulf %gather3A_226, %gather3A_227 : vector<16xf32>
        %add3A_229 = arith.addf %add3A_205, %mul3A_228 : vector<16xf32>
        %broadcast_in_dim3A_230 = arith.constant 21 : i32
        %broadcast_in_dim3A_231 = vector.broadcast %broadcast_in_dim3A_230 : i32 to vector<16xi32>
        %gather3A_232 = tpu.vector_load_idx %arg7[%add3A_97, %broadcast_in_dim3A_231] : memref<128x128xf32, #tpu.memory_space<vmem>>[vector<16xi32>, vector<16xi32>], vector<16xf32>,
        %gather3A_233 = tpu.vector_load_idx %arg9[%add3A_97, %broadcast_in_dim3A_231] : memref<128x128xf32, #tpu.memory_space<vmem>>[vector<16xi32>, vector<16xi32>], vector<16xf32>,
        %mul3A_234 = arith.mulf %gather3A_232, %gather3A_233 : vector<16xf32>
        %add3A_235 = arith.addf %add3A_211, %mul3A_234 : vector<16xf32>
        %broadcast_in_dim3A_236 = arith.constant 22 : i32
        %broadcast_in_dim3A_237 = vector.broadcast %broadcast_in_dim3A_236 : i32 to vector<16xi32>
        %gather3A_238 = tpu.vector_load_idx %arg7[%add3A_97, %broadcast_in_dim3A_237] : memref<128x128xf32, #tpu.memory_space<vmem>>[vector<16xi32>, vector<16xi32>], vector<16xf32>,
        %gather3A_239 = tpu.vector_load_idx %arg9[%add3A_97, %broadcast_in_dim3A_237] : memref<128x128xf32, #tpu.memory_space<vmem>>[vector<16xi32>, vector<16xi32>], vector<16xf32>,
        %mul3A_240 = arith.mulf %gather3A_238, %gather3A_239 : vector<16xf32>
        %add3A_241 = arith.addf %add3A_217, %mul3A_240 : vector<16xf32>
        %broadcast_in_dim3A_242 = arith.constant 23 : i32
        %broadcast_in_dim3A_243 = vector.broadcast %broadcast_in_dim3A_242 : i32 to vector<16xi32>
        %gather3A_244 = tpu.vector_load_idx %arg7[%add3A_97, %broadcast_in_dim3A_243] : memref<128x128xf32, #tpu.memory_space<vmem>>[vector<16xi32>, vector<16xi32>], vector<16xf32>,
        %gather3A_245 = tpu.vector_load_idx %arg9[%add3A_97, %broadcast_in_dim3A_243] : memref<128x128xf32, #tpu.memory_space<vmem>>[vector<16xi32>, vector<16xi32>], vector<16xf32>,
        %mul3A_246 = arith.mulf %gather3A_244, %gather3A_245 : vector<16xf32>
        %add3A_247 = arith.addf %add3A_223, %mul3A_246 : vector<16xf32>
        %broadcast_in_dim3A_248 = arith.constant 24 : i32
        %broadcast_in_dim3A_249 = vector.broadcast %broadcast_in_dim3A_248 : i32 to vector<16xi32>
        %gather3A_250 = tpu.vector_load_idx %arg7[%add3A_97, %broadcast_in_dim3A_249] : memref<128x128xf32, #tpu.memory_space<vmem>>[vector<16xi32>, vector<16xi32>], vector<16xf32>,
        %gather3A_251 = tpu.vector_load_idx %arg9[%add3A_97, %broadcast_in_dim3A_249] : memref<128x128xf32, #tpu.memory_space<vmem>>[vector<16xi32>, vector<16xi32>], vector<16xf32>,
        %mul3A_252 = arith.mulf %gather3A_250, %gather3A_251 : vector<16xf32>
        %add3A_253 = arith.addf %add3A_229, %mul3A_252 : vector<16xf32>
        %broadcast_in_dim3A_254 = arith.constant 25 : i32
        %broadcast_in_dim3A_255 = vector.broadcast %broadcast_in_dim3A_254 : i32 to vector<16xi32>
        %gather3A_256 = tpu.vector_load_idx %arg7[%add3A_97, %broadcast_in_dim3A_255] : memref<128x128xf32, #tpu.memory_space<vmem>>[vector<16xi32>, vector<16xi32>], vector<16xf32>,
        %gather3A_257 = tpu.vector_load_idx %arg9[%add3A_97, %broadcast_in_dim3A_255] : memref<128x128xf32, #tpu.memory_space<vmem>>[vector<16xi32>, vector<16xi32>], vector<16xf32>,
        %mul3A_258 = arith.mulf %gather3A_256, %gather3A_257 : vector<16xf32>
        %add3A_259 = arith.addf %add3A_235, %mul3A_258 : vector<16xf32>
        %broadcast_in_dim3A_260 = arith.constant 26 : i32
        %broadcast_in_dim3A_261 = vector.broadcast %broadcast_in_dim3A_260 : i32 to vector<16xi32>
        %gather3A_262 = tpu.vector_load_idx %arg7[%add3A_97, %broadcast_in_dim3A_261] : memref<128x128xf32, #tpu.memory_space<vmem>>[vector<16xi32>, vector<16xi32>], vector<16xf32>,
        %gather3A_263 = tpu.vector_load_idx %arg9[%add3A_97, %broadcast_in_dim3A_261] : memref<128x128xf32, #tpu.memory_space<vmem>>[vector<16xi32>, vector<16xi32>], vector<16xf32>,
        %mul3A_264 = arith.mulf %gather3A_262, %gather3A_263 : vector<16xf32>
        %add3A_265 = arith.addf %add3A_241, %mul3A_264 : vector<16xf32>
        %broadcast_in_dim3A_266 = arith.constant 27 : i32
        %broadcast_in_dim3A_267 = vector.broadcast %broadcast_in_dim3A_266 : i32 to vector<16xi32>
        %gather3A_268 = tpu.vector_load_idx %arg7[%add3A_97, %broadcast_in_dim3A_267] : memref<128x128xf32, #tpu.memory_space<vmem>>[vector<16xi32>, vector<16xi32>], vector<16xf32>,
        %gather3A_269 = tpu.vector_load_idx %arg9[%add3A_97, %broadcast_in_dim3A_267] : memref<128x128xf32, #tpu.memory_space<vmem>>[vector<16xi32>, vector<16xi32>], vector<16xf32>,
        %mul3A_270 = arith.mulf %gather3A_268, %gather3A_269 : vector<16xf32>
        %add3A_271 = arith.addf %add3A_247, %mul3A_270 : vector<16xf32>
        %broadcast_in_dim3A_272 = arith.constant 28 : i32
        %broadcast_in_dim3A_273 = vector.broadcast %broadcast_in_dim3A_272 : i32 to vector<16xi32>
        %gather3A_274 = tpu.vector_load_idx %arg7[%add3A_97, %broadcast_in_dim3A_273] : memref<128x128xf32, #tpu.memory_space<vmem>>[vector<16xi32>, vector<16xi32>], vector<16xf32>,
        %gather3A_275 = tpu.vector_load_idx %arg9[%add3A_97, %broadcast_in_dim3A_273] : memref<128x128xf32, #tpu.memory_space<vmem>>[vector<16xi32>, vector<16xi32>], vector<16xf32>,
        %mul3A_276 = arith.mulf %gather3A_274, %gather3A_275 : vector<16xf32>
        %add3A_277 = arith.addf %add3A_253, %mul3A_276 : vector<16xf32>
        %broadcast_in_dim3A_278 = arith.constant 29 : i32
        %broadcast_in_dim3A_279 = vector.broadcast %broadcast_in_dim3A_278 : i32 to vector<16xi32>
        %gather3A_280 = tpu.vector_load_idx %arg7[%add3A_97, %broadcast_in_dim3A_279] : memref<128x128xf32, #tpu.memory_space<vmem>>[vector<16xi32>, vector<16xi32>], vector<16xf32>,
        %gather3A_281 = tpu.vector_load_idx %arg9[%add3A_97, %broadcast_in_dim3A_279] : memref<128x128xf32, #tpu.memory_space<vmem>>[vector<16xi32>, vector<16xi32>], vector<16xf32>,
        %mul3A_282 = arith.mulf %gather3A_280, %gather3A_281 : vector<16xf32>
        %add3A_283 = arith.addf %add3A_259, %mul3A_282 : vector<16xf32>
        %broadcast_in_dim3A_284 = arith.constant 30 : i32
        %broadcast_in_dim3A_285 = vector.broadcast %broadcast_in_dim3A_284 : i32 to vector<16xi32>
        %gather3A_286 = tpu.vector_load_idx %arg7[%add3A_97, %broadcast_in_dim3A_285] : memref<128x128xf32, #tpu.memory_space<vmem>>[vector<16xi32>, vector<16xi32>], vector<16xf32>,
        %gather3A_287 = tpu.vector_load_idx %arg9[%add3A_97, %broadcast_in_dim3A_285] : memref<128x128xf32, #tpu.memory_space<vmem>>[vector<16xi32>, vector<16xi32>], vector<16xf32>,
        %mul3A_288 = arith.mulf %gather3A_286, %gather3A_287 : vector<16xf32>
        %add3A_289 = arith.addf %add3A_265, %mul3A_288 : vector<16xf32>
        %broadcast_in_dim3A_290 = arith.constant 31 : i32
        %broadcast_in_dim3A_291 = vector.broadcast %broadcast_in_dim3A_290 : i32 to vector<16xi32>
        %gather3A_292 = tpu.vector_load_idx %arg7[%add3A_97, %broadcast_in_dim3A_291] : memref<128x128xf32, #tpu.memory_space<vmem>>[vector<16xi32>, vector<16xi32>], vector<16xf32>,
        %gather3A_293 = tpu.vector_load_idx %arg9[%add3A_97, %broadcast_in_dim3A_291] : memref<128x128xf32, #tpu.memory_space<vmem>>[vector<16xi32>, vector<16xi32>], vector<16xf32>,
        %mul3A_294 = arith.mulf %gather3A_292, %gather3A_293 : vector<16xf32>
        %add3A_295 = arith.addf %add3A_271, %mul3A_294 : vector<16xf32>
        %broadcast_in_dim3A_296 = arith.constant 32 : i32
        %broadcast_in_dim3A_297 = vector.broadcast %broadcast_in_dim3A_296 : i32 to vector<16xi32>
        %gather3A_298 = tpu.vector_load_idx %arg7[%add3A_97, %broadcast_in_dim3A_297] : memref<128x128xf32, #tpu.memory_space<vmem>>[vector<16xi32>, vector<16xi32>], vector<16xf32>,
        %gather3A_299 = tpu.vector_load_idx %arg9[%add3A_97, %broadcast_in_dim3A_297] : memref<128x128xf32, #tpu.memory_space<vmem>>[vector<16xi32>, vector<16xi32>], vector<16xf32>,
        %mul3A_300 = arith.mulf %gather3A_298, %gather3A_299 : vector<16xf32>
        %add3A_301 = arith.addf %add3A_277, %mul3A_300 : vector<16xf32>
        %broadcast_in_dim3A_302 = arith.constant 33 : i32
        %broadcast_in_dim3A_303 = vector.broadcast %broadcast_in_dim3A_302 : i32 to vector<16xi32>
        %gather3A_304 = tpu.vector_load_idx %arg7[%add3A_97, %broadcast_in_dim3A_303] : memref<128x128xf32, #tpu.memory_space<vmem>>[vector<16xi32>, vector<16xi32>], vector<16xf32>,
        %gather3A_305 = tpu.vector_load_idx %arg9[%add3A_97, %broadcast_in_dim3A_303] : memref<128x128xf32, #tpu.memory_space<vmem>>[vector<16xi32>, vector<16xi32>], vector<16xf32>,
        %mul3A_306 = arith.mulf %gather3A_304, %gather3A_305 : vector<16xf32>
        %add3A_307 = arith.addf %add3A_283, %mul3A_306 : vector<16xf32>
        %broadcast_in_dim3A_308 = arith.constant 34 : i32
        %broadcast_in_dim3A_309 = vector.broadcast %broadcast_in_dim3A_308 : i32 to vector<16xi32>
        %gather3A_310 = tpu.vector_load_idx %arg7[%add3A_97, %broadcast_in_dim3A_309] : memref<128x128xf32, #tpu.memory_space<vmem>>[vector<16xi32>, vector<16xi32>], vector<16xf32>,
        %gather3A_311 = tpu.vector_load_idx %arg9[%add3A_97, %broadcast_in_dim3A_309] : memref<128x128xf32, #tpu.memory_space<vmem>>[vector<16xi32>, vector<16xi32>], vector<16xf32>,
        %mul3A_312 = arith.mulf %gather3A_310, %gather3A_311 : vector<16xf32>
        %add3A_313 = arith.addf %add3A_289, %mul3A_312 : vector<16xf32>
        %broadcast_in_dim3A_314 = arith.constant 35 : i32
        %broadcast_in_dim3A_315 = vector.broadcast %broadcast_in_dim3A_314 : i32 to vector<16xi32>
        %gather3A_316 = tpu.vector_load_idx %arg7[%add3A_97, %broadcast_in_dim3A_315] : memref<128x128xf32, #tpu.memory_space<vmem>>[vector<16xi32>, vector<16xi32>], vector<16xf32>,
        %gather3A_317 = tpu.vector_load_idx %arg9[%add3A_97, %broadcast_in_dim3A_315] : memref<128x128xf32, #tpu.memory_space<vmem>>[vector<16xi32>, vector<16xi32>], vector<16xf32>,
        %mul3A_318 = arith.mulf %gather3A_316, %gather3A_317 : vector<16xf32>
        %add3A_319 = arith.addf %add3A_295, %mul3A_318 : vector<16xf32>
        %broadcast_in_dim3A_320 = arith.constant 36 : i32
        %broadcast_in_dim3A_321 = vector.broadcast %broadcast_in_dim3A_320 : i32 to vector<16xi32>
        %gather3A_322 = tpu.vector_load_idx %arg7[%add3A_97, %broadcast_in_dim3A_321] : memref<128x128xf32, #tpu.memory_space<vmem>>[vector<16xi32>, vector<16xi32>], vector<16xf32>,
        %gather3A_323 = tpu.vector_load_idx %arg9[%add3A_97, %broadcast_in_dim3A_321] : memref<128x128xf32, #tpu.memory_space<vmem>>[vector<16xi32>, vector<16xi32>], vector<16xf32>,
        %mul3A_324 = arith.mulf %gather3A_322, %gather3A_323 : vector<16xf32>
        %add3A_325 = arith.addf %add3A_301, %mul3A_324 : vector<16xf32>
        %broadcast_in_dim3A_326 = arith.constant 37 : i32
        %broadcast_in_dim3A_327 = vector.broadcast %broadcast_in_dim3A_326 : i32 to vector<16xi32>
        %gather3A_328 = tpu.vector_load_idx %arg7[%add3A_97, %broadcast_in_dim3A_327] : memref<128x128xf32, #tpu.memory_space<vmem>>[vector<16xi32>, vector<16xi32>], vector<16xf32>,
        %gather3A_329 = tpu.vector_load_idx %arg9[%add3A_97, %broadcast_in_dim3A_327] : memref<128x128xf32, #tpu.memory_space<vmem>>[vector<16xi32>, vector<16xi32>], vector<16xf32>,
        %mul3A_330 = arith.mulf %gather3A_328, %gather3A_329 : vector<16xf32>
        %add3A_331 = arith.addf %add3A_307, %mul3A_330 : vector<16xf32>
        %broadcast_in_dim3A_332 = arith.constant 38 : i32
        %broadcast_in_dim3A_333 = vector.broadcast %broadcast_in_dim3A_332 : i32 to vector<16xi32>
        %gather3A_334 = tpu.vector_load_idx %arg7[%add3A_97, %broadcast_in_dim3A_333] : memref<128x128xf32, #tpu.memory_space<vmem>>[vector<16xi32>, vector<16xi32>], vector<16xf32>,
        %gather3A_335 = tpu.vector_load_idx %arg9[%add3A_97, %broadcast_in_dim3A_333] : memref<128x128xf32, #tpu.memory_space<vmem>>[vector<16xi32>, vector<16xi32>], vector<16xf32>,
        %mul3A_336 = arith.mulf %gather3A_334, %gather3A_335 : vector<16xf32>
        %add3A_337 = arith.addf %add3A_313, %mul3A_336 : vector<16xf32>
        %broadcast_in_dim3A_338 = arith.constant 39 : i32
        %broadcast_in_dim3A_339 = vector.broadcast %broadcast_in_dim3A_338 : i32 to vector<16xi32>
        %gather3A_340 = tpu.vector_load_idx %arg7[%add3A_97, %broadcast_in_dim3A_339] : memref<128x128xf32, #tpu.memory_space<vmem>>[vector<16xi32>, vector<16xi32>], vector<16xf32>,
        %gather3A_341 = tpu.vector_load_idx %arg9[%add3A_97, %broadcast_in_dim3A_339] : memref<128x128xf32, #tpu.memory_space<vmem>>[vector<16xi32>, vector<16xi32>], vector<16xf32>,
        %mul3A_342 = arith.mulf %gather3A_340, %gather3A_341 : vector<16xf32>
        %add3A_343 = arith.addf %add3A_319, %mul3A_342 : vector<16xf32>
        %broadcast_in_dim3A_344 = arith.constant 40 : i32
        %broadcast_in_dim3A_345 = vector.broadcast %broadcast_in_dim3A_344 : i32 to vector<16xi32>
        %gather3A_346 = tpu.vector_load_idx %arg7[%add3A_97, %broadcast_in_dim3A_345] : memref<128x128xf32, #tpu.memory_space<vmem>>[vector<16xi32>, vector<16xi32>], vector<16xf32>,
        %gather3A_347 = tpu.vector_load_idx %arg9[%add3A_97, %broadcast_in_dim3A_345] : memref<128x128xf32, #tpu.memory_space<vmem>>[vector<16xi32>, vector<16xi32>], vector<16xf32>,
        %mul3A_348 = arith.mulf %gather3A_346, %gather3A_347 : vector<16xf32>
        %add3A_349 = arith.addf %add3A_325, %mul3A_348 : vector<16xf32>
        %broadcast_in_dim3A_350 = arith.constant 41 : i32
        %broadcast_in_dim3A_351 = vector.broadcast %broadcast_in_dim3A_350 : i32 to vector<16xi32>
        %gather3A_352 = tpu.vector_load_idx %arg7[%add3A_97, %broadcast_in_dim3A_351] : memref<128x128xf32, #tpu.memory_space<vmem>>[vector<16xi32>, vector<16xi32>], vector<16xf32>,
        %gather3A_353 = tpu.vector_load_idx %arg9[%add3A_97, %broadcast_in_dim3A_351] : memref<128x128xf32, #tpu.memory_space<vmem>>[vector<16xi32>, vector<16xi32>], vector<16xf32>,
        %mul3A_354 = arith.mulf %gather3A_352, %gather3A_353 : vector<16xf32>
        %add3A_355 = arith.addf %add3A_331, %mul3A_354 : vector<16xf32>
        %broadcast_in_dim3A_356 = arith.constant 42 : i32
        %broadcast_in_dim3A_357 = vector.broadcast %broadcast_in_dim3A_356 : i32 to vector<16xi32>
        %gather3A_358 = tpu.vector_load_idx %arg7[%add3A_97, %broadcast_in_dim3A_357] : memref<128x128xf32, #tpu.memory_space<vmem>>[vector<16xi32>, vector<16xi32>], vector<16xf32>,
        %gather3A_359 = tpu.vector_load_idx %arg9[%add3A_97, %broadcast_in_dim3A_357] : memref<128x128xf32, #tpu.memory_space<vmem>>[vector<16xi32>, vector<16xi32>], vector<16xf32>,
        %mul3A_360 = arith.mulf %gather3A_358, %gather3A_359 : vector<16xf32>
        %add3A_361 = arith.addf %add3A_337, %mul3A_360 : vector<16xf32>
        %broadcast_in_dim3A_362 = arith.constant 43 : i32
        %broadcast_in_dim3A_363 = vector.broadcast %broadcast_in_dim3A_362 : i32 to vector<16xi32>
        %gather3A_364 = tpu.vector_load_idx %arg7[%add3A_97, %broadcast_in_dim3A_363] : memref<128x128xf32, #tpu.memory_space<vmem>>[vector<16xi32>, vector<16xi32>], vector<16xf32>,
        %gather3A_365 = tpu.vector_load_idx %arg9[%add3A_97, %broadcast_in_dim3A_363] : memref<128x128xf32, #tpu.memory_space<vmem>>[vector<16xi32>, vector<16xi32>], vector<16xf32>,
        %mul3A_366 = arith.mulf %gather3A_364, %gather3A_365 : vector<16xf32>
        %add3A_367 = arith.addf %add3A_343, %mul3A_366 : vector<16xf32>
        %broadcast_in_dim3A_368 = arith.constant 44 : i32
        %broadcast_in_dim3A_369 = vector.broadcast %broadcast_in_dim3A_368 : i32 to vector<16xi32>
        %gather3A_370 = tpu.vector_load_idx %arg7[%add3A_97, %broadcast_in_dim3A_369] : memref<128x128xf32, #tpu.memory_space<vmem>>[vector<16xi32>, vector<16xi32>], vector<16xf32>,
        %gather3A_371 = tpu.vector_load_idx %arg9[%add3A_97, %broadcast_in_dim3A_369] : memref<128x128xf32, #tpu.memory_space<vmem>>[vector<16xi32>, vector<16xi32>], vector<16xf32>,
        %mul3A_372 = arith.mulf %gather3A_370, %gather3A_371 : vector<16xf32>
        %add3A_373 = arith.addf %add3A_349, %mul3A_372 : vector<16xf32>
        %broadcast_in_dim3A_374 = arith.constant 45 : i32
        %broadcast_in_dim3A_375 = vector.broadcast %broadcast_in_dim3A_374 : i32 to vector<16xi32>
        %gather3A_376 = tpu.vector_load_idx %arg7[%add3A_97, %broadcast_in_dim3A_375] : memref<128x128xf32, #tpu.memory_space<vmem>>[vector<16xi32>, vector<16xi32>], vector<16xf32>,
        %gather3A_377 = tpu.vector_load_idx %arg9[%add3A_97, %broadcast_in_dim3A_375] : memref<128x128xf32, #tpu.memory_space<vmem>>[vector<16xi32>, vector<16xi32>], vector<16xf32>,
        %mul3A_378 = arith.mulf %gather3A_376, %gather3A_377 : vector<16xf32>
        %add3A_379 = arith.addf %add3A_355, %mul3A_378 : vector<16xf32>
        %broadcast_in_dim3A_380 = arith.constant 46 : i32
        %broadcast_in_dim3A_381 = vector.broadcast %broadcast_in_dim3A_380 : i32 to vector<16xi32>
        %gather3A_382 = tpu.vector_load_idx %arg7[%add3A_97, %broadcast_in_dim3A_381] : memref<128x128xf32, #tpu.memory_space<vmem>>[vector<16xi32>, vector<16xi32>], vector<16xf32>,
        %gather3A_383 = tpu.vector_load_idx %arg9[%add3A_97, %broadcast_in_dim3A_381] : memref<128x128xf32, #tpu.memory_space<vmem>>[vector<16xi32>, vector<16xi32>], vector<16xf32>,
        %mul3A_384 = arith.mulf %gather3A_382, %gather3A_383 : vector<16xf32>
        %add3A_385 = arith.addf %add3A_361, %mul3A_384 : vector<16xf32>
        %broadcast_in_dim3A_386 = arith.constant 47 : i32
        %broadcast_in_dim3A_387 = vector.broadcast %broadcast_in_dim3A_386 : i32 to vector<16xi32>
        %gather3A_388 = tpu.vector_load_idx %arg7[%add3A_97, %broadcast_in_dim3A_387] : memref<128x128xf32, #tpu.memory_space<vmem>>[vector<16xi32>, vector<16xi32>], vector<16xf32>,
        %gather3A_389 = tpu.vector_load_idx %arg9[%add3A_97, %broadcast_in_dim3A_387] : memref<128x128xf32, #tpu.memory_space<vmem>>[vector<16xi32>, vector<16xi32>], vector<16xf32>,
        %mul3A_390 = arith.mulf %gather3A_388, %gather3A_389 : vector<16xf32>
        %add3A_391 = arith.addf %add3A_367, %mul3A_390 : vector<16xf32>
        %broadcast_in_dim3A_392 = arith.constant 48 : i32
        %broadcast_in_dim3A_393 = vector.broadcast %broadcast_in_dim3A_392 : i32 to vector<16xi32>
        %gather3A_394 = tpu.vector_load_idx %arg7[%add3A_97, %broadcast_in_dim3A_393] : memref<128x128xf32, #tpu.memory_space<vmem>>[vector<16xi32>, vector<16xi32>], vector<16xf32>,
        %gather3A_395 = tpu.vector_load_idx %arg9[%add3A_97, %broadcast_in_dim3A_393] : memref<128x128xf32, #tpu.memory_space<vmem>>[vector<16xi32>, vector<16xi32>], vector<16xf32>,
        %mul3A_396 = arith.mulf %gather3A_394, %gather3A_395 : vector<16xf32>
        %add3A_397 = arith.addf %add3A_373, %mul3A_396 : vector<16xf32>
        %broadcast_in_dim3A_398 = arith.constant 49 : i32
        %broadcast_in_dim3A_399 = vector.broadcast %broadcast_in_dim3A_398 : i32 to vector<16xi32>
        %gather3A_400 = tpu.vector_load_idx %arg7[%add3A_97, %broadcast_in_dim3A_399] : memref<128x128xf32, #tpu.memory_space<vmem>>[vector<16xi32>, vector<16xi32>], vector<16xf32>,
        %gather3A_401 = tpu.vector_load_idx %arg9[%add3A_97, %broadcast_in_dim3A_399] : memref<128x128xf32, #tpu.memory_space<vmem>>[vector<16xi32>, vector<16xi32>], vector<16xf32>,
        %mul3A_402 = arith.mulf %gather3A_400, %gather3A_401 : vector<16xf32>
        %add3A_403 = arith.addf %add3A_379, %mul3A_402 : vector<16xf32>
        %broadcast_in_dim3A_404 = arith.constant 50 : i32
        %broadcast_in_dim3A_405 = vector.broadcast %broadcast_in_dim3A_404 : i32 to vector<16xi32>
        %gather3A_406 = tpu.vector_load_idx %arg7[%add3A_97, %broadcast_in_dim3A_405] : memref<128x128xf32, #tpu.memory_space<vmem>>[vector<16xi32>, vector<16xi32>], vector<16xf32>,
        %gather3A_407 = tpu.vector_load_idx %arg9[%add3A_97, %broadcast_in_dim3A_405] : memref<128x128xf32, #tpu.memory_space<vmem>>[vector<16xi32>, vector<16xi32>], vector<16xf32>,
        %mul3A_408 = arith.mulf %gather3A_406, %gather3A_407 : vector<16xf32>
        %add3A_409 = arith.addf %add3A_385, %mul3A_408 : vector<16xf32>
        %broadcast_in_dim3A_410 = arith.constant 51 : i32
        %broadcast_in_dim3A_411 = vector.broadcast %broadcast_in_dim3A_410 : i32 to vector<16xi32>
        %gather3A_412 = tpu.vector_load_idx %arg7[%add3A_97, %broadcast_in_dim3A_411] : memref<128x128xf32, #tpu.memory_space<vmem>>[vector<16xi32>, vector<16xi32>], vector<16xf32>,
        %gather3A_413 = tpu.vector_load_idx %arg9[%add3A_97, %broadcast_in_dim3A_411] : memref<128x128xf32, #tpu.memory_space<vmem>>[vector<16xi32>, vector<16xi32>], vector<16xf32>,
        %mul3A_414 = arith.mulf %gather3A_412, %gather3A_413 : vector<16xf32>
        %add3A_415 = arith.addf %add3A_391, %mul3A_414 : vector<16xf32>
        %broadcast_in_dim3A_416 = arith.constant 52 : i32
        %broadcast_in_dim3A_417 = vector.broadcast %broadcast_in_dim3A_416 : i32 to vector<16xi32>
        %gather3A_418 = tpu.vector_load_idx %arg7[%add3A_97, %broadcast_in_dim3A_417] : memref<128x128xf32, #tpu.memory_space<vmem>>[vector<16xi32>, vector<16xi32>], vector<16xf32>,
        %gather3A_419 = tpu.vector_load_idx %arg9[%add3A_97, %broadcast_in_dim3A_417] : memref<128x128xf32, #tpu.memory_space<vmem>>[vector<16xi32>, vector<16xi32>], vector<16xf32>,
        %mul3A_420 = arith.mulf %gather3A_418, %gather3A_419 : vector<16xf32>
        %add3A_421 = arith.addf %add3A_397, %mul3A_420 : vector<16xf32>
        %broadcast_in_dim3A_422 = arith.constant 53 : i32
        %broadcast_in_dim3A_423 = vector.broadcast %broadcast_in_dim3A_422 : i32 to vector<16xi32>
        %gather3A_424 = tpu.vector_load_idx %arg7[%add3A_97, %broadcast_in_dim3A_423] : memref<128x128xf32, #tpu.memory_space<vmem>>[vector<16xi32>, vector<16xi32>], vector<16xf32>,
        %gather3A_425 = tpu.vector_load_idx %arg9[%add3A_97, %broadcast_in_dim3A_423] : memref<128x128xf32, #tpu.memory_space<vmem>>[vector<16xi32>, vector<16xi32>], vector<16xf32>,
        %mul3A_426 = arith.mulf %gather3A_424, %gather3A_425 : vector<16xf32>
        %add3A_427 = arith.addf %add3A_403, %mul3A_426 : vector<16xf32>
        %broadcast_in_dim3A_428 = arith.constant 54 : i32
        %broadcast_in_dim3A_429 = vector.broadcast %broadcast_in_dim3A_428 : i32 to vector<16xi32>
        %gather3A_430 = tpu.vector_load_idx %arg7[%add3A_97, %broadcast_in_dim3A_429] : memref<128x128xf32, #tpu.memory_space<vmem>>[vector<16xi32>, vector<16xi32>], vector<16xf32>,
        %gather3A_431 = tpu.vector_load_idx %arg9[%add3A_97, %broadcast_in_dim3A_429] : memref<128x128xf32, #tpu.memory_space<vmem>>[vector<16xi32>, vector<16xi32>], vector<16xf32>,
        %mul3A_432 = arith.mulf %gather3A_430, %gather3A_431 : vector<16xf32>
        %add3A_433 = arith.addf %add3A_409, %mul3A_432 : vector<16xf32>
        %broadcast_in_dim3A_434 = arith.constant 55 : i32
        %broadcast_in_dim3A_435 = vector.broadcast %broadcast_in_dim3A_434 : i32 to vector<16xi32>
        %gather3A_436 = tpu.vector_load_idx %arg7[%add3A_97, %broadcast_in_dim3A_435] : memref<128x128xf32, #tpu.memory_space<vmem>>[vector<16xi32>, vector<16xi32>], vector<16xf32>,
        %gather3A_437 = tpu.vector_load_idx %arg9[%add3A_97, %broadcast_in_dim3A_435] : memref<128x128xf32, #tpu.memory_space<vmem>>[vector<16xi32>, vector<16xi32>], vector<16xf32>,
        %mul3A_438 = arith.mulf %gather3A_436, %gather3A_437 : vector<16xf32>
        %add3A_439 = arith.addf %add3A_415, %mul3A_438 : vector<16xf32>
        %broadcast_in_dim3A_440 = arith.constant 56 : i32
        %broadcast_in_dim3A_441 = vector.broadcast %broadcast_in_dim3A_440 : i32 to vector<16xi32>
        %gather3A_442 = tpu.vector_load_idx %arg7[%add3A_97, %broadcast_in_dim3A_441] : memref<128x128xf32, #tpu.memory_space<vmem>>[vector<16xi32>, vector<16xi32>], vector<16xf32>,
        %gather3A_443 = tpu.vector_load_idx %arg9[%add3A_97, %broadcast_in_dim3A_441] : memref<128x128xf32, #tpu.memory_space<vmem>>[vector<16xi32>, vector<16xi32>], vector<16xf32>,
        %mul3A_444 = arith.mulf %gather3A_442, %gather3A_443 : vector<16xf32>
        %add3A_445 = arith.addf %add3A_421, %mul3A_444 : vector<16xf32>
        %broadcast_in_dim3A_446 = arith.constant 57 : i32
        %broadcast_in_dim3A_447 = vector.broadcast %broadcast_in_dim3A_446 : i32 to vector<16xi32>
        %gather3A_448 = tpu.vector_load_idx %arg7[%add3A_97, %broadcast_in_dim3A_447] : memref<128x128xf32, #tpu.memory_space<vmem>>[vector<16xi32>, vector<16xi32>], vector<16xf32>,
        %gather3A_449 = tpu.vector_load_idx %arg9[%add3A_97, %broadcast_in_dim3A_447] : memref<128x128xf32, #tpu.memory_space<vmem>>[vector<16xi32>, vector<16xi32>], vector<16xf32>,
        %mul3A_450 = arith.mulf %gather3A_448, %gather3A_449 : vector<16xf32>
        %add3A_451 = arith.addf %add3A_427, %mul3A_450 : vector<16xf32>
        %broadcast_in_dim3A_452 = arith.constant 58 : i32
        %broadcast_in_dim3A_453 = vector.broadcast %broadcast_in_dim3A_452 : i32 to vector<16xi32>
        %gather3A_454 = tpu.vector_load_idx %arg7[%add3A_97, %broadcast_in_dim3A_453] : memref<128x128xf32, #tpu.memory_space<vmem>>[vector<16xi32>, vector<16xi32>], vector<16xf32>,
        %gather3A_455 = tpu.vector_load_idx %arg9[%add3A_97, %broadcast_in_dim3A_453] : memref<128x128xf32, #tpu.memory_space<vmem>>[vector<16xi32>, vector<16xi32>], vector<16xf32>,
        %mul3A_456 = arith.mulf %gather3A_454, %gather3A_455 : vector<16xf32>
        %add3A_457 = arith.addf %add3A_433, %mul3A_456 : vector<16xf32>
        %broadcast_in_dim3A_458 = arith.constant 59 : i32
        %broadcast_in_dim3A_459 = vector.broadcast %broadcast_in_dim3A_458 : i32 to vector<16xi32>
        %gather3A_460 = tpu.vector_load_idx %arg7[%add3A_97, %broadcast_in_dim3A_459] : memref<128x128xf32, #tpu.memory_space<vmem>>[vector<16xi32>, vector<16xi32>], vector<16xf32>,
        %gather3A_461 = tpu.vector_load_idx %arg9[%add3A_97, %broadcast_in_dim3A_459] : memref<128x128xf32, #tpu.memory_space<vmem>>[vector<16xi32>, vector<16xi32>], vector<16xf32>,
        %mul3A_462 = arith.mulf %gather3A_460, %gather3A_461 : vector<16xf32>
        %add3A_463 = arith.addf %add3A_439, %mul3A_462 : vector<16xf32>
        %broadcast_in_dim3A_464 = arith.constant 60 : i32
        %broadcast_in_dim3A_465 = vector.broadcast %broadcast_in_dim3A_464 : i32 to vector<16xi32>
        %gather3A_466 = tpu.vector_load_idx %arg7[%add3A_97, %broadcast_in_dim3A_465] : memref<128x128xf32, #tpu.memory_space<vmem>>[vector<16xi32>, vector<16xi32>], vector<16xf32>,
        %gather3A_467 = tpu.vector_load_idx %arg9[%add3A_97, %broadcast_in_dim3A_465] : memref<128x128xf32, #tpu.memory_space<vmem>>[vector<16xi32>, vector<16xi32>], vector<16xf32>,
        %mul3A_468 = arith.mulf %gather3A_466, %gather3A_467 : vector<16xf32>
        %add3A_469 = arith.addf %add3A_445, %mul3A_468 : vector<16xf32>
        %broadcast_in_dim3A_470 = arith.constant 61 : i32
        %broadcast_in_dim3A_471 = vector.broadcast %broadcast_in_dim3A_470 : i32 to vector<16xi32>
        %gather3A_472 = tpu.vector_load_idx %arg7[%add3A_97, %broadcast_in_dim3A_471] : memref<128x128xf32, #tpu.memory_space<vmem>>[vector<16xi32>, vector<16xi32>], vector<16xf32>,
        %gather3A_473 = tpu.vector_load_idx %arg9[%add3A_97, %broadcast_in_dim3A_471] : memref<128x128xf32, #tpu.memory_space<vmem>>[vector<16xi32>, vector<16xi32>], vector<16xf32>,
        %mul3A_474 = arith.mulf %gather3A_472, %gather3A_473 : vector<16xf32>
        %add3A_475 = arith.addf %add3A_451, %mul3A_474 : vector<16xf32>
        %broadcast_in_dim3A_476 = arith.constant 62 : i32
        %broadcast_in_dim3A_477 = vector.broadcast %broadcast_in_dim3A_476 : i32 to vector<16xi32>
        %gather3A_478 = tpu.vector_load_idx %arg7[%add3A_97, %broadcast_in_dim3A_477] : memref<128x128xf32, #tpu.memory_space<vmem>>[vector<16xi32>, vector<16xi32>], vector<16xf32>,
        %gather3A_479 = tpu.vector_load_idx %arg9[%add3A_97, %broadcast_in_dim3A_477] : memref<128x128xf32, #tpu.memory_space<vmem>>[vector<16xi32>, vector<16xi32>], vector<16xf32>,
        %mul3A_480 = arith.mulf %gather3A_478, %gather3A_479 : vector<16xf32>
        %add3A_481 = arith.addf %add3A_457, %mul3A_480 : vector<16xf32>
        %broadcast_in_dim3A_482 = arith.constant 63 : i32
        %broadcast_in_dim3A_483 = vector.broadcast %broadcast_in_dim3A_482 : i32 to vector<16xi32>
        %gather3A_484 = tpu.vector_load_idx %arg7[%add3A_97, %broadcast_in_dim3A_483] : memref<128x128xf32, #tpu.memory_space<vmem>>[vector<16xi32>, vector<16xi32>], vector<16xf32>,
        %gather3A_485 = tpu.vector_load_idx %arg9[%add3A_97, %broadcast_in_dim3A_483] : memref<128x128xf32, #tpu.memory_space<vmem>>[vector<16xi32>, vector<16xi32>], vector<16xf32>,
        %mul3A_486 = arith.mulf %gather3A_484, %gather3A_485 : vector<16xf32>
        %add3A_487 = arith.addf %add3A_463, %mul3A_486 : vector<16xf32>
        %broadcast_in_dim3A_488 = arith.constant 64 : i32
        %broadcast_in_dim3A_489 = vector.broadcast %broadcast_in_dim3A_488 : i32 to vector<16xi32>
        %gather3A_490 = tpu.vector_load_idx %arg7[%add3A_97, %broadcast_in_dim3A_489] : memref<128x128xf32, #tpu.memory_space<vmem>>[vector<16xi32>, vector<16xi32>], vector<16xf32>,
        %gather3A_491 = tpu.vector_load_idx %arg9[%add3A_97, %broadcast_in_dim3A_489] : memref<128x128xf32, #tpu.memory_space<vmem>>[vector<16xi32>, vector<16xi32>], vector<16xf32>,
        %mul3A_492 = arith.mulf %gather3A_490, %gather3A_491 : vector<16xf32>
        %add3A_493 = arith.addf %add3A_469, %mul3A_492 : vector<16xf32>
        %broadcast_in_dim3A_494 = arith.constant 65 : i32
        %broadcast_in_dim3A_495 = vector.broadcast %broadcast_in_dim3A_494 : i32 to vector<16xi32>
        %gather3A_496 = tpu.vector_load_idx %arg7[%add3A_97, %broadcast_in_dim3A_495] : memref<128x128xf32, #tpu.memory_space<vmem>>[vector<16xi32>, vector<16xi32>], vector<16xf32>,
        %gather3A_497 = tpu.vector_load_idx %arg9[%add3A_97, %broadcast_in_dim3A_495] : memref<128x128xf32, #tpu.memory_space<vmem>>[vector<16xi32>, vector<16xi32>], vector<16xf32>,
        %mul3A_498 = arith.mulf %gather3A_496, %gather3A_497 : vector<16xf32>
        %add3A_499 = arith.addf %add3A_475, %mul3A_498 : vector<16xf32>
        %broadcast_in_dim3A_500 = arith.constant 66 : i32
        %broadcast_in_dim3A_501 = vector.broadcast %broadcast_in_dim3A_500 : i32 to vector<16xi32>
        %gather3A_502 = tpu.vector_load_idx %arg7[%add3A_97, %broadcast_in_dim3A_501] : memref<128x128xf32, #tpu.memory_space<vmem>>[vector<16xi32>, vector<16xi32>], vector<16xf32>,
        %gather3A_503 = tpu.vector_load_idx %arg9[%add3A_97, %broadcast_in_dim3A_501] : memref<128x128xf32, #tpu.memory_space<vmem>>[vector<16xi32>, vector<16xi32>], vector<16xf32>,
        %mul3A_504 = arith.mulf %gather3A_502, %gather3A_503 : vector<16xf32>
        %add3A_505 = arith.addf %add3A_481, %mul3A_504 : vector<16xf32>
        %broadcast_in_dim3A_506 = arith.constant 67 : i32
        %broadcast_in_dim3A_507 = vector.broadcast %broadcast_in_dim3A_506 : i32 to vector<16xi32>
        %gather3A_508 = tpu.vector_load_idx %arg7[%add3A_97, %broadcast_in_dim3A_507] : memref<128x128xf32, #tpu.memory_space<vmem>>[vector<16xi32>, vector<16xi32>], vector<16xf32>,
        %gather3A_509 = tpu.vector_load_idx %arg9[%add3A_97, %broadcast_in_dim3A_507] : memref<128x128xf32, #tpu.memory_space<vmem>>[vector<16xi32>, vector<16xi32>], vector<16xf32>,
        %mul3A_510 = arith.mulf %gather3A_508, %gather3A_509 : vector<16xf32>
        %add3A_511 = arith.addf %add3A_487, %mul3A_510 : vector<16xf32>
        %broadcast_in_dim3A_512 = arith.constant 68 : i32
        %broadcast_in_dim3A_513 = vector.broadcast %broadcast_in_dim3A_512 : i32 to vector<16xi32>
        %gather3A_514 = tpu.vector_load_idx %arg7[%add3A_97, %broadcast_in_dim3A_513] : memref<128x128xf32, #tpu.memory_space<vmem>>[vector<16xi32>, vector<16xi32>], vector<16xf32>,
        %gather3A_515 = tpu.vector_load_idx %arg9[%add3A_97, %broadcast_in_dim3A_513] : memref<128x128xf32, #tpu.memory_space<vmem>>[vector<16xi32>, vector<16xi32>], vector<16xf32>,
        %mul3A_516 = arith.mulf %gather3A_514, %gather3A_515 : vector<16xf32>
        %add3A_517 = arith.addf %add3A_493, %mul3A_516 : vector<16xf32>
        %broadcast_in_dim3A_518 = arith.constant 69 : i32
        %broadcast_in_dim3A_519 = vector.broadcast %broadcast_in_dim3A_518 : i32 to vector<16xi32>
        %gather3A_520 = tpu.vector_load_idx %arg7[%add3A_97, %broadcast_in_dim3A_519] : memref<128x128xf32, #tpu.memory_space<vmem>>[vector<16xi32>, vector<16xi32>], vector<16xf32>,
        %gather3A_521 = tpu.vector_load_idx %arg9[%add3A_97, %broadcast_in_dim3A_519] : memref<128x128xf32, #tpu.memory_space<vmem>>[vector<16xi32>, vector<16xi32>], vector<16xf32>,
        %mul3A_522 = arith.mulf %gather3A_520, %gather3A_521 : vector<16xf32>
        %add3A_523 = arith.addf %add3A_499, %mul3A_522 : vector<16xf32>
        %broadcast_in_dim3A_524 = arith.constant 70 : i32
        %broadcast_in_dim3A_525 = vector.broadcast %broadcast_in_dim3A_524 : i32 to vector<16xi32>
        %gather3A_526 = tpu.vector_load_idx %arg7[%add3A_97, %broadcast_in_dim3A_525] : memref<128x128xf32, #tpu.memory_space<vmem>>[vector<16xi32>, vector<16xi32>], vector<16xf32>,
        %gather3A_527 = tpu.vector_load_idx %arg9[%add3A_97, %broadcast_in_dim3A_525] : memref<128x128xf32, #tpu.memory_space<vmem>>[vector<16xi32>, vector<16xi32>], vector<16xf32>,
        %mul3A_528 = arith.mulf %gather3A_526, %gather3A_527 : vector<16xf32>
        %add3A_529 = arith.addf %add3A_505, %mul3A_528 : vector<16xf32>
        %broadcast_in_dim3A_530 = arith.constant 71 : i32
        %broadcast_in_dim3A_531 = vector.broadcast %broadcast_in_dim3A_530 : i32 to vector<16xi32>
        %gather3A_532 = tpu.vector_load_idx %arg7[%add3A_97, %broadcast_in_dim3A_531] : memref<128x128xf32, #tpu.memory_space<vmem>>[vector<16xi32>, vector<16xi32>], vector<16xf32>,
        %gather3A_533 = tpu.vector_load_idx %arg9[%add3A_97, %broadcast_in_dim3A_531] : memref<128x128xf32, #tpu.memory_space<vmem>>[vector<16xi32>, vector<16xi32>], vector<16xf32>,
        %mul3A_534 = arith.mulf %gather3A_532, %gather3A_533 : vector<16xf32>
        %add3A_535 = arith.addf %add3A_511, %mul3A_534 : vector<16xf32>
        %broadcast_in_dim3A_536 = arith.constant 72 : i32
        %broadcast_in_dim3A_537 = vector.broadcast %broadcast_in_dim3A_536 : i32 to vector<16xi32>
        %gather3A_538 = tpu.vector_load_idx %arg7[%add3A_97, %broadcast_in_dim3A_537] : memref<128x128xf32, #tpu.memory_space<vmem>>[vector<16xi32>, vector<16xi32>], vector<16xf32>,
        %gather3A_539 = tpu.vector_load_idx %arg9[%add3A_97, %broadcast_in_dim3A_537] : memref<128x128xf32, #tpu.memory_space<vmem>>[vector<16xi32>, vector<16xi32>], vector<16xf32>,
        %mul3A_540 = arith.mulf %gather3A_538, %gather3A_539 : vector<16xf32>
        %add3A_541 = arith.addf %add3A_517, %mul3A_540 : vector<16xf32>
        %broadcast_in_dim3A_542 = arith.constant 73 : i32
        %broadcast_in_dim3A_543 = vector.broadcast %broadcast_in_dim3A_542 : i32 to vector<16xi32>
        %gather3A_544 = tpu.vector_load_idx %arg7[%add3A_97, %broadcast_in_dim3A_543] : memref<128x128xf32, #tpu.memory_space<vmem>>[vector<16xi32>, vector<16xi32>], vector<16xf32>,
        %gather3A_545 = tpu.vector_load_idx %arg9[%add3A_97, %broadcast_in_dim3A_543] : memref<128x128xf32, #tpu.memory_space<vmem>>[vector<16xi32>, vector<16xi32>], vector<16xf32>,
        %mul3A_546 = arith.mulf %gather3A_544, %gather3A_545 : vector<16xf32>
        %add3A_547 = arith.addf %add3A_523, %mul3A_546 : vector<16xf32>
        %broadcast_in_dim3A_548 = arith.constant 74 : i32
        %broadcast_in_dim3A_549 = vector.broadcast %broadcast_in_dim3A_548 : i32 to vector<16xi32>
        %gather3A_550 = tpu.vector_load_idx %arg7[%add3A_97, %broadcast_in_dim3A_549] : memref<128x128xf32, #tpu.memory_space<vmem>>[vector<16xi32>, vector<16xi32>], vector<16xf32>,
        %gather3A_551 = tpu.vector_load_idx %arg9[%add3A_97, %broadcast_in_dim3A_549] : memref<128x128xf32, #tpu.memory_space<vmem>>[vector<16xi32>, vector<16xi32>], vector<16xf32>,
        %mul3A_552 = arith.mulf %gather3A_550, %gather3A_551 : vector<16xf32>
        %add3A_553 = arith.addf %add3A_529, %mul3A_552 : vector<16xf32>
        %broadcast_in_dim3A_554 = arith.constant 75 : i32
        %broadcast_in_dim3A_555 = vector.broadcast %broadcast_in_dim3A_554 : i32 to vector<16xi32>
        %gather3A_556 = tpu.vector_load_idx %arg7[%add3A_97, %broadcast_in_dim3A_555] : memref<128x128xf32, #tpu.memory_space<vmem>>[vector<16xi32>, vector<16xi32>], vector<16xf32>,
        %gather3A_557 = tpu.vector_load_idx %arg9[%add3A_97, %broadcast_in_dim3A_555] : memref<128x128xf32, #tpu.memory_space<vmem>>[vector<16xi32>, vector<16xi32>], vector<16xf32>,
        %mul3A_558 = arith.mulf %gather3A_556, %gather3A_557 : vector<16xf32>
        %add3A_559 = arith.addf %add3A_535, %mul3A_558 : vector<16xf32>
        %broadcast_in_dim3A_560 = arith.constant 76 : i32
        %broadcast_in_dim3A_561 = vector.broadcast %broadcast_in_dim3A_560 : i32 to vector<16xi32>
        %gather3A_562 = tpu.vector_load_idx %arg7[%add3A_97, %broadcast_in_dim3A_561] : memref<128x128xf32, #tpu.memory_space<vmem>>[vector<16xi32>, vector<16xi32>], vector<16xf32>,
        %gather3A_563 = tpu.vector_load_idx %arg9[%add3A_97, %broadcast_in_dim3A_561] : memref<128x128xf32, #tpu.memory_space<vmem>>[vector<16xi32>, vector<16xi32>], vector<16xf32>,
        %mul3A_564 = arith.mulf %gather3A_562, %gather3A_563 : vector<16xf32>
        %add3A_565 = arith.addf %add3A_541, %mul3A_564 : vector<16xf32>
        %broadcast_in_dim3A_566 = arith.constant 77 : i32
        %broadcast_in_dim3A_567 = vector.broadcast %broadcast_in_dim3A_566 : i32 to vector<16xi32>
        %gather3A_568 = tpu.vector_load_idx %arg7[%add3A_97, %broadcast_in_dim3A_567] : memref<128x128xf32, #tpu.memory_space<vmem>>[vector<16xi32>, vector<16xi32>], vector<16xf32>,
        %gather3A_569 = tpu.vector_load_idx %arg9[%add3A_97, %broadcast_in_dim3A_567] : memref<128x128xf32, #tpu.memory_space<vmem>>[vector<16xi32>, vector<16xi32>], vector<16xf32>,
        %mul3A_570 = arith.mulf %gather3A_568, %gather3A_569 : vector<16xf32>
        %add3A_571 = arith.addf %add3A_547, %mul3A_570 : vector<16xf32>
        %broadcast_in_dim3A_572 = arith.constant 78 : i32
        %broadcast_in_dim3A_573 = vector.broadcast %broadcast_in_dim3A_572 : i32 to vector<16xi32>
        %gather3A_574 = tpu.vector_load_idx %arg7[%add3A_97, %broadcast_in_dim3A_573] : memref<128x128xf32, #tpu.memory_space<vmem>>[vector<16xi32>, vector<16xi32>], vector<16xf32>,
        %gather3A_575 = tpu.vector_load_idx %arg9[%add3A_97, %broadcast_in_dim3A_573] : memref<128x128xf32, #tpu.memory_space<vmem>>[vector<16xi32>, vector<16xi32>], vector<16xf32>,
        %mul3A_576 = arith.mulf %gather3A_574, %gather3A_575 : vector<16xf32>
        %add3A_577 = arith.addf %add3A_553, %mul3A_576 : vector<16xf32>
        %broadcast_in_dim3A_578 = arith.constant 79 : i32
        %broadcast_in_dim3A_579 = vector.broadcast %broadcast_in_dim3A_578 : i32 to vector<16xi32>
        %gather3A_580 = tpu.vector_load_idx %arg7[%add3A_97, %broadcast_in_dim3A_579] : memref<128x128xf32, #tpu.memory_space<vmem>>[vector<16xi32>, vector<16xi32>], vector<16xf32>,
        %gather3A_581 = tpu.vector_load_idx %arg9[%add3A_97, %broadcast_in_dim3A_579] : memref<128x128xf32, #tpu.memory_space<vmem>>[vector<16xi32>, vector<16xi32>], vector<16xf32>,
        %mul3A_582 = arith.mulf %gather3A_580, %gather3A_581 : vector<16xf32>
        %add3A_583 = arith.addf %add3A_559, %mul3A_582 : vector<16xf32>
        %broadcast_in_dim3A_584 = arith.constant 80 : i32
        %broadcast_in_dim3A_585 = vector.broadcast %broadcast_in_dim3A_584 : i32 to vector<16xi32>
        %gather3A_586 = tpu.vector_load_idx %arg7[%add3A_97, %broadcast_in_dim3A_585] : memref<128x128xf32, #tpu.memory_space<vmem>>[vector<16xi32>, vector<16xi32>], vector<16xf32>,
        %gather3A_587 = tpu.vector_load_idx %arg9[%add3A_97, %broadcast_in_dim3A_585] : memref<128x128xf32, #tpu.memory_space<vmem>>[vector<16xi32>, vector<16xi32>], vector<16xf32>,
        %mul3A_588 = arith.mulf %gather3A_586, %gather3A_587 : vector<16xf32>
        %add3A_589 = arith.addf %add3A_565, %mul3A_588 : vector<16xf32>
        %broadcast_in_dim3A_590 = arith.constant 81 : i32
        %broadcast_in_dim3A_591 = vector.broadcast %broadcast_in_dim3A_590 : i32 to vector<16xi32>
        %gather3A_592 = tpu.vector_load_idx %arg7[%add3A_97, %broadcast_in_dim3A_591] : memref<128x128xf32, #tpu.memory_space<vmem>>[vector<16xi32>, vector<16xi32>], vector<16xf32>,
        %gather3A_593 = tpu.vector_load_idx %arg9[%add3A_97, %broadcast_in_dim3A_591] : memref<128x128xf32, #tpu.memory_space<vmem>>[vector<16xi32>, vector<16xi32>], vector<16xf32>,
        %mul3A_594 = arith.mulf %gather3A_592, %gather3A_593 : vector<16xf32>
        %add3A_595 = arith.addf %add3A_571, %mul3A_594 : vector<16xf32>
        %broadcast_in_dim3A_596 = arith.constant 82 : i32
        %broadcast_in_dim3A_597 = vector.broadcast %broadcast_in_dim3A_596 : i32 to vector<16xi32>
        %gather3A_598 = tpu.vector_load_idx %arg7[%add3A_97, %broadcast_in_dim3A_597] : memref<128x128xf32, #tpu.memory_space<vmem>>[vector<16xi32>, vector<16xi32>], vector<16xf32>,
        %gather3A_599 = tpu.vector_load_idx %arg9[%add3A_97, %broadcast_in_dim3A_597] : memref<128x128xf32, #tpu.memory_space<vmem>>[vector<16xi32>, vector<16xi32>], vector<16xf32>,
        %mul3A_600 = arith.mulf %gather3A_598, %gather3A_599 : vector<16xf32>
        %add3A_601 = arith.addf %add3A_577, %mul3A_600 : vector<16xf32>
        %broadcast_in_dim3A_602 = arith.constant 83 : i32
        %broadcast_in_dim3A_603 = vector.broadcast %broadcast_in_dim3A_602 : i32 to vector<16xi32>
        %gather3A_604 = tpu.vector_load_idx %arg7[%add3A_97, %broadcast_in_dim3A_603] : memref<128x128xf32, #tpu.memory_space<vmem>>[vector<16xi32>, vector<16xi32>], vector<16xf32>,
        %gather3A_605 = tpu.vector_load_idx %arg9[%add3A_97, %broadcast_in_dim3A_603] : memref<128x128xf32, #tpu.memory_space<vmem>>[vector<16xi32>, vector<16xi32>], vector<16xf32>,
        %mul3A_606 = arith.mulf %gather3A_604, %gather3A_605 : vector<16xf32>
        %add3A_607 = arith.addf %add3A_583, %mul3A_606 : vector<16xf32>
        %broadcast_in_dim3A_608 = arith.constant 84 : i32
        %broadcast_in_dim3A_609 = vector.broadcast %broadcast_in_dim3A_608 : i32 to vector<16xi32>
        %gather3A_610 = tpu.vector_load_idx %arg7[%add3A_97, %broadcast_in_dim3A_609] : memref<128x128xf32, #tpu.memory_space<vmem>>[vector<16xi32>, vector<16xi32>], vector<16xf32>,
        %gather3A_611 = tpu.vector_load_idx %arg9[%add3A_97, %broadcast_in_dim3A_609] : memref<128x128xf32, #tpu.memory_space<vmem>>[vector<16xi32>, vector<16xi32>], vector<16xf32>,
        %mul3A_612 = arith.mulf %gather3A_610, %gather3A_611 : vector<16xf32>
        %add3A_613 = arith.addf %add3A_589, %mul3A_612 : vector<16xf32>
        %broadcast_in_dim3A_614 = arith.constant 85 : i32
        %broadcast_in_dim3A_615 = vector.broadcast %broadcast_in_dim3A_614 : i32 to vector<16xi32>
        %gather3A_616 = tpu.vector_load_idx %arg7[%add3A_97, %broadcast_in_dim3A_615] : memref<128x128xf32, #tpu.memory_space<vmem>>[vector<16xi32>, vector<16xi32>], vector<16xf32>,
        %gather3A_617 = tpu.vector_load_idx %arg9[%add3A_97, %broadcast_in_dim3A_615] : memref<128x128xf32, #tpu.memory_space<vmem>>[vector<16xi32>, vector<16xi32>], vector<16xf32>,
        %mul3A_618 = arith.mulf %gather3A_616, %gather3A_617 : vector<16xf32>
        %add3A_619 = arith.addf %add3A_595, %mul3A_618 : vector<16xf32>
        %broadcast_in_dim3A_620 = arith.constant 86 : i32
        %broadcast_in_dim3A_621 = vector.broadcast %broadcast_in_dim3A_620 : i32 to vector<16xi32>
        %gather3A_622 = tpu.vector_load_idx %arg7[%add3A_97, %broadcast_in_dim3A_621] : memref<128x128xf32, #tpu.memory_space<vmem>>[vector<16xi32>, vector<16xi32>], vector<16xf32>,
        %gather3A_623 = tpu.vector_load_idx %arg9[%add3A_97, %broadcast_in_dim3A_621] : memref<128x128xf32, #tpu.memory_space<vmem>>[vector<16xi32>, vector<16xi32>], vector<16xf32>,
        %mul3A_624 = arith.mulf %gather3A_622, %gather3A_623 : vector<16xf32>
        %add3A_625 = arith.addf %add3A_601, %mul3A_624 : vector<16xf32>
        %broadcast_in_dim3A_626 = arith.constant 87 : i32
        %broadcast_in_dim3A_627 = vector.broadcast %broadcast_in_dim3A_626 : i32 to vector<16xi32>
        %gather3A_628 = tpu.vector_load_idx %arg7[%add3A_97, %broadcast_in_dim3A_627] : memref<128x128xf32, #tpu.memory_space<vmem>>[vector<16xi32>, vector<16xi32>], vector<16xf32>,
        %gather3A_629 = tpu.vector_load_idx %arg9[%add3A_97, %broadcast_in_dim3A_627] : memref<128x128xf32, #tpu.memory_space<vmem>>[vector<16xi32>, vector<16xi32>], vector<16xf32>,
        %mul3A_630 = arith.mulf %gather3A_628, %gather3A_629 : vector<16xf32>
        %add3A_631 = arith.addf %add3A_607, %mul3A_630 : vector<16xf32>
        %broadcast_in_dim3A_632 = arith.constant 88 : i32
        %broadcast_in_dim3A_633 = vector.broadcast %broadcast_in_dim3A_632 : i32 to vector<16xi32>
        %gather3A_634 = tpu.vector_load_idx %arg7[%add3A_97, %broadcast_in_dim3A_633] : memref<128x128xf32, #tpu.memory_space<vmem>>[vector<16xi32>, vector<16xi32>], vector<16xf32>,
        %gather3A_635 = tpu.vector_load_idx %arg9[%add3A_97, %broadcast_in_dim3A_633] : memref<128x128xf32, #tpu.memory_space<vmem>>[vector<16xi32>, vector<16xi32>], vector<16xf32>,
        %mul3A_636 = arith.mulf %gather3A_634, %gather3A_635 : vector<16xf32>
        %add3A_637 = arith.addf %add3A_613, %mul3A_636 : vector<16xf32>
        %broadcast_in_dim3A_638 = arith.constant 89 : i32
        %broadcast_in_dim3A_639 = vector.broadcast %broadcast_in_dim3A_638 : i32 to vector<16xi32>
        %gather3A_640 = tpu.vector_load_idx %arg7[%add3A_97, %broadcast_in_dim3A_639] : memref<128x128xf32, #tpu.memory_space<vmem>>[vector<16xi32>, vector<16xi32>], vector<16xf32>,
        %gather3A_641 = tpu.vector_load_idx %arg9[%add3A_97, %broadcast_in_dim3A_639] : memref<128x128xf32, #tpu.memory_space<vmem>>[vector<16xi32>, vector<16xi32>], vector<16xf32>,
        %mul3A_642 = arith.mulf %gather3A_640, %gather3A_641 : vector<16xf32>
        %add3A_643 = arith.addf %add3A_619, %mul3A_642 : vector<16xf32>
        %broadcast_in_dim3A_644 = arith.constant 90 : i32
        %broadcast_in_dim3A_645 = vector.broadcast %broadcast_in_dim3A_644 : i32 to vector<16xi32>
        %gather3A_646 = tpu.vector_load_idx %arg7[%add3A_97, %broadcast_in_dim3A_645] : memref<128x128xf32, #tpu.memory_space<vmem>>[vector<16xi32>, vector<16xi32>], vector<16xf32>,
        %gather3A_647 = tpu.vector_load_idx %arg9[%add3A_97, %broadcast_in_dim3A_645] : memref<128x128xf32, #tpu.memory_space<vmem>>[vector<16xi32>, vector<16xi32>], vector<16xf32>,
        %mul3A_648 = arith.mulf %gather3A_646, %gather3A_647 : vector<16xf32>
        %add3A_649 = arith.addf %add3A_625, %mul3A_648 : vector<16xf32>
        %broadcast_in_dim3A_650 = arith.constant 91 : i32
        %broadcast_in_dim3A_651 = vector.broadcast %broadcast_in_dim3A_650 : i32 to vector<16xi32>
        %gather3A_652 = tpu.vector_load_idx %arg7[%add3A_97, %broadcast_in_dim3A_651] : memref<128x128xf32, #tpu.memory_space<vmem>>[vector<16xi32>, vector<16xi32>], vector<16xf32>,
        %gather3A_653 = tpu.vector_load_idx %arg9[%add3A_97, %broadcast_in_dim3A_651] : memref<128x128xf32, #tpu.memory_space<vmem>>[vector<16xi32>, vector<16xi32>], vector<16xf32>,
        %mul3A_654 = arith.mulf %gather3A_652, %gather3A_653 : vector<16xf32>
        %add3A_655 = arith.addf %add3A_631, %mul3A_654 : vector<16xf32>
        %broadcast_in_dim3A_656 = arith.constant 92 : i32
        %broadcast_in_dim3A_657 = vector.broadcast %broadcast_in_dim3A_656 : i32 to vector<16xi32>
        %gather3A_658 = tpu.vector_load_idx %arg7[%add3A_97, %broadcast_in_dim3A_657] : memref<128x128xf32, #tpu.memory_space<vmem>>[vector<16xi32>, vector<16xi32>], vector<16xf32>,
        %gather3A_659 = tpu.vector_load_idx %arg9[%add3A_97, %broadcast_in_dim3A_657] : memref<128x128xf32, #tpu.memory_space<vmem>>[vector<16xi32>, vector<16xi32>], vector<16xf32>,
        %mul3A_660 = arith.mulf %gather3A_658, %gather3A_659 : vector<16xf32>
        %add3A_661 = arith.addf %add3A_637, %mul3A_660 : vector<16xf32>
        %broadcast_in_dim3A_662 = arith.constant 93 : i32
        %broadcast_in_dim3A_663 = vector.broadcast %broadcast_in_dim3A_662 : i32 to vector<16xi32>
        %gather3A_664 = tpu.vector_load_idx %arg7[%add3A_97, %broadcast_in_dim3A_663] : memref<128x128xf32, #tpu.memory_space<vmem>>[vector<16xi32>, vector<16xi32>], vector<16xf32>,
        %gather3A_665 = tpu.vector_load_idx %arg9[%add3A_97, %broadcast_in_dim3A_663] : memref<128x128xf32, #tpu.memory_space<vmem>>[vector<16xi32>, vector<16xi32>], vector<16xf32>,
        %mul3A_666 = arith.mulf %gather3A_664, %gather3A_665 : vector<16xf32>
        %add3A_667 = arith.addf %add3A_643, %mul3A_666 : vector<16xf32>
        %broadcast_in_dim3A_668 = arith.constant 94 : i32
        %broadcast_in_dim3A_669 = vector.broadcast %broadcast_in_dim3A_668 : i32 to vector<16xi32>
        %gather3A_670 = tpu.vector_load_idx %arg7[%add3A_97, %broadcast_in_dim3A_669] : memref<128x128xf32, #tpu.memory_space<vmem>>[vector<16xi32>, vector<16xi32>], vector<16xf32>,
        %gather3A_671 = tpu.vector_load_idx %arg9[%add3A_97, %broadcast_in_dim3A_669] : memref<128x128xf32, #tpu.memory_space<vmem>>[vector<16xi32>, vector<16xi32>], vector<16xf32>,
        %mul3A_672 = arith.mulf %gather3A_670, %gather3A_671 : vector<16xf32>
        %add3A_673 = arith.addf %add3A_649, %mul3A_672 : vector<16xf32>
        %broadcast_in_dim3A_674 = arith.constant 95 : i32
        %broadcast_in_dim3A_675 = vector.broadcast %broadcast_in_dim3A_674 : i32 to vector<16xi32>
        %gather3A_676 = tpu.vector_load_idx %arg7[%add3A_97, %broadcast_in_dim3A_675] : memref<128x128xf32, #tpu.memory_space<vmem>>[vector<16xi32>, vector<16xi32>], vector<16xf32>,
        %gather3A_677 = tpu.vector_load_idx %arg9[%add3A_97, %broadcast_in_dim3A_675] : memref<128x128xf32, #tpu.memory_space<vmem>>[vector<16xi32>, vector<16xi32>], vector<16xf32>,
        %mul3A_678 = arith.mulf %gather3A_676, %gather3A_677 : vector<16xf32>
        %add3A_679 = arith.addf %add3A_655, %mul3A_678 : vector<16xf32>
        %broadcast_in_dim3A_680 = arith.constant 96 : i32
        %broadcast_in_dim3A_681 = vector.broadcast %broadcast_in_dim3A_680 : i32 to vector<16xi32>
        %gather3A_682 = tpu.vector_load_idx %arg7[%add3A_97, %broadcast_in_dim3A_681] : memref<128x128xf32, #tpu.memory_space<vmem>>[vector<16xi32>, vector<16xi32>], vector<16xf32>,
        %gather3A_683 = tpu.vector_load_idx %arg9[%add3A_97, %broadcast_in_dim3A_681] : memref<128x128xf32, #tpu.memory_space<vmem>>[vector<16xi32>, vector<16xi32>], vector<16xf32>,
        %mul3A_684 = arith.mulf %gather3A_682, %gather3A_683 : vector<16xf32>
        %add3A_685 = arith.addf %add3A_661, %mul3A_684 : vector<16xf32>
        %broadcast_in_dim3A_686 = arith.constant 97 : i32
        %broadcast_in_dim3A_687 = vector.broadcast %broadcast_in_dim3A_686 : i32 to vector<16xi32>
        %gather3A_688 = tpu.vector_load_idx %arg7[%add3A_97, %broadcast_in_dim3A_687] : memref<128x128xf32, #tpu.memory_space<vmem>>[vector<16xi32>, vector<16xi32>], vector<16xf32>,
        %gather3A_689 = tpu.vector_load_idx %arg9[%add3A_97, %broadcast_in_dim3A_687] : memref<128x128xf32, #tpu.memory_space<vmem>>[vector<16xi32>, vector<16xi32>], vector<16xf32>,
        %mul3A_690 = arith.mulf %gather3A_688, %gather3A_689 : vector<16xf32>
        %add3A_691 = arith.addf %add3A_667, %mul3A_690 : vector<16xf32>
        %broadcast_in_dim3A_692 = arith.constant 98 : i32
        %broadcast_in_dim3A_693 = vector.broadcast %broadcast_in_dim3A_692 : i32 to vector<16xi32>
        %gather3A_694 = tpu.vector_load_idx %arg7[%add3A_97, %broadcast_in_dim3A_693] : memref<128x128xf32, #tpu.memory_space<vmem>>[vector<16xi32>, vector<16xi32>], vector<16xf32>,
        %gather3A_695 = tpu.vector_load_idx %arg9[%add3A_97, %broadcast_in_dim3A_693] : memref<128x128xf32, #tpu.memory_space<vmem>>[vector<16xi32>, vector<16xi32>], vector<16xf32>,
        %mul3A_696 = arith.mulf %gather3A_694, %gather3A_695 : vector<16xf32>
        %add3A_697 = arith.addf %add3A_673, %mul3A_696 : vector<16xf32>
        %broadcast_in_dim3A_698 = arith.constant 99 : i32
        %broadcast_in_dim3A_699 = vector.broadcast %broadcast_in_dim3A_698 : i32 to vector<16xi32>
        %gather3A_700 = tpu.vector_load_idx %arg7[%add3A_97, %broadcast_in_dim3A_699] : memref<128x128xf32, #tpu.memory_space<vmem>>[vector<16xi32>, vector<16xi32>], vector<16xf32>,
        %gather3A_701 = tpu.vector_load_idx %arg9[%add3A_97, %broadcast_in_dim3A_699] : memref<128x128xf32, #tpu.memory_space<vmem>>[vector<16xi32>, vector<16xi32>], vector<16xf32>,
        %mul3A_702 = arith.mulf %gather3A_700, %gather3A_701 : vector<16xf32>
        %add3A_703 = arith.addf %add3A_679, %mul3A_702 : vector<16xf32>
        %broadcast_in_dim3A_704 = arith.constant 100 : i32
        %broadcast_in_dim3A_705 = vector.broadcast %broadcast_in_dim3A_704 : i32 to vector<16xi32>
        %gather3A_706 = tpu.vector_load_idx %arg7[%add3A_97, %broadcast_in_dim3A_705] : memref<128x128xf32, #tpu.memory_space<vmem>>[vector<16xi32>, vector<16xi32>], vector<16xf32>,
        %gather3A_707 = tpu.vector_load_idx %arg9[%add3A_97, %broadcast_in_dim3A_705] : memref<128x128xf32, #tpu.memory_space<vmem>>[vector<16xi32>, vector<16xi32>], vector<16xf32>,
        %mul3A_708 = arith.mulf %gather3A_706, %gather3A_707 : vector<16xf32>
        %add3A_709 = arith.addf %add3A_685, %mul3A_708 : vector<16xf32>
        %broadcast_in_dim3A_710 = arith.constant 101 : i32
        %broadcast_in_dim3A_711 = vector.broadcast %broadcast_in_dim3A_710 : i32 to vector<16xi32>
        %gather3A_712 = tpu.vector_load_idx %arg7[%add3A_97, %broadcast_in_dim3A_711] : memref<128x128xf32, #tpu.memory_space<vmem>>[vector<16xi32>, vector<16xi32>], vector<16xf32>,
        %gather3A_713 = tpu.vector_load_idx %arg9[%add3A_97, %broadcast_in_dim3A_711] : memref<128x128xf32, #tpu.memory_space<vmem>>[vector<16xi32>, vector<16xi32>], vector<16xf32>,
        %mul3A_714 = arith.mulf %gather3A_712, %gather3A_713 : vector<16xf32>
        %add3A_715 = arith.addf %add3A_691, %mul3A_714 : vector<16xf32>
        %broadcast_in_dim3A_716 = arith.constant 102 : i32
        %broadcast_in_dim3A_717 = vector.broadcast %broadcast_in_dim3A_716 : i32 to vector<16xi32>
        %gather3A_718 = tpu.vector_load_idx %arg7[%add3A_97, %broadcast_in_dim3A_717] : memref<128x128xf32, #tpu.memory_space<vmem>>[vector<16xi32>, vector<16xi32>], vector<16xf32>,
        %gather3A_719 = tpu.vector_load_idx %arg9[%add3A_97, %broadcast_in_dim3A_717] : memref<128x128xf32, #tpu.memory_space<vmem>>[vector<16xi32>, vector<16xi32>], vector<16xf32>,
        %mul3A_720 = arith.mulf %gather3A_718, %gather3A_719 : vector<16xf32>
        %add3A_721 = arith.addf %add3A_697, %mul3A_720 : vector<16xf32>
        %broadcast_in_dim3A_722 = arith.constant 103 : i32
        %broadcast_in_dim3A_723 = vector.broadcast %broadcast_in_dim3A_722 : i32 to vector<16xi32>
        %gather3A_724 = tpu.vector_load_idx %arg7[%add3A_97, %broadcast_in_dim3A_723] : memref<128x128xf32, #tpu.memory_space<vmem>>[vector<16xi32>, vector<16xi32>], vector<16xf32>,
        %gather3A_725 = tpu.vector_load_idx %arg9[%add3A_97, %broadcast_in_dim3A_723] : memref<128x128xf32, #tpu.memory_space<vmem>>[vector<16xi32>, vector<16xi32>], vector<16xf32>,
        %mul3A_726 = arith.mulf %gather3A_724, %gather3A_725 : vector<16xf32>
        %add3A_727 = arith.addf %add3A_703, %mul3A_726 : vector<16xf32>
        %broadcast_in_dim3A_728 = arith.constant 104 : i32
        %broadcast_in_dim3A_729 = vector.broadcast %broadcast_in_dim3A_728 : i32 to vector<16xi32>
        %gather3A_730 = tpu.vector_load_idx %arg7[%add3A_97, %broadcast_in_dim3A_729] : memref<128x128xf32, #tpu.memory_space<vmem>>[vector<16xi32>, vector<16xi32>], vector<16xf32>,
        %gather3A_731 = tpu.vector_load_idx %arg9[%add3A_97, %broadcast_in_dim3A_729] : memref<128x128xf32, #tpu.memory_space<vmem>>[vector<16xi32>, vector<16xi32>], vector<16xf32>,
        %mul3A_732 = arith.mulf %gather3A_730, %gather3A_731 : vector<16xf32>
        %add3A_733 = arith.addf %add3A_709, %mul3A_732 : vector<16xf32>
        %broadcast_in_dim3A_734 = arith.constant 105 : i32
        %broadcast_in_dim3A_735 = vector.broadcast %broadcast_in_dim3A_734 : i32 to vector<16xi32>
        %gather3A_736 = tpu.vector_load_idx %arg7[%add3A_97, %broadcast_in_dim3A_735] : memref<128x128xf32, #tpu.memory_space<vmem>>[vector<16xi32>, vector<16xi32>], vector<16xf32>,
        %gather3A_737 = tpu.vector_load_idx %arg9[%add3A_97, %broadcast_in_dim3A_735] : memref<128x128xf32, #tpu.memory_space<vmem>>[vector<16xi32>, vector<16xi32>], vector<16xf32>,
        %mul3A_738 = arith.mulf %gather3A_736, %gather3A_737 : vector<16xf32>
        %add3A_739 = arith.addf %add3A_715, %mul3A_738 : vector<16xf32>
        %broadcast_in_dim3A_740 = arith.constant 106 : i32
        %broadcast_in_dim3A_741 = vector.broadcast %broadcast_in_dim3A_740 : i32 to vector<16xi32>
        %gather3A_742 = tpu.vector_load_idx %arg7[%add3A_97, %broadcast_in_dim3A_741] : memref<128x128xf32, #tpu.memory_space<vmem>>[vector<16xi32>, vector<16xi32>], vector<16xf32>,
        %gather3A_743 = tpu.vector_load_idx %arg9[%add3A_97, %broadcast_in_dim3A_741] : memref<128x128xf32, #tpu.memory_space<vmem>>[vector<16xi32>, vector<16xi32>], vector<16xf32>,
        %mul3A_744 = arith.mulf %gather3A_742, %gather3A_743 : vector<16xf32>
        %add3A_745 = arith.addf %add3A_721, %mul3A_744 : vector<16xf32>
        %broadcast_in_dim3A_746 = arith.constant 107 : i32
        %broadcast_in_dim3A_747 = vector.broadcast %broadcast_in_dim3A_746 : i32 to vector<16xi32>
        %gather3A_748 = tpu.vector_load_idx %arg7[%add3A_97, %broadcast_in_dim3A_747] : memref<128x128xf32, #tpu.memory_space<vmem>>[vector<16xi32>, vector<16xi32>], vector<16xf32>,
        %gather3A_749 = tpu.vector_load_idx %arg9[%add3A_97, %broadcast_in_dim3A_747] : memref<128x128xf32, #tpu.memory_space<vmem>>[vector<16xi32>, vector<16xi32>], vector<16xf32>,
        %mul3A_750 = arith.mulf %gather3A_748, %gather3A_749 : vector<16xf32>
        %add3A_751 = arith.addf %add3A_727, %mul3A_750 : vector<16xf32>
        %broadcast_in_dim3A_752 = arith.constant 108 : i32
        %broadcast_in_dim3A_753 = vector.broadcast %broadcast_in_dim3A_752 : i32 to vector<16xi32>
        %gather3A_754 = tpu.vector_load_idx %arg7[%add3A_97, %broadcast_in_dim3A_753] : memref<128x128xf32, #tpu.memory_space<vmem>>[vector<16xi32>, vector<16xi32>], vector<16xf32>,
        %gather3A_755 = tpu.vector_load_idx %arg9[%add3A_97, %broadcast_in_dim3A_753] : memref<128x128xf32, #tpu.memory_space<vmem>>[vector<16xi32>, vector<16xi32>], vector<16xf32>,
        %mul3A_756 = arith.mulf %gather3A_754, %gather3A_755 : vector<16xf32>
        %add3A_757 = arith.addf %add3A_733, %mul3A_756 : vector<16xf32>
        %broadcast_in_dim3A_758 = arith.constant 109 : i32
        %broadcast_in_dim3A_759 = vector.broadcast %broadcast_in_dim3A_758 : i32 to vector<16xi32>
        %gather3A_760 = tpu.vector_load_idx %arg7[%add3A_97, %broadcast_in_dim3A_759] : memref<128x128xf32, #tpu.memory_space<vmem>>[vector<16xi32>, vector<16xi32>], vector<16xf32>,
        %gather3A_761 = tpu.vector_load_idx %arg9[%add3A_97, %broadcast_in_dim3A_759] : memref<128x128xf32, #tpu.memory_space<vmem>>[vector<16xi32>, vector<16xi32>], vector<16xf32>,
        %mul3A_762 = arith.mulf %gather3A_760, %gather3A_761 : vector<16xf32>
        %add3A_763 = arith.addf %add3A_739, %mul3A_762 : vector<16xf32>
        %broadcast_in_dim3A_764 = arith.constant 110 : i32
        %broadcast_in_dim3A_765 = vector.broadcast %broadcast_in_dim3A_764 : i32 to vector<16xi32>
        %gather3A_766 = tpu.vector_load_idx %arg7[%add3A_97, %broadcast_in_dim3A_765] : memref<128x128xf32, #tpu.memory_space<vmem>>[vector<16xi32>, vector<16xi32>], vector<16xf32>,
        %gather3A_767 = tpu.vector_load_idx %arg9[%add3A_97, %broadcast_in_dim3A_765] : memref<128x128xf32, #tpu.memory_space<vmem>>[vector<16xi32>, vector<16xi32>], vector<16xf32>,
        %mul3A_768 = arith.mulf %gather3A_766, %gather3A_767 : vector<16xf32>
        %add3A_769 = arith.addf %add3A_745, %mul3A_768 : vector<16xf32>
        %broadcast_in_dim3A_770 = arith.constant 111 : i32
        %broadcast_in_dim3A_771 = vector.broadcast %broadcast_in_dim3A_770 : i32 to vector<16xi32>
        %gather3A_772 = tpu.vector_load_idx %arg7[%add3A_97, %broadcast_in_dim3A_771] : memref<128x128xf32, #tpu.memory_space<vmem>>[vector<16xi32>, vector<16xi32>], vector<16xf32>,
        %gather3A_773 = tpu.vector_load_idx %arg9[%add3A_97, %broadcast_in_dim3A_771] : memref<128x128xf32, #tpu.memory_space<vmem>>[vector<16xi32>, vector<16xi32>], vector<16xf32>,
        %mul3A_774 = arith.mulf %gather3A_772, %gather3A_773 : vector<16xf32>
        %add3A_775 = arith.addf %add3A_751, %mul3A_774 : vector<16xf32>
        %broadcast_in_dim3A_776 = arith.constant 112 : i32
        %broadcast_in_dim3A_777 = vector.broadcast %broadcast_in_dim3A_776 : i32 to vector<16xi32>
        %gather3A_778 = tpu.vector_load_idx %arg7[%add3A_97, %broadcast_in_dim3A_777] : memref<128x128xf32, #tpu.memory_space<vmem>>[vector<16xi32>, vector<16xi32>], vector<16xf32>,
        %gather3A_779 = tpu.vector_load_idx %arg9[%add3A_97, %broadcast_in_dim3A_777] : memref<128x128xf32, #tpu.memory_space<vmem>>[vector<16xi32>, vector<16xi32>], vector<16xf32>,
        %mul3A_780 = arith.mulf %gather3A_778, %gather3A_779 : vector<16xf32>
        %add3A_781 = arith.addf %add3A_757, %mul3A_780 : vector<16xf32>
        %broadcast_in_dim3A_782 = arith.constant 113 : i32
        %broadcast_in_dim3A_783 = vector.broadcast %broadcast_in_dim3A_782 : i32 to vector<16xi32>
        %gather3A_784 = tpu.vector_load_idx %arg7[%add3A_97, %broadcast_in_dim3A_783] : memref<128x128xf32, #tpu.memory_space<vmem>>[vector<16xi32>, vector<16xi32>], vector<16xf32>,
        %gather3A_785 = tpu.vector_load_idx %arg9[%add3A_97, %broadcast_in_dim3A_783] : memref<128x128xf32, #tpu.memory_space<vmem>>[vector<16xi32>, vector<16xi32>], vector<16xf32>,
        %mul3A_786 = arith.mulf %gather3A_784, %gather3A_785 : vector<16xf32>
        %add3A_787 = arith.addf %add3A_763, %mul3A_786 : vector<16xf32>
        %broadcast_in_dim3A_788 = arith.constant 114 : i32
        %broadcast_in_dim3A_789 = vector.broadcast %broadcast_in_dim3A_788 : i32 to vector<16xi32>
        %gather3A_790 = tpu.vector_load_idx %arg7[%add3A_97, %broadcast_in_dim3A_789] : memref<128x128xf32, #tpu.memory_space<vmem>>[vector<16xi32>, vector<16xi32>], vector<16xf32>,
        %gather3A_791 = tpu.vector_load_idx %arg9[%add3A_97, %broadcast_in_dim3A_789] : memref<128x128xf32, #tpu.memory_space<vmem>>[vector<16xi32>, vector<16xi32>], vector<16xf32>,
        %mul3A_792 = arith.mulf %gather3A_790, %gather3A_791 : vector<16xf32>
        %add3A_793 = arith.addf %add3A_769, %mul3A_792 : vector<16xf32>
        %broadcast_in_dim3A_794 = arith.constant 115 : i32
        %broadcast_in_dim3A_795 = vector.broadcast %broadcast_in_dim3A_794 : i32 to vector<16xi32>
        %gather3A_796 = tpu.vector_load_idx %arg7[%add3A_97, %broadcast_in_dim3A_795] : memref<128x128xf32, #tpu.memory_space<vmem>>[vector<16xi32>, vector<16xi32>], vector<16xf32>,
        %gather3A_797 = tpu.vector_load_idx %arg9[%add3A_97, %broadcast_in_dim3A_795] : memref<128x128xf32, #tpu.memory_space<vmem>>[vector<16xi32>, vector<16xi32>], vector<16xf32>,
        %mul3A_798 = arith.mulf %gather3A_796, %gather3A_797 : vector<16xf32>
        %add3A_799 = arith.addf %add3A_775, %mul3A_798 : vector<16xf32>
        %broadcast_in_dim3A_800 = arith.constant 116 : i32
        %broadcast_in_dim3A_801 = vector.broadcast %broadcast_in_dim3A_800 : i32 to vector<16xi32>
        %gather3A_802 = tpu.vector_load_idx %arg7[%add3A_97, %broadcast_in_dim3A_801] : memref<128x128xf32, #tpu.memory_space<vmem>>[vector<16xi32>, vector<16xi32>], vector<16xf32>,
        %gather3A_803 = tpu.vector_load_idx %arg9[%add3A_97, %broadcast_in_dim3A_801] : memref<128x128xf32, #tpu.memory_space<vmem>>[vector<16xi32>, vector<16xi32>], vector<16xf32>,
        %mul3A_804 = arith.mulf %gather3A_802, %gather3A_803 : vector<16xf32>
        %add3A_805 = arith.addf %add3A_781, %mul3A_804 : vector<16xf32>
        %broadcast_in_dim3A_806 = arith.constant 117 : i32
        %broadcast_in_dim3A_807 = vector.broadcast %broadcast_in_dim3A_806 : i32 to vector<16xi32>
        %gather3A_808 = tpu.vector_load_idx %arg7[%add3A_97, %broadcast_in_dim3A_807] : memref<128x128xf32, #tpu.memory_space<vmem>>[vector<16xi32>, vector<16xi32>], vector<16xf32>,
        %gather3A_809 = tpu.vector_load_idx %arg9[%add3A_97, %broadcast_in_dim3A_807] : memref<128x128xf32, #tpu.memory_space<vmem>>[vector<16xi32>, vector<16xi32>], vector<16xf32>,
        %mul3A_810 = arith.mulf %gather3A_808, %gather3A_809 : vector<16xf32>
        %add3A_811 = arith.addf %add3A_787, %mul3A_810 : vector<16xf32>
        %broadcast_in_dim3A_812 = arith.constant 118 : i32
        %broadcast_in_dim3A_813 = vector.broadcast %broadcast_in_dim3A_812 : i32 to vector<16xi32>
        %gather3A_814 = tpu.vector_load_idx %arg7[%add3A_97, %broadcast_in_dim3A_813] : memref<128x128xf32, #tpu.memory_space<vmem>>[vector<16xi32>, vector<16xi32>], vector<16xf32>,
        %gather3A_815 = tpu.vector_load_idx %arg9[%add3A_97, %broadcast_in_dim3A_813] : memref<128x128xf32, #tpu.memory_space<vmem>>[vector<16xi32>, vector<16xi32>], vector<16xf32>,
        %mul3A_816 = arith.mulf %gather3A_814, %gather3A_815 : vector<16xf32>
        %add3A_817 = arith.addf %add3A_793, %mul3A_816 : vector<16xf32>
        %broadcast_in_dim3A_818 = arith.constant 119 : i32
        %broadcast_in_dim3A_819 = vector.broadcast %broadcast_in_dim3A_818 : i32 to vector<16xi32>
        %gather3A_820 = tpu.vector_load_idx %arg7[%add3A_97, %broadcast_in_dim3A_819] : memref<128x128xf32, #tpu.memory_space<vmem>>[vector<16xi32>, vector<16xi32>], vector<16xf32>,
        %gather3A_821 = tpu.vector_load_idx %arg9[%add3A_97, %broadcast_in_dim3A_819] : memref<128x128xf32, #tpu.memory_space<vmem>>[vector<16xi32>, vector<16xi32>], vector<16xf32>,
        %mul3A_822 = arith.mulf %gather3A_820, %gather3A_821 : vector<16xf32>
        %add3A_823 = arith.addf %add3A_799, %mul3A_822 : vector<16xf32>
        %broadcast_in_dim3A_824 = arith.constant 120 : i32
        %broadcast_in_dim3A_825 = vector.broadcast %broadcast_in_dim3A_824 : i32 to vector<16xi32>
        %gather3A_826 = tpu.vector_load_idx %arg7[%add3A_97, %broadcast_in_dim3A_825] : memref<128x128xf32, #tpu.memory_space<vmem>>[vector<16xi32>, vector<16xi32>], vector<16xf32>,
        %gather3A_827 = tpu.vector_load_idx %arg9[%add3A_97, %broadcast_in_dim3A_825] : memref<128x128xf32, #tpu.memory_space<vmem>>[vector<16xi32>, vector<16xi32>], vector<16xf32>,
        %mul3A_828 = arith.mulf %gather3A_826, %gather3A_827 : vector<16xf32>
        %add3A_829 = arith.addf %add3A_805, %mul3A_828 : vector<16xf32>
        %broadcast_in_dim3A_830 = arith.constant 121 : i32
        %broadcast_in_dim3A_831 = vector.broadcast %broadcast_in_dim3A_830 : i32 to vector<16xi32>
        %gather3A_832 = tpu.vector_load_idx %arg7[%add3A_97, %broadcast_in_dim3A_831] : memref<128x128xf32, #tpu.memory_space<vmem>>[vector<16xi32>, vector<16xi32>], vector<16xf32>,
        %gather3A_833 = tpu.vector_load_idx %arg9[%add3A_97, %broadcast_in_dim3A_831] : memref<128x128xf32, #tpu.memory_space<vmem>>[vector<16xi32>, vector<16xi32>], vector<16xf32>,
        %mul3A_834 = arith.mulf %gather3A_832, %gather3A_833 : vector<16xf32>
        %add3A_835 = arith.addf %add3A_811, %mul3A_834 : vector<16xf32>
        %broadcast_in_dim3A_836 = arith.constant 122 : i32
        %broadcast_in_dim3A_837 = vector.broadcast %broadcast_in_dim3A_836 : i32 to vector<16xi32>
        %gather3A_838 = tpu.vector_load_idx %arg7[%add3A_97, %broadcast_in_dim3A_837] : memref<128x128xf32, #tpu.memory_space<vmem>>[vector<16xi32>, vector<16xi32>], vector<16xf32>,
        %gather3A_839 = tpu.vector_load_idx %arg9[%add3A_97, %broadcast_in_dim3A_837] : memref<128x128xf32, #tpu.memory_space<vmem>>[vector<16xi32>, vector<16xi32>], vector<16xf32>,
        %mul3A_840 = arith.mulf %gather3A_838, %gather3A_839 : vector<16xf32>
        %add3A_841 = arith.addf %add3A_817, %mul3A_840 : vector<16xf32>
        %broadcast_in_dim3A_842 = arith.constant 123 : i32
        %broadcast_in_dim3A_843 = vector.broadcast %broadcast_in_dim3A_842 : i32 to vector<16xi32>
        %gather3A_844 = tpu.vector_load_idx %arg7[%add3A_97, %broadcast_in_dim3A_843] : memref<128x128xf32, #tpu.memory_space<vmem>>[vector<16xi32>, vector<16xi32>], vector<16xf32>,
        %gather3A_845 = tpu.vector_load_idx %arg9[%add3A_97, %broadcast_in_dim3A_843] : memref<128x128xf32, #tpu.memory_space<vmem>>[vector<16xi32>, vector<16xi32>], vector<16xf32>,
        %mul3A_846 = arith.mulf %gather3A_844, %gather3A_845 : vector<16xf32>
        %add3A_847 = arith.addf %add3A_823, %mul3A_846 : vector<16xf32>
        %broadcast_in_dim3A_848 = arith.constant 124 : i32
        %broadcast_in_dim3A_849 = vector.broadcast %broadcast_in_dim3A_848 : i32 to vector<16xi32>
        %gather3A_850 = tpu.vector_load_idx %arg7[%add3A_97, %broadcast_in_dim3A_849] : memref<128x128xf32, #tpu.memory_space<vmem>>[vector<16xi32>, vector<16xi32>], vector<16xf32>,
        %gather3A_851 = tpu.vector_load_idx %arg9[%add3A_97, %broadcast_in_dim3A_849] : memref<128x128xf32, #tpu.memory_space<vmem>>[vector<16xi32>, vector<16xi32>], vector<16xf32>,
        %mul3A_852 = arith.mulf %gather3A_850, %gather3A_851 : vector<16xf32>
        %add3A_853 = arith.addf %add3A_829, %mul3A_852 : vector<16xf32>
        %broadcast_in_dim3A_854 = arith.constant 125 : i32
        %broadcast_in_dim3A_855 = vector.broadcast %broadcast_in_dim3A_854 : i32 to vector<16xi32>
        %gather3A_856 = tpu.vector_load_idx %arg7[%add3A_97, %broadcast_in_dim3A_855] : memref<128x128xf32, #tpu.memory_space<vmem>>[vector<16xi32>, vector<16xi32>], vector<16xf32>,
        %gather3A_857 = tpu.vector_load_idx %arg9[%add3A_97, %broadcast_in_dim3A_855] : memref<128x128xf32, #tpu.memory_space<vmem>>[vector<16xi32>, vector<16xi32>], vector<16xf32>,
        %mul3A_858 = arith.mulf %gather3A_856, %gather3A_857 : vector<16xf32>
        %add3A_859 = arith.addf %add3A_835, %mul3A_858 : vector<16xf32>
        %broadcast_in_dim3A_860 = arith.constant 126 : i32
        %broadcast_in_dim3A_861 = vector.broadcast %broadcast_in_dim3A_860 : i32 to vector<16xi32>
        %gather3A_862 = tpu.vector_load_idx %arg7[%add3A_97, %broadcast_in_dim3A_861] : memref<128x128xf32, #tpu.memory_space<vmem>>[vector<16xi32>, vector<16xi32>], vector<16xf32>,
        %gather3A_863 = tpu.vector_load_idx %arg9[%add3A_97, %broadcast_in_dim3A_861] : memref<128x128xf32, #tpu.memory_space<vmem>>[vector<16xi32>, vector<16xi32>], vector<16xf32>,
        %mul3A_864 = arith.mulf %gather3A_862, %gather3A_863 : vector<16xf32>
        %add3A_865 = arith.addf %add3A_841, %mul3A_864 : vector<16xf32>
        %broadcast_in_dim3A_866 = arith.constant 127 : i32
        %broadcast_in_dim3A_867 = vector.broadcast %broadcast_in_dim3A_866 : i32 to vector<16xi32>
        %gather3A_868 = tpu.vector_load_idx %arg7[%add3A_97, %broadcast_in_dim3A_867] : memref<128x128xf32, #tpu.memory_space<vmem>>[vector<16xi32>, vector<16xi32>], vector<16xf32>,
        %gather3A_869 = tpu.vector_load_idx %arg9[%add3A_97, %broadcast_in_dim3A_867] : memref<128x128xf32, #tpu.memory_space<vmem>>[vector<16xi32>, vector<16xi32>], vector<16xf32>,
        %mul3A_870 = arith.mulf %gather3A_868, %gather3A_869 : vector<16xf32>
        %add3A_871 = arith.addf %add3A_847, %mul3A_870 : vector<16xf32>
        %add3A_872 = arith.addf %add3A_853, %add3A_859 : vector<16xf32>
        %add3A_873 = arith.addf %add3A_865, %add3A_871 : vector<16xf32>
        %add3A_874 = arith.addf %add3A_872, %add3A_873 : vector<16xf32>
        %mul3A_875 = arith.constant 128 : i32
        %mul3A_876 = arith.muli %mul3A_29, %mul3A_875 : i32
        %add3A_877 = arith.addi %mul3A_876, %mul3A_95 : i32
        %swap3A = arith.index_cast %add3A_877 : i32 to index
        %swap3A_878 = tpu.vector_load %arg11[%swap3A] {strides = array<i32>} : memref<10240xf32, #tpu.memory_space<vmem>>, vector<16xf32>,
        tpu.vector_store %arg11[%swap3A], %add3A_874 {strides = array<i32>} : memref<10240xf32, #tpu.memory_space<vmem>>, vector<16xf32>,
      }
      %scan3A_59 = arith.constant 8 : i32
      %add3A_60 = arith.constant 2 : i32
      %add3A_61 = arith.addi %mul3A_29, %add3A_60 : i32
      %min3A = arith.constant 79 : i32
      %min3A_62 = arith.minsi %add3A_61, %min3A : i32
      %mul3A_63 = arith.constant 128 : i32
      %mul3A_64 = arith.muli %min3A_62, %mul3A_63 : i32
      %dma_start3A_65 = tpu.memref_slice %arg5[%mul3A_64] : memref<10240xi32, #tpu.memory_space<vmem>> -> memref<128xi32, #tpu.memory_space<vmem>>
      %dma_start3A_66 = arith.constant 0 : i32
      %dma_start3A_67 = arith.constant 0 : i32
      %dma_start3A_68 = tpu.memref_slice %arg3[%dma_start3A_66, %dma_start3A_67] : memref<10000x128xf32, #tpu.memory_space<hbm>> -> memref<10000x128xf32, #tpu.memory_space<hbm>>
      tpu.enqueue_indirect_dma source(%dma_start3A_68 : memref<10000x128xf32, #tpu.memory_space<hbm>>) target(%arg7 : memref<128x128xf32, #tpu.memory_space<vmem>>) offsets(%dma_start3A_65 : memref<128xi32, #tpu.memory_space<vmem>>) semaphore(%arg12 : memref<!tpu.dma_semaphore, #tpu.memory_space<semaphore_mem>>)
      %mul3A_69 = arith.constant 128 : i32
      %mul3A_70 = arith.muli %min3A_62, %mul3A_69 : i32
      %dma_start3A_71 = tpu.memref_slice %arg6[%mul3A_70] : memref<10240xi32, #tpu.memory_space<vmem>> -> memref<128xi32, #tpu.memory_space<vmem>>
      %dma_start3A_72 = arith.constant 0 : i32
      %dma_start3A_73 = arith.constant 0 : i32
      %dma_start3A_74 = tpu.memref_slice %arg3[%dma_start3A_72, %dma_start3A_73] : memref<10000x128xf32, #tpu.memory_space<hbm>> -> memref<10000x128xf32, #tpu.memory_space<hbm>>
      tpu.enqueue_indirect_dma source(%dma_start3A_74 : memref<10000x128xf32, #tpu.memory_space<hbm>>) target(%arg9 : memref<128x128xf32, #tpu.memory_space<vmem>>) offsets(%dma_start3A_71 : memref<128xi32, #tpu.memory_space<vmem>>) semaphore(%arg12 : memref<!tpu.dma_semaphore, #tpu.memory_space<semaphore_mem>>)
      %dma_wait3A_75 = arith.constant 0 : i32
      %dma_wait3A_76 = tpu.memref_slice %arg5[%dma_wait3A_75] : memref<10240xi32, #tpu.memory_space<vmem>> -> memref<128xi32, #tpu.memory_space<vmem>>
      %dma_wait3A_77 = arith.constant 0 : i32
      %dma_wait3A_78 = arith.constant 0 : i32
      %dma_wait3A_79 = tpu.memref_slice %arg3[%dma_wait3A_77, %dma_wait3A_78] : memref<10000x128xf32, #tpu.memory_space<hbm>> -> memref<10000x128xf32, #tpu.memory_space<hbm>>
      tpu.wait_indirect_dma semaphore(%arg13 : memref<!tpu.dma_semaphore, #tpu.memory_space<semaphore_mem>>) src(%dma_wait3A_79 : memref<10000x128xf32, #tpu.memory_space<hbm>>) dst(%arg8 : memref<128x128xf32, #tpu.memory_space<vmem>>)
      %dma_wait3A_80 = arith.constant 0 : i32
      %dma_wait3A_81 = tpu.memref_slice %arg6[%dma_wait3A_80] : memref<10240xi32, #tpu.memory_space<vmem>> -> memref<128xi32, #tpu.memory_space<vmem>>
      %dma_wait3A_82 = arith.constant 0 : i32
      %dma_wait3A_83 = arith.constant 0 : i32
      %dma_wait3A_84 = tpu.memref_slice %arg3[%dma_wait3A_82, %dma_wait3A_83] : memref<10000x128xf32, #tpu.memory_space<hbm>> -> memref<10000x128xf32, #tpu.memory_space<hbm>>
      tpu.wait_indirect_dma semaphore(%arg13 : memref<!tpu.dma_semaphore, #tpu.memory_space<semaphore_mem>>) src(%dma_wait3A_84 : memref<10000x128xf32, #tpu.memory_space<hbm>>) dst(%arg10 : memref<128x128xf32, #tpu.memory_space<vmem>>)
      %add3A_85 = arith.constant 1 : i32
      %add3A_86 = arith.addi %mul3A_29, %add3A_85 : i32
      %scan3A_87 = arith.constant 0 : i32
      %scan3A_88 = arith.constant 0 : i32
      %scan3A_89 = arith.constant 8 : i32
      %scan3A_90 = arith.addi %scan3A_88, %scan3A_89 : i32
      %scan3A_91 = arith.constant 1 : i32
      scf.for %scan3A_93 = %scan3A_88 to %scan3A_90 step %scan3A_91  : i32 {
        %mul3A_94 = arith.constant 16 : i32
        %mul3A_95 = arith.muli %scan3A_93, %mul3A_94 : i32
        %iota3A = tpu.iota {dimensions = array<i32: 0>} : vector<16xi32>
        %add3A_96 = vector.broadcast %mul3A_95 : i32 to vector<16xi32>
        %add3A_97 = arith.addi %add3A_96, %iota3A : vector<16xi32>
        %broadcast_in_dim3A = arith.constant 0.000000e+00 : f32
        %broadcast_in_dim3A_98 = vector.broadcast %broadcast_in_dim3A : f32 to vector<16xf32>
        %broadcast_in_dim3A_99 = arith.constant 0.000000e+00 : f32
        %broadcast_in_dim3A_100 = vector.broadcast %broadcast_in_dim3A_99 : f32 to vector<16xf32>
        %broadcast_in_dim3A_101 = arith.constant 0.000000e+00 : f32
        %broadcast_in_dim3A_102 = vector.broadcast %broadcast_in_dim3A_101 : f32 to vector<16xf32>
        %broadcast_in_dim3A_103 = arith.constant 0.000000e+00 : f32
        %broadcast_in_dim3A_104 = vector.broadcast %broadcast_in_dim3A_103 : f32 to vector<16xf32>
        %broadcast_in_dim3A_105 = arith.constant 0 : i32
        %broadcast_in_dim3A_106 = vector.broadcast %broadcast_in_dim3A_105 : i32 to vector<16xi32>
        %gather3A = tpu.vector_load_idx %arg8[%add3A_97, %broadcast_in_dim3A_106] : memref<128x128xf32, #tpu.memory_space<vmem>>[vector<16xi32>, vector<16xi32>], vector<16xf32>,
        %gather3A_107 = tpu.vector_load_idx %arg10[%add3A_97, %broadcast_in_dim3A_106] : memref<128x128xf32, #tpu.memory_space<vmem>>[vector<16xi32>, vector<16xi32>], vector<16xf32>,
        %mul3A_108 = arith.mulf %gather3A, %gather3A_107 : vector<16xf32>
        %add3A_109 = arith.addf %broadcast_in_dim3A_98, %mul3A_108 : vector<16xf32>
        %broadcast_in_dim3A_110 = arith.constant 1 : i32
        %broadcast_in_dim3A_111 = vector.broadcast %broadcast_in_dim3A_110 : i32 to vector<16xi32>
        %gather3A_112 = tpu.vector_load_idx %arg8[%add3A_97, %broadcast_in_dim3A_111] : memref<128x128xf32, #tpu.memory_space<vmem>>[vector<16xi32>, vector<16xi32>], vector<16xf32>,
        %gather3A_113 = tpu.vector_load_idx %arg10[%add3A_97, %broadcast_in_dim3A_111] : memref<128x128xf32, #tpu.memory_space<vmem>>[vector<16xi32>, vector<16xi32>], vector<16xf32>,
        %mul3A_114 = arith.mulf %gather3A_112, %gather3A_113 : vector<16xf32>
        %add3A_115 = arith.addf %broadcast_in_dim3A_100, %mul3A_114 : vector<16xf32>
        %broadcast_in_dim3A_116 = arith.constant 2 : i32
        %broadcast_in_dim3A_117 = vector.broadcast %broadcast_in_dim3A_116 : i32 to vector<16xi32>
        %gather3A_118 = tpu.vector_load_idx %arg8[%add3A_97, %broadcast_in_dim3A_117] : memref<128x128xf32, #tpu.memory_space<vmem>>[vector<16xi32>, vector<16xi32>], vector<16xf32>,
        %gather3A_119 = tpu.vector_load_idx %arg10[%add3A_97, %broadcast_in_dim3A_117] : memref<128x128xf32, #tpu.memory_space<vmem>>[vector<16xi32>, vector<16xi32>], vector<16xf32>,
        %mul3A_120 = arith.mulf %gather3A_118, %gather3A_119 : vector<16xf32>
        %add3A_121 = arith.addf %broadcast_in_dim3A_102, %mul3A_120 : vector<16xf32>
        %broadcast_in_dim3A_122 = arith.constant 3 : i32
        %broadcast_in_dim3A_123 = vector.broadcast %broadcast_in_dim3A_122 : i32 to vector<16xi32>
        %gather3A_124 = tpu.vector_load_idx %arg8[%add3A_97, %broadcast_in_dim3A_123] : memref<128x128xf32, #tpu.memory_space<vmem>>[vector<16xi32>, vector<16xi32>], vector<16xf32>,
        %gather3A_125 = tpu.vector_load_idx %arg10[%add3A_97, %broadcast_in_dim3A_123] : memref<128x128xf32, #tpu.memory_space<vmem>>[vector<16xi32>, vector<16xi32>], vector<16xf32>,
        %mul3A_126 = arith.mulf %gather3A_124, %gather3A_125 : vector<16xf32>
        %add3A_127 = arith.addf %broadcast_in_dim3A_104, %mul3A_126 : vector<16xf32>
        %broadcast_in_dim3A_128 = arith.constant 4 : i32
        %broadcast_in_dim3A_129 = vector.broadcast %broadcast_in_dim3A_128 : i32 to vector<16xi32>
        %gather3A_130 = tpu.vector_load_idx %arg8[%add3A_97, %broadcast_in_dim3A_129] : memref<128x128xf32, #tpu.memory_space<vmem>>[vector<16xi32>, vector<16xi32>], vector<16xf32>,
        %gather3A_131 = tpu.vector_load_idx %arg10[%add3A_97, %broadcast_in_dim3A_129] : memref<128x128xf32, #tpu.memory_space<vmem>>[vector<16xi32>, vector<16xi32>], vector<16xf32>,
        %mul3A_132 = arith.mulf %gather3A_130, %gather3A_131 : vector<16xf32>
        %add3A_133 = arith.addf %add3A_109, %mul3A_132 : vector<16xf32>
        %broadcast_in_dim3A_134 = arith.constant 5 : i32
        %broadcast_in_dim3A_135 = vector.broadcast %broadcast_in_dim3A_134 : i32 to vector<16xi32>
        %gather3A_136 = tpu.vector_load_idx %arg8[%add3A_97, %broadcast_in_dim3A_135] : memref<128x128xf32, #tpu.memory_space<vmem>>[vector<16xi32>, vector<16xi32>], vector<16xf32>,
        %gather3A_137 = tpu.vector_load_idx %arg10[%add3A_97, %broadcast_in_dim3A_135] : memref<128x128xf32, #tpu.memory_space<vmem>>[vector<16xi32>, vector<16xi32>], vector<16xf32>,
        %mul3A_138 = arith.mulf %gather3A_136, %gather3A_137 : vector<16xf32>
        %add3A_139 = arith.addf %add3A_115, %mul3A_138 : vector<16xf32>
        %broadcast_in_dim3A_140 = arith.constant 6 : i32
        %broadcast_in_dim3A_141 = vector.broadcast %broadcast_in_dim3A_140 : i32 to vector<16xi32>
        %gather3A_142 = tpu.vector_load_idx %arg8[%add3A_97, %broadcast_in_dim3A_141] : memref<128x128xf32, #tpu.memory_space<vmem>>[vector<16xi32>, vector<16xi32>], vector<16xf32>,
        %gather3A_143 = tpu.vector_load_idx %arg10[%add3A_97, %broadcast_in_dim3A_141] : memref<128x128xf32, #tpu.memory_space<vmem>>[vector<16xi32>, vector<16xi32>], vector<16xf32>,
        %mul3A_144 = arith.mulf %gather3A_142, %gather3A_143 : vector<16xf32>
        %add3A_145 = arith.addf %add3A_121, %mul3A_144 : vector<16xf32>
        %broadcast_in_dim3A_146 = arith.constant 7 : i32
        %broadcast_in_dim3A_147 = vector.broadcast %broadcast_in_dim3A_146 : i32 to vector<16xi32>
        %gather3A_148 = tpu.vector_load_idx %arg8[%add3A_97, %broadcast_in_dim3A_147] : memref<128x128xf32, #tpu.memory_space<vmem>>[vector<16xi32>, vector<16xi32>], vector<16xf32>,
        %gather3A_149 = tpu.vector_load_idx %arg10[%add3A_97, %broadcast_in_dim3A_147] : memref<128x128xf32, #tpu.memory_space<vmem>>[vector<16xi32>, vector<16xi32>], vector<16xf32>,
        %mul3A_150 = arith.mulf %gather3A_148, %gather3A_149 : vector<16xf32>
        %add3A_151 = arith.addf %add3A_127, %mul3A_150 : vector<16xf32>
        %broadcast_in_dim3A_152 = arith.constant 8 : i32
        %broadcast_in_dim3A_153 = vector.broadcast %broadcast_in_dim3A_152 : i32 to vector<16xi32>
        %gather3A_154 = tpu.vector_load_idx %arg8[%add3A_97, %broadcast_in_dim3A_153] : memref<128x128xf32, #tpu.memory_space<vmem>>[vector<16xi32>, vector<16xi32>], vector<16xf32>,
        %gather3A_155 = tpu.vector_load_idx %arg10[%add3A_97, %broadcast_in_dim3A_153] : memref<128x128xf32, #tpu.memory_space<vmem>>[vector<16xi32>, vector<16xi32>], vector<16xf32>,
        %mul3A_156 = arith.mulf %gather3A_154, %gather3A_155 : vector<16xf32>
        %add3A_157 = arith.addf %add3A_133, %mul3A_156 : vector<16xf32>
        %broadcast_in_dim3A_158 = arith.constant 9 : i32
        %broadcast_in_dim3A_159 = vector.broadcast %broadcast_in_dim3A_158 : i32 to vector<16xi32>
        %gather3A_160 = tpu.vector_load_idx %arg8[%add3A_97, %broadcast_in_dim3A_159] : memref<128x128xf32, #tpu.memory_space<vmem>>[vector<16xi32>, vector<16xi32>], vector<16xf32>,
        %gather3A_161 = tpu.vector_load_idx %arg10[%add3A_97, %broadcast_in_dim3A_159] : memref<128x128xf32, #tpu.memory_space<vmem>>[vector<16xi32>, vector<16xi32>], vector<16xf32>,
        %mul3A_162 = arith.mulf %gather3A_160, %gather3A_161 : vector<16xf32>
        %add3A_163 = arith.addf %add3A_139, %mul3A_162 : vector<16xf32>
        %broadcast_in_dim3A_164 = arith.constant 10 : i32
        %broadcast_in_dim3A_165 = vector.broadcast %broadcast_in_dim3A_164 : i32 to vector<16xi32>
        %gather3A_166 = tpu.vector_load_idx %arg8[%add3A_97, %broadcast_in_dim3A_165] : memref<128x128xf32, #tpu.memory_space<vmem>>[vector<16xi32>, vector<16xi32>], vector<16xf32>,
        %gather3A_167 = tpu.vector_load_idx %arg10[%add3A_97, %broadcast_in_dim3A_165] : memref<128x128xf32, #tpu.memory_space<vmem>>[vector<16xi32>, vector<16xi32>], vector<16xf32>,
        %mul3A_168 = arith.mulf %gather3A_166, %gather3A_167 : vector<16xf32>
        %add3A_169 = arith.addf %add3A_145, %mul3A_168 : vector<16xf32>
        %broadcast_in_dim3A_170 = arith.constant 11 : i32
        %broadcast_in_dim3A_171 = vector.broadcast %broadcast_in_dim3A_170 : i32 to vector<16xi32>
        %gather3A_172 = tpu.vector_load_idx %arg8[%add3A_97, %broadcast_in_dim3A_171] : memref<128x128xf32, #tpu.memory_space<vmem>>[vector<16xi32>, vector<16xi32>], vector<16xf32>,
        %gather3A_173 = tpu.vector_load_idx %arg10[%add3A_97, %broadcast_in_dim3A_171] : memref<128x128xf32, #tpu.memory_space<vmem>>[vector<16xi32>, vector<16xi32>], vector<16xf32>,
        %mul3A_174 = arith.mulf %gather3A_172, %gather3A_173 : vector<16xf32>
        %add3A_175 = arith.addf %add3A_151, %mul3A_174 : vector<16xf32>
        %broadcast_in_dim3A_176 = arith.constant 12 : i32
        %broadcast_in_dim3A_177 = vector.broadcast %broadcast_in_dim3A_176 : i32 to vector<16xi32>
        %gather3A_178 = tpu.vector_load_idx %arg8[%add3A_97, %broadcast_in_dim3A_177] : memref<128x128xf32, #tpu.memory_space<vmem>>[vector<16xi32>, vector<16xi32>], vector<16xf32>,
        %gather3A_179 = tpu.vector_load_idx %arg10[%add3A_97, %broadcast_in_dim3A_177] : memref<128x128xf32, #tpu.memory_space<vmem>>[vector<16xi32>, vector<16xi32>], vector<16xf32>,
        %mul3A_180 = arith.mulf %gather3A_178, %gather3A_179 : vector<16xf32>
        %add3A_181 = arith.addf %add3A_157, %mul3A_180 : vector<16xf32>
        %broadcast_in_dim3A_182 = arith.constant 13 : i32
        %broadcast_in_dim3A_183 = vector.broadcast %broadcast_in_dim3A_182 : i32 to vector<16xi32>
        %gather3A_184 = tpu.vector_load_idx %arg8[%add3A_97, %broadcast_in_dim3A_183] : memref<128x128xf32, #tpu.memory_space<vmem>>[vector<16xi32>, vector<16xi32>], vector<16xf32>,
        %gather3A_185 = tpu.vector_load_idx %arg10[%add3A_97, %broadcast_in_dim3A_183] : memref<128x128xf32, #tpu.memory_space<vmem>>[vector<16xi32>, vector<16xi32>], vector<16xf32>,
        %mul3A_186 = arith.mulf %gather3A_184, %gather3A_185 : vector<16xf32>
        %add3A_187 = arith.addf %add3A_163, %mul3A_186 : vector<16xf32>
        %broadcast_in_dim3A_188 = arith.constant 14 : i32
        %broadcast_in_dim3A_189 = vector.broadcast %broadcast_in_dim3A_188 : i32 to vector<16xi32>
        %gather3A_190 = tpu.vector_load_idx %arg8[%add3A_97, %broadcast_in_dim3A_189] : memref<128x128xf32, #tpu.memory_space<vmem>>[vector<16xi32>, vector<16xi32>], vector<16xf32>,
        %gather3A_191 = tpu.vector_load_idx %arg10[%add3A_97, %broadcast_in_dim3A_189] : memref<128x128xf32, #tpu.memory_space<vmem>>[vector<16xi32>, vector<16xi32>], vector<16xf32>,
        %mul3A_192 = arith.mulf %gather3A_190, %gather3A_191 : vector<16xf32>
        %add3A_193 = arith.addf %add3A_169, %mul3A_192 : vector<16xf32>
        %broadcast_in_dim3A_194 = arith.constant 15 : i32
        %broadcast_in_dim3A_195 = vector.broadcast %broadcast_in_dim3A_194 : i32 to vector<16xi32>
        %gather3A_196 = tpu.vector_load_idx %arg8[%add3A_97, %broadcast_in_dim3A_195] : memref<128x128xf32, #tpu.memory_space<vmem>>[vector<16xi32>, vector<16xi32>], vector<16xf32>,
        %gather3A_197 = tpu.vector_load_idx %arg10[%add3A_97, %broadcast_in_dim3A_195] : memref<128x128xf32, #tpu.memory_space<vmem>>[vector<16xi32>, vector<16xi32>], vector<16xf32>,
        %mul3A_198 = arith.mulf %gather3A_196, %gather3A_197 : vector<16xf32>
        %add3A_199 = arith.addf %add3A_175, %mul3A_198 : vector<16xf32>
        %broadcast_in_dim3A_200 = arith.constant 16 : i32
        %broadcast_in_dim3A_201 = vector.broadcast %broadcast_in_dim3A_200 : i32 to vector<16xi32>
        %gather3A_202 = tpu.vector_load_idx %arg8[%add3A_97, %broadcast_in_dim3A_201] : memref<128x128xf32, #tpu.memory_space<vmem>>[vector<16xi32>, vector<16xi32>], vector<16xf32>,
        %gather3A_203 = tpu.vector_load_idx %arg10[%add3A_97, %broadcast_in_dim3A_201] : memref<128x128xf32, #tpu.memory_space<vmem>>[vector<16xi32>, vector<16xi32>], vector<16xf32>,
        %mul3A_204 = arith.mulf %gather3A_202, %gather3A_203 : vector<16xf32>
        %add3A_205 = arith.addf %add3A_181, %mul3A_204 : vector<16xf32>
        %broadcast_in_dim3A_206 = arith.constant 17 : i32
        %broadcast_in_dim3A_207 = vector.broadcast %broadcast_in_dim3A_206 : i32 to vector<16xi32>
        %gather3A_208 = tpu.vector_load_idx %arg8[%add3A_97, %broadcast_in_dim3A_207] : memref<128x128xf32, #tpu.memory_space<vmem>>[vector<16xi32>, vector<16xi32>], vector<16xf32>,
        %gather3A_209 = tpu.vector_load_idx %arg10[%add3A_97, %broadcast_in_dim3A_207] : memref<128x128xf32, #tpu.memory_space<vmem>>[vector<16xi32>, vector<16xi32>], vector<16xf32>,
        %mul3A_210 = arith.mulf %gather3A_208, %gather3A_209 : vector<16xf32>
        %add3A_211 = arith.addf %add3A_187, %mul3A_210 : vector<16xf32>
        %broadcast_in_dim3A_212 = arith.constant 18 : i32
        %broadcast_in_dim3A_213 = vector.broadcast %broadcast_in_dim3A_212 : i32 to vector<16xi32>
        %gather3A_214 = tpu.vector_load_idx %arg8[%add3A_97, %broadcast_in_dim3A_213] : memref<128x128xf32, #tpu.memory_space<vmem>>[vector<16xi32>, vector<16xi32>], vector<16xf32>,
        %gather3A_215 = tpu.vector_load_idx %arg10[%add3A_97, %broadcast_in_dim3A_213] : memref<128x128xf32, #tpu.memory_space<vmem>>[vector<16xi32>, vector<16xi32>], vector<16xf32>,
        %mul3A_216 = arith.mulf %gather3A_214, %gather3A_215 : vector<16xf32>
        %add3A_217 = arith.addf %add3A_193, %mul3A_216 : vector<16xf32>
        %broadcast_in_dim3A_218 = arith.constant 19 : i32
        %broadcast_in_dim3A_219 = vector.broadcast %broadcast_in_dim3A_218 : i32 to vector<16xi32>
        %gather3A_220 = tpu.vector_load_idx %arg8[%add3A_97, %broadcast_in_dim3A_219] : memref<128x128xf32, #tpu.memory_space<vmem>>[vector<16xi32>, vector<16xi32>], vector<16xf32>,
        %gather3A_221 = tpu.vector_load_idx %arg10[%add3A_97, %broadcast_in_dim3A_219] : memref<128x128xf32, #tpu.memory_space<vmem>>[vector<16xi32>, vector<16xi32>], vector<16xf32>,
        %mul3A_222 = arith.mulf %gather3A_220, %gather3A_221 : vector<16xf32>
        %add3A_223 = arith.addf %add3A_199, %mul3A_222 : vector<16xf32>
        %broadcast_in_dim3A_224 = arith.constant 20 : i32
        %broadcast_in_dim3A_225 = vector.broadcast %broadcast_in_dim3A_224 : i32 to vector<16xi32>
        %gather3A_226 = tpu.vector_load_idx %arg8[%add3A_97, %broadcast_in_dim3A_225] : memref<128x128xf32, #tpu.memory_space<vmem>>[vector<16xi32>, vector<16xi32>], vector<16xf32>,
        %gather3A_227 = tpu.vector_load_idx %arg10[%add3A_97, %broadcast_in_dim3A_225] : memref<128x128xf32, #tpu.memory_space<vmem>>[vector<16xi32>, vector<16xi32>], vector<16xf32>,
        %mul3A_228 = arith.mulf %gather3A_226, %gather3A_227 : vector<16xf32>
        %add3A_229 = arith.addf %add3A_205, %mul3A_228 : vector<16xf32>
        %broadcast_in_dim3A_230 = arith.constant 21 : i32
        %broadcast_in_dim3A_231 = vector.broadcast %broadcast_in_dim3A_230 : i32 to vector<16xi32>
        %gather3A_232 = tpu.vector_load_idx %arg8[%add3A_97, %broadcast_in_dim3A_231] : memref<128x128xf32, #tpu.memory_space<vmem>>[vector<16xi32>, vector<16xi32>], vector<16xf32>,
        %gather3A_233 = tpu.vector_load_idx %arg10[%add3A_97, %broadcast_in_dim3A_231] : memref<128x128xf32, #tpu.memory_space<vmem>>[vector<16xi32>, vector<16xi32>], vector<16xf32>,
        %mul3A_234 = arith.mulf %gather3A_232, %gather3A_233 : vector<16xf32>
        %add3A_235 = arith.addf %add3A_211, %mul3A_234 : vector<16xf32>
        %broadcast_in_dim3A_236 = arith.constant 22 : i32
        %broadcast_in_dim3A_237 = vector.broadcast %broadcast_in_dim3A_236 : i32 to vector<16xi32>
        %gather3A_238 = tpu.vector_load_idx %arg8[%add3A_97, %broadcast_in_dim3A_237] : memref<128x128xf32, #tpu.memory_space<vmem>>[vector<16xi32>, vector<16xi32>], vector<16xf32>,
        %gather3A_239 = tpu.vector_load_idx %arg10[%add3A_97, %broadcast_in_dim3A_237] : memref<128x128xf32, #tpu.memory_space<vmem>>[vector<16xi32>, vector<16xi32>], vector<16xf32>,
        %mul3A_240 = arith.mulf %gather3A_238, %gather3A_239 : vector<16xf32>
        %add3A_241 = arith.addf %add3A_217, %mul3A_240 : vector<16xf32>
        %broadcast_in_dim3A_242 = arith.constant 23 : i32
        %broadcast_in_dim3A_243 = vector.broadcast %broadcast_in_dim3A_242 : i32 to vector<16xi32>
        %gather3A_244 = tpu.vector_load_idx %arg8[%add3A_97, %broadcast_in_dim3A_243] : memref<128x128xf32, #tpu.memory_space<vmem>>[vector<16xi32>, vector<16xi32>], vector<16xf32>,
        %gather3A_245 = tpu.vector_load_idx %arg10[%add3A_97, %broadcast_in_dim3A_243] : memref<128x128xf32, #tpu.memory_space<vmem>>[vector<16xi32>, vector<16xi32>], vector<16xf32>,
        %mul3A_246 = arith.mulf %gather3A_244, %gather3A_245 : vector<16xf32>
        %add3A_247 = arith.addf %add3A_223, %mul3A_246 : vector<16xf32>
        %broadcast_in_dim3A_248 = arith.constant 24 : i32
        %broadcast_in_dim3A_249 = vector.broadcast %broadcast_in_dim3A_248 : i32 to vector<16xi32>
        %gather3A_250 = tpu.vector_load_idx %arg8[%add3A_97, %broadcast_in_dim3A_249] : memref<128x128xf32, #tpu.memory_space<vmem>>[vector<16xi32>, vector<16xi32>], vector<16xf32>,
        %gather3A_251 = tpu.vector_load_idx %arg10[%add3A_97, %broadcast_in_dim3A_249] : memref<128x128xf32, #tpu.memory_space<vmem>>[vector<16xi32>, vector<16xi32>], vector<16xf32>,
        %mul3A_252 = arith.mulf %gather3A_250, %gather3A_251 : vector<16xf32>
        %add3A_253 = arith.addf %add3A_229, %mul3A_252 : vector<16xf32>
        %broadcast_in_dim3A_254 = arith.constant 25 : i32
        %broadcast_in_dim3A_255 = vector.broadcast %broadcast_in_dim3A_254 : i32 to vector<16xi32>
        %gather3A_256 = tpu.vector_load_idx %arg8[%add3A_97, %broadcast_in_dim3A_255] : memref<128x128xf32, #tpu.memory_space<vmem>>[vector<16xi32>, vector<16xi32>], vector<16xf32>,
        %gather3A_257 = tpu.vector_load_idx %arg10[%add3A_97, %broadcast_in_dim3A_255] : memref<128x128xf32, #tpu.memory_space<vmem>>[vector<16xi32>, vector<16xi32>], vector<16xf32>,
        %mul3A_258 = arith.mulf %gather3A_256, %gather3A_257 : vector<16xf32>
        %add3A_259 = arith.addf %add3A_235, %mul3A_258 : vector<16xf32>
        %broadcast_in_dim3A_260 = arith.constant 26 : i32
        %broadcast_in_dim3A_261 = vector.broadcast %broadcast_in_dim3A_260 : i32 to vector<16xi32>
        %gather3A_262 = tpu.vector_load_idx %arg8[%add3A_97, %broadcast_in_dim3A_261] : memref<128x128xf32, #tpu.memory_space<vmem>>[vector<16xi32>, vector<16xi32>], vector<16xf32>,
        %gather3A_263 = tpu.vector_load_idx %arg10[%add3A_97, %broadcast_in_dim3A_261] : memref<128x128xf32, #tpu.memory_space<vmem>>[vector<16xi32>, vector<16xi32>], vector<16xf32>,
        %mul3A_264 = arith.mulf %gather3A_262, %gather3A_263 : vector<16xf32>
        %add3A_265 = arith.addf %add3A_241, %mul3A_264 : vector<16xf32>
        %broadcast_in_dim3A_266 = arith.constant 27 : i32
        %broadcast_in_dim3A_267 = vector.broadcast %broadcast_in_dim3A_266 : i32 to vector<16xi32>
        %gather3A_268 = tpu.vector_load_idx %arg8[%add3A_97, %broadcast_in_dim3A_267] : memref<128x128xf32, #tpu.memory_space<vmem>>[vector<16xi32>, vector<16xi32>], vector<16xf32>,
        %gather3A_269 = tpu.vector_load_idx %arg10[%add3A_97, %broadcast_in_dim3A_267] : memref<128x128xf32, #tpu.memory_space<vmem>>[vector<16xi32>, vector<16xi32>], vector<16xf32>,
        %mul3A_270 = arith.mulf %gather3A_268, %gather3A_269 : vector<16xf32>
        %add3A_271 = arith.addf %add3A_247, %mul3A_270 : vector<16xf32>
        %broadcast_in_dim3A_272 = arith.constant 28 : i32
        %broadcast_in_dim3A_273 = vector.broadcast %broadcast_in_dim3A_272 : i32 to vector<16xi32>
        %gather3A_274 = tpu.vector_load_idx %arg8[%add3A_97, %broadcast_in_dim3A_273] : memref<128x128xf32, #tpu.memory_space<vmem>>[vector<16xi32>, vector<16xi32>], vector<16xf32>,
        %gather3A_275 = tpu.vector_load_idx %arg10[%add3A_97, %broadcast_in_dim3A_273] : memref<128x128xf32, #tpu.memory_space<vmem>>[vector<16xi32>, vector<16xi32>], vector<16xf32>,
        %mul3A_276 = arith.mulf %gather3A_274, %gather3A_275 : vector<16xf32>
        %add3A_277 = arith.addf %add3A_253, %mul3A_276 : vector<16xf32>
        %broadcast_in_dim3A_278 = arith.constant 29 : i32
        %broadcast_in_dim3A_279 = vector.broadcast %broadcast_in_dim3A_278 : i32 to vector<16xi32>
        %gather3A_280 = tpu.vector_load_idx %arg8[%add3A_97, %broadcast_in_dim3A_279] : memref<128x128xf32, #tpu.memory_space<vmem>>[vector<16xi32>, vector<16xi32>], vector<16xf32>,
        %gather3A_281 = tpu.vector_load_idx %arg10[%add3A_97, %broadcast_in_dim3A_279] : memref<128x128xf32, #tpu.memory_space<vmem>>[vector<16xi32>, vector<16xi32>], vector<16xf32>,
        %mul3A_282 = arith.mulf %gather3A_280, %gather3A_281 : vector<16xf32>
        %add3A_283 = arith.addf %add3A_259, %mul3A_282 : vector<16xf32>
        %broadcast_in_dim3A_284 = arith.constant 30 : i32
        %broadcast_in_dim3A_285 = vector.broadcast %broadcast_in_dim3A_284 : i32 to vector<16xi32>
        %gather3A_286 = tpu.vector_load_idx %arg8[%add3A_97, %broadcast_in_dim3A_285] : memref<128x128xf32, #tpu.memory_space<vmem>>[vector<16xi32>, vector<16xi32>], vector<16xf32>,
        %gather3A_287 = tpu.vector_load_idx %arg10[%add3A_97, %broadcast_in_dim3A_285] : memref<128x128xf32, #tpu.memory_space<vmem>>[vector<16xi32>, vector<16xi32>], vector<16xf32>,
        %mul3A_288 = arith.mulf %gather3A_286, %gather3A_287 : vector<16xf32>
        %add3A_289 = arith.addf %add3A_265, %mul3A_288 : vector<16xf32>
        %broadcast_in_dim3A_290 = arith.constant 31 : i32
        %broadcast_in_dim3A_291 = vector.broadcast %broadcast_in_dim3A_290 : i32 to vector<16xi32>
        %gather3A_292 = tpu.vector_load_idx %arg8[%add3A_97, %broadcast_in_dim3A_291] : memref<128x128xf32, #tpu.memory_space<vmem>>[vector<16xi32>, vector<16xi32>], vector<16xf32>,
        %gather3A_293 = tpu.vector_load_idx %arg10[%add3A_97, %broadcast_in_dim3A_291] : memref<128x128xf32, #tpu.memory_space<vmem>>[vector<16xi32>, vector<16xi32>], vector<16xf32>,
        %mul3A_294 = arith.mulf %gather3A_292, %gather3A_293 : vector<16xf32>
        %add3A_295 = arith.addf %add3A_271, %mul3A_294 : vector<16xf32>
        %broadcast_in_dim3A_296 = arith.constant 32 : i32
        %broadcast_in_dim3A_297 = vector.broadcast %broadcast_in_dim3A_296 : i32 to vector<16xi32>
        %gather3A_298 = tpu.vector_load_idx %arg8[%add3A_97, %broadcast_in_dim3A_297] : memref<128x128xf32, #tpu.memory_space<vmem>>[vector<16xi32>, vector<16xi32>], vector<16xf32>,
        %gather3A_299 = tpu.vector_load_idx %arg10[%add3A_97, %broadcast_in_dim3A_297] : memref<128x128xf32, #tpu.memory_space<vmem>>[vector<16xi32>, vector<16xi32>], vector<16xf32>,
        %mul3A_300 = arith.mulf %gather3A_298, %gather3A_299 : vector<16xf32>
        %add3A_301 = arith.addf %add3A_277, %mul3A_300 : vector<16xf32>
        %broadcast_in_dim3A_302 = arith.constant 33 : i32
        %broadcast_in_dim3A_303 = vector.broadcast %broadcast_in_dim3A_302 : i32 to vector<16xi32>
        %gather3A_304 = tpu.vector_load_idx %arg8[%add3A_97, %broadcast_in_dim3A_303] : memref<128x128xf32, #tpu.memory_space<vmem>>[vector<16xi32>, vector<16xi32>], vector<16xf32>,
        %gather3A_305 = tpu.vector_load_idx %arg10[%add3A_97, %broadcast_in_dim3A_303] : memref<128x128xf32, #tpu.memory_space<vmem>>[vector<16xi32>, vector<16xi32>], vector<16xf32>,
        %mul3A_306 = arith.mulf %gather3A_304, %gather3A_305 : vector<16xf32>
        %add3A_307 = arith.addf %add3A_283, %mul3A_306 : vector<16xf32>
        %broadcast_in_dim3A_308 = arith.constant 34 : i32
        %broadcast_in_dim3A_309 = vector.broadcast %broadcast_in_dim3A_308 : i32 to vector<16xi32>
        %gather3A_310 = tpu.vector_load_idx %arg8[%add3A_97, %broadcast_in_dim3A_309] : memref<128x128xf32, #tpu.memory_space<vmem>>[vector<16xi32>, vector<16xi32>], vector<16xf32>,
        %gather3A_311 = tpu.vector_load_idx %arg10[%add3A_97, %broadcast_in_dim3A_309] : memref<128x128xf32, #tpu.memory_space<vmem>>[vector<16xi32>, vector<16xi32>], vector<16xf32>,
        %mul3A_312 = arith.mulf %gather3A_310, %gather3A_311 : vector<16xf32>
        %add3A_313 = arith.addf %add3A_289, %mul3A_312 : vector<16xf32>
        %broadcast_in_dim3A_314 = arith.constant 35 : i32
        %broadcast_in_dim3A_315 = vector.broadcast %broadcast_in_dim3A_314 : i32 to vector<16xi32>
        %gather3A_316 = tpu.vector_load_idx %arg8[%add3A_97, %broadcast_in_dim3A_315] : memref<128x128xf32, #tpu.memory_space<vmem>>[vector<16xi32>, vector<16xi32>], vector<16xf32>,
        %gather3A_317 = tpu.vector_load_idx %arg10[%add3A_97, %broadcast_in_dim3A_315] : memref<128x128xf32, #tpu.memory_space<vmem>>[vector<16xi32>, vector<16xi32>], vector<16xf32>,
        %mul3A_318 = arith.mulf %gather3A_316, %gather3A_317 : vector<16xf32>
        %add3A_319 = arith.addf %add3A_295, %mul3A_318 : vector<16xf32>
        %broadcast_in_dim3A_320 = arith.constant 36 : i32
        %broadcast_in_dim3A_321 = vector.broadcast %broadcast_in_dim3A_320 : i32 to vector<16xi32>
        %gather3A_322 = tpu.vector_load_idx %arg8[%add3A_97, %broadcast_in_dim3A_321] : memref<128x128xf32, #tpu.memory_space<vmem>>[vector<16xi32>, vector<16xi32>], vector<16xf32>,
        %gather3A_323 = tpu.vector_load_idx %arg10[%add3A_97, %broadcast_in_dim3A_321] : memref<128x128xf32, #tpu.memory_space<vmem>>[vector<16xi32>, vector<16xi32>], vector<16xf32>,
        %mul3A_324 = arith.mulf %gather3A_322, %gather3A_323 : vector<16xf32>
        %add3A_325 = arith.addf %add3A_301, %mul3A_324 : vector<16xf32>
        %broadcast_in_dim3A_326 = arith.constant 37 : i32
        %broadcast_in_dim3A_327 = vector.broadcast %broadcast_in_dim3A_326 : i32 to vector<16xi32>
        %gather3A_328 = tpu.vector_load_idx %arg8[%add3A_97, %broadcast_in_dim3A_327] : memref<128x128xf32, #tpu.memory_space<vmem>>[vector<16xi32>, vector<16xi32>], vector<16xf32>,
        %gather3A_329 = tpu.vector_load_idx %arg10[%add3A_97, %broadcast_in_dim3A_327] : memref<128x128xf32, #tpu.memory_space<vmem>>[vector<16xi32>, vector<16xi32>], vector<16xf32>,
        %mul3A_330 = arith.mulf %gather3A_328, %gather3A_329 : vector<16xf32>
        %add3A_331 = arith.addf %add3A_307, %mul3A_330 : vector<16xf32>
        %broadcast_in_dim3A_332 = arith.constant 38 : i32
        %broadcast_in_dim3A_333 = vector.broadcast %broadcast_in_dim3A_332 : i32 to vector<16xi32>
        %gather3A_334 = tpu.vector_load_idx %arg8[%add3A_97, %broadcast_in_dim3A_333] : memref<128x128xf32, #tpu.memory_space<vmem>>[vector<16xi32>, vector<16xi32>], vector<16xf32>,
        %gather3A_335 = tpu.vector_load_idx %arg10[%add3A_97, %broadcast_in_dim3A_333] : memref<128x128xf32, #tpu.memory_space<vmem>>[vector<16xi32>, vector<16xi32>], vector<16xf32>,
        %mul3A_336 = arith.mulf %gather3A_334, %gather3A_335 : vector<16xf32>
        %add3A_337 = arith.addf %add3A_313, %mul3A_336 : vector<16xf32>
        %broadcast_in_dim3A_338 = arith.constant 39 : i32
        %broadcast_in_dim3A_339 = vector.broadcast %broadcast_in_dim3A_338 : i32 to vector<16xi32>
        %gather3A_340 = tpu.vector_load_idx %arg8[%add3A_97, %broadcast_in_dim3A_339] : memref<128x128xf32, #tpu.memory_space<vmem>>[vector<16xi32>, vector<16xi32>], vector<16xf32>,
        %gather3A_341 = tpu.vector_load_idx %arg10[%add3A_97, %broadcast_in_dim3A_339] : memref<128x128xf32, #tpu.memory_space<vmem>>[vector<16xi32>, vector<16xi32>], vector<16xf32>,
        %mul3A_342 = arith.mulf %gather3A_340, %gather3A_341 : vector<16xf32>
        %add3A_343 = arith.addf %add3A_319, %mul3A_342 : vector<16xf32>
        %broadcast_in_dim3A_344 = arith.constant 40 : i32
        %broadcast_in_dim3A_345 = vector.broadcast %broadcast_in_dim3A_344 : i32 to vector<16xi32>
        %gather3A_346 = tpu.vector_load_idx %arg8[%add3A_97, %broadcast_in_dim3A_345] : memref<128x128xf32, #tpu.memory_space<vmem>>[vector<16xi32>, vector<16xi32>], vector<16xf32>,
        %gather3A_347 = tpu.vector_load_idx %arg10[%add3A_97, %broadcast_in_dim3A_345] : memref<128x128xf32, #tpu.memory_space<vmem>>[vector<16xi32>, vector<16xi32>], vector<16xf32>,
        %mul3A_348 = arith.mulf %gather3A_346, %gather3A_347 : vector<16xf32>
        %add3A_349 = arith.addf %add3A_325, %mul3A_348 : vector<16xf32>
        %broadcast_in_dim3A_350 = arith.constant 41 : i32
        %broadcast_in_dim3A_351 = vector.broadcast %broadcast_in_dim3A_350 : i32 to vector<16xi32>
        %gather3A_352 = tpu.vector_load_idx %arg8[%add3A_97, %broadcast_in_dim3A_351] : memref<128x128xf32, #tpu.memory_space<vmem>>[vector<16xi32>, vector<16xi32>], vector<16xf32>,
        %gather3A_353 = tpu.vector_load_idx %arg10[%add3A_97, %broadcast_in_dim3A_351] : memref<128x128xf32, #tpu.memory_space<vmem>>[vector<16xi32>, vector<16xi32>], vector<16xf32>,
        %mul3A_354 = arith.mulf %gather3A_352, %gather3A_353 : vector<16xf32>
        %add3A_355 = arith.addf %add3A_331, %mul3A_354 : vector<16xf32>
        %broadcast_in_dim3A_356 = arith.constant 42 : i32
        %broadcast_in_dim3A_357 = vector.broadcast %broadcast_in_dim3A_356 : i32 to vector<16xi32>
        %gather3A_358 = tpu.vector_load_idx %arg8[%add3A_97, %broadcast_in_dim3A_357] : memref<128x128xf32, #tpu.memory_space<vmem>>[vector<16xi32>, vector<16xi32>], vector<16xf32>,
        %gather3A_359 = tpu.vector_load_idx %arg10[%add3A_97, %broadcast_in_dim3A_357] : memref<128x128xf32, #tpu.memory_space<vmem>>[vector<16xi32>, vector<16xi32>], vector<16xf32>,
        %mul3A_360 = arith.mulf %gather3A_358, %gather3A_359 : vector<16xf32>
        %add3A_361 = arith.addf %add3A_337, %mul3A_360 : vector<16xf32>
        %broadcast_in_dim3A_362 = arith.constant 43 : i32
        %broadcast_in_dim3A_363 = vector.broadcast %broadcast_in_dim3A_362 : i32 to vector<16xi32>
        %gather3A_364 = tpu.vector_load_idx %arg8[%add3A_97, %broadcast_in_dim3A_363] : memref<128x128xf32, #tpu.memory_space<vmem>>[vector<16xi32>, vector<16xi32>], vector<16xf32>,
        %gather3A_365 = tpu.vector_load_idx %arg10[%add3A_97, %broadcast_in_dim3A_363] : memref<128x128xf32, #tpu.memory_space<vmem>>[vector<16xi32>, vector<16xi32>], vector<16xf32>,
        %mul3A_366 = arith.mulf %gather3A_364, %gather3A_365 : vector<16xf32>
        %add3A_367 = arith.addf %add3A_343, %mul3A_366 : vector<16xf32>
        %broadcast_in_dim3A_368 = arith.constant 44 : i32
        %broadcast_in_dim3A_369 = vector.broadcast %broadcast_in_dim3A_368 : i32 to vector<16xi32>
        %gather3A_370 = tpu.vector_load_idx %arg8[%add3A_97, %broadcast_in_dim3A_369] : memref<128x128xf32, #tpu.memory_space<vmem>>[vector<16xi32>, vector<16xi32>], vector<16xf32>,
        %gather3A_371 = tpu.vector_load_idx %arg10[%add3A_97, %broadcast_in_dim3A_369] : memref<128x128xf32, #tpu.memory_space<vmem>>[vector<16xi32>, vector<16xi32>], vector<16xf32>,
        %mul3A_372 = arith.mulf %gather3A_370, %gather3A_371 : vector<16xf32>
        %add3A_373 = arith.addf %add3A_349, %mul3A_372 : vector<16xf32>
        %broadcast_in_dim3A_374 = arith.constant 45 : i32
        %broadcast_in_dim3A_375 = vector.broadcast %broadcast_in_dim3A_374 : i32 to vector<16xi32>
        %gather3A_376 = tpu.vector_load_idx %arg8[%add3A_97, %broadcast_in_dim3A_375] : memref<128x128xf32, #tpu.memory_space<vmem>>[vector<16xi32>, vector<16xi32>], vector<16xf32>,
        %gather3A_377 = tpu.vector_load_idx %arg10[%add3A_97, %broadcast_in_dim3A_375] : memref<128x128xf32, #tpu.memory_space<vmem>>[vector<16xi32>, vector<16xi32>], vector<16xf32>,
        %mul3A_378 = arith.mulf %gather3A_376, %gather3A_377 : vector<16xf32>
        %add3A_379 = arith.addf %add3A_355, %mul3A_378 : vector<16xf32>
        %broadcast_in_dim3A_380 = arith.constant 46 : i32
        %broadcast_in_dim3A_381 = vector.broadcast %broadcast_in_dim3A_380 : i32 to vector<16xi32>
        %gather3A_382 = tpu.vector_load_idx %arg8[%add3A_97, %broadcast_in_dim3A_381] : memref<128x128xf32, #tpu.memory_space<vmem>>[vector<16xi32>, vector<16xi32>], vector<16xf32>,
        %gather3A_383 = tpu.vector_load_idx %arg10[%add3A_97, %broadcast_in_dim3A_381] : memref<128x128xf32, #tpu.memory_space<vmem>>[vector<16xi32>, vector<16xi32>], vector<16xf32>,
        %mul3A_384 = arith.mulf %gather3A_382, %gather3A_383 : vector<16xf32>
        %add3A_385 = arith.addf %add3A_361, %mul3A_384 : vector<16xf32>
        %broadcast_in_dim3A_386 = arith.constant 47 : i32
        %broadcast_in_dim3A_387 = vector.broadcast %broadcast_in_dim3A_386 : i32 to vector<16xi32>
        %gather3A_388 = tpu.vector_load_idx %arg8[%add3A_97, %broadcast_in_dim3A_387] : memref<128x128xf32, #tpu.memory_space<vmem>>[vector<16xi32>, vector<16xi32>], vector<16xf32>,
        %gather3A_389 = tpu.vector_load_idx %arg10[%add3A_97, %broadcast_in_dim3A_387] : memref<128x128xf32, #tpu.memory_space<vmem>>[vector<16xi32>, vector<16xi32>], vector<16xf32>,
        %mul3A_390 = arith.mulf %gather3A_388, %gather3A_389 : vector<16xf32>
        %add3A_391 = arith.addf %add3A_367, %mul3A_390 : vector<16xf32>
        %broadcast_in_dim3A_392 = arith.constant 48 : i32
        %broadcast_in_dim3A_393 = vector.broadcast %broadcast_in_dim3A_392 : i32 to vector<16xi32>
        %gather3A_394 = tpu.vector_load_idx %arg8[%add3A_97, %broadcast_in_dim3A_393] : memref<128x128xf32, #tpu.memory_space<vmem>>[vector<16xi32>, vector<16xi32>], vector<16xf32>,
        %gather3A_395 = tpu.vector_load_idx %arg10[%add3A_97, %broadcast_in_dim3A_393] : memref<128x128xf32, #tpu.memory_space<vmem>>[vector<16xi32>, vector<16xi32>], vector<16xf32>,
        %mul3A_396 = arith.mulf %gather3A_394, %gather3A_395 : vector<16xf32>
        %add3A_397 = arith.addf %add3A_373, %mul3A_396 : vector<16xf32>
        %broadcast_in_dim3A_398 = arith.constant 49 : i32
        %broadcast_in_dim3A_399 = vector.broadcast %broadcast_in_dim3A_398 : i32 to vector<16xi32>
        %gather3A_400 = tpu.vector_load_idx %arg8[%add3A_97, %broadcast_in_dim3A_399] : memref<128x128xf32, #tpu.memory_space<vmem>>[vector<16xi32>, vector<16xi32>], vector<16xf32>,
        %gather3A_401 = tpu.vector_load_idx %arg10[%add3A_97, %broadcast_in_dim3A_399] : memref<128x128xf32, #tpu.memory_space<vmem>>[vector<16xi32>, vector<16xi32>], vector<16xf32>,
        %mul3A_402 = arith.mulf %gather3A_400, %gather3A_401 : vector<16xf32>
        %add3A_403 = arith.addf %add3A_379, %mul3A_402 : vector<16xf32>
        %broadcast_in_dim3A_404 = arith.constant 50 : i32
        %broadcast_in_dim3A_405 = vector.broadcast %broadcast_in_dim3A_404 : i32 to vector<16xi32>
        %gather3A_406 = tpu.vector_load_idx %arg8[%add3A_97, %broadcast_in_dim3A_405] : memref<128x128xf32, #tpu.memory_space<vmem>>[vector<16xi32>, vector<16xi32>], vector<16xf32>,
        %gather3A_407 = tpu.vector_load_idx %arg10[%add3A_97, %broadcast_in_dim3A_405] : memref<128x128xf32, #tpu.memory_space<vmem>>[vector<16xi32>, vector<16xi32>], vector<16xf32>,
        %mul3A_408 = arith.mulf %gather3A_406, %gather3A_407 : vector<16xf32>
        %add3A_409 = arith.addf %add3A_385, %mul3A_408 : vector<16xf32>
        %broadcast_in_dim3A_410 = arith.constant 51 : i32
        %broadcast_in_dim3A_411 = vector.broadcast %broadcast_in_dim3A_410 : i32 to vector<16xi32>
        %gather3A_412 = tpu.vector_load_idx %arg8[%add3A_97, %broadcast_in_dim3A_411] : memref<128x128xf32, #tpu.memory_space<vmem>>[vector<16xi32>, vector<16xi32>], vector<16xf32>,
        %gather3A_413 = tpu.vector_load_idx %arg10[%add3A_97, %broadcast_in_dim3A_411] : memref<128x128xf32, #tpu.memory_space<vmem>>[vector<16xi32>, vector<16xi32>], vector<16xf32>,
        %mul3A_414 = arith.mulf %gather3A_412, %gather3A_413 : vector<16xf32>
        %add3A_415 = arith.addf %add3A_391, %mul3A_414 : vector<16xf32>
        %broadcast_in_dim3A_416 = arith.constant 52 : i32
        %broadcast_in_dim3A_417 = vector.broadcast %broadcast_in_dim3A_416 : i32 to vector<16xi32>
        %gather3A_418 = tpu.vector_load_idx %arg8[%add3A_97, %broadcast_in_dim3A_417] : memref<128x128xf32, #tpu.memory_space<vmem>>[vector<16xi32>, vector<16xi32>], vector<16xf32>,
        %gather3A_419 = tpu.vector_load_idx %arg10[%add3A_97, %broadcast_in_dim3A_417] : memref<128x128xf32, #tpu.memory_space<vmem>>[vector<16xi32>, vector<16xi32>], vector<16xf32>,
        %mul3A_420 = arith.mulf %gather3A_418, %gather3A_419 : vector<16xf32>
        %add3A_421 = arith.addf %add3A_397, %mul3A_420 : vector<16xf32>
        %broadcast_in_dim3A_422 = arith.constant 53 : i32
        %broadcast_in_dim3A_423 = vector.broadcast %broadcast_in_dim3A_422 : i32 to vector<16xi32>
        %gather3A_424 = tpu.vector_load_idx %arg8[%add3A_97, %broadcast_in_dim3A_423] : memref<128x128xf32, #tpu.memory_space<vmem>>[vector<16xi32>, vector<16xi32>], vector<16xf32>,
        %gather3A_425 = tpu.vector_load_idx %arg10[%add3A_97, %broadcast_in_dim3A_423] : memref<128x128xf32, #tpu.memory_space<vmem>>[vector<16xi32>, vector<16xi32>], vector<16xf32>,
        %mul3A_426 = arith.mulf %gather3A_424, %gather3A_425 : vector<16xf32>
        %add3A_427 = arith.addf %add3A_403, %mul3A_426 : vector<16xf32>
        %broadcast_in_dim3A_428 = arith.constant 54 : i32
        %broadcast_in_dim3A_429 = vector.broadcast %broadcast_in_dim3A_428 : i32 to vector<16xi32>
        %gather3A_430 = tpu.vector_load_idx %arg8[%add3A_97, %broadcast_in_dim3A_429] : memref<128x128xf32, #tpu.memory_space<vmem>>[vector<16xi32>, vector<16xi32>], vector<16xf32>,
        %gather3A_431 = tpu.vector_load_idx %arg10[%add3A_97, %broadcast_in_dim3A_429] : memref<128x128xf32, #tpu.memory_space<vmem>>[vector<16xi32>, vector<16xi32>], vector<16xf32>,
        %mul3A_432 = arith.mulf %gather3A_430, %gather3A_431 : vector<16xf32>
        %add3A_433 = arith.addf %add3A_409, %mul3A_432 : vector<16xf32>
        %broadcast_in_dim3A_434 = arith.constant 55 : i32
        %broadcast_in_dim3A_435 = vector.broadcast %broadcast_in_dim3A_434 : i32 to vector<16xi32>
        %gather3A_436 = tpu.vector_load_idx %arg8[%add3A_97, %broadcast_in_dim3A_435] : memref<128x128xf32, #tpu.memory_space<vmem>>[vector<16xi32>, vector<16xi32>], vector<16xf32>,
        %gather3A_437 = tpu.vector_load_idx %arg10[%add3A_97, %broadcast_in_dim3A_435] : memref<128x128xf32, #tpu.memory_space<vmem>>[vector<16xi32>, vector<16xi32>], vector<16xf32>,
        %mul3A_438 = arith.mulf %gather3A_436, %gather3A_437 : vector<16xf32>
        %add3A_439 = arith.addf %add3A_415, %mul3A_438 : vector<16xf32>
        %broadcast_in_dim3A_440 = arith.constant 56 : i32
        %broadcast_in_dim3A_441 = vector.broadcast %broadcast_in_dim3A_440 : i32 to vector<16xi32>
        %gather3A_442 = tpu.vector_load_idx %arg8[%add3A_97, %broadcast_in_dim3A_441] : memref<128x128xf32, #tpu.memory_space<vmem>>[vector<16xi32>, vector<16xi32>], vector<16xf32>,
        %gather3A_443 = tpu.vector_load_idx %arg10[%add3A_97, %broadcast_in_dim3A_441] : memref<128x128xf32, #tpu.memory_space<vmem>>[vector<16xi32>, vector<16xi32>], vector<16xf32>,
        %mul3A_444 = arith.mulf %gather3A_442, %gather3A_443 : vector<16xf32>
        %add3A_445 = arith.addf %add3A_421, %mul3A_444 : vector<16xf32>
        %broadcast_in_dim3A_446 = arith.constant 57 : i32
        %broadcast_in_dim3A_447 = vector.broadcast %broadcast_in_dim3A_446 : i32 to vector<16xi32>
        %gather3A_448 = tpu.vector_load_idx %arg8[%add3A_97, %broadcast_in_dim3A_447] : memref<128x128xf32, #tpu.memory_space<vmem>>[vector<16xi32>, vector<16xi32>], vector<16xf32>,
        %gather3A_449 = tpu.vector_load_idx %arg10[%add3A_97, %broadcast_in_dim3A_447] : memref<128x128xf32, #tpu.memory_space<vmem>>[vector<16xi32>, vector<16xi32>], vector<16xf32>,
        %mul3A_450 = arith.mulf %gather3A_448, %gather3A_449 : vector<16xf32>
        %add3A_451 = arith.addf %add3A_427, %mul3A_450 : vector<16xf32>
        %broadcast_in_dim3A_452 = arith.constant 58 : i32
        %broadcast_in_dim3A_453 = vector.broadcast %broadcast_in_dim3A_452 : i32 to vector<16xi32>
        %gather3A_454 = tpu.vector_load_idx %arg8[%add3A_97, %broadcast_in_dim3A_453] : memref<128x128xf32, #tpu.memory_space<vmem>>[vector<16xi32>, vector<16xi32>], vector<16xf32>,
        %gather3A_455 = tpu.vector_load_idx %arg10[%add3A_97, %broadcast_in_dim3A_453] : memref<128x128xf32, #tpu.memory_space<vmem>>[vector<16xi32>, vector<16xi32>], vector<16xf32>,
        %mul3A_456 = arith.mulf %gather3A_454, %gather3A_455 : vector<16xf32>
        %add3A_457 = arith.addf %add3A_433, %mul3A_456 : vector<16xf32>
        %broadcast_in_dim3A_458 = arith.constant 59 : i32
        %broadcast_in_dim3A_459 = vector.broadcast %broadcast_in_dim3A_458 : i32 to vector<16xi32>
        %gather3A_460 = tpu.vector_load_idx %arg8[%add3A_97, %broadcast_in_dim3A_459] : memref<128x128xf32, #tpu.memory_space<vmem>>[vector<16xi32>, vector<16xi32>], vector<16xf32>,
        %gather3A_461 = tpu.vector_load_idx %arg10[%add3A_97, %broadcast_in_dim3A_459] : memref<128x128xf32, #tpu.memory_space<vmem>>[vector<16xi32>, vector<16xi32>], vector<16xf32>,
        %mul3A_462 = arith.mulf %gather3A_460, %gather3A_461 : vector<16xf32>
        %add3A_463 = arith.addf %add3A_439, %mul3A_462 : vector<16xf32>
        %broadcast_in_dim3A_464 = arith.constant 60 : i32
        %broadcast_in_dim3A_465 = vector.broadcast %broadcast_in_dim3A_464 : i32 to vector<16xi32>
        %gather3A_466 = tpu.vector_load_idx %arg8[%add3A_97, %broadcast_in_dim3A_465] : memref<128x128xf32, #tpu.memory_space<vmem>>[vector<16xi32>, vector<16xi32>], vector<16xf32>,
        %gather3A_467 = tpu.vector_load_idx %arg10[%add3A_97, %broadcast_in_dim3A_465] : memref<128x128xf32, #tpu.memory_space<vmem>>[vector<16xi32>, vector<16xi32>], vector<16xf32>,
        %mul3A_468 = arith.mulf %gather3A_466, %gather3A_467 : vector<16xf32>
        %add3A_469 = arith.addf %add3A_445, %mul3A_468 : vector<16xf32>
        %broadcast_in_dim3A_470 = arith.constant 61 : i32
        %broadcast_in_dim3A_471 = vector.broadcast %broadcast_in_dim3A_470 : i32 to vector<16xi32>
        %gather3A_472 = tpu.vector_load_idx %arg8[%add3A_97, %broadcast_in_dim3A_471] : memref<128x128xf32, #tpu.memory_space<vmem>>[vector<16xi32>, vector<16xi32>], vector<16xf32>,
        %gather3A_473 = tpu.vector_load_idx %arg10[%add3A_97, %broadcast_in_dim3A_471] : memref<128x128xf32, #tpu.memory_space<vmem>>[vector<16xi32>, vector<16xi32>], vector<16xf32>,
        %mul3A_474 = arith.mulf %gather3A_472, %gather3A_473 : vector<16xf32>
        %add3A_475 = arith.addf %add3A_451, %mul3A_474 : vector<16xf32>
        %broadcast_in_dim3A_476 = arith.constant 62 : i32
        %broadcast_in_dim3A_477 = vector.broadcast %broadcast_in_dim3A_476 : i32 to vector<16xi32>
        %gather3A_478 = tpu.vector_load_idx %arg8[%add3A_97, %broadcast_in_dim3A_477] : memref<128x128xf32, #tpu.memory_space<vmem>>[vector<16xi32>, vector<16xi32>], vector<16xf32>,
        %gather3A_479 = tpu.vector_load_idx %arg10[%add3A_97, %broadcast_in_dim3A_477] : memref<128x128xf32, #tpu.memory_space<vmem>>[vector<16xi32>, vector<16xi32>], vector<16xf32>,
        %mul3A_480 = arith.mulf %gather3A_478, %gather3A_479 : vector<16xf32>
        %add3A_481 = arith.addf %add3A_457, %mul3A_480 : vector<16xf32>
        %broadcast_in_dim3A_482 = arith.constant 63 : i32
        %broadcast_in_dim3A_483 = vector.broadcast %broadcast_in_dim3A_482 : i32 to vector<16xi32>
        %gather3A_484 = tpu.vector_load_idx %arg8[%add3A_97, %broadcast_in_dim3A_483] : memref<128x128xf32, #tpu.memory_space<vmem>>[vector<16xi32>, vector<16xi32>], vector<16xf32>,
        %gather3A_485 = tpu.vector_load_idx %arg10[%add3A_97, %broadcast_in_dim3A_483] : memref<128x128xf32, #tpu.memory_space<vmem>>[vector<16xi32>, vector<16xi32>], vector<16xf32>,
        %mul3A_486 = arith.mulf %gather3A_484, %gather3A_485 : vector<16xf32>
        %add3A_487 = arith.addf %add3A_463, %mul3A_486 : vector<16xf32>
        %broadcast_in_dim3A_488 = arith.constant 64 : i32
        %broadcast_in_dim3A_489 = vector.broadcast %broadcast_in_dim3A_488 : i32 to vector<16xi32>
        %gather3A_490 = tpu.vector_load_idx %arg8[%add3A_97, %broadcast_in_dim3A_489] : memref<128x128xf32, #tpu.memory_space<vmem>>[vector<16xi32>, vector<16xi32>], vector<16xf32>,
        %gather3A_491 = tpu.vector_load_idx %arg10[%add3A_97, %broadcast_in_dim3A_489] : memref<128x128xf32, #tpu.memory_space<vmem>>[vector<16xi32>, vector<16xi32>], vector<16xf32>,
        %mul3A_492 = arith.mulf %gather3A_490, %gather3A_491 : vector<16xf32>
        %add3A_493 = arith.addf %add3A_469, %mul3A_492 : vector<16xf32>
        %broadcast_in_dim3A_494 = arith.constant 65 : i32
        %broadcast_in_dim3A_495 = vector.broadcast %broadcast_in_dim3A_494 : i32 to vector<16xi32>
        %gather3A_496 = tpu.vector_load_idx %arg8[%add3A_97, %broadcast_in_dim3A_495] : memref<128x128xf32, #tpu.memory_space<vmem>>[vector<16xi32>, vector<16xi32>], vector<16xf32>,
        %gather3A_497 = tpu.vector_load_idx %arg10[%add3A_97, %broadcast_in_dim3A_495] : memref<128x128xf32, #tpu.memory_space<vmem>>[vector<16xi32>, vector<16xi32>], vector<16xf32>,
        %mul3A_498 = arith.mulf %gather3A_496, %gather3A_497 : vector<16xf32>
        %add3A_499 = arith.addf %add3A_475, %mul3A_498 : vector<16xf32>
        %broadcast_in_dim3A_500 = arith.constant 66 : i32
        %broadcast_in_dim3A_501 = vector.broadcast %broadcast_in_dim3A_500 : i32 to vector<16xi32>
        %gather3A_502 = tpu.vector_load_idx %arg8[%add3A_97, %broadcast_in_dim3A_501] : memref<128x128xf32, #tpu.memory_space<vmem>>[vector<16xi32>, vector<16xi32>], vector<16xf32>,
        %gather3A_503 = tpu.vector_load_idx %arg10[%add3A_97, %broadcast_in_dim3A_501] : memref<128x128xf32, #tpu.memory_space<vmem>>[vector<16xi32>, vector<16xi32>], vector<16xf32>,
        %mul3A_504 = arith.mulf %gather3A_502, %gather3A_503 : vector<16xf32>
        %add3A_505 = arith.addf %add3A_481, %mul3A_504 : vector<16xf32>
        %broadcast_in_dim3A_506 = arith.constant 67 : i32
        %broadcast_in_dim3A_507 = vector.broadcast %broadcast_in_dim3A_506 : i32 to vector<16xi32>
        %gather3A_508 = tpu.vector_load_idx %arg8[%add3A_97, %broadcast_in_dim3A_507] : memref<128x128xf32, #tpu.memory_space<vmem>>[vector<16xi32>, vector<16xi32>], vector<16xf32>,
        %gather3A_509 = tpu.vector_load_idx %arg10[%add3A_97, %broadcast_in_dim3A_507] : memref<128x128xf32, #tpu.memory_space<vmem>>[vector<16xi32>, vector<16xi32>], vector<16xf32>,
        %mul3A_510 = arith.mulf %gather3A_508, %gather3A_509 : vector<16xf32>
        %add3A_511 = arith.addf %add3A_487, %mul3A_510 : vector<16xf32>
        %broadcast_in_dim3A_512 = arith.constant 68 : i32
        %broadcast_in_dim3A_513 = vector.broadcast %broadcast_in_dim3A_512 : i32 to vector<16xi32>
        %gather3A_514 = tpu.vector_load_idx %arg8[%add3A_97, %broadcast_in_dim3A_513] : memref<128x128xf32, #tpu.memory_space<vmem>>[vector<16xi32>, vector<16xi32>], vector<16xf32>,
        %gather3A_515 = tpu.vector_load_idx %arg10[%add3A_97, %broadcast_in_dim3A_513] : memref<128x128xf32, #tpu.memory_space<vmem>>[vector<16xi32>, vector<16xi32>], vector<16xf32>,
        %mul3A_516 = arith.mulf %gather3A_514, %gather3A_515 : vector<16xf32>
        %add3A_517 = arith.addf %add3A_493, %mul3A_516 : vector<16xf32>
        %broadcast_in_dim3A_518 = arith.constant 69 : i32
        %broadcast_in_dim3A_519 = vector.broadcast %broadcast_in_dim3A_518 : i32 to vector<16xi32>
        %gather3A_520 = tpu.vector_load_idx %arg8[%add3A_97, %broadcast_in_dim3A_519] : memref<128x128xf32, #tpu.memory_space<vmem>>[vector<16xi32>, vector<16xi32>], vector<16xf32>,
        %gather3A_521 = tpu.vector_load_idx %arg10[%add3A_97, %broadcast_in_dim3A_519] : memref<128x128xf32, #tpu.memory_space<vmem>>[vector<16xi32>, vector<16xi32>], vector<16xf32>,
        %mul3A_522 = arith.mulf %gather3A_520, %gather3A_521 : vector<16xf32>
        %add3A_523 = arith.addf %add3A_499, %mul3A_522 : vector<16xf32>
        %broadcast_in_dim3A_524 = arith.constant 70 : i32
        %broadcast_in_dim3A_525 = vector.broadcast %broadcast_in_dim3A_524 : i32 to vector<16xi32>
        %gather3A_526 = tpu.vector_load_idx %arg8[%add3A_97, %broadcast_in_dim3A_525] : memref<128x128xf32, #tpu.memory_space<vmem>>[vector<16xi32>, vector<16xi32>], vector<16xf32>,
        %gather3A_527 = tpu.vector_load_idx %arg10[%add3A_97, %broadcast_in_dim3A_525] : memref<128x128xf32, #tpu.memory_space<vmem>>[vector<16xi32>, vector<16xi32>], vector<16xf32>,
        %mul3A_528 = arith.mulf %gather3A_526, %gather3A_527 : vector<16xf32>
        %add3A_529 = arith.addf %add3A_505, %mul3A_528 : vector<16xf32>
        %broadcast_in_dim3A_530 = arith.constant 71 : i32
        %broadcast_in_dim3A_531 = vector.broadcast %broadcast_in_dim3A_530 : i32 to vector<16xi32>
        %gather3A_532 = tpu.vector_load_idx %arg8[%add3A_97, %broadcast_in_dim3A_531] : memref<128x128xf32, #tpu.memory_space<vmem>>[vector<16xi32>, vector<16xi32>], vector<16xf32>,
        %gather3A_533 = tpu.vector_load_idx %arg10[%add3A_97, %broadcast_in_dim3A_531] : memref<128x128xf32, #tpu.memory_space<vmem>>[vector<16xi32>, vector<16xi32>], vector<16xf32>,
        %mul3A_534 = arith.mulf %gather3A_532, %gather3A_533 : vector<16xf32>
        %add3A_535 = arith.addf %add3A_511, %mul3A_534 : vector<16xf32>
        %broadcast_in_dim3A_536 = arith.constant 72 : i32
        %broadcast_in_dim3A_537 = vector.broadcast %broadcast_in_dim3A_536 : i32 to vector<16xi32>
        %gather3A_538 = tpu.vector_load_idx %arg8[%add3A_97, %broadcast_in_dim3A_537] : memref<128x128xf32, #tpu.memory_space<vmem>>[vector<16xi32>, vector<16xi32>], vector<16xf32>,
        %gather3A_539 = tpu.vector_load_idx %arg10[%add3A_97, %broadcast_in_dim3A_537] : memref<128x128xf32, #tpu.memory_space<vmem>>[vector<16xi32>, vector<16xi32>], vector<16xf32>,
        %mul3A_540 = arith.mulf %gather3A_538, %gather3A_539 : vector<16xf32>
        %add3A_541 = arith.addf %add3A_517, %mul3A_540 : vector<16xf32>
        %broadcast_in_dim3A_542 = arith.constant 73 : i32
        %broadcast_in_dim3A_543 = vector.broadcast %broadcast_in_dim3A_542 : i32 to vector<16xi32>
        %gather3A_544 = tpu.vector_load_idx %arg8[%add3A_97, %broadcast_in_dim3A_543] : memref<128x128xf32, #tpu.memory_space<vmem>>[vector<16xi32>, vector<16xi32>], vector<16xf32>,
        %gather3A_545 = tpu.vector_load_idx %arg10[%add3A_97, %broadcast_in_dim3A_543] : memref<128x128xf32, #tpu.memory_space<vmem>>[vector<16xi32>, vector<16xi32>], vector<16xf32>,
        %mul3A_546 = arith.mulf %gather3A_544, %gather3A_545 : vector<16xf32>
        %add3A_547 = arith.addf %add3A_523, %mul3A_546 : vector<16xf32>
        %broadcast_in_dim3A_548 = arith.constant 74 : i32
        %broadcast_in_dim3A_549 = vector.broadcast %broadcast_in_dim3A_548 : i32 to vector<16xi32>
        %gather3A_550 = tpu.vector_load_idx %arg8[%add3A_97, %broadcast_in_dim3A_549] : memref<128x128xf32, #tpu.memory_space<vmem>>[vector<16xi32>, vector<16xi32>], vector<16xf32>,
        %gather3A_551 = tpu.vector_load_idx %arg10[%add3A_97, %broadcast_in_dim3A_549] : memref<128x128xf32, #tpu.memory_space<vmem>>[vector<16xi32>, vector<16xi32>], vector<16xf32>,
        %mul3A_552 = arith.mulf %gather3A_550, %gather3A_551 : vector<16xf32>
        %add3A_553 = arith.addf %add3A_529, %mul3A_552 : vector<16xf32>
        %broadcast_in_dim3A_554 = arith.constant 75 : i32
        %broadcast_in_dim3A_555 = vector.broadcast %broadcast_in_dim3A_554 : i32 to vector<16xi32>
        %gather3A_556 = tpu.vector_load_idx %arg8[%add3A_97, %broadcast_in_dim3A_555] : memref<128x128xf32, #tpu.memory_space<vmem>>[vector<16xi32>, vector<16xi32>], vector<16xf32>,
        %gather3A_557 = tpu.vector_load_idx %arg10[%add3A_97, %broadcast_in_dim3A_555] : memref<128x128xf32, #tpu.memory_space<vmem>>[vector<16xi32>, vector<16xi32>], vector<16xf32>,
        %mul3A_558 = arith.mulf %gather3A_556, %gather3A_557 : vector<16xf32>
        %add3A_559 = arith.addf %add3A_535, %mul3A_558 : vector<16xf32>
        %broadcast_in_dim3A_560 = arith.constant 76 : i32
        %broadcast_in_dim3A_561 = vector.broadcast %broadcast_in_dim3A_560 : i32 to vector<16xi32>
        %gather3A_562 = tpu.vector_load_idx %arg8[%add3A_97, %broadcast_in_dim3A_561] : memref<128x128xf32, #tpu.memory_space<vmem>>[vector<16xi32>, vector<16xi32>], vector<16xf32>,
        %gather3A_563 = tpu.vector_load_idx %arg10[%add3A_97, %broadcast_in_dim3A_561] : memref<128x128xf32, #tpu.memory_space<vmem>>[vector<16xi32>, vector<16xi32>], vector<16xf32>,
        %mul3A_564 = arith.mulf %gather3A_562, %gather3A_563 : vector<16xf32>
        %add3A_565 = arith.addf %add3A_541, %mul3A_564 : vector<16xf32>
        %broadcast_in_dim3A_566 = arith.constant 77 : i32
        %broadcast_in_dim3A_567 = vector.broadcast %broadcast_in_dim3A_566 : i32 to vector<16xi32>
        %gather3A_568 = tpu.vector_load_idx %arg8[%add3A_97, %broadcast_in_dim3A_567] : memref<128x128xf32, #tpu.memory_space<vmem>>[vector<16xi32>, vector<16xi32>], vector<16xf32>,
        %gather3A_569 = tpu.vector_load_idx %arg10[%add3A_97, %broadcast_in_dim3A_567] : memref<128x128xf32, #tpu.memory_space<vmem>>[vector<16xi32>, vector<16xi32>], vector<16xf32>,
        %mul3A_570 = arith.mulf %gather3A_568, %gather3A_569 : vector<16xf32>
        %add3A_571 = arith.addf %add3A_547, %mul3A_570 : vector<16xf32>
        %broadcast_in_dim3A_572 = arith.constant 78 : i32
        %broadcast_in_dim3A_573 = vector.broadcast %broadcast_in_dim3A_572 : i32 to vector<16xi32>
        %gather3A_574 = tpu.vector_load_idx %arg8[%add3A_97, %broadcast_in_dim3A_573] : memref<128x128xf32, #tpu.memory_space<vmem>>[vector<16xi32>, vector<16xi32>], vector<16xf32>,
        %gather3A_575 = tpu.vector_load_idx %arg10[%add3A_97, %broadcast_in_dim3A_573] : memref<128x128xf32, #tpu.memory_space<vmem>>[vector<16xi32>, vector<16xi32>], vector<16xf32>,
        %mul3A_576 = arith.mulf %gather3A_574, %gather3A_575 : vector<16xf32>
        %add3A_577 = arith.addf %add3A_553, %mul3A_576 : vector<16xf32>
        %broadcast_in_dim3A_578 = arith.constant 79 : i32
        %broadcast_in_dim3A_579 = vector.broadcast %broadcast_in_dim3A_578 : i32 to vector<16xi32>
        %gather3A_580 = tpu.vector_load_idx %arg8[%add3A_97, %broadcast_in_dim3A_579] : memref<128x128xf32, #tpu.memory_space<vmem>>[vector<16xi32>, vector<16xi32>], vector<16xf32>,
        %gather3A_581 = tpu.vector_load_idx %arg10[%add3A_97, %broadcast_in_dim3A_579] : memref<128x128xf32, #tpu.memory_space<vmem>>[vector<16xi32>, vector<16xi32>], vector<16xf32>,
        %mul3A_582 = arith.mulf %gather3A_580, %gather3A_581 : vector<16xf32>
        %add3A_583 = arith.addf %add3A_559, %mul3A_582 : vector<16xf32>
        %broadcast_in_dim3A_584 = arith.constant 80 : i32
        %broadcast_in_dim3A_585 = vector.broadcast %broadcast_in_dim3A_584 : i32 to vector<16xi32>
        %gather3A_586 = tpu.vector_load_idx %arg8[%add3A_97, %broadcast_in_dim3A_585] : memref<128x128xf32, #tpu.memory_space<vmem>>[vector<16xi32>, vector<16xi32>], vector<16xf32>,
        %gather3A_587 = tpu.vector_load_idx %arg10[%add3A_97, %broadcast_in_dim3A_585] : memref<128x128xf32, #tpu.memory_space<vmem>>[vector<16xi32>, vector<16xi32>], vector<16xf32>,
        %mul3A_588 = arith.mulf %gather3A_586, %gather3A_587 : vector<16xf32>
        %add3A_589 = arith.addf %add3A_565, %mul3A_588 : vector<16xf32>
        %broadcast_in_dim3A_590 = arith.constant 81 : i32
        %broadcast_in_dim3A_591 = vector.broadcast %broadcast_in_dim3A_590 : i32 to vector<16xi32>
        %gather3A_592 = tpu.vector_load_idx %arg8[%add3A_97, %broadcast_in_dim3A_591] : memref<128x128xf32, #tpu.memory_space<vmem>>[vector<16xi32>, vector<16xi32>], vector<16xf32>,
        %gather3A_593 = tpu.vector_load_idx %arg10[%add3A_97, %broadcast_in_dim3A_591] : memref<128x128xf32, #tpu.memory_space<vmem>>[vector<16xi32>, vector<16xi32>], vector<16xf32>,
        %mul3A_594 = arith.mulf %gather3A_592, %gather3A_593 : vector<16xf32>
        %add3A_595 = arith.addf %add3A_571, %mul3A_594 : vector<16xf32>
        %broadcast_in_dim3A_596 = arith.constant 82 : i32
        %broadcast_in_dim3A_597 = vector.broadcast %broadcast_in_dim3A_596 : i32 to vector<16xi32>
        %gather3A_598 = tpu.vector_load_idx %arg8[%add3A_97, %broadcast_in_dim3A_597] : memref<128x128xf32, #tpu.memory_space<vmem>>[vector<16xi32>, vector<16xi32>], vector<16xf32>,
        %gather3A_599 = tpu.vector_load_idx %arg10[%add3A_97, %broadcast_in_dim3A_597] : memref<128x128xf32, #tpu.memory_space<vmem>>[vector<16xi32>, vector<16xi32>], vector<16xf32>,
        %mul3A_600 = arith.mulf %gather3A_598, %gather3A_599 : vector<16xf32>
        %add3A_601 = arith.addf %add3A_577, %mul3A_600 : vector<16xf32>
        %broadcast_in_dim3A_602 = arith.constant 83 : i32
        %broadcast_in_dim3A_603 = vector.broadcast %broadcast_in_dim3A_602 : i32 to vector<16xi32>
        %gather3A_604 = tpu.vector_load_idx %arg8[%add3A_97, %broadcast_in_dim3A_603] : memref<128x128xf32, #tpu.memory_space<vmem>>[vector<16xi32>, vector<16xi32>], vector<16xf32>,
        %gather3A_605 = tpu.vector_load_idx %arg10[%add3A_97, %broadcast_in_dim3A_603] : memref<128x128xf32, #tpu.memory_space<vmem>>[vector<16xi32>, vector<16xi32>], vector<16xf32>,
        %mul3A_606 = arith.mulf %gather3A_604, %gather3A_605 : vector<16xf32>
        %add3A_607 = arith.addf %add3A_583, %mul3A_606 : vector<16xf32>
        %broadcast_in_dim3A_608 = arith.constant 84 : i32
        %broadcast_in_dim3A_609 = vector.broadcast %broadcast_in_dim3A_608 : i32 to vector<16xi32>
        %gather3A_610 = tpu.vector_load_idx %arg8[%add3A_97, %broadcast_in_dim3A_609] : memref<128x128xf32, #tpu.memory_space<vmem>>[vector<16xi32>, vector<16xi32>], vector<16xf32>,
        %gather3A_611 = tpu.vector_load_idx %arg10[%add3A_97, %broadcast_in_dim3A_609] : memref<128x128xf32, #tpu.memory_space<vmem>>[vector<16xi32>, vector<16xi32>], vector<16xf32>,
        %mul3A_612 = arith.mulf %gather3A_610, %gather3A_611 : vector<16xf32>
        %add3A_613 = arith.addf %add3A_589, %mul3A_612 : vector<16xf32>
        %broadcast_in_dim3A_614 = arith.constant 85 : i32
        %broadcast_in_dim3A_615 = vector.broadcast %broadcast_in_dim3A_614 : i32 to vector<16xi32>
        %gather3A_616 = tpu.vector_load_idx %arg8[%add3A_97, %broadcast_in_dim3A_615] : memref<128x128xf32, #tpu.memory_space<vmem>>[vector<16xi32>, vector<16xi32>], vector<16xf32>,
        %gather3A_617 = tpu.vector_load_idx %arg10[%add3A_97, %broadcast_in_dim3A_615] : memref<128x128xf32, #tpu.memory_space<vmem>>[vector<16xi32>, vector<16xi32>], vector<16xf32>,
        %mul3A_618 = arith.mulf %gather3A_616, %gather3A_617 : vector<16xf32>
        %add3A_619 = arith.addf %add3A_595, %mul3A_618 : vector<16xf32>
        %broadcast_in_dim3A_620 = arith.constant 86 : i32
        %broadcast_in_dim3A_621 = vector.broadcast %broadcast_in_dim3A_620 : i32 to vector<16xi32>
        %gather3A_622 = tpu.vector_load_idx %arg8[%add3A_97, %broadcast_in_dim3A_621] : memref<128x128xf32, #tpu.memory_space<vmem>>[vector<16xi32>, vector<16xi32>], vector<16xf32>,
        %gather3A_623 = tpu.vector_load_idx %arg10[%add3A_97, %broadcast_in_dim3A_621] : memref<128x128xf32, #tpu.memory_space<vmem>>[vector<16xi32>, vector<16xi32>], vector<16xf32>,
        %mul3A_624 = arith.mulf %gather3A_622, %gather3A_623 : vector<16xf32>
        %add3A_625 = arith.addf %add3A_601, %mul3A_624 : vector<16xf32>
        %broadcast_in_dim3A_626 = arith.constant 87 : i32
        %broadcast_in_dim3A_627 = vector.broadcast %broadcast_in_dim3A_626 : i32 to vector<16xi32>
        %gather3A_628 = tpu.vector_load_idx %arg8[%add3A_97, %broadcast_in_dim3A_627] : memref<128x128xf32, #tpu.memory_space<vmem>>[vector<16xi32>, vector<16xi32>], vector<16xf32>,
        %gather3A_629 = tpu.vector_load_idx %arg10[%add3A_97, %broadcast_in_dim3A_627] : memref<128x128xf32, #tpu.memory_space<vmem>>[vector<16xi32>, vector<16xi32>], vector<16xf32>,
        %mul3A_630 = arith.mulf %gather3A_628, %gather3A_629 : vector<16xf32>
        %add3A_631 = arith.addf %add3A_607, %mul3A_630 : vector<16xf32>
        %broadcast_in_dim3A_632 = arith.constant 88 : i32
        %broadcast_in_dim3A_633 = vector.broadcast %broadcast_in_dim3A_632 : i32 to vector<16xi32>
        %gather3A_634 = tpu.vector_load_idx %arg8[%add3A_97, %broadcast_in_dim3A_633] : memref<128x128xf32, #tpu.memory_space<vmem>>[vector<16xi32>, vector<16xi32>], vector<16xf32>,
        %gather3A_635 = tpu.vector_load_idx %arg10[%add3A_97, %broadcast_in_dim3A_633] : memref<128x128xf32, #tpu.memory_space<vmem>>[vector<16xi32>, vector<16xi32>], vector<16xf32>,
        %mul3A_636 = arith.mulf %gather3A_634, %gather3A_635 : vector<16xf32>
        %add3A_637 = arith.addf %add3A_613, %mul3A_636 : vector<16xf32>
        %broadcast_in_dim3A_638 = arith.constant 89 : i32
        %broadcast_in_dim3A_639 = vector.broadcast %broadcast_in_dim3A_638 : i32 to vector<16xi32>
        %gather3A_640 = tpu.vector_load_idx %arg8[%add3A_97, %broadcast_in_dim3A_639] : memref<128x128xf32, #tpu.memory_space<vmem>>[vector<16xi32>, vector<16xi32>], vector<16xf32>,
        %gather3A_641 = tpu.vector_load_idx %arg10[%add3A_97, %broadcast_in_dim3A_639] : memref<128x128xf32, #tpu.memory_space<vmem>>[vector<16xi32>, vector<16xi32>], vector<16xf32>,
        %mul3A_642 = arith.mulf %gather3A_640, %gather3A_641 : vector<16xf32>
        %add3A_643 = arith.addf %add3A_619, %mul3A_642 : vector<16xf32>
        %broadcast_in_dim3A_644 = arith.constant 90 : i32
        %broadcast_in_dim3A_645 = vector.broadcast %broadcast_in_dim3A_644 : i32 to vector<16xi32>
        %gather3A_646 = tpu.vector_load_idx %arg8[%add3A_97, %broadcast_in_dim3A_645] : memref<128x128xf32, #tpu.memory_space<vmem>>[vector<16xi32>, vector<16xi32>], vector<16xf32>,
        %gather3A_647 = tpu.vector_load_idx %arg10[%add3A_97, %broadcast_in_dim3A_645] : memref<128x128xf32, #tpu.memory_space<vmem>>[vector<16xi32>, vector<16xi32>], vector<16xf32>,
        %mul3A_648 = arith.mulf %gather3A_646, %gather3A_647 : vector<16xf32>
        %add3A_649 = arith.addf %add3A_625, %mul3A_648 : vector<16xf32>
        %broadcast_in_dim3A_650 = arith.constant 91 : i32
        %broadcast_in_dim3A_651 = vector.broadcast %broadcast_in_dim3A_650 : i32 to vector<16xi32>
        %gather3A_652 = tpu.vector_load_idx %arg8[%add3A_97, %broadcast_in_dim3A_651] : memref<128x128xf32, #tpu.memory_space<vmem>>[vector<16xi32>, vector<16xi32>], vector<16xf32>,
        %gather3A_653 = tpu.vector_load_idx %arg10[%add3A_97, %broadcast_in_dim3A_651] : memref<128x128xf32, #tpu.memory_space<vmem>>[vector<16xi32>, vector<16xi32>], vector<16xf32>,
        %mul3A_654 = arith.mulf %gather3A_652, %gather3A_653 : vector<16xf32>
        %add3A_655 = arith.addf %add3A_631, %mul3A_654 : vector<16xf32>
        %broadcast_in_dim3A_656 = arith.constant 92 : i32
        %broadcast_in_dim3A_657 = vector.broadcast %broadcast_in_dim3A_656 : i32 to vector<16xi32>
        %gather3A_658 = tpu.vector_load_idx %arg8[%add3A_97, %broadcast_in_dim3A_657] : memref<128x128xf32, #tpu.memory_space<vmem>>[vector<16xi32>, vector<16xi32>], vector<16xf32>,
        %gather3A_659 = tpu.vector_load_idx %arg10[%add3A_97, %broadcast_in_dim3A_657] : memref<128x128xf32, #tpu.memory_space<vmem>>[vector<16xi32>, vector<16xi32>], vector<16xf32>,
        %mul3A_660 = arith.mulf %gather3A_658, %gather3A_659 : vector<16xf32>
        %add3A_661 = arith.addf %add3A_637, %mul3A_660 : vector<16xf32>
        %broadcast_in_dim3A_662 = arith.constant 93 : i32
        %broadcast_in_dim3A_663 = vector.broadcast %broadcast_in_dim3A_662 : i32 to vector<16xi32>
        %gather3A_664 = tpu.vector_load_idx %arg8[%add3A_97, %broadcast_in_dim3A_663] : memref<128x128xf32, #tpu.memory_space<vmem>>[vector<16xi32>, vector<16xi32>], vector<16xf32>,
        %gather3A_665 = tpu.vector_load_idx %arg10[%add3A_97, %broadcast_in_dim3A_663] : memref<128x128xf32, #tpu.memory_space<vmem>>[vector<16xi32>, vector<16xi32>], vector<16xf32>,
        %mul3A_666 = arith.mulf %gather3A_664, %gather3A_665 : vector<16xf32>
        %add3A_667 = arith.addf %add3A_643, %mul3A_666 : vector<16xf32>
        %broadcast_in_dim3A_668 = arith.constant 94 : i32
        %broadcast_in_dim3A_669 = vector.broadcast %broadcast_in_dim3A_668 : i32 to vector<16xi32>
        %gather3A_670 = tpu.vector_load_idx %arg8[%add3A_97, %broadcast_in_dim3A_669] : memref<128x128xf32, #tpu.memory_space<vmem>>[vector<16xi32>, vector<16xi32>], vector<16xf32>,
        %gather3A_671 = tpu.vector_load_idx %arg10[%add3A_97, %broadcast_in_dim3A_669] : memref<128x128xf32, #tpu.memory_space<vmem>>[vector<16xi32>, vector<16xi32>], vector<16xf32>,
        %mul3A_672 = arith.mulf %gather3A_670, %gather3A_671 : vector<16xf32>
        %add3A_673 = arith.addf %add3A_649, %mul3A_672 : vector<16xf32>
        %broadcast_in_dim3A_674 = arith.constant 95 : i32
        %broadcast_in_dim3A_675 = vector.broadcast %broadcast_in_dim3A_674 : i32 to vector<16xi32>
        %gather3A_676 = tpu.vector_load_idx %arg8[%add3A_97, %broadcast_in_dim3A_675] : memref<128x128xf32, #tpu.memory_space<vmem>>[vector<16xi32>, vector<16xi32>], vector<16xf32>,
        %gather3A_677 = tpu.vector_load_idx %arg10[%add3A_97, %broadcast_in_dim3A_675] : memref<128x128xf32, #tpu.memory_space<vmem>>[vector<16xi32>, vector<16xi32>], vector<16xf32>,
        %mul3A_678 = arith.mulf %gather3A_676, %gather3A_677 : vector<16xf32>
        %add3A_679 = arith.addf %add3A_655, %mul3A_678 : vector<16xf32>
        %broadcast_in_dim3A_680 = arith.constant 96 : i32
        %broadcast_in_dim3A_681 = vector.broadcast %broadcast_in_dim3A_680 : i32 to vector<16xi32>
        %gather3A_682 = tpu.vector_load_idx %arg8[%add3A_97, %broadcast_in_dim3A_681] : memref<128x128xf32, #tpu.memory_space<vmem>>[vector<16xi32>, vector<16xi32>], vector<16xf32>,
        %gather3A_683 = tpu.vector_load_idx %arg10[%add3A_97, %broadcast_in_dim3A_681] : memref<128x128xf32, #tpu.memory_space<vmem>>[vector<16xi32>, vector<16xi32>], vector<16xf32>,
        %mul3A_684 = arith.mulf %gather3A_682, %gather3A_683 : vector<16xf32>
        %add3A_685 = arith.addf %add3A_661, %mul3A_684 : vector<16xf32>
        %broadcast_in_dim3A_686 = arith.constant 97 : i32
        %broadcast_in_dim3A_687 = vector.broadcast %broadcast_in_dim3A_686 : i32 to vector<16xi32>
        %gather3A_688 = tpu.vector_load_idx %arg8[%add3A_97, %broadcast_in_dim3A_687] : memref<128x128xf32, #tpu.memory_space<vmem>>[vector<16xi32>, vector<16xi32>], vector<16xf32>,
        %gather3A_689 = tpu.vector_load_idx %arg10[%add3A_97, %broadcast_in_dim3A_687] : memref<128x128xf32, #tpu.memory_space<vmem>>[vector<16xi32>, vector<16xi32>], vector<16xf32>,
        %mul3A_690 = arith.mulf %gather3A_688, %gather3A_689 : vector<16xf32>
        %add3A_691 = arith.addf %add3A_667, %mul3A_690 : vector<16xf32>
        %broadcast_in_dim3A_692 = arith.constant 98 : i32
        %broadcast_in_dim3A_693 = vector.broadcast %broadcast_in_dim3A_692 : i32 to vector<16xi32>
        %gather3A_694 = tpu.vector_load_idx %arg8[%add3A_97, %broadcast_in_dim3A_693] : memref<128x128xf32, #tpu.memory_space<vmem>>[vector<16xi32>, vector<16xi32>], vector<16xf32>,
        %gather3A_695 = tpu.vector_load_idx %arg10[%add3A_97, %broadcast_in_dim3A_693] : memref<128x128xf32, #tpu.memory_space<vmem>>[vector<16xi32>, vector<16xi32>], vector<16xf32>,
        %mul3A_696 = arith.mulf %gather3A_694, %gather3A_695 : vector<16xf32>
        %add3A_697 = arith.addf %add3A_673, %mul3A_696 : vector<16xf32>
        %broadcast_in_dim3A_698 = arith.constant 99 : i32
        %broadcast_in_dim3A_699 = vector.broadcast %broadcast_in_dim3A_698 : i32 to vector<16xi32>
        %gather3A_700 = tpu.vector_load_idx %arg8[%add3A_97, %broadcast_in_dim3A_699] : memref<128x128xf32, #tpu.memory_space<vmem>>[vector<16xi32>, vector<16xi32>], vector<16xf32>,
        %gather3A_701 = tpu.vector_load_idx %arg10[%add3A_97, %broadcast_in_dim3A_699] : memref<128x128xf32, #tpu.memory_space<vmem>>[vector<16xi32>, vector<16xi32>], vector<16xf32>,
        %mul3A_702 = arith.mulf %gather3A_700, %gather3A_701 : vector<16xf32>
        %add3A_703 = arith.addf %add3A_679, %mul3A_702 : vector<16xf32>
        %broadcast_in_dim3A_704 = arith.constant 100 : i32
        %broadcast_in_dim3A_705 = vector.broadcast %broadcast_in_dim3A_704 : i32 to vector<16xi32>
        %gather3A_706 = tpu.vector_load_idx %arg8[%add3A_97, %broadcast_in_dim3A_705] : memref<128x128xf32, #tpu.memory_space<vmem>>[vector<16xi32>, vector<16xi32>], vector<16xf32>,
        %gather3A_707 = tpu.vector_load_idx %arg10[%add3A_97, %broadcast_in_dim3A_705] : memref<128x128xf32, #tpu.memory_space<vmem>>[vector<16xi32>, vector<16xi32>], vector<16xf32>,
        %mul3A_708 = arith.mulf %gather3A_706, %gather3A_707 : vector<16xf32>
        %add3A_709 = arith.addf %add3A_685, %mul3A_708 : vector<16xf32>
        %broadcast_in_dim3A_710 = arith.constant 101 : i32
        %broadcast_in_dim3A_711 = vector.broadcast %broadcast_in_dim3A_710 : i32 to vector<16xi32>
        %gather3A_712 = tpu.vector_load_idx %arg8[%add3A_97, %broadcast_in_dim3A_711] : memref<128x128xf32, #tpu.memory_space<vmem>>[vector<16xi32>, vector<16xi32>], vector<16xf32>,
        %gather3A_713 = tpu.vector_load_idx %arg10[%add3A_97, %broadcast_in_dim3A_711] : memref<128x128xf32, #tpu.memory_space<vmem>>[vector<16xi32>, vector<16xi32>], vector<16xf32>,
        %mul3A_714 = arith.mulf %gather3A_712, %gather3A_713 : vector<16xf32>
        %add3A_715 = arith.addf %add3A_691, %mul3A_714 : vector<16xf32>
        %broadcast_in_dim3A_716 = arith.constant 102 : i32
        %broadcast_in_dim3A_717 = vector.broadcast %broadcast_in_dim3A_716 : i32 to vector<16xi32>
        %gather3A_718 = tpu.vector_load_idx %arg8[%add3A_97, %broadcast_in_dim3A_717] : memref<128x128xf32, #tpu.memory_space<vmem>>[vector<16xi32>, vector<16xi32>], vector<16xf32>,
        %gather3A_719 = tpu.vector_load_idx %arg10[%add3A_97, %broadcast_in_dim3A_717] : memref<128x128xf32, #tpu.memory_space<vmem>>[vector<16xi32>, vector<16xi32>], vector<16xf32>,
        %mul3A_720 = arith.mulf %gather3A_718, %gather3A_719 : vector<16xf32>
        %add3A_721 = arith.addf %add3A_697, %mul3A_720 : vector<16xf32>
        %broadcast_in_dim3A_722 = arith.constant 103 : i32
        %broadcast_in_dim3A_723 = vector.broadcast %broadcast_in_dim3A_722 : i32 to vector<16xi32>
        %gather3A_724 = tpu.vector_load_idx %arg8[%add3A_97, %broadcast_in_dim3A_723] : memref<128x128xf32, #tpu.memory_space<vmem>>[vector<16xi32>, vector<16xi32>], vector<16xf32>,
        %gather3A_725 = tpu.vector_load_idx %arg10[%add3A_97, %broadcast_in_dim3A_723] : memref<128x128xf32, #tpu.memory_space<vmem>>[vector<16xi32>, vector<16xi32>], vector<16xf32>,
        %mul3A_726 = arith.mulf %gather3A_724, %gather3A_725 : vector<16xf32>
        %add3A_727 = arith.addf %add3A_703, %mul3A_726 : vector<16xf32>
        %broadcast_in_dim3A_728 = arith.constant 104 : i32
        %broadcast_in_dim3A_729 = vector.broadcast %broadcast_in_dim3A_728 : i32 to vector<16xi32>
        %gather3A_730 = tpu.vector_load_idx %arg8[%add3A_97, %broadcast_in_dim3A_729] : memref<128x128xf32, #tpu.memory_space<vmem>>[vector<16xi32>, vector<16xi32>], vector<16xf32>,
        %gather3A_731 = tpu.vector_load_idx %arg10[%add3A_97, %broadcast_in_dim3A_729] : memref<128x128xf32, #tpu.memory_space<vmem>>[vector<16xi32>, vector<16xi32>], vector<16xf32>,
        %mul3A_732 = arith.mulf %gather3A_730, %gather3A_731 : vector<16xf32>
        %add3A_733 = arith.addf %add3A_709, %mul3A_732 : vector<16xf32>
        %broadcast_in_dim3A_734 = arith.constant 105 : i32
        %broadcast_in_dim3A_735 = vector.broadcast %broadcast_in_dim3A_734 : i32 to vector<16xi32>
        %gather3A_736 = tpu.vector_load_idx %arg8[%add3A_97, %broadcast_in_dim3A_735] : memref<128x128xf32, #tpu.memory_space<vmem>>[vector<16xi32>, vector<16xi32>], vector<16xf32>,
        %gather3A_737 = tpu.vector_load_idx %arg10[%add3A_97, %broadcast_in_dim3A_735] : memref<128x128xf32, #tpu.memory_space<vmem>>[vector<16xi32>, vector<16xi32>], vector<16xf32>,
        %mul3A_738 = arith.mulf %gather3A_736, %gather3A_737 : vector<16xf32>
        %add3A_739 = arith.addf %add3A_715, %mul3A_738 : vector<16xf32>
        %broadcast_in_dim3A_740 = arith.constant 106 : i32
        %broadcast_in_dim3A_741 = vector.broadcast %broadcast_in_dim3A_740 : i32 to vector<16xi32>
        %gather3A_742 = tpu.vector_load_idx %arg8[%add3A_97, %broadcast_in_dim3A_741] : memref<128x128xf32, #tpu.memory_space<vmem>>[vector<16xi32>, vector<16xi32>], vector<16xf32>,
        %gather3A_743 = tpu.vector_load_idx %arg10[%add3A_97, %broadcast_in_dim3A_741] : memref<128x128xf32, #tpu.memory_space<vmem>>[vector<16xi32>, vector<16xi32>], vector<16xf32>,
        %mul3A_744 = arith.mulf %gather3A_742, %gather3A_743 : vector<16xf32>
        %add3A_745 = arith.addf %add3A_721, %mul3A_744 : vector<16xf32>
        %broadcast_in_dim3A_746 = arith.constant 107 : i32
        %broadcast_in_dim3A_747 = vector.broadcast %broadcast_in_dim3A_746 : i32 to vector<16xi32>
        %gather3A_748 = tpu.vector_load_idx %arg8[%add3A_97, %broadcast_in_dim3A_747] : memref<128x128xf32, #tpu.memory_space<vmem>>[vector<16xi32>, vector<16xi32>], vector<16xf32>,
        %gather3A_749 = tpu.vector_load_idx %arg10[%add3A_97, %broadcast_in_dim3A_747] : memref<128x128xf32, #tpu.memory_space<vmem>>[vector<16xi32>, vector<16xi32>], vector<16xf32>,
        %mul3A_750 = arith.mulf %gather3A_748, %gather3A_749 : vector<16xf32>
        %add3A_751 = arith.addf %add3A_727, %mul3A_750 : vector<16xf32>
        %broadcast_in_dim3A_752 = arith.constant 108 : i32
        %broadcast_in_dim3A_753 = vector.broadcast %broadcast_in_dim3A_752 : i32 to vector<16xi32>
        %gather3A_754 = tpu.vector_load_idx %arg8[%add3A_97, %broadcast_in_dim3A_753] : memref<128x128xf32, #tpu.memory_space<vmem>>[vector<16xi32>, vector<16xi32>], vector<16xf32>,
        %gather3A_755 = tpu.vector_load_idx %arg10[%add3A_97, %broadcast_in_dim3A_753] : memref<128x128xf32, #tpu.memory_space<vmem>>[vector<16xi32>, vector<16xi32>], vector<16xf32>,
        %mul3A_756 = arith.mulf %gather3A_754, %gather3A_755 : vector<16xf32>
        %add3A_757 = arith.addf %add3A_733, %mul3A_756 : vector<16xf32>
        %broadcast_in_dim3A_758 = arith.constant 109 : i32
        %broadcast_in_dim3A_759 = vector.broadcast %broadcast_in_dim3A_758 : i32 to vector<16xi32>
        %gather3A_760 = tpu.vector_load_idx %arg8[%add3A_97, %broadcast_in_dim3A_759] : memref<128x128xf32, #tpu.memory_space<vmem>>[vector<16xi32>, vector<16xi32>], vector<16xf32>,
        %gather3A_761 = tpu.vector_load_idx %arg10[%add3A_97, %broadcast_in_dim3A_759] : memref<128x128xf32, #tpu.memory_space<vmem>>[vector<16xi32>, vector<16xi32>], vector<16xf32>,
        %mul3A_762 = arith.mulf %gather3A_760, %gather3A_761 : vector<16xf32>
        %add3A_763 = arith.addf %add3A_739, %mul3A_762 : vector<16xf32>
        %broadcast_in_dim3A_764 = arith.constant 110 : i32
        %broadcast_in_dim3A_765 = vector.broadcast %broadcast_in_dim3A_764 : i32 to vector<16xi32>
        %gather3A_766 = tpu.vector_load_idx %arg8[%add3A_97, %broadcast_in_dim3A_765] : memref<128x128xf32, #tpu.memory_space<vmem>>[vector<16xi32>, vector<16xi32>], vector<16xf32>,
        %gather3A_767 = tpu.vector_load_idx %arg10[%add3A_97, %broadcast_in_dim3A_765] : memref<128x128xf32, #tpu.memory_space<vmem>>[vector<16xi32>, vector<16xi32>], vector<16xf32>,
        %mul3A_768 = arith.mulf %gather3A_766, %gather3A_767 : vector<16xf32>
        %add3A_769 = arith.addf %add3A_745, %mul3A_768 : vector<16xf32>
        %broadcast_in_dim3A_770 = arith.constant 111 : i32
        %broadcast_in_dim3A_771 = vector.broadcast %broadcast_in_dim3A_770 : i32 to vector<16xi32>
        %gather3A_772 = tpu.vector_load_idx %arg8[%add3A_97, %broadcast_in_dim3A_771] : memref<128x128xf32, #tpu.memory_space<vmem>>[vector<16xi32>, vector<16xi32>], vector<16xf32>,
        %gather3A_773 = tpu.vector_load_idx %arg10[%add3A_97, %broadcast_in_dim3A_771] : memref<128x128xf32, #tpu.memory_space<vmem>>[vector<16xi32>, vector<16xi32>], vector<16xf32>,
        %mul3A_774 = arith.mulf %gather3A_772, %gather3A_773 : vector<16xf32>
        %add3A_775 = arith.addf %add3A_751, %mul3A_774 : vector<16xf32>
        %broadcast_in_dim3A_776 = arith.constant 112 : i32
        %broadcast_in_dim3A_777 = vector.broadcast %broadcast_in_dim3A_776 : i32 to vector<16xi32>
        %gather3A_778 = tpu.vector_load_idx %arg8[%add3A_97, %broadcast_in_dim3A_777] : memref<128x128xf32, #tpu.memory_space<vmem>>[vector<16xi32>, vector<16xi32>], vector<16xf32>,
        %gather3A_779 = tpu.vector_load_idx %arg10[%add3A_97, %broadcast_in_dim3A_777] : memref<128x128xf32, #tpu.memory_space<vmem>>[vector<16xi32>, vector<16xi32>], vector<16xf32>,
        %mul3A_780 = arith.mulf %gather3A_778, %gather3A_779 : vector<16xf32>
        %add3A_781 = arith.addf %add3A_757, %mul3A_780 : vector<16xf32>
        %broadcast_in_dim3A_782 = arith.constant 113 : i32
        %broadcast_in_dim3A_783 = vector.broadcast %broadcast_in_dim3A_782 : i32 to vector<16xi32>
        %gather3A_784 = tpu.vector_load_idx %arg8[%add3A_97, %broadcast_in_dim3A_783] : memref<128x128xf32, #tpu.memory_space<vmem>>[vector<16xi32>, vector<16xi32>], vector<16xf32>,
        %gather3A_785 = tpu.vector_load_idx %arg10[%add3A_97, %broadcast_in_dim3A_783] : memref<128x128xf32, #tpu.memory_space<vmem>>[vector<16xi32>, vector<16xi32>], vector<16xf32>,
        %mul3A_786 = arith.mulf %gather3A_784, %gather3A_785 : vector<16xf32>
        %add3A_787 = arith.addf %add3A_763, %mul3A_786 : vector<16xf32>
        %broadcast_in_dim3A_788 = arith.constant 114 : i32
        %broadcast_in_dim3A_789 = vector.broadcast %broadcast_in_dim3A_788 : i32 to vector<16xi32>
        %gather3A_790 = tpu.vector_load_idx %arg8[%add3A_97, %broadcast_in_dim3A_789] : memref<128x128xf32, #tpu.memory_space<vmem>>[vector<16xi32>, vector<16xi32>], vector<16xf32>,
        %gather3A_791 = tpu.vector_load_idx %arg10[%add3A_97, %broadcast_in_dim3A_789] : memref<128x128xf32, #tpu.memory_space<vmem>>[vector<16xi32>, vector<16xi32>], vector<16xf32>,
        %mul3A_792 = arith.mulf %gather3A_790, %gather3A_791 : vector<16xf32>
        %add3A_793 = arith.addf %add3A_769, %mul3A_792 : vector<16xf32>
        %broadcast_in_dim3A_794 = arith.constant 115 : i32
        %broadcast_in_dim3A_795 = vector.broadcast %broadcast_in_dim3A_794 : i32 to vector<16xi32>
        %gather3A_796 = tpu.vector_load_idx %arg8[%add3A_97, %broadcast_in_dim3A_795] : memref<128x128xf32, #tpu.memory_space<vmem>>[vector<16xi32>, vector<16xi32>], vector<16xf32>,
        %gather3A_797 = tpu.vector_load_idx %arg10[%add3A_97, %broadcast_in_dim3A_795] : memref<128x128xf32, #tpu.memory_space<vmem>>[vector<16xi32>, vector<16xi32>], vector<16xf32>,
        %mul3A_798 = arith.mulf %gather3A_796, %gather3A_797 : vector<16xf32>
        %add3A_799 = arith.addf %add3A_775, %mul3A_798 : vector<16xf32>
        %broadcast_in_dim3A_800 = arith.constant 116 : i32
        %broadcast_in_dim3A_801 = vector.broadcast %broadcast_in_dim3A_800 : i32 to vector<16xi32>
        %gather3A_802 = tpu.vector_load_idx %arg8[%add3A_97, %broadcast_in_dim3A_801] : memref<128x128xf32, #tpu.memory_space<vmem>>[vector<16xi32>, vector<16xi32>], vector<16xf32>,
        %gather3A_803 = tpu.vector_load_idx %arg10[%add3A_97, %broadcast_in_dim3A_801] : memref<128x128xf32, #tpu.memory_space<vmem>>[vector<16xi32>, vector<16xi32>], vector<16xf32>,
        %mul3A_804 = arith.mulf %gather3A_802, %gather3A_803 : vector<16xf32>
        %add3A_805 = arith.addf %add3A_781, %mul3A_804 : vector<16xf32>
        %broadcast_in_dim3A_806 = arith.constant 117 : i32
        %broadcast_in_dim3A_807 = vector.broadcast %broadcast_in_dim3A_806 : i32 to vector<16xi32>
        %gather3A_808 = tpu.vector_load_idx %arg8[%add3A_97, %broadcast_in_dim3A_807] : memref<128x128xf32, #tpu.memory_space<vmem>>[vector<16xi32>, vector<16xi32>], vector<16xf32>,
        %gather3A_809 = tpu.vector_load_idx %arg10[%add3A_97, %broadcast_in_dim3A_807] : memref<128x128xf32, #tpu.memory_space<vmem>>[vector<16xi32>, vector<16xi32>], vector<16xf32>,
        %mul3A_810 = arith.mulf %gather3A_808, %gather3A_809 : vector<16xf32>
        %add3A_811 = arith.addf %add3A_787, %mul3A_810 : vector<16xf32>
        %broadcast_in_dim3A_812 = arith.constant 118 : i32
        %broadcast_in_dim3A_813 = vector.broadcast %broadcast_in_dim3A_812 : i32 to vector<16xi32>
        %gather3A_814 = tpu.vector_load_idx %arg8[%add3A_97, %broadcast_in_dim3A_813] : memref<128x128xf32, #tpu.memory_space<vmem>>[vector<16xi32>, vector<16xi32>], vector<16xf32>,
        %gather3A_815 = tpu.vector_load_idx %arg10[%add3A_97, %broadcast_in_dim3A_813] : memref<128x128xf32, #tpu.memory_space<vmem>>[vector<16xi32>, vector<16xi32>], vector<16xf32>,
        %mul3A_816 = arith.mulf %gather3A_814, %gather3A_815 : vector<16xf32>
        %add3A_817 = arith.addf %add3A_793, %mul3A_816 : vector<16xf32>
        %broadcast_in_dim3A_818 = arith.constant 119 : i32
        %broadcast_in_dim3A_819 = vector.broadcast %broadcast_in_dim3A_818 : i32 to vector<16xi32>
        %gather3A_820 = tpu.vector_load_idx %arg8[%add3A_97, %broadcast_in_dim3A_819] : memref<128x128xf32, #tpu.memory_space<vmem>>[vector<16xi32>, vector<16xi32>], vector<16xf32>,
        %gather3A_821 = tpu.vector_load_idx %arg10[%add3A_97, %broadcast_in_dim3A_819] : memref<128x128xf32, #tpu.memory_space<vmem>>[vector<16xi32>, vector<16xi32>], vector<16xf32>,
        %mul3A_822 = arith.mulf %gather3A_820, %gather3A_821 : vector<16xf32>
        %add3A_823 = arith.addf %add3A_799, %mul3A_822 : vector<16xf32>
        %broadcast_in_dim3A_824 = arith.constant 120 : i32
        %broadcast_in_dim3A_825 = vector.broadcast %broadcast_in_dim3A_824 : i32 to vector<16xi32>
        %gather3A_826 = tpu.vector_load_idx %arg8[%add3A_97, %broadcast_in_dim3A_825] : memref<128x128xf32, #tpu.memory_space<vmem>>[vector<16xi32>, vector<16xi32>], vector<16xf32>,
        %gather3A_827 = tpu.vector_load_idx %arg10[%add3A_97, %broadcast_in_dim3A_825] : memref<128x128xf32, #tpu.memory_space<vmem>>[vector<16xi32>, vector<16xi32>], vector<16xf32>,
        %mul3A_828 = arith.mulf %gather3A_826, %gather3A_827 : vector<16xf32>
        %add3A_829 = arith.addf %add3A_805, %mul3A_828 : vector<16xf32>
        %broadcast_in_dim3A_830 = arith.constant 121 : i32
        %broadcast_in_dim3A_831 = vector.broadcast %broadcast_in_dim3A_830 : i32 to vector<16xi32>
        %gather3A_832 = tpu.vector_load_idx %arg8[%add3A_97, %broadcast_in_dim3A_831] : memref<128x128xf32, #tpu.memory_space<vmem>>[vector<16xi32>, vector<16xi32>], vector<16xf32>,
        %gather3A_833 = tpu.vector_load_idx %arg10[%add3A_97, %broadcast_in_dim3A_831] : memref<128x128xf32, #tpu.memory_space<vmem>>[vector<16xi32>, vector<16xi32>], vector<16xf32>,
        %mul3A_834 = arith.mulf %gather3A_832, %gather3A_833 : vector<16xf32>
        %add3A_835 = arith.addf %add3A_811, %mul3A_834 : vector<16xf32>
        %broadcast_in_dim3A_836 = arith.constant 122 : i32
        %broadcast_in_dim3A_837 = vector.broadcast %broadcast_in_dim3A_836 : i32 to vector<16xi32>
        %gather3A_838 = tpu.vector_load_idx %arg8[%add3A_97, %broadcast_in_dim3A_837] : memref<128x128xf32, #tpu.memory_space<vmem>>[vector<16xi32>, vector<16xi32>], vector<16xf32>,
        %gather3A_839 = tpu.vector_load_idx %arg10[%add3A_97, %broadcast_in_dim3A_837] : memref<128x128xf32, #tpu.memory_space<vmem>>[vector<16xi32>, vector<16xi32>], vector<16xf32>,
        %mul3A_840 = arith.mulf %gather3A_838, %gather3A_839 : vector<16xf32>
        %add3A_841 = arith.addf %add3A_817, %mul3A_840 : vector<16xf32>
        %broadcast_in_dim3A_842 = arith.constant 123 : i32
        %broadcast_in_dim3A_843 = vector.broadcast %broadcast_in_dim3A_842 : i32 to vector<16xi32>
        %gather3A_844 = tpu.vector_load_idx %arg8[%add3A_97, %broadcast_in_dim3A_843] : memref<128x128xf32, #tpu.memory_space<vmem>>[vector<16xi32>, vector<16xi32>], vector<16xf32>,
        %gather3A_845 = tpu.vector_load_idx %arg10[%add3A_97, %broadcast_in_dim3A_843] : memref<128x128xf32, #tpu.memory_space<vmem>>[vector<16xi32>, vector<16xi32>], vector<16xf32>,
        %mul3A_846 = arith.mulf %gather3A_844, %gather3A_845 : vector<16xf32>
        %add3A_847 = arith.addf %add3A_823, %mul3A_846 : vector<16xf32>
        %broadcast_in_dim3A_848 = arith.constant 124 : i32
        %broadcast_in_dim3A_849 = vector.broadcast %broadcast_in_dim3A_848 : i32 to vector<16xi32>
        %gather3A_850 = tpu.vector_load_idx %arg8[%add3A_97, %broadcast_in_dim3A_849] : memref<128x128xf32, #tpu.memory_space<vmem>>[vector<16xi32>, vector<16xi32>], vector<16xf32>,
        %gather3A_851 = tpu.vector_load_idx %arg10[%add3A_97, %broadcast_in_dim3A_849] : memref<128x128xf32, #tpu.memory_space<vmem>>[vector<16xi32>, vector<16xi32>], vector<16xf32>,
        %mul3A_852 = arith.mulf %gather3A_850, %gather3A_851 : vector<16xf32>
        %add3A_853 = arith.addf %add3A_829, %mul3A_852 : vector<16xf32>
        %broadcast_in_dim3A_854 = arith.constant 125 : i32
        %broadcast_in_dim3A_855 = vector.broadcast %broadcast_in_dim3A_854 : i32 to vector<16xi32>
        %gather3A_856 = tpu.vector_load_idx %arg8[%add3A_97, %broadcast_in_dim3A_855] : memref<128x128xf32, #tpu.memory_space<vmem>>[vector<16xi32>, vector<16xi32>], vector<16xf32>,
        %gather3A_857 = tpu.vector_load_idx %arg10[%add3A_97, %broadcast_in_dim3A_855] : memref<128x128xf32, #tpu.memory_space<vmem>>[vector<16xi32>, vector<16xi32>], vector<16xf32>,
        %mul3A_858 = arith.mulf %gather3A_856, %gather3A_857 : vector<16xf32>
        %add3A_859 = arith.addf %add3A_835, %mul3A_858 : vector<16xf32>
        %broadcast_in_dim3A_860 = arith.constant 126 : i32
        %broadcast_in_dim3A_861 = vector.broadcast %broadcast_in_dim3A_860 : i32 to vector<16xi32>
        %gather3A_862 = tpu.vector_load_idx %arg8[%add3A_97, %broadcast_in_dim3A_861] : memref<128x128xf32, #tpu.memory_space<vmem>>[vector<16xi32>, vector<16xi32>], vector<16xf32>,
        %gather3A_863 = tpu.vector_load_idx %arg10[%add3A_97, %broadcast_in_dim3A_861] : memref<128x128xf32, #tpu.memory_space<vmem>>[vector<16xi32>, vector<16xi32>], vector<16xf32>,
        %mul3A_864 = arith.mulf %gather3A_862, %gather3A_863 : vector<16xf32>
        %add3A_865 = arith.addf %add3A_841, %mul3A_864 : vector<16xf32>
        %broadcast_in_dim3A_866 = arith.constant 127 : i32
        %broadcast_in_dim3A_867 = vector.broadcast %broadcast_in_dim3A_866 : i32 to vector<16xi32>
        %gather3A_868 = tpu.vector_load_idx %arg8[%add3A_97, %broadcast_in_dim3A_867] : memref<128x128xf32, #tpu.memory_space<vmem>>[vector<16xi32>, vector<16xi32>], vector<16xf32>,
        %gather3A_869 = tpu.vector_load_idx %arg10[%add3A_97, %broadcast_in_dim3A_867] : memref<128x128xf32, #tpu.memory_space<vmem>>[vector<16xi32>, vector<16xi32>], vector<16xf32>,
        %mul3A_870 = arith.mulf %gather3A_868, %gather3A_869 : vector<16xf32>
        %add3A_871 = arith.addf %add3A_847, %mul3A_870 : vector<16xf32>
        %add3A_872 = arith.addf %add3A_853, %add3A_859 : vector<16xf32>
        %add3A_873 = arith.addf %add3A_865, %add3A_871 : vector<16xf32>
        %add3A_874 = arith.addf %add3A_872, %add3A_873 : vector<16xf32>
        %mul3A_875 = arith.constant 128 : i32
        %mul3A_876 = arith.muli %add3A_86, %mul3A_875 : i32
        %add3A_877 = arith.addi %mul3A_876, %mul3A_95 : i32
        %swap3A = arith.index_cast %add3A_877 : i32 to index
        %swap3A_878 = tpu.vector_load %arg11[%swap3A] {strides = array<i32>} : memref<10240xf32, #tpu.memory_space<vmem>>, vector<16xf32>,
        tpu.vector_store %arg11[%swap3A], %add3A_874 {strides = array<i32>} : memref<10240xf32, #tpu.memory_space<vmem>>, vector<16xf32>,
      }
      %scan3A_92 = arith.constant 8 : i32
    }
    %scan3A_17 = arith.constant 40 : i32
    %dma_wait3A = arith.constant 0 : i32
    %dma_wait3A_18 = tpu.memref_slice %arg5[%dma_wait3A] : memref<10240xi32, #tpu.memory_space<vmem>> -> memref<128xi32, #tpu.memory_space<vmem>>
    %dma_wait3A_19 = arith.constant 0 : i32
    %dma_wait3A_20 = arith.constant 0 : i32
    %dma_wait3A_21 = tpu.memref_slice %arg3[%dma_wait3A_19, %dma_wait3A_20] : memref<10000x128xf32, #tpu.memory_space<hbm>> -> memref<10000x128xf32, #tpu.memory_space<hbm>>
    tpu.wait_indirect_dma semaphore(%arg12 : memref<!tpu.dma_semaphore, #tpu.memory_space<semaphore_mem>>) src(%dma_wait3A_21 : memref<10000x128xf32, #tpu.memory_space<hbm>>) dst(%arg7 : memref<128x128xf32, #tpu.memory_space<vmem>>)
    %dma_wait3A_22 = arith.constant 0 : i32
    %dma_wait3A_23 = tpu.memref_slice %arg6[%dma_wait3A_22] : memref<10240xi32, #tpu.memory_space<vmem>> -> memref<128xi32, #tpu.memory_space<vmem>>
    %dma_wait3A_24 = arith.constant 0 : i32
    %dma_wait3A_25 = arith.constant 0 : i32
    %dma_wait3A_26 = tpu.memref_slice %arg3[%dma_wait3A_24, %dma_wait3A_25] : memref<10000x128xf32, #tpu.memory_space<hbm>> -> memref<10000x128xf32, #tpu.memory_space<hbm>>
    tpu.wait_indirect_dma semaphore(%arg12 : memref<!tpu.dma_semaphore, #tpu.memory_space<semaphore_mem>>) src(%dma_wait3A_26 : memref<10000x128xf32, #tpu.memory_space<hbm>>) dst(%arg9 : memref<128x128xf32, #tpu.memory_space<vmem>>)
    "tpu.region"() ({
      %run_scoped3A_27 = tpu.sem_alloc : memref<!tpu.dma_semaphore, #tpu.memory_space<semaphore_mem>>
      %dma_start3A_28 = tpu.memref_slice %arg4[%mul3A_2] : memref<327680xf32, #tpu.memory_space<hbm>> -> memref<10240xf32, #tpu.memory_space<hbm>>
      %dma_start3A_29 = tpu.memref_slice %arg4[%mul3A_2] : memref<327680xf32, #tpu.memory_space<hbm>> -> memref<10240xf32, #tpu.memory_space<hbm>>
      tpu.enqueue_dma source(%arg11 : memref<10240xf32, #tpu.memory_space<vmem>>) target(%dma_start3A_29 : memref<10240xf32, #tpu.memory_space<hbm>>) target_semaphore(%run_scoped3A_27 : memref<!tpu.dma_semaphore, #tpu.memory_space<semaphore_mem>>)
      %dma_wait3A_30 = tpu.memref_slice %arg4[%mul3A_2] : memref<327680xf32, #tpu.memory_space<hbm>> -> memref<10240xf32, #tpu.memory_space<hbm>>
      %dma_wait3A_31 = tpu.memref_slice %arg4[%mul3A_2] : memref<327680xf32, #tpu.memory_space<hbm>> -> memref<10240xf32, #tpu.memory_space<hbm>>
      tpu.wait_dma2 semaphore(%run_scoped3A_27 : memref<!tpu.dma_semaphore, #tpu.memory_space<semaphore_mem>>) src(%arg11 : memref<10240xf32, #tpu.memory_space<vmem>>) dst(%dma_wait3A_31 : memref<10240xf32, #tpu.memory_space<hbm>>)
      tpu.yield
    }) : () -> ()
    return
  }
}

</mosaic_0001>

<sc_bundles>
// kernel: kernel.3.cloned.1.call-start
scs
__scs_entry_jumppad:
0x0: {  	(pc) =	sbr.rel $0x88, $3  }
0x1: {  	(tag) =	ssettag $0x0;
	lr =	simm.s32 $0x1  }
0x2: {  	[smem:$0x3F9F] =	sst lr;
	_ =	strace $0xD0000000  }
0x3: {  	_ = 	snop  }
0x4: {  	_ = 	snop  }
0x5: {  	_ = 	snop  }
0x6: {  	_ = 	snop  }
0x7: {  	_ = 	snop  }
__scs_overlays_trampoline_lowered:
0x8: {  	[smem:$0x3FAE] =	sst s0  }
0x9: {  	[smem:$0x3FAF] =	sst s1  }
0xa: {  	[smem:$0x3FB0] =	sst s2  }
0xb: {  	[smem:$0x3FB1] =	sst s3  }
0xc: {  	[smem:$0x3FB2] =	sst s4  }
0xd: {  	[smem:$0x3FB3] =	sst s5  }
0xe: {  	[smem:$0x3FB4] =	sst s6  }
0xf: {  	[smem:$0x3FB5] =	sst s7  }
0x10: {  	[smem:$0x3FB6] =	sst s8  }
0x11: {  	[smem:$0x3FB7] =	sst s9;
	s0 =	simm.s32 @!p0 $0x0  }
0x12: {  	s1 =	sld [smem:$0x3F9D];
	s0 =	simm.s32 @p0 $0x1  }
0x13: {  	[smem:$0x3FB8] =	sst s0;
	s0 =	simm.s32 @!p1 $0x0  }
0x14: {  	s2 =	sld [smem:$0x3F9C];
	s0 =	simm.s32 @p1 $0x1  }
0x15: {  	[smem:$0x3FB9] =	sst s0;
	s0 =	simm.s32 @!p2 $0x0  }
0x16: {  	s3 =	sld [smem:$0x3FDB];
	s0 =	simm.s32 @p2 $0x1  }
0x17: {  	s4 =	simm.s32 $0x1BF5;
	[smem:$0x3FBB] =	sst s0  }
0x18: {  	s0 =	sld [smem:$0x3F9E];
	_ =	swait.ge [sflag:s4], $0x0  }
0x19: {  	s7 =	sld [smem:$0x3F9F]  }
0x1a: {  	s8 =	sadd.s32 $0xFFFFE003, lr  }
0x1b: {  	s9 =	sadd.s32 $0xFFFFFEF7, lr;
	s5 =	simm.s32 $0xFFFFFFFF;
	p2 =	slt.u32 s8, $0xFFFFF086  }
0x1c: {  	p1 =	slt.u32 s9, $0xF7A;
	s5 =	simm.s32 @!p2 $0x0  }
0x1d: {  	s5 =	simm.s32 @p1 $0x1;
	p0 =	seq.s32 s7, s2  }
0x1e: {  	s7 =	smul.u32 @!p0 $0xF7A, s2;
	p2 =	seq.s32 @!p0 s5, $0x0  }
0x1f: {  	s9 =	smul.u32 $0xF7A, s1;
	s8 =	simm.s32 @!p0 $0x1BF5;
	p2 =	por !p2, p0  }
0x20: {  	[sflag:s8] =	ssyncset.s32 @!p0 $0xFFFFF086;
	s6 =	sadd.s32 @!p0 s3, s7;
	s7 =	simm.s32 @!p0 $0x108  }
0x21: {  	s3 =	sadd.s32 s3, s9;
	s6 =	sadd.s32 @!p0 $0x88, s6;
	s7 =	simm.s32 @p2 $0x1082  }
0x22: {  	[simem:s7], [sflag:s8] =	dma.local @!p0 [hbm:s6], $0xF7A  }
0x23: {  	s9 =	sor.u32 $0xD0000000, s2;
	s6 =	simm.s32 $0x108;
	_ =	swait.ge @!p0 [sflag:s8], $0x0  }
0x24: {  	s3 =	sadd.s32 $0x88, s3;
	s6 =	simm.s32 @!p1 $0x1082;
	[sflag:s4] =	ssyncset.s32 $0xFFFFF086  }
0x25: {  	[simem:s6], [sflag:s4] =	dma.local [hbm:s3], $0xF7A  }
0x26: {  	[smem:$0x3F9F] =	sst s1;
	(tag) =	ssettag s2;
	_ =	strace s9  }
0x27: {  	s1 =	sld [smem:$0x3FAF]  }
0x28: {  	s2 =	sld [smem:$0x3FB0]  }
0x29: {  	s4 =	sld [smem:$0x3FB2]  }
0x2a: {  	p0 =	seq.s32 s5, $0x0;
	s5 =	sld [smem:$0x3FB3]  }
0x2b: {  	s6 =	sld [smem:$0x3FB4]  }
0x2c: {  	s7 =	sld [smem:$0x3FB5]  }
0x2d: {  	s3 =	simm.s32 $0x108;
	s8 =	sld [smem:$0x3FB6]  }
0x2e: {  	s3 =	simm.s32 @!p0 $0x1082;
	s9 =	sld [smem:$0x3FB7]  }
0x2f: {  	lr =	sadd.s32 s0, s3;
	s0 =	sld [smem:$0x3FAE]  }
0x30: {  	s3 =	sld [smem:$0x3FB1]  }
0x31: {  	[smem:$0x3FBA] =	sst s10  }
0x32: {  	s10 =	sld [smem:$0x3FB8];
	_ =	sdelay $0x3  }
0x33: {  	p0 =	seq.s32 s10, $0x1;
	s10 =	sld [smem:$0x3FBA];
	_ =	sdelay $0x3  }
0x34: {  	[smem:$0x3FBA] =	sst s10  }
0x35: {  	s10 =	sld [smem:$0x3FB9];
	_ =	sdelay $0x3  }
0x36: {  	p1 =	seq.s32 s10, $0x1;
	s10 =	sld [smem:$0x3FBA];
	_ =	sdelay $0x3  }
0x37: {  	[smem:$0x3FBA] =	sst s10  }
0x38: {  	s10 =	sld [smem:$0x3FBB]  }
0x39: {  	_ = 	snop;
	(pc) =	sbr.ind lr, $3  }
0x3a: {  	_ = 	snop  }
0x3b: {  	_ = 	snop  }
0x3c: {  	p2 =	seq.s32 s10, $0x1;
	s10 =	sld [smem:$0x3FBA]  }
0x3d: {  	_ =	shalt  }
0x3e: {  	_ =	shalt  }
0x3f: {  	_ =	shalt  }
0x40: {  	_ =	shalt  }
0x41: {  	_ =	shalt  }
0x42: {  	_ =	shalt  }
0x43: {  	_ =	shalt  }
0x44: {  	_ =	shalt  }
0x45: {  	_ =	shalt  }
0x46: {  	_ =	shalt  }
0x47: {  	_ =	shalt  }
0x48: {  	_ =	shalt  }
0x49: {  	_ =	shalt  }
0x4a: {  	_ =	shalt  }
0x4b: {  	_ =	shalt  }
0x4c: {  	_ =	shalt  }
0x4d: {  	_ =	shalt  }
0x4e: {  	_ =	shalt  }
0x4f: {  	_ =	shalt  }
0x50: {  	_ =	shalt  }
0x51: {  	_ =	shalt  }
0x52: {  	_ =	shalt  }
0x53: {  	_ =	shalt  }
0x54: {  	_ =	shalt  }
0x55: {  	_ =	shalt  }
0x56: {  	_ =	shalt  }
0x57: {  	_ =	shalt  }
0x58: {  	_ =	shalt  }
0x59: {  	_ =	shalt  }
0x5a: {  	_ =	shalt  }
0x5b: {  	_ =	shalt  }
0x5c: {  	_ =	shalt  }
0x5d: {  	_ =	shalt  }
0x5e: {  	_ =	shalt  }
0x5f: {  	_ =	shalt  }
0x60: {  	_ =	shalt  }
0x61: {  	_ =	shalt  }
0x62: {  	_ =	shalt  }
0x63: {  	_ =	shalt  }
0x64: {  	_ =	shalt  }
0x65: {  	_ =	shalt  }
0x66: {  	_ =	shalt  }
0x67: {  	_ =	shalt  }
0x68: {  	_ =	shalt  }
0x69: {  	_ =	shalt  }
0x6a: {  	_ =	shalt  }
0x6b: {  	_ =	shalt  }
0x6c: {  	_ =	shalt  }
0x6d: {  	_ =	shalt  }
0x6e: {  	_ =	shalt  }
0x6f: {  	_ =	shalt  }
0x70: {  	_ =	shalt  }
0x71: {  	_ =	shalt  }
0x72: {  	_ =	shalt  }
0x73: {  	_ =	shalt  }
0x74: {  	_ =	shalt  }
0x75: {  	_ =	shalt  }
0x76: {  	_ =	shalt  }
0x77: {  	_ =	shalt  }
0x78: {  	_ =	shalt  }
0x79: {  	_ =	shalt  }
0x7a: {  	_ =	shalt  }
0x7b: {  	_ =	shalt  }
0x7c: {  	_ =	shalt  }
0x7d: {  	_ =	shalt  }
0x7e: {  	_ =	shalt  }
0x7f: {  	_ =	shalt  }
0x80: {  	_ =	shalt  }
0x81: {  	_ =	shalt  }
0x82: {  	_ =	shalt  }
0x83: {  	_ =	shalt  }
0x84: {  	_ =	shalt  }
0x85: {  	_ =	shalt  }
0x86: {  	_ =	shalt  }
0x87: {  	_ =	shalt  }
.Lfunc_end0:
.L_simem_size_0:
called_computation_lowered:
.L_overlay_start_0:
0x88: {  	s2 =	sld [smem:$0x3FD9]  }
0x89: {  	s3 =	sld [smem:$0x3FFE];
	_ =	sdelay $0x1  }
0x8a: {  	s1 =	srdreg.scid  }
0x8b: {  	s0 =	sand.u32 $0x1, s1  }
0x8c: {  	s17 =	sshll.u32 s0, $0xA;
	s2 =	sadd.s32 s3, s2  }
0x8d: {  	s2 =	sadd.s32 s2, s17  }
0x8e: {  	[smem:$0x3FC6] =	sst s2  }
0x8f: {  	_ = 	snop  }
0x90: {  	s2 =	sld [smem:$0x3FC9];
	(tm) =	ssettm $0x1  }
0x91: {  	s18 =	sld [smem:$0x3FFB];
	_ =	sdelay $0x3  }
0x92: {  	_ =	strace s18  }
0x93: {  	s3 =	sld [smem:$0x3FFC];
	_ =	sdelay $0x3  }
0x94: {  	_ =	strace s3  }
0x95: {  	s3 =	sld [smem:$0x3FFD];
	_ =	sdelay $0x3  }
0x96: {  	_ =	strace s3  }
0x97: {  	_ =	strace $0x8FFFFFFF  }
0x98: {  	s19 =	sld [smem:$0x3FDB];
	_ =	sdelay $0x1  }
0x99: {  	s4 =	simm.s32 $_scs_section_size  }
0x9a: {  	s5 =	simm.s32 $_size__tile_overlayer_lowered;
	s6 =	simm.s32 $_tile_overlayer_lowered  }
0x9b: {  	s22 =	simm.s32 $0x1BFF;
	s21 =	sshll.u32 s6, $0x1;
	s3 =	sadd.s32 s4, s19  }
0x9c: {  	s7 =	simm.s32 $0x0;
	s20 =	sshll.u32 s5, $0x1;
	s5 =	sadd.s32 s21, s3  }
0x9d: {  	[timem:s7], [sflag:s22] =	dma.local [hbm:s5], s20  }
0x9e: {  	_ =	swait.ge [sflag:s22], s20  }
0x9f: {  	s4 =	ssub.s32 $0x0, s20;
	[sflag:s22] =	ssyncset.done $0x0  }
0xa0: {  	[sflag:s22] =	ssyncadd.s32 s4;
	_ =	sdelay $0x1  }
0xa1: {  	s23 =	simm.s32 $0x1B8B  }
0xa2: {  	_ =	swait.ge [sflag:s23], $0x1  }
0xa3: {  	[sflag:s23] =	ssyncset.done $0x0  }
0xa4: {  	s25 =	simm.s32 $0x1B8E;
	s24 =	sld [smem:$0x3FFE];
	[sflag:s23] =	ssyncadd.s32 $0xFFFFFFFF  }
0xa5: {  	s26 =	simm.s32 $execute0_lowered;
	[smem:$0x3FD2] =	sst s25  }
0xa6: {  	s5 =	sshll.u32 s26, $0x1;
	_ =	strace $0x80000046;
	[dreg:$0x1] =	wrdreg $0xFFFFFFFF  }
0xa7: {  	s28 =	simm.s32 $_size_execute0_lowered;
	s3 =	sadd.s32 s3, s5;
	[dreg:$0x0] =	wrdreg $0x0  }
0xa8: {  	s5 =	sshll.u32 s28, $0x1;
	[dreg:$0x2] =	wrdreg s3  }
0xa9: {  	[dreg:$0x3] =	wrdreg s5  }
0xaa: {  	[dreg:$0x4] =	wrdreg $0xC0  }
0xab: {  	_ =	task [dreg:s7], $0x5FFFF  }
0xac: {  	[dreg:$0x1] =	wrdreg $0xFFFFFFFF  }
0xad: {  	[dreg:$0x0] =	wrdreg $0x60  }
0xae: {  	[dreg:$0x2] =	wrdreg s24  }
0xaf: {  	[dreg:$0x3] =	wrdreg s2  }
0xb0: {  	[dreg:$0x4] =	wrdreg $0x9  }
0xb1: {  	_ =	task.clear_ibuf [dreg:s7], $0x5FFFF;
	_ =	strace $0x90000046  }
0xb2: {  	s29 =	simm.s32 $0x9;
	_ =	strace $0x80000048  }
0xb3: {  	_ =	swait.ge [sflag:s29], $0x1  }
0xb4: {  	[sflag:s29] =	ssyncadd.s32 $0xFFFFFFFF  }
0xb5: {  	_ =	strace $0x90000048  }
0xb6: {  	_ =	sfence  }
0xb7: {  	s30 =	sld [smem:$0x0];
	_ =	sdelay $0x2  }
0xb8: {  	s31 =	sshll.u32 s1, $0xD;
	s1 =	sshrl.u32 s1, $0x2  }
0xb9: {  	s3 =	sand.u32 $0x4000, s31;
	s1 =	sadd.s32 s1, s30  }
0xba: {  	s0 =	sor.u32 s3, s0;
	s1 =	sshll.u32 s1, $0x11  }
0xbb: {  	s0 =	sor.u32 s1, s0  }
0xbc: {  	s0 =	sadd.s32 $0x8F2B, s0  }
0xbd: {  	[sflag:s0] =	ssyncadd.remote.s32 $0x1  }
0xbe: {  	_ =	sfence.sel $0xFFFF  }
0xbf: {  	[dreg:$0x0] =	wrdreg $0xFFFFFFFF;
	(pc) =	sbr.abs _section_cstart, $3  }
0xc0: {  	[dreg:$0x1] =	wrdreg $0xFFFFFFFF  }
0xc1: {  	_ =	task.clear_ibuf [dreg:s7], $0x2FFFF;
	_ =	strace $0x9FFFFFFF  }
0xc2: {  	(tm) =	ssettm $0x7FFFFFFF  }
0xc3: {  	_ =	shalt  }
tec
execute0_lowered:
.L_overlay_start_1:
0x0: {  	(tag) =	ssettag $0x1  }
0x1: {  	s1 =	srdreg.scid;
	s4 =	rddreg [dreg:$0x0]  }
0x2: {  	s0 =	stileid.u32;
	s2 =	rddreg [dreg:$0x1]  }
0x3: {  	s3 =	simm.s32 $0x0;
	s9 =	simm.s32 $0x100;
	s10 =	simm.s32 $0x3  }
0x4: {  	s11 =	simm.s32 $0x2800;
	s12 =	simm.s32 $0x5000;
	s13 =	simm.s32 $0xD000  }
0x5: {  	s14 =	simm.s32 $0x9000;
	s15 =	simm.s32 $0x11000;
	s16 =	simm.s32 $0x1  }
0x6: {  	s17 =	simm.s32 $0x2;
	s5 =	sand.u32 $0x1, s1;
	s31 =	sshll.u32 s0, $0x1  }
0x7: {  	s18 =	simm.s32 $0x15000;
	s19 =	simm.s32 $0x0;
	s6 =	sor.u32 s5, s31  }
0x8: {  	s1 =	rddreg [dreg:$0x2];
	s5 =	ssub.s32 $0x2, s5;
	s7 =	smul.u32 $0xA00, s6  }
0x9: {  	v0 =	vlaneseq.u32;
	[smem:$0x7FF] =	sst s3;
	s6 =	smul.u32 $0x500, s6;
	s8 =	sshrl.u32 s5, $0x1  }
0xa: {  	v1 =	vmul.u32 $0x80, v0;
	_ =	strace $0x80000047;
	s8 =	ssub.s32 s5, s8;
	s7 =	sadd.s32 s7, s4  }
0xb: {  	s6 =	sadd.s32 s6, s4;
	s4 =	sadd.s32 $0x800, s7;
	s5 =	sadd.s32 $0x810, s7  }
0xc: {  	[tilespmem:$0x1FFF0] =	vst v1;
	s6 =	sadd.s32 $0x14800, s6;
	s7 =	smax.u32 s8, $0x1;
	s8 =	simm.s32 $0x80  }
.LBB2_1:
0xd: {  	[tilespmem:s3], [sflag:$0x3] =	stream.strided.gather [hbm4b:s4+s8], $0x2800, s9, s8, $0x38;
	[tilespmem:$0x17800] =	vst v63  }
0xe: {  	_ =	swait.ge [sflag:s10], $0x2800  }
0xf: {  	[sflag:s10] =	ssyncset.done $0x0  }
0x10: {  	[sflag:s10] =	ssyncadd.s32 $0xFFFFD800  }
0x11: {  	[tilespmem:s11], [sflag:$0x3] =	stream.strided.gather [hbm4b:s5+s8], $0x2800, s9, s8, $0x38;
	[tilespmem:$0x17800] =	vst v63  }
0x12: {  	_ =	swait.ge [sflag:s10], $0x2800  }
0x13: {  	[sflag:s10] =	ssyncset.done $0x0  }
0x14: {  	[sflag:s10] =	ssyncadd.s32 $0xFFFFD800  }
0x15: {  	[tilespmem:s12], [sflag:$0x1] =	stream.indirect.gather [hbm4b:s2+s8], $0x80, s3, s8, $0xb8;
	[tilespmem:$0x17800] =	vst v63  }
0x16: {  	s20 =	simm.s32 $0x15080;
	s21 =	simm.s32 $0x15000;
	s22 =	simm.s32 $0x0  }
0x17: {  	[tilespmem:s13], [sflag:$0x1] =	stream.indirect.gather [hbm4b:s2+s8], $0x80, s11, s8, $0xb8;
	[tilespmem:$0x17800] =	vst v63  }
.LBB2_2:
0x18: {  	s23 =	sshll.u32 s22, $0x8  }
0x19: {  	s30 =	simm.s32 $0x0;
	s24 =	sor.u32 $0x80, s23  }
0x1a: {  	[tilespmem:s14], [sflag:$0x2] =	stream.indirect.gather [hbm4b:s2+s8], $0x80, s24, s8, $0xb8;
	[tilespmem:$0x17800] =	vst v63  }
0x1b: {  	s23 =	sadd.s32 $0x2880, s23;
	v0 =	vmov s30  }
0x1c: {  	v0 =	vshll.u32 v0, $0x7;
	[tilespmem:s15], [sflag:$0x2] =	stream.indirect.gather [hbm4b:s2+s8], $0x80, s23, s8, $0xb8;
	[tilespmem:$0x17800] =	vst v63  }
0x1d: {  	v8 =	vor.u32 v1, v0;
	_ =	swait.ge [sflag:s16], $0x4000  }
0x1e: {  	v1 =	vor.u32 $0x7D, v8;
	[sflag:s16] =	ssyncset.done $0x0  }
0x1f: {  	[sflag:s16] =	ssyncadd.s32 $0xFFFFC000  }
0x20: {  	v2 =	vor.u32 $0x7E, v8;
	_ =	swait.ge [sflag:s16], $0x4000  }
0x21: {  	[sflag:s16] =	ssyncset.done $0x0  }
0x22: {  	v0 =	vor.u32 $0x7C, v8;
	[sflag:s16] =	ssyncadd.s32 $0xFFFFC000  }
0x23: {  	v6 =	vld.idx.msk [tilespmem:v1+s12+$0x0], $0xffff  }
0x24: {  	v9 =	vld.idx.msk [tilespmem:v1+s13+$0x0], $0xffff  }
0x25: {  	v1 =	vld.idx.msk [tilespmem:v2+s12+$0x0], $0xffff  }
0x26: {  	v3 =	vor.u32 $0x78, v8  }
0x27: {  	v4 =	vld.idx.msk [tilespmem:v0+s12+$0x0], $0xffff  }
0x28: {  	v7 =	vld.idx.msk [tilespmem:v0+s13+$0x0], $0xffff;
	v0 =	vor.u32 $0x79, v8;
	_ =	sdelay $0x1  }
0x29: {  	[tilespmem:$0x1F610] =	vst v1;
	v1 =	vor.u32 $0x7A, v8  }
0x2a: {  	v11 =	vld.idx.msk [tilespmem:v3+s12+$0x0], $0xffff  }
0x2b: {  	v13 =	vld.idx.msk [tilespmem:v3+s13+$0x0], $0xffff  }
0x2c: {  	v12 =	vld.idx.msk [tilespmem:v0+s12+$0x0], $0xffff  }
0x2d: {  	v3 =	vor.u32 $0x75, v8;
	v14 =	vld.idx.msk [tilespmem:v0+s13+$0x0], $0xffff  }
0x2e: {  	v0 =	vld.idx.msk [tilespmem:v1+s12+$0x0], $0xffff;
	_ =	sdelay $0x2  }
0x2f: {  	v2 =	vld.idx.msk [tilespmem:v2+s13+$0x0], $0xffff  }
0x30: {  	v30 =	vld.idx.msk [tilespmem:v3+s12+$0x0], $0xffff  }
0x31: {  	v3 =	vld.idx.msk [tilespmem:v3+s13+$0x0], $0xffff;
	[tilespmem:$0x1F5D0] =	vst v0;
	v0 =	vor.u32 $0x76, v8  }
0x32: {  	v1 =	vld.idx.msk [tilespmem:v1+s13+$0x0], $0xffff;
	_ =	sdelay $0x2  }
0x33: {  	[tilespmem:$0x1F620] =	vst v2;
	v2 =	vor.u32 $0x74, v8  }
0x34: {  	[tilespmem:$0x1EDE0] =	vst v3;
	v3 =	vld.idx.msk [tilespmem:v0+s12+$0x0], $0xffff  }
0x35: {  	[tilespmem:$0x1F5E0] =	vst v1;
	v1 =	vor.u32 $0x70, v8;
	v0 =	vld.idx.msk [tilespmem:v0+s13+$0x0], $0xffff;
	_ =	sdelay $0x2  }
0x36: {  	v15 =	vld.idx.msk [tilespmem:v2+s12+$0x0], $0xffff  }
0x37: {  	v33 =	vld.idx.msk [tilespmem:v2+s13+$0x0], $0xffff  }
0x38: {  	[tilespmem:$0x1F5A0] =	vst v0;
	v0 =	vld.idx.msk [tilespmem:v1+s12+$0x0], $0xffff  }
0x39: {  	v2 =	vor.u32 $0x71, v8;
	v1 =	vld.idx.msk [tilespmem:v1+s13+$0x0], $0xffff;
	_ =	sdelay $0x4  }
0x3a: {  	[tilespmem:$0x1EE00] =	vst v1;
	v1 =	vld.idx.msk [tilespmem:v2+s12+$0x0], $0xffff  }
0x3b: {  	[tilespmem:$0x1F590] =	vst v3;
	v3 =	vor.u32 $0x72, v8;
	v2 =	vld.idx.msk [tilespmem:v2+s13+$0x0], $0xffff;
	_ =	sdelay $0x4  }
0x3c: {  	[tilespmem:$0x1EE20] =	vst v2;
	v2 =	vld.idx.msk [tilespmem:v3+s12+$0x0], $0xffff  }
0x3d: {  	[tilespmem:$0x1EDF0] =	vst v0;
	v0 =	vor.u32 $0x6C, v8;
	v3 =	vld.idx.msk [tilespmem:v3+s13+$0x0], $0xffff;
	_ =	sdelay $0x4  }
0x3e: {  	[tilespmem:$0x1F560] =	vst v3;
	v3 =	vld.idx.msk [tilespmem:v0+s12+$0x0], $0xffff  }
0x3f: {  	[tilespmem:$0x1EE10] =	vst v1;
	v1 =	vor.u32 $0x6D, v8;
	v0 =	vld.idx.msk [tilespmem:v0+s13+$0x0], $0xffff;
	_ =	sdelay $0x4  }
0x40: {  	[tilespmem:$0x1EE40] =	vst v0;
	v0 =	vld.idx.msk [tilespmem:v1+s12+$0x0], $0xffff  }
0x41: {  	[tilespmem:$0x1F550] =	vst v2;
	v2 =	vor.u32 $0x6E, v8;
	v1 =	vld.idx.msk [tilespmem:v1+s13+$0x0], $0xffff;
	_ =	sdelay $0x4  }
0x42: {  	[tilespmem:$0x1EE60] =	vst v1;
	v1 =	vld.idx.msk [tilespmem:v2+s12+$0x0], $0xffff  }
0x43: {  	[tilespmem:$0x1EE30] =	vst v3;
	v3 =	vor.u32 $0x68, v8;
	v2 =	vld.idx.msk [tilespmem:v2+s13+$0x0], $0xffff;
	_ =	sdelay $0x4  }
0x44: {  	[tilespmem:$0x1F520] =	vst v2;
	v2 =	vld.idx.msk [tilespmem:v3+s12+$0x0], $0xffff  }
0x45: {  	[tilespmem:$0x1EE50] =	vst v0;
	v0 =	vor.u32 $0x69, v8;
	v3 =	vld.idx.msk [tilespmem:v3+s13+$0x0], $0xffff;
	_ =	sdelay $0x4  }
0x46: {  	[tilespmem:$0x1EE80] =	vst v3;
	v3 =	vld.idx.msk [tilespmem:v0+s12+$0x0], $0xffff  }
0x47: {  	[tilespmem:$0x1F510] =	vst v1;
	v1 =	vor.u32 $0x6A, v8;
	v0 =	vld.idx.msk [tilespmem:v0+s13+$0x0], $0xffff;
	_ =	sdelay $0x4  }
0x48: {  	[tilespmem:$0x1EEA0] =	vst v0;
	v0 =	vld.idx.msk [tilespmem:v1+s12+$0x0], $0xffff  }
0x49: {  	[tilespmem:$0x1EE70] =	vst v2;
	v2 =	vor.u32 $0x64, v8;
	v1 =	vld.idx.msk [tilespmem:v1+s13+$0x0], $0xffff;
	_ =	sdelay $0x4  }
0x4a: {  	[tilespmem:$0x1F4E0] =	vst v1;
	v1 =	vld.idx.msk [tilespmem:v2+s12+$0x0], $0xffff  }
0x4b: {  	[tilespmem:$0x1EE90] =	vst v3;
	v3 =	vor.u32 $0x65, v8;
	v2 =	vld.idx.msk [tilespmem:v2+s13+$0x0], $0xffff;
	_ =	sdelay $0x4  }
0x4c: {  	[tilespmem:$0x1EEC0] =	vst v2;
	v2 =	vld.idx.msk [tilespmem:v3+s12+$0x0], $0xffff  }
0x4d: {  	[tilespmem:$0x1F4D0] =	vst v0;
	v0 =	vor.u32 $0x66, v8;
	v3 =	vld.idx.msk [tilespmem:v3+s13+$0x0], $0xffff;
	_ =	sdelay $0x4  }
0x4e: {  	[tilespmem:$0x1EEE0] =	vst v3;
	v3 =	vld.idx.msk [tilespmem:v0+s12+$0x0], $0xffff  }
0x4f: {  	[tilespmem:$0x1EEB0] =	vst v1;
	v1 =	vor.u32 $0x60, v8;
	v0 =	vld.idx.msk [tilespmem:v0+s13+$0x0], $0xffff;
	_ =	sdelay $0x4  }
0x50: {  	[tilespmem:$0x1F4A0] =	vst v0;
	v0 =	vld.idx.msk [tilespmem:v1+s12+$0x0], $0xffff  }
0x51: {  	[tilespmem:$0x1EED0] =	vst v2;
	v2 =	vor.u32 $0x61, v8;
	v1 =	vld.idx.msk [tilespmem:v1+s13+$0x0], $0xffff;
	_ =	sdelay $0x4  }
0x52: {  	[tilespmem:$0x1EF00] =	vst v1;
	v1 =	vld.idx.msk [tilespmem:v2+s12+$0x0], $0xffff  }
0x53: {  	[tilespmem:$0x1F490] =	vst v3;
	v3 =	vor.u32 $0x62, v8;
	v2 =	vld.idx.msk [tilespmem:v2+s13+$0x0], $0xffff;
	_ =	sdelay $0x4  }
0x54: {  	[tilespmem:$0x1EF20] =	vst v2;
	v2 =	vld.idx.msk [tilespmem:v3+s12+$0x0], $0xffff  }
0x55: {  	[tilespmem:$0x1EEF0] =	vst v0;
	v0 =	vor.u32 $0x5C, v8;
	v3 =	vld.idx.msk [tilespmem:v3+s13+$0x0], $0xffff;
	_ =	sdelay $0x4  }
0x56: {  	[tilespmem:$0x1F460] =	vst v3;
	v3 =	vld.idx.msk [tilespmem:v0+s12+$0x0], $0xffff  }
0x57: {  	[tilespmem:$0x1EF10] =	vst v1;
	v1 =	vor.u32 $0x5D, v8;
	v0 =	vld.idx.msk [tilespmem:v0+s13+$0x0], $0xffff;
	_ =	sdelay $0x4  }
0x58: {  	[tilespmem:$0x1EF40] =	vst v0;
	v0 =	vld.idx.msk [tilespmem:v1+s12+$0x0], $0xffff  }
0x59: {  	[tilespmem:$0x1F450] =	vst v2;
	v2 =	vor.u32 $0x5E, v8;
	v1 =	vld.idx.msk [tilespmem:v1+s13+$0x0], $0xffff;
	_ =	sdelay $0x4  }
0x5a: {  	[tilespmem:$0x1EF60] =	vst v1;
	v1 =	vld.idx.msk [tilespmem:v2+s12+$0x0], $0xffff  }
0x5b: {  	[tilespmem:$0x1EF30] =	vst v3;
	v3 =	vor.u32 $0x58, v8;
	v2 =	vld.idx.msk [tilespmem:v2+s13+$0x0], $0xffff;
	_ =	sdelay $0x4  }
0x5c: {  	[tilespmem:$0x1F420] =	vst v2;
	v2 =	vld.idx.msk [tilespmem:v3+s12+$0x0], $0xffff  }
0x5d: {  	[tilespmem:$0x1EF50] =	vst v0;
	v0 =	vor.u32 $0x59, v8;
	v3 =	vld.idx.msk [tilespmem:v3+s13+$0x0], $0xffff;
	_ =	sdelay $0x4  }
0x5e: {  	[tilespmem:$0x1EF80] =	vst v3;
	v3 =	vld.idx.msk [tilespmem:v0+s12+$0x0], $0xffff  }
0x5f: {  	[tilespmem:$0x1F410] =	vst v1;
	v1 =	vor.u32 $0x5A, v8;
	v0 =	vld.idx.msk [tilespmem:v0+s13+$0x0], $0xffff;
	_ =	sdelay $0x4  }
0x60: {  	[tilespmem:$0x1EFA0] =	vst v0;
	v0 =	vld.idx.msk [tilespmem:v1+s12+$0x0], $0xffff  }
0x61: {  	[tilespmem:$0x1EF70] =	vst v2;
	v2 =	vor.u32 $0x54, v8;
	_ =	sdelay $0x3  }
0x62: {  	[tilespmem:$0x1F3D0] =	vst v0;
	v0 =	vld.idx.msk [tilespmem:v1+s13+$0x0], $0xffff  }
0x63: {  	v1 =	vld.idx.msk [tilespmem:v2+s12+$0x0], $0xffff  }
0x64: {  	[tilespmem:$0x1EF90] =	vst v3;
	v3 =	vor.u32 $0x55, v8;
	_ =	sdelay $0x3  }
0x65: {  	[tilespmem:$0x1EFB0] =	vst v1;
	v1 =	vld.idx.msk [tilespmem:v2+s13+$0x0], $0xffff  }
0x66: {  	v2 =	vld.idx.msk [tilespmem:v3+s12+$0x0], $0xffff  }
0x67: {  	[tilespmem:$0x1F3E0] =	vst v0;
	v0 =	vor.u32 $0x50, v8;
	_ =	sdelay $0x3  }
0x68: {  	[tilespmem:$0x1EFD0] =	vst v2;
	v2 =	vld.idx.msk [tilespmem:v3+s13+$0x0], $0xffff  }
0x69: {  	[tilespmem:$0x1EFC0] =	vst v1;
	v1 =	vor.u32 $0x51, v8;
	v3 =	vld.idx.msk [tilespmem:v0+s12+$0x0], $0xffff;
	_ =	sdelay $0x3  }
0x6a: {  	v0 =	vld.idx.msk [tilespmem:v0+s13+$0x0], $0xffff;
	[tilespmem:$0x1EFE0] =	vst v2  }
0x6b: {  	v2 =	vor.u32 $0x52, v8;
	[tilespmem:$0x1EFF0] =	vst v3;
	v3 =	vld.idx.msk [tilespmem:v1+s12+$0x0], $0xffff;
	_ =	sdelay $0x3  }
0x6c: {  	[tilespmem:$0x1F000] =	vst v0;
	v1 =	vld.idx.msk [tilespmem:v1+s13+$0x0], $0xffff  }
0x6d: {  	v0 =	vor.u32 $0x4C, v8;
	[tilespmem:$0x1F010] =	vst v3;
	v3 =	vld.idx.msk [tilespmem:v2+s12+$0x0], $0xffff;
	_ =	sdelay $0x3  }
0x6e: {  	[tilespmem:$0x1F020] =	vst v1;
	v2 =	vld.idx.msk [tilespmem:v2+s13+$0x0], $0xffff  }
0x6f: {  	v1 =	vor.u32 $0x4D, v8;
	[tilespmem:$0x1F370] =	vst v3;
	v3 =	vld.idx.msk [tilespmem:v0+s12+$0x0], $0xffff;
	_ =	sdelay $0x3  }
0x70: {  	[tilespmem:$0x1F380] =	vst v2;
	v0 =	vld.idx.msk [tilespmem:v0+s13+$0x0], $0xffff  }
0x71: {  	v2 =	vor.u32 $0x48, v8;
	[tilespmem:$0x1F030] =	vst v3;
	v3 =	vld.idx.msk [tilespmem:v1+s12+$0x0], $0xffff;
	_ =	sdelay $0x3  }
0x72: {  	[tilespmem:$0x1F040] =	vst v0;
	v1 =	vld.idx.msk [tilespmem:v1+s13+$0x0], $0xffff  }
0x73: {  	v0 =	vor.u32 $0x49, v8;
	[tilespmem:$0x1F050] =	vst v3;
	v3 =	vld.idx.msk [tilespmem:v2+s12+$0x0], $0xffff;
	_ =	sdelay $0x3  }
0x74: {  	[tilespmem:$0x1F060] =	vst v1;
	v2 =	vld.idx.msk [tilespmem:v2+s13+$0x0], $0xffff  }
0x75: {  	v1 =	vor.u32 $0x4A, v8;
	[tilespmem:$0x1F070] =	vst v3;
	v3 =	vld.idx.msk [tilespmem:v0+s12+$0x0], $0xffff;
	_ =	sdelay $0x3  }
0x76: {  	[tilespmem:$0x1F080] =	vst v2;
	v0 =	vld.idx.msk [tilespmem:v0+s13+$0x0], $0xffff  }
0x77: {  	v2 =	vor.u32 $0x44, v8;
	[tilespmem:$0x1F090] =	vst v3;
	v3 =	vld.idx.msk [tilespmem:v1+s12+$0x0], $0xffff;
	_ =	sdelay $0x3  }
0x78: {  	[tilespmem:$0x1F0A0] =	vst v0;
	v1 =	vld.idx.msk [tilespmem:v1+s13+$0x0], $0xffff  }
0x79: {  	v0 =	vor.u32 $0x45, v8;
	[tilespmem:$0x1F310] =	vst v3;
	v3 =	vld.idx.msk [tilespmem:v2+s12+$0x0], $0xffff;
	_ =	sdelay $0x3  }
0x7a: {  	[tilespmem:$0x1F320] =	vst v1;
	v2 =	vld.idx.msk [tilespmem:v2+s13+$0x0], $0xffff  }
0x7b: {  	v1 =	vor.u32 $0x46, v8;
	[tilespmem:$0x1F0B0] =	vst v3;
	v3 =	vld.idx.msk [tilespmem:v0+s12+$0x0], $0xffff;
	_ =	sdelay $0x3  }
0x7c: {  	[tilespmem:$0x1F0C0] =	vst v2;
	v0 =	vld.idx.msk [tilespmem:v0+s13+$0x0], $0xffff  }
0x7d: {  	v2 =	vor.u32 $0x40, v8;
	[tilespmem:$0x1F2A0] =	vst v3;
	v3 =	vld.idx.msk [tilespmem:v1+s12+$0x0], $0xffff;
	_ =	sdelay $0x3  }
0x7e: {  	[tilespmem:$0x1F2B0] =	vst v0;
	v1 =	vld.idx.msk [tilespmem:v1+s13+$0x0], $0xffff  }
0x7f: {  	v0 =	vor.u32 $0x41, v8;
	[tilespmem:$0x1F2E0] =	vst v3;
	v3 =	vld.idx.msk [tilespmem:v2+s12+$0x0], $0xffff;
	_ =	sdelay $0x3  }
0x80: {  	[tilespmem:$0x1F2F0] =	vst v1;
	v2 =	vld.idx.msk [tilespmem:v2+s13+$0x0], $0xffff  }
0x81: {  	v1 =	vor.u32 $0x42, v8;
	[tilespmem:$0x1F0D0] =	vst v3;
	v3 =	vld.idx.msk [tilespmem:v0+s12+$0x0], $0xffff;
	_ =	sdelay $0x3  }
0x82: {  	[tilespmem:$0x1F0E0] =	vst v2;
	v0 =	vld.idx.msk [tilespmem:v0+s13+$0x0], $0xffff  }
0x83: {  	v2 =	vor.u32 $0x3C, v8;
	[tilespmem:$0x1F0F0] =	vst v3;
	v3 =	vld.idx.msk [tilespmem:v1+s12+$0x0], $0xffff;
	_ =	sdelay $0x3  }
0x84: {  	[tilespmem:$0x1F100] =	vst v0  }
0x85: {  	v0 =	vor.u32 $0x3D, v8;
	[tilespmem:$0x1F280] =	vst v3;
	v3 =	vld.idx.msk [tilespmem:v2+s12+$0x0], $0xffff  }
0x86: {  	v1 =	vld.idx.msk [tilespmem:v1+s13+$0x0], $0xffff;
	_ =	sdelay $0x3  }
0x87: {  	[tilespmem:$0x1F110] =	vst v3;
	v3 =	vld.idx.msk [tilespmem:v0+s12+$0x0], $0xffff  }
0x88: {  	[tilespmem:$0x1F290] =	vst v1;
	v1 =	vor.u32 $0x38, v8;
	v0 =	vld.idx.msk [tilespmem:v0+s13+$0x0], $0xffff;
	_ =	sdelay $0x3  }
0x89: {  	[tilespmem:$0x1F140] =	vst v3  }
0x8a: {  	[tilespmem:$0x1F130] =	vst v0;
	v0 =	vor.u32 $0x3A, v8;
	v3 =	vld.idx.msk [tilespmem:v1+s12+$0x0], $0xffff;
	_ =	sdelay $0x4  }
0x8b: {  	[tilespmem:$0x1F150] =	vst v3;
	v3 =	vld.idx.msk [tilespmem:v0+s12+$0x0], $0xffff;
	_ =	sdelay $0x4  }
0x8c: {  	[tilespmem:$0x1F240] =	vst v3;
	v3 =	vmul.f32 v7, v4;
	_ =	sdelay $0x1  }
0x8d: {  	[tilespmem:$0x1F630] =	vst v3;
	v3 =	vmul.f32 v9, v6;
	_ =	sdelay $0x1  }
0x8e: {  	[tilespmem:$0x1F640] =	vst v3;
	v3 =	vmul.f32 v13, v11;
	_ =	sdelay $0x1  }
0x8f: {  	[tilespmem:$0x1F5F0] =	vst v3;
	v3 =	vmul.f32 v14, v12;
	_ =	sdelay $0x1  }
0x90: {  	[tilespmem:$0x1F600] =	vst v3;
	v3 =	vmul.f32 v33, v15;
	_ =	sdelay $0x1  }
0x91: {  	[tilespmem:$0x1F5B0] =	vst v3;
	v3 =	vld [tilespmem:$0x1EDE0];
	_ =	sdelay $0x4  }
0x92: {  	v3 =	vmul.f32 v3, v30  }
0x93: {  	v4 =	vld [tilespmem:$0x1EE00]  }
0x94: {  	[tilespmem:$0x1F5C0] =	vst v3;
	v3 =	vld [tilespmem:$0x1EDF0];
	_ =	sdelay $0x4  }
0x95: {  	v3 =	vmul.f32 v4, v3  }
0x96: {  	v4 =	vld [tilespmem:$0x1EE20]  }
0x97: {  	[tilespmem:$0x1F570] =	vst v3;
	v3 =	vld [tilespmem:$0x1EE10];
	_ =	sdelay $0x4  }
0x98: {  	v3 =	vmul.f32 v4, v3  }
0x99: {  	v4 =	vld [tilespmem:$0x1EE40]  }
0x9a: {  	[tilespmem:$0x1F580] =	vst v3;
	v3 =	vld [tilespmem:$0x1EE30]  }
0x9b: {  	v2 =	vld.idx.msk [tilespmem:v2+s13+$0x0], $0xffff;
	_ =	sdelay $0x3  }
0x9c: {  	v3 =	vmul.f32 v4, v3  }
0x9d: {  	[tilespmem:$0x1F120] =	vst v2;
	v2 =	vor.u32 $0x39, v8;
	v4 =	vld [tilespmem:$0x1EE60]  }
0x9e: {  	[tilespmem:$0x1F530] =	vst v3;
	v3 =	vld [tilespmem:$0x1EE50]  }
0x9f: {  	v0 =	vld.idx.msk [tilespmem:v0+s13+$0x0], $0xffff;
	_ =	sdelay $0x2  }
0xa0: {  	v61 =	vld.idx.msk [tilespmem:v2+s12+$0x0], $0xffff  }
0xa1: {  	v60 =	vld.idx.msk [tilespmem:v2+s13+$0x0], $0xffff;
	v2 =	vor.u32 $0x35, v8;
	v3 =	vmul.f32 v4, v3  }
0xa2: {  	[tilespmem:$0x1F250] =	vst v0;
	v4 =	vld [tilespmem:$0x1EE80]  }
0xa3: {  	v0 =	vor.u32 $0x36, v8;
	[tilespmem:$0x1F540] =	vst v3;
	v3 =	vld [tilespmem:$0x1EE70];
	_ =	sdelay $0x1  }
0xa4: {  	v63 =	vld.idx.msk [tilespmem:v1+s13+$0x0], $0xffff  }
0xa5: {  	v56 =	vld.idx.msk [tilespmem:v2+s12+$0x0], $0xffff  }
0xa6: {  	v55 =	vld.idx.msk [tilespmem:v2+s13+$0x0], $0xffff  }
0xa7: {  	v1 =	vor.u32 $0x34, v8;
	v2 =	vld.idx.msk [tilespmem:v0+s12+$0x0], $0xffff;
	v3 =	vmul.f32 v4, v3  }
0xa8: {  	v4 =	vld [tilespmem:$0x1EEA0]  }
0xa9: {  	v5 =	vor.u32 $0x31, v8;
	[tilespmem:$0x1F4F0] =	vst v3;
	v3 =	vld [tilespmem:$0x1EE90]  }
0xaa: {  	v0 =	vld.idx.msk [tilespmem:v0+s13+$0x0], $0xffff;
	_ =	sdelay $0x1  }
0xab: {  	v59 =	vld.idx.msk [tilespmem:v1+s12+$0x0], $0xffff  }
0xac: {  	v57 =	vld.idx.msk [tilespmem:v1+s13+$0x0], $0xffff;
	v1 =	vor.u32 $0x30, v8  }
0xad: {  	v52 =	vld.idx.msk [tilespmem:v5+s12+$0x0], $0xffff;
	v3 =	vmul.f32 v4, v3  }
0xae: {  	[tilespmem:$0x1F230] =	vst v0;
	v0 =	vor.u32 $0x32, v8;
	v4 =	vld [tilespmem:$0x1EEC0]  }
0xaf: {  	[tilespmem:$0x1F500] =	vst v3;
	v3 =	vld [tilespmem:$0x1EEB0]  }
0xb0: {  	v51 =	vld.idx.msk [tilespmem:v5+s13+$0x0], $0xffff  }
0xb1: {  	v54 =	vld.idx.msk [tilespmem:v1+s12+$0x0], $0xffff  }
0xb2: {  	v53 =	vld.idx.msk [tilespmem:v1+s13+$0x0], $0xffff  }
0xb3: {  	v1 =	vld.idx.msk [tilespmem:v0+s12+$0x0], $0xffff  }
0xb4: {  	v5 =	vor.u32 $0x2D, v8;
	v0 =	vld.idx.msk [tilespmem:v0+s13+$0x0], $0xffff;
	v3 =	vmul.f32 v4, v3  }
0xb5: {  	v4 =	vld [tilespmem:$0x1EEE0]  }
0xb6: {  	v42 =	vor.u32 $0x2E, v8;
	[tilespmem:$0x1F4B0] =	vst v3;
	v3 =	vld [tilespmem:$0x1EED0];
	_ =	sdelay $0x2  }
0xb7: {  	v48 =	vld.idx.msk [tilespmem:v5+s12+$0x0], $0xffff  }
0xb8: {  	v47 =	vld.idx.msk [tilespmem:v5+s13+$0x0], $0xffff  }
0xb9: {  	v5 =	vor.u32 $0x29, v8;
	[tilespmem:$0x1F210] =	vst v0;
	v0 =	vld.idx.msk [tilespmem:v42+s12+$0x0], $0xffff;
	v3 =	vmul.f32 v4, v3  }
0xba: {  	v4 =	vld [tilespmem:$0x1EF00]  }
0xbb: {  	[tilespmem:$0x1F4C0] =	vst v3;
	v3 =	vld [tilespmem:$0x1EEF0];
	_ =	sdelay $0x2  }
0xbc: {  	v44 =	vld.idx.msk [tilespmem:v5+s12+$0x0], $0xffff  }
0xbd: {  	v41 =	vld.idx.msk [tilespmem:v5+s13+$0x0], $0xffff  }
0xbe: {  	[tilespmem:$0x1F1E0] =	vst v0;
	v0 =	vld.idx.msk [tilespmem:v42+s13+$0x0], $0xffff;
	v3 =	vmul.f32 v4, v3  }
0xbf: {  	v4 =	vld [tilespmem:$0x1EF20]  }
0xc0: {  	v5 =	vor.u32 $0x26, v8;
	[tilespmem:$0x1F470] =	vst v3;
	v3 =	vld [tilespmem:$0x1EF10];
	_ =	sdelay $0x4  }
0xc1: {  	[tilespmem:$0x1F1F0] =	vst v0;
	v0 =	vld.idx.msk [tilespmem:v5+s12+$0x0], $0xffff;
	v3 =	vmul.f32 v4, v3  }
0xc2: {  	v4 =	vld [tilespmem:$0x1EF40]  }
0xc3: {  	[tilespmem:$0x1F480] =	vst v3;
	v3 =	vld [tilespmem:$0x1EF30];
	_ =	sdelay $0x4  }
0xc4: {  	v10 =	vor.u32 $0x2C, v8;
	[tilespmem:$0x1F1C0] =	vst v0;
	v0 =	vld.idx.msk [tilespmem:v5+s13+$0x0], $0xffff;
	v3 =	vmul.f32 v4, v3  }
0xc5: {  	v4 =	vld [tilespmem:$0x1EF60]  }
0xc6: {  	v5 =	vor.u32 $0x22, v8;
	[tilespmem:$0x1F430] =	vst v3;
	v3 =	vld [tilespmem:$0x1EF50];
	_ =	sdelay $0x2  }
0xc7: {  	v34 =	vor.u32 $0x24, v8;
	v50 =	vld.idx.msk [tilespmem:v10+s12+$0x0], $0xffff  }
0xc8: {  	v49 =	vld.idx.msk [tilespmem:v10+s13+$0x0], $0xffff  }
0xc9: {  	v10 =	vor.u32 $0x28, v8;
	[tilespmem:$0x1F1D0] =	vst v0;
	v0 =	vld.idx.msk [tilespmem:v5+s12+$0x0], $0xffff;
	v3 =	vmul.f32 v4, v3  }
0xca: {  	v4 =	vld [tilespmem:$0x1EF80]  }
0xcb: {  	[tilespmem:$0x1F440] =	vst v3;
	v3 =	vld [tilespmem:$0x1EF70]  }
0xcc: {  	v43 =	vld.idx.msk [tilespmem:v34+s12+$0x0], $0xffff  }
0xcd: {  	v40 =	vld.idx.msk [tilespmem:v34+s13+$0x0], $0xffff  }
0xce: {  	v35 =	vor.u32 $0x20, v8;
	v46 =	vld.idx.msk [tilespmem:v10+s12+$0x0], $0xffff  }
0xcf: {  	v45 =	vld.idx.msk [tilespmem:v10+s13+$0x0], $0xffff;
	v10 =	vor.u32 $0x25, v8  }
0xd0: {  	[tilespmem:$0x1F1A0] =	vst v0;
	v0 =	vld.idx.msk [tilespmem:v5+s13+$0x0], $0xffff;
	v5 =	vor.u32 $0x1E, v8;
	v3 =	vmul.f32 v4, v3  }
0xd1: {  	v4 =	vld [tilespmem:$0x1EFA0]  }
0xd2: {  	[tilespmem:$0x1F3F0] =	vst v3;
	v3 =	vld [tilespmem:$0x1EF90]  }
0xd3: {  	v37 =	vld.idx.msk [tilespmem:v35+s12+$0x0], $0xffff  }
0xd4: {  	v39 =	vld.idx.msk [tilespmem:v10+s12+$0x0], $0xffff  }
0xd5: {  	[tilespmem:$0x1F1B0] =	vst v0;
	v0 =	vld.idx.msk [tilespmem:v5+s12+$0x0], $0xffff  }
0xd6: {  	v38 =	vld.idx.msk [tilespmem:v10+s13+$0x0], $0xffff;
	v10 =	vor.u32 $0x21, v8  }
0xd7: {  	v36 =	vld.idx.msk [tilespmem:v35+s13+$0x0], $0xffff;
	v3 =	vmul.f32 v4, v3  }
0xd8: {  	v4 =	vld [tilespmem:$0x1EFC0]  }
0xd9: {  	[tilespmem:$0x1F400] =	vst v3;
	v3 =	vld [tilespmem:$0x1EFB0]  }
0xda: {  	[tilespmem:$0x1F180] =	vst v0;
	v0 =	vld.idx.msk [tilespmem:v5+s13+$0x0], $0xffff  }
0xdb: {  	v35 =	vld.idx.msk [tilespmem:v10+s12+$0x0], $0xffff  }
0xdc: {  	v34 =	vld.idx.msk [tilespmem:v10+s13+$0x0], $0xffff;
	v10 =	vor.u32 $0x1D, v8;
	_ =	sdelay $0x1  }
0xdd: {  	v5 =	vor.u32 $0x1A, v8;
	v3 =	vmul.f32 v4, v3  }
0xde: {  	[tilespmem:$0x1F190] =	vst v0;
	v0 =	vor.u32 $0x14, v8;
	v4 =	vld [tilespmem:$0x1EFE0]  }
0xdf: {  	[tilespmem:$0x1F3B0] =	vst v3;
	v3 =	vld [tilespmem:$0x1EFD0]  }
0xe0: {  	v29 =	vld.idx.msk [tilespmem:v10+s12+$0x0], $0xffff  }
0xe1: {  	v28 =	vld.idx.msk [tilespmem:v10+s13+$0x0], $0xffff  }
0xe2: {  	v10 =	vor.u32 $0x19, v8;
	[tilespmem:$0x1F200] =	vst v1;
	v1 =	vld.idx.msk [tilespmem:v5+s12+$0x0], $0xffff  }
0xe3: {  	v23 =	vld.idx.msk [tilespmem:v0+s12+$0x0], $0xffff  }
0xe4: {  	v22 =	vld.idx.msk [tilespmem:v0+s13+$0x0], $0xffff;
	v3 =	vmul.f32 v4, v3  }
0xe5: {  	v0 =	vor.u32 $0x11, v8;
	v4 =	vld [tilespmem:$0x1F000]  }
0xe6: {  	[tilespmem:$0x1F3C0] =	vst v3;
	v3 =	vld [tilespmem:$0x1EFF0]  }
0xe7: {  	v25 =	vld.idx.msk [tilespmem:v10+s12+$0x0], $0xffff  }
0xe8: {  	v24 =	vld.idx.msk [tilespmem:v10+s13+$0x0], $0xffff  }
0xe9: {  	v10 =	vor.u32 $0x15, v8;
	[tilespmem:$0x1F160] =	vst v1;
	v1 =	vld.idx.msk [tilespmem:v5+s13+$0x0], $0xffff  }
0xea: {  	v17 =	vld.idx.msk [tilespmem:v0+s12+$0x0], $0xffff  }
0xeb: {  	v16 =	vld.idx.msk [tilespmem:v0+s13+$0x0], $0xffff;
	v0 =	vor.u32 $0xD, v8;
	v3 =	vmul.f32 v4, v3  }
0xec: {  	v4 =	vld [tilespmem:$0x1F020]  }
0xed: {  	v5 =	vor.u32 $0x10, v8;
	[tilespmem:$0x1F390] =	vst v3;
	v3 =	vld [tilespmem:$0x1F010]  }
0xee: {  	v21 =	vld.idx.msk [tilespmem:v10+s12+$0x0], $0xffff  }
0xef: {  	v19 =	vld.idx.msk [tilespmem:v10+s13+$0x0], $0xffff  }
0xf0: {  	v12 =	vld.idx.msk [tilespmem:v0+s12+$0x0], $0xffff  }
0xf1: {  	v10 =	vld.idx.msk [tilespmem:v0+s13+$0x0], $0xffff;
	v0 =	vor.u32 $0x9, v8  }
0xf2: {  	v20 =	vld.idx.msk [tilespmem:v5+s12+$0x0], $0xffff;
	v3 =	vmul.f32 v4, v3  }
0xf3: {  	v4 =	vld [tilespmem:$0x1F040]  }
0xf4: {  	[tilespmem:$0x1F3A0] =	vst v3;
	v3 =	vld [tilespmem:$0x1F030]  }
0xf5: {  	v18 =	vld.idx.msk [tilespmem:v5+s13+$0x0], $0xffff  }
0xf6: {  	v6 =	vld.idx.msk [tilespmem:v0+s12+$0x0], $0xffff  }
0xf7: {  	v5 =	vld.idx.msk [tilespmem:v0+s13+$0x0], $0xffff  }
0xf8: {  	v0 =	vld [tilespmem:$0x1F050]  }
0xf9: {  	v3 =	vmul.f32 v4, v3;
	v4 =	vld [tilespmem:$0x1F060];
	_ =	sdelay $0x3  }
0xfa: {  	v58 =	vor.u32 $0x1C, v8  }
0xfb: {  	v0 =	vmul.f32 v4, v0  }
0xfc: {  	[tilespmem:$0x1F170] =	vst v1;
	v1 =	vor.u32 $0x12, v8;
	v4 =	vld [tilespmem:$0x1F080]  }
0xfd: {  	[tilespmem:$0x1F360] =	vst v0;
	v0 =	vld [tilespmem:$0x1F070];
	_ =	sdelay $0x1  }
0xfe: {  	v32 =	vld.idx.msk [tilespmem:v58+s12+$0x0], $0xffff  }
0xff: {  	v31 =	vld.idx.msk [tilespmem:v58+s13+$0x0], $0xffff  }
0x100: {  	v58 =	vld.idx.msk [tilespmem:v1+s12+$0x0], $0xffff  }
0x101: {  	v42 =	vld.idx.msk [tilespmem:v1+s13+$0x0], $0xffff;
	v1 =	vor.u32 $0xE, v8;
	v0 =	vmul.f32 v4, v0  }
0x102: {  	v4 =	vld [tilespmem:$0x1F0A0]  }
0x103: {  	[tilespmem:$0x1F330] =	vst v0;
	v0 =	vld [tilespmem:$0x1F090];
	_ =	sdelay $0x2  }
0x104: {  	v33 =	vld.idx.msk [tilespmem:v1+s12+$0x0], $0xffff  }
0x105: {  	v30 =	vld.idx.msk [tilespmem:v1+s13+$0x0], $0xffff;
	v1 =	vor.u32 $0xA, v8  }
0x106: {  	v0 =	vmul.f32 v4, v0  }
0x107: {  	v4 =	vld [tilespmem:$0x1F0C0]  }
0x108: {  	[tilespmem:$0x1F340] =	vst v0;
	v0 =	vld [tilespmem:$0x1F0B0];
	_ =	sdelay $0x1  }
0x109: {  	v13 =	vld.idx.msk [tilespmem:v1+s12+$0x0], $0xffff  }
0x10a: {  	v11 =	vld.idx.msk [tilespmem:v1+s13+$0x0], $0xffff  }
0x10b: {  	v1 =	vld [tilespmem:$0x1F0D0]  }
0x10c: {  	v0 =	vmul.f32 v4, v0;
	v4 =	vld [tilespmem:$0x1F0E0];
	_ =	sdelay $0x2  }
0x10d: {  	v62 =	vor.u32 $0x18, v8;
	_ =	sdelay $0x1  }
0x10e: {  	v1 =	vmul.f32 v4, v1  }
0x10f: {  	[tilespmem:$0x1F220] =	vst v2;
	v4 =	vld [tilespmem:$0x1F100]  }
0x110: {  	v2 =	vor.u32 $0xC, v8;
	[tilespmem:$0x1F2C0] =	vst v1;
	v1 =	vld [tilespmem:$0x1F0F0]  }
0x111: {  	v27 =	vld.idx.msk [tilespmem:v62+s12+$0x0], $0xffff  }
0x112: {  	v26 =	vld.idx.msk [tilespmem:v62+s13+$0x0], $0xffff  }
0x113: {  	v28 =	vmul.f32 v28, v29;
	v29 =	vld.idx.msk [tilespmem:v8+s12+$0x0], $0xffff;
	v57 =	vmul.f32 v57, v59;
	v59 =	vor.u32 $0x2, v8  }
0x114: {  	v62 =	vld [tilespmem:$0x1F120]  }
0x115: {  	v15 =	vld.idx.msk [tilespmem:v2+s12+$0x0], $0xffff;
	[tilespmem:$0x1F350] =	vst v3;
	v3 =	vor.u32 $0x5, v8;
	v1 =	vmul.f32 v4, v1  }
0x116: {  	v14 =	vld.idx.msk [tilespmem:v2+s13+$0x0], $0xffff  }
0x117: {  	v2 =	vor.u32 $0x8, v8;
	[tilespmem:$0x1F2D0] =	vst v1;
	v1 =	vld [tilespmem:$0x1F110]  }
0x118: {  	v24 =	vmul.f32 v24, v25;
	v25 =	vld.idx.msk [tilespmem:v59+s12+$0x0], $0xffff  }
0x119: {  	v19 =	vmul.f32 v19, v21;
	v21 =	vld.idx.msk [tilespmem:v59+s13+$0x0], $0xffff  }
0x11a: {  	v60 =	vmul.f32 v60, v61;
	v61 =	vld.idx.msk [tilespmem:v3+s12+$0x0], $0xffff  }
0x11b: {  	v55 =	vmul.f32 v55, v56;
	v56 =	vld.idx.msk [tilespmem:v3+s13+$0x0], $0xffff;
	v3 =	vmul.f32 v49, v50;
	v50 =	vor.u32 $0x7, v8  }
0x11c: {  	v9 =	vld.idx.msk [tilespmem:v2+s12+$0x0], $0xffff;
	[tilespmem:$0x1F300] =	vst v0;
	v0 =	vor.u32 $0x6, v8;
	v1 =	vmul.f32 v62, v1  }
0x11d: {  	v62 =	vld [tilespmem:$0x1F140]  }
0x11e: {  	[tilespmem:$0x1F260] =	vst v1;
	v1 =	vld [tilespmem:$0x1F130]  }
0x11f: {  	v7 =	vld.idx.msk [tilespmem:v2+s13+$0x0], $0xffff;
	v2 =	vor.u32 $0x4, v8  }
0x120: {  	v5 =	vmul.f32 v5, v6;
	v6 =	vld.idx.msk [tilespmem:v50+s12+$0x0], $0xffff  }
0x121: {  	v51 =	vmul.f32 v51, v52;
	v52 =	vld.idx.msk [tilespmem:v0+s12+$0x0], $0xffff  }
0x122: {  	v53 =	vmul.f32 v53, v54;
	v54 =	vld.idx.msk [tilespmem:v0+s13+$0x0], $0xffff  }
0x123: {  	v0 =	vmul.f32 v45, v46;
	v45 =	vor.u32 $0x3, v8;
	v46 =	vld.idx.msk [tilespmem:v8+s13+$0x0], $0xffff;
	v1 =	vmul.f32 v1, v62  }
0x124: {  	v4 =	vld.idx.msk [tilespmem:v2+s12+$0x0], $0xffff  }
0x125: {  	v62 =	vld [tilespmem:$0x1F150];
	[tilespmem:$0x1F270] =	vst v1;
	v1 =	vor.u32 $0x1, v8  }
0x126: {  	v2 =	vld.idx.msk [tilespmem:v2+s13+$0x0], $0xffff  }
0x127: {  	v7 =	vmul.f32 v7, v9;
	v22 =	vmul.f32 v22, v23;
	v23 =	vor.u32 $0xB, v8;
	v9 =	vld.idx.msk [tilespmem:v50+s13+$0x0], $0xffff  }
0x128: {  	v16 =	vmul.f32 v16, v17;
	v17 =	vld.idx.msk [tilespmem:v45+s12+$0x0], $0xffff  }
0x129: {  	v14 =	vmul.f32 v14, v15;
	v15 =	vor.u32 $0xF, v8;
	v10 =	vmul.f32 v10, v12;
	v12 =	vld.idx.msk [tilespmem:v45+s13+$0x0], $0xffff  }
0x12a: {  	v18 =	vmul.f32 v18, v20;
	v63 =	vmul.f32 v63, v62;
	v62 =	vld.idx.msk [tilespmem:v1+s12+$0x0], $0xffff  }
0x12b: {  	v20 =	vor.u32 $0x13, v8;
	v2 =	vmul.f32 v2, v4;
	v4 =	vmul.f32 v46, v29;
	v1 =	vld.idx.msk [tilespmem:v1+s13+$0x0], $0xffff  }
0x12c: {  	v29 =	vld.idx.msk [tilespmem:v23+s12+$0x0], $0xffff  }
0x12d: {  	v21 =	vmul.f32 v21, v25;
	v6 =	vmul.f32 v9, v6;
	v23 =	vld.idx.msk [tilespmem:v23+s13+$0x0], $0xffff;
	v4 =	vadd.f32 $0.0e+00, v4  }
0x12e: {  	v25 =	vor.u32 $0x16, v8;
	v12 =	vmul.f32 v12, v17;
	v17 =	vmul.f32 v54, v52;
	v54 =	vld.idx.msk [tilespmem:v15+s12+$0x0], $0xffff  }
0x12f: {  	v9 =	vadd.f32 $0.0e+00, v21;
	v2 =	vadd.f32 v2, v4;
	v4 =	vld.idx.msk [tilespmem:v15+s13+$0x0], $0xffff;
	v15 =	vor.u32 $0x17, v8  }
0x130: {  	v11 =	vmul.f32 v11, v13;
	v13 =	vld.idx.msk [tilespmem:v20+s13+$0x0], $0xffff;
	v1 =	vmul.f32 v1, v62  }
0x131: {  	v21 =	vld.idx.msk [tilespmem:v20+s12+$0x0], $0xffff;
	v20 =	vor.u32 $0x1B, v8;
	v12 =	vadd.f32 $0.0e+00, v12;
	v9 =	vadd.f32 v17, v9  }
0x132: {  	v26 =	vmul.f32 v26, v27;
	v27 =	vmul.f32 v56, v61;
	v1 =	vadd.f32 $0.0e+00, v1  }
0x133: {  	v17 =	vld.idx.msk [tilespmem:v25+s12+$0x0], $0xffff;
	v6 =	vadd.f32 v6, v12;
	v9 =	vadd.f32 v11, v9;
	v12 =	vmul.f32 v23, v29  }
0x134: {  	v2 =	vadd.f32 v7, v2;
	v7 =	vor.u32 $0x1F, v8;
	v11 =	vld.idx.msk [tilespmem:v15+s12+$0x0], $0xffff;
	v1 =	vadd.f32 v27, v1  }
0x135: {  	v23 =	vmul.f32 v30, v33;
	v6 =	vadd.f32 v12, v6;
	v4 =	vmul.f32 v4, v54;
	v12 =	vld.idx.msk [tilespmem:v15+s13+$0x0], $0xffff  }
0x136: {  	v2 =	vadd.f32 v14, v2;
	v14 =	vor.u32 $0x23, v8;
	v15 =	vld.idx.msk [tilespmem:v20+s12+$0x0], $0xffff;
	v1 =	vadd.f32 v5, v1  }
0x137: {  	v4 =	vadd.f32 v4, v6;
	v6 =	vmul.f32 v13, v21;
	v13 =	vld.idx.msk [tilespmem:v20+s13+$0x0], $0xffff  }
0x138: {  	v9 =	vadd.f32 v23, v9;
	v5 =	vld.idx.msk [tilespmem:v25+s13+$0x0], $0xffff;
	v1 =	vadd.f32 v10, v1  }
0x139: {  	v20 =	vor.u32 $0x27, v8;
	v4 =	vadd.f32 v6, v4;
	v6 =	vld.idx.msk [tilespmem:v7+s13+$0x0], $0xffff;
	v10 =	vmul.f32 v42, v58  }
0x13a: {  	v1 =	vadd.f32 v16, v1;
	v16 =	vld.idx.msk [tilespmem:v7+s12+$0x0], $0xffff  }
0x13b: {  	v9 =	vadd.f32 v10, v9;
	v10 =	vmul.f32 v12, v11;
	v11 =	vld.idx.msk [tilespmem:v14+s12+$0x0], $0xffff  }
0x13c: {  	v12 =	vld [tilespmem:$0x1F160]  }
0x13d: {  	v5 =	vmul.f32 v5, v17;
	v17 =	vld [tilespmem:$0x1F170]  }
0x13e: {  	v4 =	vadd.f32 v10, v4;
	v10 =	vmul.f32 v13, v15;
	v13 =	vld.idx.msk [tilespmem:v20+s12+$0x0], $0xffff  }
0x13f: {  	v7 =	vor.u32 $0x2A, v8;
	v15 =	vld [tilespmem:$0x1F180]  }
0x140: {  	v1 =	vadd.f32 v19, v1;
	v19 =	vld [tilespmem:$0x1F1B0]  }
0x141: {  	v5 =	vadd.f32 v5, v9;
	v9 =	vld.idx.msk [tilespmem:v14+s13+$0x0], $0xffff;
	v14 =	vor.u32 $0x2B, v8  }
0x142: {  	v12 =	vmul.f32 v17, v12;
	v17 =	vld [tilespmem:$0x1F190]  }
0x143: {  	v2 =	vadd.f32 v18, v2;
	v6 =	vmul.f32 v6, v16;
	v16 =	vld [tilespmem:$0x1F1A0]  }
0x144: {  	v4 =	vadd.f32 v10, v4;
	v10 =	vld.idx.msk [tilespmem:v7+s12+$0x0], $0xffff  }
0x145: {  	v2 =	vadd.f32 v22, v2;
	v7 =	vld.idx.msk [tilespmem:v7+s13+$0x0], $0xffff  }
0x146: {  	v4 =	vadd.f32 v6, v4;
	v5 =	vadd.f32 v12, v5;
	v6 =	vld.idx.msk [tilespmem:v14+s12+$0x0], $0xffff  }
0x147: {  	v12 =	vor.u32 $0x33, v8;
	v9 =	vmul.f32 v9, v11;
	v11 =	vld.idx.msk [tilespmem:v14+s13+$0x0], $0xffff;
	v15 =	vmul.f32 v17, v15  }
0x148: {  	v31 =	vmul.f32 v31, v32;
	v16 =	vmul.f32 v19, v16;
	v19 =	vld [tilespmem:$0x1F1D0]  }
0x149: {  	v18 =	vor.u32 $0x2F, v8;
	v2 =	vadd.f32 v26, v2;
	v5 =	vadd.f32 v15, v5;
	v15 =	vld [tilespmem:$0x1F1C0]  }
0x14a: {  	v17 =	vld.idx.msk [tilespmem:v20+s13+$0x0], $0xffff  }
0x14b: {  	v36 =	vmul.f32 v36, v37;
	v2 =	vadd.f32 v31, v2  }
0x14c: {  	v14 =	vor.u32 $0x37, v8;
	v7 =	vmul.f32 v7, v10;
	v10 =	vld.idx.msk [tilespmem:v12+s12+$0x0], $0xffff  }
0x14d: {  	v40 =	vmul.f32 v40, v43;
	v2 =	vadd.f32 v36, v2;
	v6 =	vmul.f32 v11, v6;
	v11 =	vld [tilespmem:$0x1F1E0]  }
0x14e: {  	v5 =	vadd.f32 v16, v5;
	v16 =	vld.idx.msk [tilespmem:v18+s12+$0x0], $0xffff;
	v15 =	vmul.f32 v19, v15  }
0x14f: {  	v2 =	vadd.f32 v40, v2;
	v4 =	vadd.f32 v9, v4;
	v9 =	vmul.f32 v17, v13;
	v13 =	vld.idx.msk [tilespmem:v18+s13+$0x0], $0xffff  }
0x150: {  	v5 =	vadd.f32 v15, v5;
	v15 =	vld [tilespmem:$0x1F1F0]  }
0x151: {  	v0 =	vadd.f32 v0, v2;
	v2 =	vld.idx.msk [tilespmem:v14+s12+$0x0], $0xffff;
	v17 =	vor.u32 $0x3B, v8  }
0x152: {  	v4 =	vadd.f32 v9, v4;
	v9 =	vld.idx.msk [tilespmem:v12+s13+$0x0], $0xffff;
	v12 =	vor.u32 $0x3E, v8  }
0x153: {  	v5 =	vadd.f32 v7, v5;
	v7 =	vld.idx.msk [tilespmem:v14+s13+$0x0], $0xffff  }
0x154: {  	v4 =	vadd.f32 v6, v4;
	v6 =	vmul.f32 v13, v16;
	v13 =	vld [tilespmem:$0x1F200]  }
0x155: {  	v11 =	vmul.f32 v15, v11;
	v15 =	vld [tilespmem:$0x1F210]  }
0x156: {  	v0 =	vadd.f32 v3, v0;
	v3 =	vld.idx.msk [tilespmem:v17+s12+$0x0], $0xffff  }
0x157: {  	v4 =	vadd.f32 v6, v4;
	v6 =	vmul.f32 v9, v10;
	v9 =	vld.idx.msk [tilespmem:v12+s12+$0x0], $0xffff  }
0x158: {  	v14 =	vor.u32 $0x3F, v8;
	v10 =	vld.idx.msk [tilespmem:v12+s13+$0x0], $0xffff  }
0x159: {  	v12 =	vld [tilespmem:$0x1F220]  }
0x15a: {  	v13 =	vmul.f32 v15, v13;
	v15 =	vld.idx.msk [tilespmem:v17+s13+$0x0], $0xffff  }
0x15b: {  	v17 =	vld [tilespmem:$0x1F230];
	_ =	sdelay $0x1  }
0x15c: {  	v4 =	vadd.f32 v6, v4;
	v6 =	vld.idx.msk [tilespmem:v14+s12+$0x0], $0xffff  }
0x15d: {  	v2 =	vmul.f32 v7, v2;
	v7 =	vld.idx.msk [tilespmem:v14+s13+$0x0], $0xffff  }
0x15e: {  	v16 =	vor.u32 $0x43, v8;
	v14 =	vld [tilespmem:$0x1F240]  }
0x15f: {  	v12 =	vmul.f32 v17, v12;
	v17 =	vld [tilespmem:$0x1F250]  }
0x160: {  	v5 =	vadd.f32 v11, v5;
	_ =	sdelay $0x1  }
0x161: {  	v5 =	vadd.f32 v13, v5  }
0x162: {  	v2 =	vadd.f32 v2, v4;
	v4 =	vld.idx.msk [tilespmem:v16+s13+$0x0], $0xffff  }
0x163: {  	v5 =	vadd.f32 v12, v5;
	v12 =	vld.idx.msk [tilespmem:v16+s12+$0x0], $0xffff;
	v14 =	vmul.f32 v17, v14  }
0x164: {  	v16 =	vld [tilespmem:$0x1F290]  }
0x165: {  	v1 =	vadd.f32 v24, v1;
	v5 =	vadd.f32 v14, v5;
	v14 =	vld [tilespmem:$0x1F280];
	_ =	sdelay $0x1  }
0x166: {  	v34 =	vmul.f32 v34, v35;
	v1 =	vadd.f32 v28, v1;
	_ =	sdelay $0x1  }
0x167: {  	v38 =	vmul.f32 v38, v39;
	v1 =	vadd.f32 v34, v1;
	v17 =	vld [tilespmem:$0x1F2B0]  }
0x168: {  	v14 =	vmul.f32 v16, v14;
	v16 =	vld [tilespmem:$0x1F2A0]  }
0x169: {  	v41 =	vmul.f32 v41, v44;
	v1 =	vadd.f32 v38, v1  }
0x16a: {  	v0 =	vadd.f32 v53, v0;
	v11 =	vor.u32 $0x47, v8  }
0x16b: {  	v47 =	vmul.f32 v47, v48;
	v1 =	vadd.f32 v41, v1;
	v6 =	vmul.f32 v7, v6;
	v7 =	vld [tilespmem:$0x1F260]  }
0x16c: {  	v0 =	vadd.f32 v57, v0  }
0x16d: {  	v1 =	vadd.f32 v47, v1;
	v16 =	vmul.f32 v17, v16;
	v17 =	vld [tilespmem:$0x1F2C0]  }
0x16e: {  	v0 =	vadd.f32 v63, v0  }
0x16f: {  	v1 =	vadd.f32 v51, v1;
	v9 =	vmul.f32 v10, v9;
	v10 =	vld.idx.msk [tilespmem:v11+s12+$0x0], $0xffff;
	v3 =	vmul.f32 v15, v3  }
0x170: {  	v15 =	vor.u32 $0x4E, v8;
	v0 =	vadd.f32 v7, v0;
	v7 =	vld [tilespmem:$0x1F270]  }
0x171: {  	v1 =	vadd.f32 v55, v1;
	v2 =	vadd.f32 v3, v2;
	v3 =	vld.idx.msk [tilespmem:v11+s13+$0x0], $0xffff  }
0x172: {  	v0 =	vadd.f32 v17, v0;
	v17 =	vld [tilespmem:$0x1F2D0]  }
0x173: {  	v1 =	vadd.f32 v60, v1  }
0x174: {  	v18 =	vld [tilespmem:$0x1F2F0];
	v13 =	vor.u32 $0x4B, v8  }
0x175: {  	v2 =	vadd.f32 v6, v2;
	v6 =	vld.idx.msk [tilespmem:v15+s12+$0x0], $0xffff;
	v1 =	vadd.f32 v7, v1  }
0x176: {  	v11 =	vor.u32 $0x4F, v8;
	v3 =	vmul.f32 v3, v10;
	v10 =	vld [tilespmem:$0x1F300]  }
0x177: {  	v1 =	vadd.f32 v17, v1;
	v17 =	vld [tilespmem:$0x1F2E0]  }
0x178: {  	v15 =	vld.idx.msk [tilespmem:v15+s13+$0x0], $0xffff  }
0x179: {  	v7 =	vld.idx.msk [tilespmem:v13+s12+$0x0], $0xffff;
	v4 =	vmul.f32 v4, v12;
	v5 =	vadd.f32 v9, v5  }
0x17a: {  	v12 =	vor.u32 $0x53, v8;
	v9 =	vld.idx.msk [tilespmem:v13+s13+$0x0], $0xffff  }
0x17b: {  	v2 =	vadd.f32 v4, v2;
	v4 =	vld.idx.msk [tilespmem:v11+s12+$0x0], $0xffff;
	v5 =	vadd.f32 v14, v5  }
0x17c: {  	v0 =	vadd.f32 v10, v0;
	v10 =	vld.idx.msk [tilespmem:v11+s13+$0x0], $0xffff;
	v11 =	vor.u32 $0x57, v8;
	v17 =	vmul.f32 v18, v17  }
0x17d: {  	v6 =	vmul.f32 v15, v6;
	v15 =	vld [tilespmem:$0x1F350]  }
0x17e: {  	v5 =	vadd.f32 v17, v5;
	v17 =	vld [tilespmem:$0x1F330]  }
0x17f: {  	v2 =	vadd.f32 v3, v2;
	v3 =	vmul.f32 v9, v7;
	v9 =	vld.idx.msk [tilespmem:v12+s12+$0x0], $0xffff  }
0x180: {  	v12 =	vld.idx.msk [tilespmem:v12+s13+$0x0], $0xffff  }
0x181: {  	v4 =	vmul.f32 v10, v4;
	v10 =	vld.idx.msk [tilespmem:v11+s12+$0x0], $0xffff  }
0x182: {  	v11 =	vld.idx.msk [tilespmem:v11+s13+$0x0], $0xffff  }
0x183: {  	v2 =	vadd.f32 v3, v2;
	v0 =	vadd.f32 v17, v0;
	v17 =	vld [tilespmem:$0x1F340]  }
0x184: {  	v20 =	vld [tilespmem:$0x1F390]  }
0x185: {  	v14 =	vld [tilespmem:$0x1F310];
	v9 =	vmul.f32 v12, v9;
	v2 =	vadd.f32 v4, v2  }
0x186: {  	v13 =	vor.u32 $0x56, v8;
	v1 =	vadd.f32 v16, v1;
	v16 =	vld [tilespmem:$0x1F320]  }
0x187: {  	v2 =	vadd.f32 v9, v2;
	v9 =	vmul.f32 v11, v10;
	v11 =	vld [tilespmem:$0x1F3B0]  }
0x188: {  	v0 =	vadd.f32 v15, v0;
	v1 =	vadd.f32 v17, v1;
	v17 =	vld [tilespmem:$0x1F360]  }
0x189: {  	v19 =	vld [tilespmem:$0x1F380]  }
0x18a: {  	v21 =	vld [tilespmem:$0x1F3A0];
	v7 =	vor.u32 $0x5B, v8;
	v0 =	vadd.f32 v20, v0  }
0x18b: {  	v14 =	vmul.f32 v16, v14;
	v16 =	vld.idx.msk [tilespmem:v13+s12+$0x0], $0xffff  }
0x18c: {  	v0 =	vadd.f32 v11, v0;
	v11 =	vld [tilespmem:$0x1F3C0]  }
0x18d: {  	v13 =	vld.idx.msk [tilespmem:v13+s13+$0x0], $0xffff;
	v5 =	vadd.f32 v14, v5;
	v1 =	vadd.f32 v17, v1;
	v17 =	vor.u32 $0x63, v8  }
0x18e: {  	v18 =	vld [tilespmem:$0x1F370]  }
0x18f: {  	v5 =	vadd.f32 v6, v5;
	v6 =	vld.idx.msk [tilespmem:v7+s12+$0x0], $0xffff;
	v1 =	vadd.f32 v21, v1  }
0x190: {  	v7 =	vld.idx.msk [tilespmem:v7+s13+$0x0], $0xffff  }
0x191: {  	v1 =	vadd.f32 v11, v1;
	v11 =	vld [tilespmem:$0x1F3D0]  }
0x192: {  	v13 =	vmul.f32 v13, v16;
	v16 =	vld.idx.msk [tilespmem:v17+s12+$0x0], $0xffff  }
0x193: {  	v10 =	vld.idx.msk [tilespmem:v17+s13+$0x0], $0xffff  }
0x194: {  	v17 =	vld [tilespmem:$0x1F3E0]  }
0x195: {  	v14 =	vor.u32 $0x5F, v8;
	v18 =	vmul.f32 v19, v18;
	_ =	sdelay $0x1  }
0x196: {  	v5 =	vadd.f32 v18, v5  }
0x197: {  	v6 =	vmul.f32 v7, v6;
	v7 =	vld [tilespmem:$0x1F3F0]  }
0x198: {  	v5 =	vadd.f32 v13, v5;
	v11 =	vmul.f32 v17, v11  }
0x199: {  	v20 =	vld.idx.msk [tilespmem:v14+s12+$0x0], $0xffff  }
0x19a: {  	v5 =	vadd.f32 v11, v5;
	v11 =	vld [tilespmem:$0x1F430]  }
0x19b: {  	v14 =	vld.idx.msk [tilespmem:v14+s13+$0x0], $0xffff  }
0x19c: {  	v0 =	vadd.f32 v7, v0;
	v7 =	vld [tilespmem:$0x1F400]  }
0x19d: {  	v4 =	vor.u32 $0x67, v8  }
0x19e: {  	v3 =	vor.u32 $0x77, v8;
	v2 =	vadd.f32 v9, v2;
	v9 =	vld [tilespmem:$0x1F420]  }
0x19f: {  	v12 =	vor.u32 $0x6F, v8;
	v19 =	vor.u32 $0x7F, v8;
	v0 =	vadd.f32 v11, v0;
	v11 =	vld [tilespmem:$0x1F440]  }
0x1a0: {  	v15 =	vor.u32 $0x7B, v8;
	v13 =	vld [tilespmem:$0x1F460];
	v2 =	vadd.f32 v6, v2;
	v6 =	vmul.f32 v14, v20  }
0x1a1: {  	v21 =	vor.u32 $0x73, v8;
	v8 =	vor.u32 $0x6B, v8;
	v1 =	vadd.f32 v7, v1;
	v7 =	vld [tilespmem:$0x1F410]  }
0x1a2: {  	v17 =	vld.idx.msk [tilespmem:v4+s12+$0x0], $0xffff  }
0x1a3: {  	v2 =	vadd.f32 v6, v2;
	v6 =	vmul.f32 v10, v16;
	v10 =	vld [tilespmem:$0x1F470]  }
0x1a4: {  	v1 =	vadd.f32 v11, v1;
	v11 =	vld [tilespmem:$0x1F450]  }
0x1a5: {  	v4 =	vld.idx.msk [tilespmem:v4+s13+$0x0], $0xffff  }
0x1a6: {  	v7 =	vmul.f32 v9, v7;
	v9 =	vld.idx.msk [tilespmem:v8+s12+$0x0], $0xffff  }
0x1a7: {  	v8 =	vld.idx.msk [tilespmem:v8+s13+$0x0], $0xffff  }
0x1a8: {  	v0 =	vadd.f32 v10, v0;
	v10 =	vld [tilespmem:$0x1F480]  }
0x1a9: {  	v14 =	vld [tilespmem:$0x1F4E0];
	v5 =	vadd.f32 v7, v5;
	v11 =	vmul.f32 v13, v11  }
0x1aa: {  	v2 =	vadd.f32 v6, v2;
	v7 =	vld.idx.msk [tilespmem:v12+s13+$0x0], $0xffff;
	v4 =	vmul.f32 v4, v17  }
0x1ab: {  	v5 =	vadd.f32 v11, v5;
	v11 =	vld [tilespmem:$0x1F4B0]  }
0x1ac: {  	v2 =	vadd.f32 v4, v2;
	v4 =	vmul.f32 v8, v9;
	v8 =	vld [tilespmem:$0x1F4F0]  }
0x1ad: {  	v1 =	vadd.f32 v10, v1;
	v10 =	vld [tilespmem:$0x1F490]  }
0x1ae: {  	v13 =	vld.idx.msk [tilespmem:v12+s12+$0x0], $0xffff  }
0x1af: {  	v12 =	vld [tilespmem:$0x1F4A0]  }
0x1b0: {  	v0 =	vadd.f32 v11, v0;
	v11 =	vld [tilespmem:$0x1F4C0]  }
0x1b1: {  	v6 =	vld.idx.msk [tilespmem:v21+s13+$0x0], $0xffff  }
0x1b2: {  	v0 =	vadd.f32 v8, v0;
	v8 =	vld [tilespmem:$0x1F500]  }
0x1b3: {  	v9 =	vld [tilespmem:$0x1F520]  }
0x1b4: {  	v10 =	vmul.f32 v12, v10;
	v12 =	vld.idx.msk [tilespmem:v21+s12+$0x0], $0xffff  }
0x1b5: {  	v1 =	vadd.f32 v11, v1;
	v11 =	vld [tilespmem:$0x1F4D0]  }
0x1b6: {  	v5 =	vadd.f32 v10, v5;
	v10 =	vld [tilespmem:$0x1F530]  }
0x1b7: {  	v1 =	vadd.f32 v8, v1;
	v8 =	vld [tilespmem:$0x1F510]  }
0x1b8: {  	v2 =	vadd.f32 v4, v2;
	v4 =	vmul.f32 v7, v13  }
0x1b9: {  	v7 =	vld.idx.msk [tilespmem:v15+s13+$0x0], $0xffff  }
0x1ba: {  	v2 =	vadd.f32 v4, v2;
	v4 =	vmul.f32 v6, v12;
	v6 =	vld.idx.msk [tilespmem:v19+s13+$0x0], $0xffff;
	v11 =	vmul.f32 v14, v11  }
0x1bb: {  	v0 =	vadd.f32 v10, v0;
	v10 =	vld [tilespmem:$0x1F540]  }
0x1bc: {  	v14 =	vld.idx.msk [tilespmem:v3+s12+$0x0], $0xffff;
	v8 =	vmul.f32 v9, v8;
	v5 =	vadd.f32 v11, v5  }
0x1bd: {  	v3 =	vld.idx.msk [tilespmem:v3+s13+$0x0], $0xffff  }
0x1be: {  	v5 =	vadd.f32 v8, v5;
	v8 =	vld [tilespmem:$0x1F570]  }
0x1bf: {  	v9 =	vld.idx.msk [tilespmem:v15+s12+$0x0], $0xffff  }
0x1c0: {  	v1 =	vadd.f32 v10, v1;
	v10 =	vld [tilespmem:$0x1F550]  }
0x1c1: {  	v11 =	vld [tilespmem:$0x1F560]  }
0x1c2: {  	v2 =	vadd.f32 v4, v2;
	v4 =	vld [tilespmem:$0x1F5B0];
	v3 =	vmul.f32 v3, v14  }
0x1c3: {  	v0 =	vadd.f32 v8, v0;
	v8 =	vld [tilespmem:$0x1F580]  }
0x1c4: {  	v2 =	vadd.f32 v3, v2;
	v3 =	vmul.f32 v7, v9;
	v7 =	vld [tilespmem:$0x1F5F0]  }
0x1c5: {  	v12 =	vld [tilespmem:$0x1F5A0]  }
0x1c6: {  	v10 =	vmul.f32 v11, v10;
	v11 =	vld.idx.msk [tilespmem:v19+s12+$0x0], $0xffff  }
0x1c7: {  	v0 =	vadd.f32 v4, v0;
	v4 =	vld [tilespmem:$0x1F5C0]  }
0x1c8: {  	v1 =	vadd.f32 v8, v1;
	v8 =	vld [tilespmem:$0x1F590]  }
0x1c9: {  	v0 =	vadd.f32 v7, v0;
	v7 =	vld [tilespmem:$0x1F600];
	_ =	sdelay $0x1  }
0x1ca: {  	v5 =	vadd.f32 v10, v5;
	v10 =	vld [tilespmem:$0x1F5E0]  }
0x1cb: {  	v2 =	vadd.f32 v3, v2;
	v3 =	vmul.f32 v6, v11;
	v6 =	vld [tilespmem:$0x1F630];
	v1 =	vadd.f32 v4, v1  }
0x1cc: {  	v4 =	vld [tilespmem:$0x1F5D0];
	v8 =	vmul.f32 v12, v8  }
0x1cd: {  	v1 =	vadd.f32 v7, v1;
	v7 =	vld [tilespmem:$0x1F610]  }
0x1ce: {  	v5 =	vadd.f32 v8, v5;
	v8 =	vld [tilespmem:$0x1F620];
	_ =	sdelay $0x1  }
0x1cf: {  	v0 =	vadd.f32 v6, v0;
	v6 =	vld [tilespmem:$0x1F640]  }
0x1d0: {  	v2 =	vadd.f32 v3, v2;
	v3 =	vld [tilespmem:$0x1FFF0];
	v4 =	vmul.f32 v10, v4;
	_ =	sdelay $0x1  }
0x1d1: {  	s31 =	simm.s32 $0x10;
	v4 =	vadd.f32 v4, v5;
	v7 =	vmul.f32 v8, v7  }
0x1d2: {  	v5 =	vmov s31  }
0x1d3: {  	v1 =	vadd.f32 v6, v1;
	v5 =	vshll.u32 v5, $0x7;
	v4 =	vadd.f32 v7, v4  }
0x1d4: {  	v23 =	vor.u32 v3, v5  }
0x1d5: {  	v0 =	vadd.f32 v1, v0;
	v1 =	vadd.f32 v2, v4;
	v2 =	vor.u32 $0x7D, v23;
	_ =	sdelay $0x1  }
0x1d6: {  	v0 =	vadd.f32 v1, v0;
	v1 =	vor.u32 $0x7E, v23;
	_ =	sdelay $0x1  }
0x1d7: {  	[tilespmem:s21+$0x0] =	vst v0  }
0x1d8: {  	v46 =	vld.idx.msk [tilespmem:v2+s12+$0x0], $0xffff  }
0x1d9: {  	v3 =	vor.u32 $0x7C, v23;
	v56 =	vld.idx.msk [tilespmem:v2+s13+$0x0], $0xffff  }
0x1da: {  	v2 =	vld.idx.msk [tilespmem:v1+s12+$0x0], $0xffff  }
0x1db: {  	v0 =	vor.u32 $0x78, v23;
	v1 =	vld.idx.msk [tilespmem:v1+s13+$0x0], $0xffff;
	_ =	sdelay $0x2  }
0x1dc: {  	v11 =	vld.idx.msk [tilespmem:v3+s12+$0x0], $0xffff  }
0x1dd: {  	v12 =	vld.idx.msk [tilespmem:v3+s13+$0x0], $0xffff  }
0x1de: {  	[tilespmem:$0x1F660] =	vst v1;
	v1 =	vld.idx.msk [tilespmem:v0+s12+$0x0], $0xffff  }
0x1df: {  	v3 =	vor.u32 $0x79, v23;
	v0 =	vld.idx.msk [tilespmem:v0+s13+$0x0], $0xffff;
	_ =	sdelay $0x4  }
0x1e0: {  	[tilespmem:$0x1FA00] =	vst v0;
	v0 =	vld.idx.msk [tilespmem:v3+s12+$0x0], $0xffff  }
0x1e1: {  	[tilespmem:$0x1F650] =	vst v2;
	v2 =	vor.u32 $0x7A, v23;
	v3 =	vld.idx.msk [tilespmem:v3+s13+$0x0], $0xffff;
	_ =	sdelay $0x4  }
0x1e2: {  	[tilespmem:$0x1FA30] =	vst v3;
	v3 =	vld.idx.msk [tilespmem:v2+s12+$0x0], $0xffff  }
0x1e3: {  	[tilespmem:$0x1F9F0] =	vst v1;
	v1 =	vor.u32 $0x74, v23;
	v2 =	vld.idx.msk [tilespmem:v2+s13+$0x0], $0xffff;
	_ =	sdelay $0x3  }
0x1e4: {  	[tilespmem:$0x1FA20] =	vst v0  }
0x1e5: {  	v0 =	vor.u32 $0x75, v23;
	[tilespmem:$0x1F680] =	vst v2;
	v2 =	vld.idx.msk [tilespmem:v1+s12+$0x0], $0xffff  }
0x1e6: {  	v1 =	vld.idx.msk [tilespmem:v1+s13+$0x0], $0xffff  }
0x1e7: {  	[tilespmem:$0x1F670] =	vst v3;
	v3 =	vor.u32 $0x76, v23;
	_ =	sdelay $0x2  }
0x1e8: {  	v27 =	vld.idx.msk [tilespmem:v0+s13+$0x0], $0xffff  }
0x1e9: {  	[tilespmem:$0x1FA70] =	vst v1;
	v1 =	vld.idx.msk [tilespmem:v0+s12+$0x0], $0xffff  }
0x1ea: {  	v0 =	vld.idx.msk [tilespmem:v3+s12+$0x0], $0xffff  }
0x1eb: {  	[tilespmem:$0x1FA60] =	vst v2;
	v2 =	vor.u32 $0x70, v23;
	v3 =	vld.idx.msk [tilespmem:v3+s13+$0x0], $0xffff;
	_ =	sdelay $0x4  }
0x1ec: {  	[tilespmem:$0x1F6A0] =	vst v3;
	v3 =	vld.idx.msk [tilespmem:v2+s12+$0x0], $0xffff  }
0x1ed: {  	[tilespmem:$0x1FA90] =	vst v1;
	v1 =	vor.u32 $0x71, v23;
	v2 =	vld.idx.msk [tilespmem:v2+s13+$0x0], $0xffff;
	_ =	sdelay $0x1  }
0x1ee: {  	[tilespmem:$0x1F690] =	vst v0;
	v0 =	vor.u32 $0x72, v23;
	_ =	sdelay $0x2  }
0x1ef: {  	[tilespmem:$0x1FAC0] =	vst v2;
	v2 =	vld.idx.msk [tilespmem:v1+s12+$0x0], $0xffff  }
0x1f0: {  	v28 =	vld.idx.msk [tilespmem:v1+s13+$0x0], $0xffff  }
0x1f1: {  	v1 =	vld.idx.msk [tilespmem:v0+s12+$0x0], $0xffff  }
0x1f2: {  	[tilespmem:$0x1FAB0] =	vst v3;
	v3 =	vor.u32 $0x6C, v23;
	v0 =	vld.idx.msk [tilespmem:v0+s13+$0x0], $0xffff;
	_ =	sdelay $0x4  }
0x1f3: {  	[tilespmem:$0x1F6C0] =	vst v0;
	v0 =	vld.idx.msk [tilespmem:v3+s12+$0x0], $0xffff  }
0x1f4: {  	[tilespmem:$0x1FAE0] =	vst v2;
	v2 =	vor.u32 $0x6D, v23;
	v3 =	vld.idx.msk [tilespmem:v3+s13+$0x0], $0xffff;
	_ =	sdelay $0x1  }
0x1f5: {  	[tilespmem:$0x1F6B0] =	vst v1;
	v1 =	vor.u32 $0x6E, v23;
	_ =	sdelay $0x2  }
0x1f6: {  	[tilespmem:$0x1FB10] =	vst v3;
	v3 =	vld.idx.msk [tilespmem:v2+s12+$0x0], $0xffff  }
0x1f7: {  	v29 =	vld.idx.msk [tilespmem:v2+s13+$0x0], $0xffff  }
0x1f8: {  	v2 =	vld.idx.msk [tilespmem:v1+s12+$0x0], $0xffff  }
0x1f9: {  	[tilespmem:$0x1FB00] =	vst v0;
	v0 =	vor.u32 $0x68, v23;
	v1 =	vld.idx.msk [tilespmem:v1+s13+$0x0], $0xffff;
	_ =	sdelay $0x4  }
0x1fa: {  	[tilespmem:$0x1F6E0] =	vst v1;
	v1 =	vld.idx.msk [tilespmem:v0+s12+$0x0], $0xffff  }
0x1fb: {  	[tilespmem:$0x1FB30] =	vst v3;
	v3 =	vor.u32 $0x69, v23;
	v0 =	vld.idx.msk [tilespmem:v0+s13+$0x0], $0xffff;
	_ =	sdelay $0x1  }
0x1fc: {  	[tilespmem:$0x1F6D0] =	vst v2;
	v2 =	vor.u32 $0x6A, v23;
	_ =	sdelay $0x2  }
0x1fd: {  	[tilespmem:$0x1FB60] =	vst v0;
	v0 =	vld.idx.msk [tilespmem:v3+s12+$0x0], $0xffff  }
0x1fe: {  	v30 =	vld.idx.msk [tilespmem:v3+s13+$0x0], $0xffff  }
0x1ff: {  	v3 =	vld.idx.msk [tilespmem:v2+s12+$0x0], $0xffff  }
0x200: {  	[tilespmem:$0x1FB50] =	vst v1;
	v1 =	vor.u32 $0x64, v23;
	v2 =	vld.idx.msk [tilespmem:v2+s13+$0x0], $0xffff;
	_ =	sdelay $0x3  }
0x201: {  	[tilespmem:$0x1F6F0] =	vst v3  }
0x202: {  	v3 =	vor.u32 $0x66, v23;
	[tilespmem:$0x1F700] =	vst v2;
	v2 =	vld.idx.msk [tilespmem:v1+s12+$0x0], $0xffff;
	_ =	sdelay $0x2  }
0x203: {  	[tilespmem:$0x1FB80] =	vst v0;
	v0 =	vor.u32 $0x65, v23;
	v1 =	vld.idx.msk [tilespmem:v1+s13+$0x0], $0xffff;
	_ =	sdelay $0x1  }
0x204: {  	v4 =	vor.u32 $0x60, v23;
	[tilespmem:$0x1FBA0] =	vst v2;
	v2 =	vld.idx.msk [tilespmem:v3+s13+$0x0], $0xffff;
	_ =	sdelay $0x2  }
0x205: {  	[tilespmem:$0x1FBB0] =	vst v1;
	v1 =	vld.idx.msk [tilespmem:v0+s12+$0x0], $0xffff  }
0x206: {  	v0 =	vld.idx.msk [tilespmem:v0+s13+$0x0], $0xffff  }
0x207: {  	[tilespmem:$0x1F720] =	vst v2;
	v2 =	vld.idx.msk [tilespmem:v4+s12+$0x0], $0xffff;
	_ =	sdelay $0x2  }
0x208: {  	[tilespmem:$0x1FBD0] =	vst v1  }
0x209: {  	[tilespmem:$0x1FBE0] =	vst v0;
	v0 =	vld.idx.msk [tilespmem:v3+s12+$0x0], $0xffff  }
0x20a: {  	v1 =	vor.u32 $0x61, v23;
	[tilespmem:$0x1FC00] =	vst v2;
	v2 =	vld.idx.msk [tilespmem:v4+s13+$0x0], $0xffff;
	_ =	sdelay $0x3  }
0x20b: {  	[tilespmem:$0x1F710] =	vst v0;
	v0 =	vor.u32 $0x62, v23  }
0x20c: {  	v3 =	vor.u32 $0x5C, v23;
	[tilespmem:$0x1FC10] =	vst v2;
	v2 =	vld.idx.msk [tilespmem:v1+s12+$0x0], $0xffff;
	_ =	sdelay $0x2  }
0x20d: {  	v8 =	vld.idx.msk [tilespmem:v1+s13+$0x0], $0xffff  }
0x20e: {  	v1 =	vld.idx.msk [tilespmem:v0+s12+$0x0], $0xffff  }
0x20f: {  	v4 =	vor.u32 $0x5D, v23;
	[tilespmem:$0x1FC30] =	vst v2;
	v2 =	vld.idx.msk [tilespmem:v3+s13+$0x0], $0xffff  }
0x210: {  	v0 =	vld.idx.msk [tilespmem:v0+s13+$0x0], $0xffff;
	_ =	sdelay $0x2  }
0x211: {  	[tilespmem:$0x1F730] =	vst v1  }
0x212: {  	v1 =	vor.u32 $0x5E, v23;
	[tilespmem:$0x1FC60] =	vst v2;
	v2 =	vld.idx.msk [tilespmem:v4+s12+$0x0], $0xffff  }
0x213: {  	[tilespmem:$0x1F740] =	vst v0;
	v0 =	vld.idx.msk [tilespmem:v3+s12+$0x0], $0xffff;
	_ =	sdelay $0x3  }
0x214: {  	[tilespmem:$0x1FC80] =	vst v2;
	v2 =	vld.idx.msk [tilespmem:v1+s12+$0x0], $0xffff  }
0x215: {  	[tilespmem:$0x1FC50] =	vst v0;
	v0 =	vor.u32 $0x58, v23;
	v1 =	vld.idx.msk [tilespmem:v1+s13+$0x0], $0xffff;
	_ =	sdelay $0x1  }
0x216: {  	v9 =	vld.idx.msk [tilespmem:v4+s13+$0x0], $0xffff;
	v4 =	vor.u32 $0x5A, v23;
	_ =	sdelay $0x2  }
0x217: {  	[tilespmem:$0x1F760] =	vst v1;
	v1 =	vld.idx.msk [tilespmem:v0+s12+$0x0], $0xffff  }
0x218: {  	v3 =	vor.u32 $0x59, v23;
	v0 =	vld.idx.msk [tilespmem:v0+s13+$0x0], $0xffff  }
0x219: {  	[tilespmem:$0x1F750] =	vst v2;
	v2 =	vld.idx.msk [tilespmem:v4+s12+$0x0], $0xffff;
	_ =	sdelay $0x2  }
0x21a: {  	[tilespmem:$0x1FCA0] =	vst v1  }
0x21b: {  	[tilespmem:$0x1FCB0] =	vst v0;
	v0 =	vld.idx.msk [tilespmem:v3+s12+$0x0], $0xffff  }
0x21c: {  	v1 =	vor.u32 $0x54, v23;
	[tilespmem:$0x1F770] =	vst v2;
	v2 =	vld.idx.msk [tilespmem:v4+s13+$0x0], $0xffff;
	_ =	sdelay $0x3  }
0x21d: {  	[tilespmem:$0x1FCD0] =	vst v0  }
0x21e: {  	v0 =	vor.u32 $0x55, v23;
	[tilespmem:$0x1F780] =	vst v2;
	v2 =	vld.idx.msk [tilespmem:v1+s12+$0x0], $0xffff;
	_ =	sdelay $0x3  }
0x21f: {  	v32 =	vld.idx.msk [tilespmem:v3+s13+$0x0], $0xffff  }
0x220: {  	v3 =	vor.u32 $0x56, v23;
	[tilespmem:$0x1FCF0] =	vst v2;
	v2 =	vld.idx.msk [tilespmem:v0+s12+$0x0], $0xffff;
	_ =	sdelay $0x3  }
0x221: {  	v1 =	vld.idx.msk [tilespmem:v1+s13+$0x0], $0xffff  }
0x222: {  	[tilespmem:$0x1FD20] =	vst v2;
	v2 =	vld.idx.msk [tilespmem:v3+s12+$0x0], $0xffff;
	_ =	sdelay $0x3  }
0x223: {  	[tilespmem:$0x1FD00] =	vst v1  }
0x224: {  	v1 =	vor.u32 $0x50, v23;
	[tilespmem:$0x1F790] =	vst v2;
	v2 =	vld.idx.msk [tilespmem:v3+s13+$0x0], $0xffff;
	_ =	sdelay $0x3  }
0x225: {  	v33 =	vld.idx.msk [tilespmem:v0+s13+$0x0], $0xffff  }
0x226: {  	v0 =	vor.u32 $0x51, v23;
	[tilespmem:$0x1F7A0] =	vst v2;
	v2 =	vld.idx.msk [tilespmem:v1+s12+$0x0], $0xffff;
	_ =	sdelay $0x4  }
0x227: {  	v3 =	vor.u32 $0x52, v23;
	[tilespmem:$0x1FD40] =	vst v2;
	v2 =	vld.idx.msk [tilespmem:v0+s12+$0x0], $0xffff;
	_ =	sdelay $0x3  }
0x228: {  	v1 =	vld.idx.msk [tilespmem:v1+s13+$0x0], $0xffff  }
0x229: {  	[tilespmem:$0x1FD70] =	vst v2;
	v2 =	vld.idx.msk [tilespmem:v3+s12+$0x0], $0xffff;
	_ =	sdelay $0x3  }
0x22a: {  	[tilespmem:$0x1FD50] =	vst v1  }
0x22b: {  	v1 =	vor.u32 $0x4C, v23;
	[tilespmem:$0x1F7B0] =	vst v2;
	v2 =	vld.idx.msk [tilespmem:v3+s13+$0x0], $0xffff;
	_ =	sdelay $0x3  }
0x22c: {  	v34 =	vld.idx.msk [tilespmem:v0+s13+$0x0], $0xffff  }
0x22d: {  	v0 =	vor.u32 $0x4D, v23;
	[tilespmem:$0x1F7C0] =	vst v2;
	v2 =	vld.idx.msk [tilespmem:v1+s12+$0x0], $0xffff;
	_ =	sdelay $0x4  }
0x22e: {  	v4 =	vor.u32 $0x4E, v23;
	[tilespmem:$0x1FD90] =	vst v2;
	v2 =	vld.idx.msk [tilespmem:v0+s12+$0x0], $0xffff;
	_ =	sdelay $0x3  }
0x22f: {  	v1 =	vld.idx.msk [tilespmem:v1+s13+$0x0], $0xffff  }
0x230: {  	[tilespmem:$0x1FDC0] =	vst v2;
	v2 =	vld.idx.msk [tilespmem:v4+s12+$0x0], $0xffff;
	_ =	sdelay $0x3  }
0x231: {  	[tilespmem:$0x1FDA0] =	vst v1;
	v0 =	vld.idx.msk [tilespmem:v0+s13+$0x0], $0xffff  }
0x232: {  	v1 =	vor.u32 $0x48, v23;
	[tilespmem:$0x1F7D0] =	vst v2;
	v2 =	vld.idx.msk [tilespmem:v4+s13+$0x0], $0xffff;
	_ =	sdelay $0x3  }
0x233: {  	[tilespmem:$0x1FDD0] =	vst v0  }
0x234: {  	v0 =	vor.u32 $0x49, v23;
	[tilespmem:$0x1F7E0] =	vst v2;
	v2 =	vld.idx.msk [tilespmem:v1+s12+$0x0], $0xffff;
	_ =	sdelay $0x4  }
0x235: {  	v5 =	vor.u32 $0x4A, v23;
	[tilespmem:$0x1FDF0] =	vst v2;
	v2 =	vld.idx.msk [tilespmem:v0+s12+$0x0], $0xffff;
	_ =	sdelay $0x3  }
0x236: {  	v1 =	vld.idx.msk [tilespmem:v1+s13+$0x0], $0xffff  }
0x237: {  	[tilespmem:$0x1FE20] =	vst v2;
	v2 =	vld.idx.msk [tilespmem:v5+s12+$0x0], $0xffff;
	_ =	sdelay $0x3  }
0x238: {  	[tilespmem:$0x1FE00] =	vst v1;
	v0 =	vld.idx.msk [tilespmem:v0+s13+$0x0], $0xffff  }
0x239: {  	v1 =	vor.u32 $0x44, v23;
	[tilespmem:$0x1F7F0] =	vst v2;
	v2 =	vld.idx.msk [tilespmem:v5+s13+$0x0], $0xffff;
	_ =	sdelay $0x3  }
0x23a: {  	[tilespmem:$0x1FE30] =	vst v0  }
0x23b: {  	v0 =	vor.u32 $0x45, v23;
	[tilespmem:$0x1F800] =	vst v2;
	v2 =	vld.idx.msk [tilespmem:v1+s12+$0x0], $0xffff;
	_ =	sdelay $0x4  }
0x23c: {  	v5 =	vor.u32 $0x46, v23;
	[tilespmem:$0x1FE50] =	vst v2;
	v2 =	vld.idx.msk [tilespmem:v0+s12+$0x0], $0xffff;
	_ =	sdelay $0x4  }
0x23d: {  	[tilespmem:$0x1FE80] =	vst v2;
	v2 =	vld.idx.msk [tilespmem:v5+s12+$0x0], $0xffff;
	_ =	sdelay $0x4  }
0x23e: {  	[tilespmem:$0x1F810] =	vst v2;
	v2 =	vld.idx.msk [tilespmem:v5+s13+$0x0], $0xffff;
	v5 =	vor.u32 $0x42, v23;
	_ =	sdelay $0x4  }
0x23f: {  	[tilespmem:$0x1F820] =	vst v2;
	v2 =	vld.idx.msk [tilespmem:v5+s12+$0x0], $0xffff;
	_ =	sdelay $0x3  }
0x240: {  	v1 =	vld.idx.msk [tilespmem:v1+s13+$0x0], $0xffff  }
0x241: {  	[tilespmem:$0x1F830] =	vst v2;
	v2 =	vld.idx.msk [tilespmem:v5+s13+$0x0], $0xffff;
	v5 =	vor.u32 $0x3E, v23;
	_ =	sdelay $0x3  }
0x242: {  	[tilespmem:$0x1FE60] =	vst v1;
	v1 =	vor.u32 $0x40, v23  }
0x243: {  	[tilespmem:$0x1F840] =	vst v2;
	v2 =	vld.idx.msk [tilespmem:v5+s12+$0x0], $0xffff;
	_ =	sdelay $0x3  }
0x244: {  	v58 =	vld.idx.msk [tilespmem:v1+s12+$0x0], $0xffff  }
0x245: {  	[tilespmem:$0x1F850] =	vst v2;
	v2 =	vld.idx.msk [tilespmem:v5+s13+$0x0], $0xffff;
	v5 =	vor.u32 $0x3A, v23  }
0x246: {  	v50 =	vld.idx.msk [tilespmem:v1+s13+$0x0], $0xffff;
	v1 =	vor.u32 $0x3C, v23;
	_ =	sdelay $0x3  }
0x247: {  	[tilespmem:$0x1F860] =	vst v2;
	v2 =	vld.idx.msk [tilespmem:v5+s12+$0x0], $0xffff  }
0x248: {  	v47 =	vld.idx.msk [tilespmem:v1+s12+$0x0], $0xffff  }
0x249: {  	v43 =	vld.idx.msk [tilespmem:v1+s13+$0x0], $0xffff;
	v1 =	vor.u32 $0x38, v23;
	_ =	sdelay $0x2  }
0x24a: {  	[tilespmem:$0x1F870] =	vst v2;
	v2 =	vld.idx.msk [tilespmem:v5+s13+$0x0], $0xffff;
	v5 =	vor.u32 $0x36, v23;
	_ =	sdelay $0x1  }
0x24b: {  	v42 =	vld.idx.msk [tilespmem:v1+s12+$0x0], $0xffff  }
0x24c: {  	v41 =	vld.idx.msk [tilespmem:v1+s13+$0x0], $0xffff;
	v1 =	vor.u32 $0x34, v23;
	_ =	sdelay $0x1  }
0x24d: {  	[tilespmem:$0x1F880] =	vst v2;
	v2 =	vld.idx.msk [tilespmem:v5+s12+$0x0], $0xffff;
	_ =	sdelay $0x2  }
0x24e: {  	v35 =	vld.idx.msk [tilespmem:v1+s12+$0x0], $0xffff  }
0x24f: {  	v31 =	vld.idx.msk [tilespmem:v1+s13+$0x0], $0xffff  }
0x250: {  	v1 =	vor.u32 $0x30, v23;
	[tilespmem:$0x1F890] =	vst v2;
	v2 =	vld.idx.msk [tilespmem:v5+s13+$0x0], $0xffff;
	_ =	sdelay $0x4  }
0x251: {  	v5 =	vor.u32 $0x32, v23;
	[tilespmem:$0x1F8A0] =	vst v2;
	v2 =	vld.idx.msk [tilespmem:v1+s12+$0x0], $0xffff;
	_ =	sdelay $0x3  }
0x252: {  	v1 =	vld.idx.msk [tilespmem:v1+s13+$0x0], $0xffff  }
0x253: {  	[tilespmem:$0x1F8B0] =	vst v2;
	v2 =	vld.idx.msk [tilespmem:v5+s12+$0x0], $0xffff;
	_ =	sdelay $0x3  }
0x254: {  	[tilespmem:$0x1F8C0] =	vst v1  }
0x255: {  	v1 =	vor.u32 $0x2C, v23;
	[tilespmem:$0x1F8D0] =	vst v2;
	v2 =	vld.idx.msk [tilespmem:v5+s13+$0x0], $0xffff;
	_ =	sdelay $0x4  }
0x256: {  	v5 =	vor.u32 $0x2E, v23;
	[tilespmem:$0x1F8E0] =	vst v2;
	v2 =	vld.idx.msk [tilespmem:v1+s12+$0x0], $0xffff;
	_ =	sdelay $0x4  }
0x257: {  	[tilespmem:$0x1F8F0] =	vst v2;
	v2 =	vld.idx.msk [tilespmem:v5+s12+$0x0], $0xffff;
	_ =	sdelay $0x4  }
0x258: {  	v10 =	vor.u32 $0x26, v23;
	[tilespmem:$0x1F900] =	vst v2;
	v2 =	vld.idx.msk [tilespmem:v5+s13+$0x0], $0xffff;
	_ =	sdelay $0x4  }
0x259: {  	[tilespmem:$0x1F910] =	vst v2;
	v2 =	vld.idx.msk [tilespmem:v10+s12+$0x0], $0xffff;
	_ =	sdelay $0x4  }
0x25a: {  	v15 =	vor.u32 $0x22, v23;
	[tilespmem:$0x1F940] =	vst v2;
	v2 =	vld.idx.msk [tilespmem:v10+s13+$0x0], $0xffff;
	_ =	sdelay $0x4  }
0x25b: {  	[tilespmem:$0x1F950] =	vst v2;
	v2 =	vld.idx.msk [tilespmem:v15+s12+$0x0], $0xffff;
	_ =	sdelay $0x4  }
0x25c: {  	v19 =	vor.u32 $0x1E, v23;
	[tilespmem:$0x1F960] =	vst v2;
	v2 =	vld.idx.msk [tilespmem:v15+s13+$0x0], $0xffff;
	_ =	sdelay $0x4  }
0x25d: {  	[tilespmem:$0x1F970] =	vst v2;
	v2 =	vld.idx.msk [tilespmem:v19+s12+$0x0], $0xffff;
	_ =	sdelay $0x4  }
0x25e: {  	v24 =	vor.u32 $0x1A, v23;
	[tilespmem:$0x1F980] =	vst v2;
	v2 =	vld.idx.msk [tilespmem:v19+s13+$0x0], $0xffff;
	_ =	sdelay $0x4  }
0x25f: {  	[tilespmem:$0x1F990] =	vst v2;
	v2 =	vld.idx.msk [tilespmem:v24+s12+$0x0], $0xffff;
	_ =	sdelay $0x4  }
0x260: {  	[tilespmem:$0x1F9A0] =	vst v2;
	v2 =	vld.idx.msk [tilespmem:v24+s13+$0x0], $0xffff;
	_ =	sdelay $0x4  }
0x261: {  	[tilespmem:$0x1F9B0] =	vst v2;
	v2 =	vor.u32 $0x16, v23  }
0x262: {  	v4 =	vmul.f32 v12, v11;
	_ =	sdelay $0x1  }
0x263: {  	[tilespmem:$0x1F9C0] =	vst v4;
	v4 =	vmul.f32 v56, v46;
	_ =	sdelay $0x1  }
0x264: {  	[tilespmem:$0x1F9D0] =	vst v4;
	v4 =	vld.idx.msk [tilespmem:v2+s12+$0x0], $0xffff;
	_ =	sdelay $0x3  }
0x265: {  	v11 =	vld [tilespmem:$0x1FA00]  }
0x266: {  	[tilespmem:$0x1F9E0] =	vst v4;
	v4 =	vld [tilespmem:$0x1F9F0];
	_ =	sdelay $0x4  }
0x267: {  	v2 =	vld.idx.msk [tilespmem:v2+s13+$0x0], $0xffff;
	v4 =	vmul.f32 v11, v4  }
0x268: {  	v11 =	vld [tilespmem:$0x1FA30]  }
0x269: {  	[tilespmem:$0x1FA10] =	vst v4;
	v4 =	vld [tilespmem:$0x1FA20];
	_ =	sdelay $0x3  }
0x26a: {  	[tilespmem:$0x1FA50] =	vst v2;
	v2 =	vld [tilespmem:$0x1FA60]  }
0x26b: {  	v4 =	vmul.f32 v11, v4;
	v11 =	vld [tilespmem:$0x1FA70];
	_ =	sdelay $0x4  }
0x26c: {  	v2 =	vmul.f32 v11, v2;
	_ =	sdelay $0x1  }
0x26d: {  	[tilespmem:$0x1FA80] =	vst v2;
	v2 =	vld [tilespmem:$0x1FA90];
	_ =	sdelay $0x4  }
0x26e: {  	v2 =	vmul.f32 v27, v2  }
0x26f: {  	v11 =	vld [tilespmem:$0x1FAC0]  }
0x270: {  	[tilespmem:$0x1FAA0] =	vst v2;
	v2 =	vld [tilespmem:$0x1FAB0];
	_ =	sdelay $0x4  }
0x271: {  	v2 =	vmul.f32 v11, v2;
	_ =	sdelay $0x1  }
0x272: {  	[tilespmem:$0x1FAD0] =	vst v2;
	v2 =	vld [tilespmem:$0x1FAE0];
	_ =	sdelay $0x4  }
0x273: {  	v2 =	vmul.f32 v28, v2  }
0x274: {  	v11 =	vld [tilespmem:$0x1FB10]  }
0x275: {  	[tilespmem:$0x1FAF0] =	vst v2;
	v2 =	vld [tilespmem:$0x1FB00];
	_ =	sdelay $0x4  }
0x276: {  	v2 =	vmul.f32 v11, v2;
	_ =	sdelay $0x1  }
0x277: {  	[tilespmem:$0x1FB20] =	vst v2;
	v2 =	vld [tilespmem:$0x1FB30];
	_ =	sdelay $0x4  }
0x278: {  	v2 =	vmul.f32 v29, v2  }
0x279: {  	v11 =	vld [tilespmem:$0x1FB60]  }
0x27a: {  	[tilespmem:$0x1FB40] =	vst v2;
	v2 =	vld [tilespmem:$0x1FB50];
	_ =	sdelay $0x4  }
0x27b: {  	v2 =	vmul.f32 v11, v2;
	_ =	sdelay $0x1  }
0x27c: {  	[tilespmem:$0x1FB70] =	vst v2;
	v2 =	vld [tilespmem:$0x1FB80];
	_ =	sdelay $0x4  }
0x27d: {  	v2 =	vmul.f32 v30, v2  }
0x27e: {  	v11 =	vld [tilespmem:$0x1FBB0]  }
0x27f: {  	[tilespmem:$0x1FB90] =	vst v2;
	v2 =	vld [tilespmem:$0x1FBA0];
	_ =	sdelay $0x4  }
0x280: {  	v2 =	vmul.f32 v11, v2  }
0x281: {  	v11 =	vld [tilespmem:$0x1FBE0]  }
0x282: {  	[tilespmem:$0x1FBC0] =	vst v2;
	v2 =	vld [tilespmem:$0x1FBD0];
	_ =	sdelay $0x3  }
0x283: {  	v12 =	vld [tilespmem:$0x1FC10]  }
0x284: {  	v2 =	vmul.f32 v11, v2;
	v11 =	vld [tilespmem:$0x1FC00];
	_ =	sdelay $0x4  }
0x285: {  	v11 =	vmul.f32 v12, v11;
	_ =	sdelay $0x1  }
0x286: {  	[tilespmem:$0x1FC20] =	vst v11;
	v11 =	vld [tilespmem:$0x1FC30];
	_ =	sdelay $0x3  }
0x287: {  	v12 =	vld [tilespmem:$0x1FC60]  }
0x288: {  	v8 =	vmul.f32 v8, v11;
	v11 =	vld [tilespmem:$0x1FC50];
	_ =	sdelay $0x4  }
0x289: {  	v11 =	vmul.f32 v12, v11;
	_ =	sdelay $0x1  }
0x28a: {  	[tilespmem:$0x1FC70] =	vst v11;
	v11 =	vld [tilespmem:$0x1FC80];
	_ =	sdelay $0x3  }
0x28b: {  	v12 =	vld [tilespmem:$0x1FCB0]  }
0x28c: {  	v3 =	vor.u32 $0x10, v23;
	v9 =	vmul.f32 v9, v11;
	v11 =	vld [tilespmem:$0x1FCA0];
	_ =	sdelay $0x4  }
0x28d: {  	v27 =	vld.idx.msk [tilespmem:v3+s12+$0x0], $0xffff;
	v11 =	vmul.f32 v12, v11  }
0x28e: {  	v28 =	vld.idx.msk [tilespmem:v3+s13+$0x0], $0xffff;
	v3 =	vor.u32 $0xC, v23  }
0x28f: {  	[tilespmem:$0x1FCC0] =	vst v11;
	v11 =	vld [tilespmem:$0x1FCD0];
	_ =	sdelay $0x2  }
0x290: {  	v36 =	vld.idx.msk [tilespmem:v0+s13+$0x0], $0xffff  }
0x291: {  	[tilespmem:$0x1FC90] =	vst v9;
	v9 =	vld.idx.msk [tilespmem:v3+s12+$0x0], $0xffff  }
0x292: {  	v11 =	vmul.f32 v32, v11;
	v32 =	vld.idx.msk [tilespmem:v3+s13+$0x0], $0xffff  }
0x293: {  	v3 =	vld [tilespmem:$0x1FCF0]  }
0x294: {  	v0 =	vor.u32 $0x41, v23;
	[tilespmem:$0x1FCE0] =	vst v11;
	v11 =	vld [tilespmem:$0x1FD00];
	_ =	sdelay $0x4  }
0x295: {  	v49 =	vld.idx.msk [tilespmem:v0+s12+$0x0], $0xffff;
	v3 =	vmul.f32 v11, v3  }
0x296: {  	v37 =	vld.idx.msk [tilespmem:v0+s13+$0x0], $0xffff;
	v0 =	vor.u32 $0x3D, v23  }
0x297: {  	[tilespmem:$0x1FD10] =	vst v3;
	v3 =	vld [tilespmem:$0x1FD20];
	_ =	sdelay $0x3  }
0x298: {  	v44 =	vld.idx.msk [tilespmem:v0+s12+$0x0], $0xffff  }
0x299: {  	v17 =	vld.idx.msk [tilespmem:v0+s13+$0x0], $0xffff;
	v3 =	vmul.f32 v33, v3  }
0x29a: {  	v11 =	vld [tilespmem:$0x1FD50]  }
0x29b: {  	v0 =	vor.u32 $0x39, v23;
	[tilespmem:$0x1FD30] =	vst v3;
	v3 =	vld [tilespmem:$0x1FD40];
	_ =	sdelay $0x4  }
0x29c: {  	v39 =	vld.idx.msk [tilespmem:v0+s12+$0x0], $0xffff;
	v3 =	vmul.f32 v11, v3  }
0x29d: {  	v38 =	vld.idx.msk [tilespmem:v0+s13+$0x0], $0xffff;
	v0 =	vor.u32 $0x35, v23  }
0x29e: {  	[tilespmem:$0x1FD60] =	vst v3;
	v3 =	vld [tilespmem:$0x1FD70];
	_ =	sdelay $0x3  }
0x29f: {  	v26 =	vld.idx.msk [tilespmem:v0+s12+$0x0], $0xffff  }
0x2a0: {  	v13 =	vor.u32 $0x20, v23;
	v22 =	vld.idx.msk [tilespmem:v0+s13+$0x0], $0xffff;
	v3 =	vmul.f32 v34, v3  }
0x2a1: {  	v14 =	vor.u32 $0x21, v23;
	v11 =	vld [tilespmem:$0x1FDA0]  }
0x2a2: {  	v0 =	vor.u32 $0x31, v23;
	[tilespmem:$0x1FD80] =	vst v3;
	v3 =	vld [tilespmem:$0x1FD90];
	_ =	sdelay $0x2  }
0x2a3: {  	v48 =	vld.idx.msk [tilespmem:v13+s13+$0x0], $0xffff  }
0x2a4: {  	v51 =	vld.idx.msk [tilespmem:v14+s12+$0x0], $0xffff;
	v56 =	vor.u32 $0xD, v23  }
0x2a5: {  	v57 =	vld.idx.msk [tilespmem:v0+s12+$0x0], $0xffff;
	v3 =	vmul.f32 v11, v3  }
0x2a6: {  	v11 =	vld [tilespmem:$0x1FDD0]  }
0x2a7: {  	[tilespmem:$0x1FDB0] =	vst v3;
	v3 =	vld [tilespmem:$0x1FDC0]  }
0x2a8: {  	v18 =	vor.u32 $0x1D, v23;
	v40 =	vld.idx.msk [tilespmem:v0+s13+$0x0], $0xffff  }
0x2a9: {  	v21 =	vor.u32 $0x19, v23;
	v33 =	vld.idx.msk [tilespmem:v56+s12+$0x0], $0xffff  }
0x2aa: {  	v34 =	vld.idx.msk [tilespmem:v56+s13+$0x0], $0xffff  }
0x2ab: {  	v56 =	vld [tilespmem:$0x1FE00]  }
0x2ac: {  	v0 =	vor.u32 $0x2D, v23;
	v3 =	vmul.f32 v11, v3;
	v11 =	vld [tilespmem:$0x1FDF0]  }
0x2ad: {  	v54 =	vld.idx.msk [tilespmem:v18+s13+$0x0], $0xffff  }
0x2ae: {  	v59 =	vld.idx.msk [tilespmem:v21+s12+$0x0], $0xffff  }
0x2af: {  	v46 =	vld [tilespmem:$0x1FE50]  }
0x2b0: {  	v60 =	vld.idx.msk [tilespmem:v1+s13+$0x0], $0xffff;
	v1 =	vor.u32 $0x28, v23  }
0x2b1: {  	v52 =	vld.idx.msk [tilespmem:v0+s12+$0x0], $0xffff;
	v11 =	vmul.f32 v56, v11  }
0x2b2: {  	v5 =	vor.u32 $0x2A, v23;
	v56 =	vld [tilespmem:$0x1FE30]  }
0x2b3: {  	[tilespmem:$0x1FE10] =	vst v11;
	v11 =	vld [tilespmem:$0x1FE20]  }
0x2b4: {  	v25 =	vor.u32 $0x14, v23;
	v53 =	vld.idx.msk [tilespmem:v0+s13+$0x0], $0xffff  }
0x2b5: {  	v0 =	vor.u32 $0x29, v23;
	v55 =	vld.idx.msk [tilespmem:v1+s12+$0x0], $0xffff  }
0x2b6: {  	v61 =	vld.idx.msk [tilespmem:v1+s13+$0x0], $0xffff  }
0x2b7: {  	v1 =	vld.idx.msk [tilespmem:v5+s12+$0x0], $0xffff  }
0x2b8: {  	v6 =	vor.u32 $0x24, v23;
	v11 =	vmul.f32 v56, v11;
	v56 =	vld [tilespmem:$0x1FE60]  }
0x2b9: {  	v62 =	vld.idx.msk [tilespmem:v25+s12+$0x0], $0xffff  }
0x2ba: {  	v63 =	vld.idx.msk [tilespmem:v0+s12+$0x0], $0xffff  }
0x2bb: {  	v0 =	vld.idx.msk [tilespmem:v0+s13+$0x0], $0xffff  }
0x2bc: {  	v16 =	vor.u32 $0x1C, v23;
	[tilespmem:$0x1F920] =	vst v1;
	v1 =	vld.idx.msk [tilespmem:v5+s13+$0x0], $0xffff  }
0x2bd: {  	v5 =	vld.idx.msk [tilespmem:v6+s13+$0x0], $0xffff;
	v56 =	vmul.f32 v56, v46  }
0x2be: {  	v10 =	vld.idx.msk [tilespmem:v13+s12+$0x0], $0xffff  }
0x2bf: {  	[tilespmem:$0x1FE70] =	vst v56;
	v56 =	vld [tilespmem:$0x1FE80]  }
0x2c0: {  	v13 =	vld.idx.msk [tilespmem:v14+s13+$0x0], $0xffff;
	v12 =	vor.u32 $0x8, v23  }
0x2c1: {  	v14 =	vld.idx.msk [tilespmem:v16+s12+$0x0], $0xffff  }
0x2c2: {  	v20 =	vor.u32 $0x18, v23;
	v50 =	vmul.f32 v50, v58;
	[tilespmem:$0x1F930] =	vst v1;
	v1 =	vld.idx.msk [tilespmem:v6+s12+$0x0], $0xffff  }
0x2c3: {  	v37 =	vmul.f32 v37, v49;
	v15 =	vld.idx.msk [tilespmem:v16+s13+$0x0], $0xffff  }
0x2c4: {  	[tilespmem:$0x1FEA0] =	vst v50;
	v16 =	vld.idx.msk [tilespmem:v18+s12+$0x0], $0xffff;
	v36 =	vmul.f32 v36, v56  }
0x2c5: {  	[tilespmem:$0x1FEB0] =	vst v37;
	v37 =	vld.idx.msk [tilespmem:v12+s13+$0x0], $0xffff  }
0x2c6: {  	v45 =	vor.u32 $0x15, v23;
	[tilespmem:$0x1FE90] =	vst v36;
	v36 =	vld.idx.msk [tilespmem:v12+s12+$0x0], $0xffff;
	v12 =	vmul.f32 v43, v47  }
0x2c7: {  	v18 =	vld.idx.msk [tilespmem:v20+s12+$0x0], $0xffff;
	[tilespmem:$0x1FA40] =	vst v4  }
0x2c8: {  	v19 =	vld.idx.msk [tilespmem:v20+s13+$0x0], $0xffff;
	v4 =	vor.u32 $0x12, v23;
	[tilespmem:$0x1FEC0] =	vst v12;
	v12 =	vmul.f32 v17, v44  }
0x2c9: {  	v20 =	vld.idx.msk [tilespmem:v21+s13+$0x0], $0xffff;
	[tilespmem:$0x1FBF0] =	vst v2  }
0x2ca: {  	v7 =	vor.u32 $0x25, v23;
	v21 =	vld.idx.msk [tilespmem:v25+s13+$0x0], $0xffff;
	[tilespmem:$0x1FED0] =	vst v12;
	v12 =	vmul.f32 v41, v42  }
0x2cb: {  	v25 =	vld.idx.msk [tilespmem:v45+s13+$0x0], $0xffff;
	[tilespmem:$0x1FC40] =	vst v8  }
0x2cc: {  	v24 =	vld.idx.msk [tilespmem:v45+s12+$0x0], $0xffff;
	v45 =	vor.u32 $0x11, v23;
	[tilespmem:$0x1FEE0] =	vst v12;
	v12 =	vmul.f32 v38, v39  }
0x2cd: {  	v2 =	vld.idx.msk [tilespmem:v4+s12+$0x0], $0xffff;
	[tilespmem:$0x1FDE0] =	vst v3  }
0x2ce: {  	v8 =	vld.idx.msk [tilespmem:v4+s13+$0x0], $0xffff;
	v4 =	vor.u32 $0xE, v23;
	[tilespmem:$0x1FEF0] =	vst v12;
	v12 =	vmul.f32 v31, v35  }
0x2cf: {  	v6 =	vld.idx.msk [tilespmem:v7+s12+$0x0], $0xffff;
	[tilespmem:$0x1FE40] =	vst v11;
	v11 =	vor.u32 $0xA, v23  }
0x2d0: {  	v7 =	vld.idx.msk [tilespmem:v7+s13+$0x0], $0xffff;
	[tilespmem:$0x1FF00] =	vst v12;
	v12 =	vmul.f32 v22, v26;
	v22 =	vor.u32 $0x7F, v23  }
0x2d1: {  	v29 =	vld.idx.msk [tilespmem:v45+s12+$0x0], $0xffff;
	v26 =	vor.u32 $0x63, v23;
	[tilespmem:$0x1FF40] =	vst v22  }
0x2d2: {  	v30 =	vld.idx.msk [tilespmem:v45+s13+$0x0], $0xffff;
	v45 =	vor.u32 $0x9, v23;
	[tilespmem:$0x1FF70] =	vst v26  }
0x2d3: {  	v58 =	vor.u32 $0x5, v23;
	v3 =	vld.idx.msk [tilespmem:v4+s12+$0x0], $0xffff;
	v22 =	vor.u32 $0x6F, v23;
	[tilespmem:$0x1FF10] =	vst v12  }
0x2d4: {  	v56 =	vor.u32 $0x4, v23;
	v35 =	vld.idx.msk [tilespmem:v11+s13+$0x0], $0xffff;
	v26 =	vor.u32 $0x67, v23;
	[tilespmem:$0x1FF50] =	vst v22  }
0x2d5: {  	v12 =	vld.idx.msk [tilespmem:v11+s12+$0x0], $0xffff;
	v11 =	vor.u32 $0x77, v23;
	[tilespmem:$0x1FF80] =	vst v26  }
0x2d6: {  	v4 =	vld.idx.msk [tilespmem:v4+s13+$0x0], $0xffff;
	v22 =	vor.u32 $0x73, v23;
	[tilespmem:$0x1FF20] =	vst v11  }
0x2d7: {  	v17 =	vld.idx.msk [tilespmem:v45+s12+$0x0], $0xffff;
	v11 =	vor.u32 $0x7B, v23;
	[tilespmem:$0x1FF60] =	vst v22  }
0x2d8: {  	v44 =	vld.idx.msk [tilespmem:v58+s12+$0x0], $0xffff;
	v26 =	vor.u32 $0x6B, v23;
	[tilespmem:$0x1FF30] =	vst v11;
	v11 =	vor.u32 $0x6, v23  }
0x2d9: {  	v42 =	vld.idx.msk [tilespmem:v56+s13+$0x0], $0xffff;
	[tilespmem:$0x1FF90] =	vst v26;
	v26 =	vor.u32 $0x5F, v23  }
0x2da: {  	v39 =	vld.idx.msk [tilespmem:v45+s13+$0x0], $0xffff;
	[tilespmem:$0x1FFA0] =	vst v26;
	v26 =	vor.u32 $0x5B, v23  }
0x2db: {  	v22 =	vld.idx.msk [tilespmem:v56+s12+$0x0], $0xffff;
	[tilespmem:$0x1FFB0] =	vst v26;
	v26 =	vor.u32 $0x57, v23  }
0x2dc: {  	v49 =	vor.u32 $0x1, v23;
	v50 =	vor.u32 $0x43, v23;
	v31 =	vor.u32 $0x53, v23;
	[tilespmem:$0x1FFC0] =	vst v26;
	v26 =	vld.idx.msk [tilespmem:v58+s13+$0x0], $0xffff  }
0x2dd: {  	v47 =	vor.u32 $0x2, v23;
	v41 =	vor.u32 $0x47, v23;
	[tilespmem:$0x1FFD0] =	vst v31;
	v31 =	vor.u32 $0x4F, v23;
	v43 =	vld.idx.msk [tilespmem:v11+s12+$0x0], $0xffff  }
0x2de: {  	s24 =	simm.s32 $0x20;
	s23 =	smov.u32 s21;
	v38 =	vor.u32 $0x4B, v23;
	[tilespmem:$0x1FFE0] =	vst v31;
	v58 =	vor.u32 $0x3F, v23;
	v45 =	vld.idx.msk [tilespmem:v11+s13+$0x0], $0xffff;
	v11 =	vor.u32 $0x3B, v23  }
.LBB2_3:
0x2df: {  	v31 =	vld [tilespmem:$0x1F8B0]  }
0x2e0: {  	v46 =	vmov v40;
	v40 =	vmov v57;
	v57 =	vld [tilespmem:$0x1F8C0]  }
0x2e1: {  	v52 =	vmul.f32 v53, v52;
	v53 =	vmul.f32 v61, v55;
	v61 =	vor.u32 $0x7, v23  }
0x2e2: {  	v56 =	vld.idx.msk [tilespmem:v23+s13+$0x0], $0xffff;
	v0 =	vmul.f32 v0, v63  }
0x2e3: {  	v1 =	vmul.f32 v5, v1;
	v63 =	vld.idx.msk [tilespmem:v47+s12+$0x0], $0xffff;
	v14 =	vmul.f32 v15, v14  }
0x2e4: {  	v5 =	vmul.f32 v7, v6;
	v7 =	vmul.f32 v13, v51;
	v13 =	vld.idx.msk [tilespmem:v47+s13+$0x0], $0xffff;
	v47 =	vor.u32 $0xB, v23  }
0x2e5: {  	v24 =	vmul.f32 v25, v24;
	v31 =	vmul.f32 v57, v31;
	v57 =	vld.idx.msk [tilespmem:v23+s12+$0x0], $0xffff  }
0x2e6: {  	v9 =	vmul.f32 v32, v9;
	v32 =	vmul.f32 v34, v33;
	v33 =	vor.u32 $0x13, v23;
	v25 =	vld.idx.msk [tilespmem:v61+s12+$0x0], $0xffff  }
0x2e7: {  	v15 =	vmul.f32 v54, v16;
	[tilespmem:$0x1EA90] =	vst v31;
	v31 =	vmul.f32 v46, v40;
	v46 =	vld [tilespmem:$0x1F8F0]  }
0x2e8: {  	v27 =	vmul.f32 v28, v27;
	v28 =	vmul.f32 v30, v29;
	v30 =	vld.idx.msk [tilespmem:v61+s13+$0x0], $0xffff  }
0x2e9: {  	v18 =	vmul.f32 v19, v18;
	v34 =	vmul.f32 v37, v36;
	[tilespmem:$0x1EAA0] =	vst v31;
	v31 =	vor.u32 $0x3, v23;
	v36 =	vld.idx.msk [tilespmem:v47+s12+$0x0], $0xffff  }
0x2ea: {  	v19 =	vmul.f32 v20, v59;
	v17 =	vmul.f32 v39, v17;
	v39 =	vld.idx.msk [tilespmem:v47+s13+$0x0], $0xffff  }
0x2eb: {  	v21 =	vmul.f32 v21, v62;
	v54 =	vor.u32 $0x17, v23;
	v62 =	vld.idx.msk [tilespmem:v33+s12+$0x0], $0xffff;
	v57 =	vmul.f32 v56, v57  }
0x2ec: {  	v55 =	vor.u32 $0x33, v23;
	v22 =	vmul.f32 v42, v22;
	v46 =	vmul.f32 v60, v46;
	v60 =	vld.idx.msk [tilespmem:v49+s12+$0x0], $0xffff  }
0x2ed: {  	v26 =	vmul.f32 v26, v44;
	v61 =	vor.u32 $0x1F, v23;
	v49 =	vld.idx.msk [tilespmem:v49+s13+$0x0], $0xffff;
	v44 =	vadd.f32 $0.0e+00, v57  }
0x2ee: {  	v20 =	vor.u32 $0x2B, v23;
	v29 =	vor.u32 $0x27, v23;
	v6 =	vmul.f32 v48, v10;
	v16 =	vld.idx.msk [tilespmem:v31+s12+$0x0], $0xffff  }
0x2ef: {  	v10 =	vor.u32 $0x2F, v23;
	v48 =	vor.u32 $0xF, v23;
	v31 =	vld.idx.msk [tilespmem:v31+s13+$0x0], $0xffff;
	v22 =	vadd.f32 v22, v44  }
0x2f0: {  	v37 =	vor.u32 $0x23, v23;
	v40 =	vor.u32 $0x37, v23;
	v13 =	vmul.f32 v13, v63;
	v63 =	vld.idx.msk [tilespmem:v54+s12+$0x0], $0xffff  }
0x2f1: {  	v23 =	vor.u32 $0x1B, v23;
	v25 =	vmul.f32 v30, v25;
	v30 =	vld.idx.msk [tilespmem:v33+s13+$0x0], $0xffff;
	v22 =	vadd.f32 v34, v22  }
0x2f2: {  	v2 =	vmul.f32 v8, v2;
	v8 =	vld.idx.msk [tilespmem:v61+s12+$0x0], $0xffff  }
0x2f3: {  	v44 =	vld.idx.msk [tilespmem:v54+s13+$0x0], $0xffff;
	v59 =	vmul.f32 v49, v60;
	v9 =	vadd.f32 v9, v22  }
0x2f4: {  	v60 =	vld.idx.msk [tilespmem:v48+s12+$0x0], $0xffff;
	v16 =	vmul.f32 v31, v16  }
0x2f5: {  	v43 =	vmul.f32 v45, v43;
	v31 =	vld.idx.msk [tilespmem:v48+s13+$0x0], $0xffff;
	v47 =	vadd.f32 $0.0e+00, v59;
	v9 =	vadd.f32 v27, v9  }
0x2f6: {  	v3 =	vmul.f32 v4, v3;
	v13 =	vadd.f32 $0.0e+00, v13;
	v4 =	vld.idx.msk [tilespmem:v23+s12+$0x0], $0xffff;
	v16 =	vadd.f32 $0.0e+00, v16  }
0x2f7: {  	v12 =	vmul.f32 v35, v12;
	v23 =	vld.idx.msk [tilespmem:v23+s13+$0x0], $0xffff;
	v26 =	vadd.f32 v26, v47;
	v9 =	vadd.f32 v21, v9  }
0x2f8: {  	v13 =	vadd.f32 v43, v13;
	v22 =	vld [tilespmem:$0x1F9E0];
	v16 =	vadd.f32 v25, v16;
	v25 =	vmul.f32 v39, v36  }
0x2f9: {  	v21 =	vld [tilespmem:$0x1F9A0];
	v17 =	vadd.f32 v17, v26;
	v9 =	vadd.f32 v18, v9  }
0x2fa: {  	v12 =	vadd.f32 v12, v13;
	v18 =	vld [tilespmem:$0x1F980];
	v13 =	vadd.f32 v25, v16;
	v16 =	vmul.f32 v31, v60  }
0x2fb: {  	v17 =	vadd.f32 v32, v17;
	v25 =	vld [tilespmem:$0x1FA50];
	v9 =	vadd.f32 v14, v9  }
0x2fc: {  	v3 =	vadd.f32 v3, v12;
	v12 =	vadd.f32 v16, v13;
	v13 =	vmul.f32 v30, v62;
	v16 =	vld.idx.msk [tilespmem:v61+s13+$0x0], $0xffff  }
0x2fd: {  	v17 =	vadd.f32 v28, v17;
	v6 =	vadd.f32 v6, v9;
	v9 =	vld [tilespmem:$0x1F940]  }
0x2fe: {  	v2 =	vadd.f32 v2, v3;
	v3 =	vadd.f32 v13, v12;
	v13 =	vld.idx.msk [tilespmem:v37+s13+$0x0], $0xffff  }
0x2ff: {  	v17 =	vadd.f32 v24, v17;
	v24 =	vld [tilespmem:$0x1F9B0]  }
0x300: {  	v12 =	vmul.f32 v44, v63;
	v22 =	vmul.f32 v25, v22;
	v25 =	vld.idx.msk [tilespmem:v37+s12+$0x0], $0xffff  }
0x301: {  	v1 =	vadd.f32 v1, v6;
	v6 =	vld [tilespmem:$0x1F920]  }
0x302: {  	v4 =	vmul.f32 v23, v4;
	v3 =	vadd.f32 v12, v3;
	v12 =	vld.idx.msk [tilespmem:v29+s13+$0x0], $0xffff  }
0x303: {  	v17 =	vadd.f32 v19, v17;
	v19 =	vld [tilespmem:$0x1F990]  }
0x304: {  	v3 =	vadd.f32 v4, v3;
	v4 =	vmul.f32 v16, v8;
	v8 =	vld.idx.msk [tilespmem:v20+s13+$0x0], $0xffff  }
0x305: {  	v14 =	vadd.f32 v15, v17;
	v15 =	vld [tilespmem:$0x1F960]  }
0x306: {  	v16 =	vld [tilespmem:$0x1F970]  }
0x307: {  	v21 =	vmul.f32 v24, v21;
	v24 =	vld.idx.msk [tilespmem:v29+s12+$0x0], $0xffff  }
0x308: {  	v3 =	vadd.f32 v4, v3;
	v4 =	vmul.f32 v13, v25;
	v7 =	vadd.f32 v7, v14;
	v13 =	vld [tilespmem:$0x1F950]  }
0x309: {  	v18 =	vmul.f32 v19, v18;
	v19 =	vld.idx.msk [tilespmem:v20+s12+$0x0], $0xffff  }
0x30a: {  	v2 =	vadd.f32 v22, v2;
	v5 =	vadd.f32 v5, v7;
	v7 =	vld [tilespmem:$0x1F930]  }
0x30b: {  	v15 =	vmul.f32 v16, v15;
	v16 =	vld.idx.msk [tilespmem:v10+s12+$0x0], $0xffff  }
0x30c: {  	v2 =	vadd.f32 v21, v2;
	v10 =	vld.idx.msk [tilespmem:v10+s13+$0x0], $0xffff  }
0x30d: {  	v3 =	vadd.f32 v4, v3;
	v4 =	vmul.f32 v12, v24;
	v12 =	vld.idx.msk [tilespmem:v55+s13+$0x0], $0xffff  }
0x30e: {  	v2 =	vadd.f32 v18, v2;
	v0 =	vadd.f32 v0, v5;
	v5 =	vld [tilespmem:$0x1F900]  }
0x30f: {  	v9 =	vmul.f32 v13, v9;
	v13 =	vld.idx.msk [tilespmem:v55+s12+$0x0], $0xffff  }
0x310: {  	v2 =	vadd.f32 v15, v2;
	v3 =	vadd.f32 v4, v3;
	v4 =	vmul.f32 v8, v19;
	v8 =	vld.idx.msk [tilespmem:v40+s13+$0x0], $0xffff  }
0x311: {  	v6 =	vmul.f32 v7, v6;
	v7 =	vld.idx.msk [tilespmem:v40+s12+$0x0], $0xffff  }
0x312: {  	v2 =	vadd.f32 v9, v2;
	v9 =	vld [tilespmem:$0x1F910];
	v3 =	vadd.f32 v4, v3;
	v4 =	vmul.f32 v10, v16  }
0x313: {  	v10 =	vld [tilespmem:$0x1F8D0]  }
0x314: {  	v3 =	vadd.f32 v4, v3;
	v4 =	vmul.f32 v12, v13;
	v12 =	vld [tilespmem:$0x1EA90]  }
0x315: {  	v1 =	vadd.f32 v53, v1;
	v2 =	vadd.f32 v6, v2;
	v6 =	vld.idx.msk [tilespmem:v11+s13+$0x0], $0xffff  }
0x316: {  	v3 =	vadd.f32 v4, v3;
	v4 =	vmul.f32 v8, v7;
	v8 =	vld [tilespmem:$0x1FF00]  }
0x317: {  	v1 =	vadd.f32 v46, v1;
	v5 =	vmul.f32 v9, v5;
	v9 =	vld.idx.msk [tilespmem:v11+s12+$0x0], $0xffff  }
0x318: {  	v11 =	vld [tilespmem:$0x1F8E0]  }
0x319: {  	v1 =	vadd.f32 v12, v1;
	v12 =	vld [tilespmem:$0x1EAA0];
	_ =	sdelay $0x1  }
0x31a: {  	v1 =	vadd.f32 v8, v1;
	v8 =	vld [tilespmem:$0x1FF10]  }
0x31b: {  	v0 =	vadd.f32 v52, v0;
	v13 =	vld [tilespmem:$0x1F8A0];
	v2 =	vadd.f32 v5, v2  }
0x31c: {  	v3 =	vadd.f32 v4, v3;
	v10 =	vmul.f32 v11, v10;
	v4 =	vmul.f32 v6, v9;
	v9 =	vld [tilespmem:$0x1FEE0]  }
0x31d: {  	v0 =	vadd.f32 v12, v0;
	v12 =	vld [tilespmem:$0x1F890]  }
0x31e: {  	v2 =	vadd.f32 v10, v2;
	v10 =	vld [tilespmem:$0x1F880]  }
0x31f: {  	v0 =	vadd.f32 v8, v0;
	v8 =	vld [tilespmem:$0x1F870];
	_ =	sdelay $0x2  }
0x320: {  	v12 =	vmul.f32 v13, v12  }
0x321: {  	v7 =	vld.idx.msk [tilespmem:v50+s13+$0x0], $0xffff  }
0x322: {  	v1 =	vadd.f32 v9, v1;
	v9 =	vld [tilespmem:$0x1FEF0];
	v8 =	vmul.f32 v10, v8;
	v2 =	vadd.f32 v12, v2  }
0x323: {  	v5 =	vld.idx.msk [tilespmem:v58+s13+$0x0], $0xffff  }
0x324: {  	v2 =	vadd.f32 v8, v2;
	v8 =	vld [tilespmem:$0x1FEC0]  }
0x325: {  	v11 =	vld.idx.msk [tilespmem:v58+s12+$0x0], $0xffff  }
0x326: {  	v6 =	vld.idx.msk [tilespmem:v41+s13+$0x0], $0xffff  }
0x327: {  	v0 =	vadd.f32 v9, v0;
	v9 =	vld [tilespmem:$0x1F850]  }
0x328: {  	v12 =	vld [tilespmem:$0x1F860]  }
0x329: {  	v1 =	vadd.f32 v8, v1;
	v8 =	vld [tilespmem:$0x1FED0]  }
0x32a: {  	v3 =	vadd.f32 v4, v3;
	v4 =	vmul.f32 v5, v11;
	v5 =	vld.idx.msk [tilespmem:v38+s13+$0x0], $0xffff  }
0x32b: {  	v13 =	vld.idx.msk [tilespmem:v50+s12+$0x0], $0xffff  }
0x32c: {  	v10 =	vld.idx.msk [tilespmem:v41+s12+$0x0], $0xffff  }
0x32d: {  	v9 =	vmul.f32 v12, v9;
	v12 =	vld.idx.msk [tilespmem:v38+s12+$0x0], $0xffff  }
0x32e: {  	v0 =	vadd.f32 v8, v0;
	v8 =	vld [tilespmem:$0x1F830]  }
0x32f: {  	v11 =	vld [tilespmem:$0x1F840]  }
0x330: {  	v14 =	vld [tilespmem:$0x1FFE0];
	_ =	sdelay $0x1  }
0x331: {  	v2 =	vadd.f32 v9, v2;
	v9 =	vld [tilespmem:$0x1FEA0];
	_ =	sdelay $0x4  }
0x332: {  	v1 =	vadd.f32 v9, v1;
	v9 =	vld [tilespmem:$0x1FEB0]  }
0x333: {  	v8 =	vmul.f32 v11, v8;
	v11 =	vld.idx.msk [tilespmem:v14+s12+$0x0], $0xffff  }
0x334: {  	v3 =	vadd.f32 v4, v3;
	v4 =	vmul.f32 v7, v13;
	v7 =	vld.idx.msk [tilespmem:v14+s13+$0x0], $0xffff  }
0x335: {  	v14 =	vld [tilespmem:$0x1FFD0]  }
0x336: {  	v13 =	vld [tilespmem:$0x1F820]  }
0x337: {  	v2 =	vadd.f32 v8, v2;
	v8 =	vld [tilespmem:$0x1FE70]  }
0x338: {  	v0 =	vadd.f32 v9, v0;
	v9 =	vld [tilespmem:$0x1F810];
	_ =	sdelay $0x3  }
0x339: {  	v1 =	vadd.f32 v8, v1;
	v8 =	vld [tilespmem:$0x1FE90]  }
0x33a: {  	v9 =	vmul.f32 v13, v9;
	v13 =	vld.idx.msk [tilespmem:v14+s12+$0x0], $0xffff  }
0x33b: {  	v3 =	vadd.f32 v4, v3;
	v4 =	vmul.f32 v6, v10;
	v6 =	vld.idx.msk [tilespmem:v14+s13+$0x0], $0xffff  }
0x33c: {  	v14 =	vld [tilespmem:$0x1FFC0]  }
0x33d: {  	v10 =	vld [tilespmem:$0x1F800]  }
0x33e: {  	v2 =	vadd.f32 v9, v2;
	v9 =	vld [tilespmem:$0x1FE10]  }
0x33f: {  	v0 =	vadd.f32 v8, v0;
	v8 =	vld [tilespmem:$0x1F7F0];
	_ =	sdelay $0x3  }
0x340: {  	v1 =	vadd.f32 v9, v1;
	v9 =	vld [tilespmem:$0x1FE40]  }
0x341: {  	v8 =	vmul.f32 v10, v8;
	v10 =	vld.idx.msk [tilespmem:v14+s12+$0x0], $0xffff  }
0x342: {  	v3 =	vadd.f32 v4, v3;
	v4 =	vmul.f32 v5, v12;
	v5 =	vld.idx.msk [tilespmem:v14+s13+$0x0], $0xffff  }
0x343: {  	v14 =	vld [tilespmem:$0x1FFB0]  }
0x344: {  	v12 =	vld [tilespmem:$0x1F7E0]  }
0x345: {  	v2 =	vadd.f32 v8, v2;
	v8 =	vld [tilespmem:$0x1FDB0]  }
0x346: {  	v0 =	vadd.f32 v9, v0;
	v9 =	vld [tilespmem:$0x1F7D0];
	_ =	sdelay $0x3  }
0x347: {  	v1 =	vadd.f32 v8, v1;
	v8 =	vld [tilespmem:$0x1FDE0]  }
0x348: {  	v9 =	vmul.f32 v12, v9;
	v12 =	vld.idx.msk [tilespmem:v14+s12+$0x0], $0xffff  }
0x349: {  	v3 =	vadd.f32 v4, v3;
	v4 =	vmul.f32 v7, v11;
	v7 =	vld.idx.msk [tilespmem:v14+s13+$0x0], $0xffff  }
0x34a: {  	v14 =	vld [tilespmem:$0x1FFA0]  }
0x34b: {  	v11 =	vld [tilespmem:$0x1F7C0]  }
0x34c: {  	v2 =	vadd.f32 v9, v2;
	v9 =	vld [tilespmem:$0x1FD60]  }
0x34d: {  	v0 =	vadd.f32 v8, v0;
	v8 =	vld [tilespmem:$0x1F7B0];
	_ =	sdelay $0x3  }
0x34e: {  	v1 =	vadd.f32 v9, v1;
	v9 =	vld [tilespmem:$0x1FD80]  }
0x34f: {  	v8 =	vmul.f32 v11, v8;
	v11 =	vld.idx.msk [tilespmem:v14+s12+$0x0], $0xffff  }
0x350: {  	v3 =	vadd.f32 v4, v3;
	v4 =	vmul.f32 v6, v13;
	v6 =	vld.idx.msk [tilespmem:v14+s13+$0x0], $0xffff  }
0x351: {  	v14 =	vld [tilespmem:$0x1FF70];
	_ =	sdelay $0x1  }
0x352: {  	v2 =	vadd.f32 v8, v2;
	v8 =	vld [tilespmem:$0x1FD10]  }
0x353: {  	v13 =	vld [tilespmem:$0x1F7A0]  }
0x354: {  	v0 =	vadd.f32 v9, v0;
	v9 =	vld [tilespmem:$0x1F790];
	_ =	sdelay $0x2  }
0x355: {  	v1 =	vadd.f32 v8, v1;
	v8 =	vld [tilespmem:$0x1FD30]  }
0x356: {  	v3 =	vadd.f32 v4, v3;
	v4 =	vmul.f32 v5, v10;
	v5 =	vld.idx.msk [tilespmem:v14+s13+$0x0], $0xffff  }
0x357: {  	v9 =	vmul.f32 v13, v9;
	v13 =	vld.idx.msk [tilespmem:v14+s12+$0x0], $0xffff  }
0x358: {  	v14 =	vld [tilespmem:$0x1FF80]  }
0x359: {  	v10 =	vld [tilespmem:$0x1F780]  }
0x35a: {  	v2 =	vadd.f32 v9, v2;
	v9 =	vld [tilespmem:$0x1FCC0]  }
0x35b: {  	v0 =	vadd.f32 v8, v0;
	v8 =	vld [tilespmem:$0x1F770];
	_ =	sdelay $0x3  }
0x35c: {  	v1 =	vadd.f32 v9, v1;
	v9 =	vld [tilespmem:$0x1FCE0]  }
0x35d: {  	v8 =	vmul.f32 v10, v8;
	v10 =	vld.idx.msk [tilespmem:v14+s12+$0x0], $0xffff  }
0x35e: {  	v3 =	vadd.f32 v4, v3;
	v4 =	vmul.f32 v7, v12;
	v7 =	vld.idx.msk [tilespmem:v14+s13+$0x0], $0xffff  }
0x35f: {  	v14 =	vld [tilespmem:$0x1FF90];
	_ =	sdelay $0x1  }
0x360: {  	v2 =	vadd.f32 v8, v2;
	v8 =	vld [tilespmem:$0x1FC70]  }
0x361: {  	v12 =	vld [tilespmem:$0x1F760]  }
0x362: {  	v0 =	vadd.f32 v9, v0;
	v9 =	vld [tilespmem:$0x1F750];
	_ =	sdelay $0x2  }
0x363: {  	v1 =	vadd.f32 v8, v1;
	v8 =	vld [tilespmem:$0x1FC90]  }
0x364: {  	v3 =	vadd.f32 v4, v3;
	v4 =	vmul.f32 v6, v11;
	v6 =	vld.idx.msk [tilespmem:v14+s13+$0x0], $0xffff  }
0x365: {  	v9 =	vmul.f32 v12, v9;
	v12 =	vld.idx.msk [tilespmem:v14+s12+$0x0], $0xffff  }
0x366: {  	v14 =	vld [tilespmem:$0x1FF50]  }
0x367: {  	v11 =	vld [tilespmem:$0x1F740]  }
0x368: {  	v2 =	vadd.f32 v9, v2;
	v9 =	vld [tilespmem:$0x1FC20]  }
0x369: {  	v0 =	vadd.f32 v8, v0;
	v8 =	vld [tilespmem:$0x1F730];
	_ =	sdelay $0x3  }
0x36a: {  	v1 =	vadd.f32 v9, v1;
	v9 =	vld [tilespmem:$0x1FC40]  }
0x36b: {  	v8 =	vmul.f32 v11, v8;
	v11 =	vld.idx.msk [tilespmem:v14+s12+$0x0], $0xffff  }
0x36c: {  	v3 =	vadd.f32 v4, v3;
	v4 =	vmul.f32 v5, v13;
	v5 =	vld.idx.msk [tilespmem:v14+s13+$0x0], $0xffff  }
0x36d: {  	v14 =	vld [tilespmem:$0x1FF60];
	_ =	sdelay $0x1  }
0x36e: {  	v2 =	vadd.f32 v8, v2;
	v8 =	vld [tilespmem:$0x1FBC0]  }
0x36f: {  	v13 =	vld [tilespmem:$0x1F720]  }
0x370: {  	v0 =	vadd.f32 v9, v0;
	v9 =	vld [tilespmem:$0x1F710];
	_ =	sdelay $0x2  }
0x371: {  	v1 =	vadd.f32 v8, v1;
	v8 =	vld [tilespmem:$0x1FBF0]  }
0x372: {  	v3 =	vadd.f32 v4, v3;
	v4 =	vmul.f32 v7, v10;
	v7 =	vld.idx.msk [tilespmem:v14+s13+$0x0], $0xffff  }
0x373: {  	v9 =	vmul.f32 v13, v9;
	v13 =	vld.idx.msk [tilespmem:v14+s12+$0x0], $0xffff  }
0x374: {  	v14 =	vld [tilespmem:$0x1FF20]  }
0x375: {  	v10 =	vld [tilespmem:$0x1F700]  }
0x376: {  	v2 =	vadd.f32 v9, v2;
	v9 =	vld [tilespmem:$0x1FB70]  }
0x377: {  	v0 =	vadd.f32 v8, v0;
	v8 =	vld [tilespmem:$0x1F6F0];
	_ =	sdelay $0x3  }
0x378: {  	v1 =	vadd.f32 v9, v1;
	v9 =	vld [tilespmem:$0x1FB90]  }
0x379: {  	v8 =	vmul.f32 v10, v8;
	v10 =	vld.idx.msk [tilespmem:v14+s12+$0x0], $0xffff  }
0x37a: {  	v3 =	vadd.f32 v4, v3;
	v4 =	vmul.f32 v6, v12;
	v6 =	vld.idx.msk [tilespmem:v14+s13+$0x0], $0xffff  }
0x37b: {  	v14 =	vld [tilespmem:$0x1FF30];
	_ =	sdelay $0x1  }
0x37c: {  	v2 =	vadd.f32 v8, v2;
	v8 =	vld [tilespmem:$0x1FB20]  }
0x37d: {  	v12 =	vld [tilespmem:$0x1F6E0]  }
0x37e: {  	v0 =	vadd.f32 v9, v0;
	v9 =	vld [tilespmem:$0x1F6D0];
	_ =	sdelay $0x2  }
0x37f: {  	v1 =	vadd.f32 v8, v1;
	v8 =	vld [tilespmem:$0x1FB40]  }
0x380: {  	v3 =	vadd.f32 v4, v3;
	v4 =	vmul.f32 v5, v11;
	v5 =	vld.idx.msk [tilespmem:v14+s13+$0x0], $0xffff  }
0x381: {  	v9 =	vmul.f32 v12, v9;
	v12 =	vld.idx.msk [tilespmem:v14+s12+$0x0], $0xffff  }
0x382: {  	v14 =	vld [tilespmem:$0x1FF40]  }
0x383: {  	v3 =	vadd.f32 v4, v3;
	v4 =	vmul.f32 v7, v13;
	v2 =	vadd.f32 v9, v2;
	v9 =	vld [tilespmem:$0x1FAD0]  }
0x384: {  	v11 =	vld [tilespmem:$0x1F6C0]  }
0x385: {  	v3 =	vadd.f32 v4, v3;
	v4 =	vmul.f32 v6, v10;
	v6 =	vld [tilespmem:$0x1FA80]  }
0x386: {  	v0 =	vadd.f32 v8, v0;
	v8 =	vld [tilespmem:$0x1F6B0]  }
0x387: {  	v13 =	vld [tilespmem:$0x1F6A0]  }
0x388: {  	v1 =	vadd.f32 v9, v1;
	v9 =	vld [tilespmem:$0x1FAF0]  }
0x389: {  	v3 =	vadd.f32 v4, v3;
	v4 =	vmul.f32 v5, v12;
	v5 =	vld [tilespmem:$0x1FA10]  }
0x38a: {  	v1 =	vadd.f32 v6, v1;
	v6 =	vld [tilespmem:$0x1FAA0]  }
0x38b: {  	v8 =	vmul.f32 v11, v8;
	v11 =	vld.idx.msk [tilespmem:v14+s12+$0x0], $0xffff  }
0x38c: {  	v7 =	vld.idx.msk [tilespmem:v14+s13+$0x0], $0xffff  }
0x38d: {  	v2 =	vadd.f32 v8, v2;
	v8 =	vld [tilespmem:$0x1F680];
	v0 =	vadd.f32 v9, v0  }
0x38e: {  	v1 =	vadd.f32 v5, v1;
	v5 =	vld [tilespmem:$0x1FA40]  }
0x38f: {  	v0 =	vadd.f32 v6, v0;
	v6 =	vld [tilespmem:$0x1F670]  }
0x390: {  	v9 =	vld [tilespmem:$0x1F690]  }
0x391: {  	v3 =	vadd.f32 v4, v3;
	v4 =	vmul.f32 v7, v11;
	v7 =	vld [tilespmem:$0x1F9C0];
	_ =	sdelay $0x1  }
0x392: {  	v0 =	vadd.f32 v5, v0;
	v5 =	vld [tilespmem:$0x1F650]  }
0x393: {  	v6 =	vmul.f32 v8, v6;
	v8 =	vld [tilespmem:$0x1F660]  }
0x394: {  	v9 =	vmul.f32 v13, v9  }
0x395: {  	v1 =	vadd.f32 v7, v1;
	v7 =	vld [tilespmem:$0x1F9D0]  }
0x396: {  	v3 =	vadd.f32 v4, v3;
	v4 =	vld [tilespmem:$0x1FFF0];
	v2 =	vadd.f32 v9, v2;
	_ =	sdelay $0x1  }
0x397: {  	v2 =	vadd.f32 v6, v2;
	v5 =	vmul.f32 v8, v5  }
0x398: {  	v6 =	vmov s24  }
0x399: {  	v6 =	vshll.u32 v6, $0x7;
	v0 =	vadd.f32 v7, v0;
	v2 =	vadd.f32 v5, v2  }
0x39a: {  	v23 =	vor.u32 v4, v6  }
0x39b: {  	v0 =	vadd.f32 v0, v1;
	v1 =	vadd.f32 v3, v2;
	v2 =	vor.u32 $0x7D, v23;
	_ =	sdelay $0x1  }
0x39c: {  	v0 =	vadd.f32 v1, v0;
	v1 =	vor.u32 $0x7E, v23  }
0x39d: {  	s23 =	sadd.s32 $0x10, s23  }
0x39e: {  	[tilespmem:s23+$0x0] =	vst v0  }
0x39f: {  	v33 =	vld.idx.msk [tilespmem:v2+s12+$0x0], $0xffff  }
0x3a0: {  	v12 =	vld.idx.msk [tilespmem:v2+s13+$0x0], $0xffff  }
0x3a1: {  	v2 =	vld.idx.msk [tilespmem:v1+s12+$0x0], $0xffff;
	_ =	sdelay $0x1  }
0x3a2: {  	v3 =	vor.u32 $0x79, v23;
	_ =	sdelay $0x2  }
0x3a3: {  	[tilespmem:$0x1F650] =	vst v2;
	v2 =	vor.u32 $0x7A, v23  }
0x3a4: {  	v0 =	vor.u32 $0x78, v23  }
0x3a5: {  	v37 =	vld.idx.msk [tilespmem:v3+s12+$0x0], $0xffff  }
0x3a6: {  	v39 =	vld.idx.msk [tilespmem:v3+s13+$0x0], $0xffff  }
0x3a7: {  	v1 =	vld.idx.msk [tilespmem:v1+s13+$0x0], $0xffff  }
0x3a8: {  	v3 =	vld.idx.msk [tilespmem:v2+s12+$0x0], $0xffff  }
0x3a9: {  	v35 =	vld.idx.msk [tilespmem:v0+s12+$0x0], $0xffff  }
0x3aa: {  	v36 =	vld.idx.msk [tilespmem:v0+s13+$0x0], $0xffff;
	v0 =	vor.u32 $0x75, v23;
	_ =	sdelay $0x2  }
0x3ab: {  	[tilespmem:$0x1F670] =	vst v3;
	v3 =	vor.u32 $0x76, v23  }
0x3ac: {  	[tilespmem:$0x1F660] =	vst v1;
	v1 =	vor.u32 $0x74, v23  }
0x3ad: {  	v44 =	vld.idx.msk [tilespmem:v0+s12+$0x0], $0xffff  }
0x3ae: {  	v17 =	vld.idx.msk [tilespmem:v0+s13+$0x0], $0xffff  }
0x3af: {  	v2 =	vld.idx.msk [tilespmem:v2+s13+$0x0], $0xffff  }
0x3b0: {  	v0 =	vld.idx.msk [tilespmem:v3+s12+$0x0], $0xffff  }
0x3b1: {  	v42 =	vld.idx.msk [tilespmem:v1+s12+$0x0], $0xffff  }
0x3b2: {  	v43 =	vld.idx.msk [tilespmem:v1+s13+$0x0], $0xffff  }
0x3b3: {  	v1 =	vor.u32 $0x71, v23;
	v3 =	vld.idx.msk [tilespmem:v3+s13+$0x0], $0xffff;
	_ =	sdelay $0x1  }
0x3b4: {  	[tilespmem:$0x1F690] =	vst v0;
	v0 =	vor.u32 $0x72, v23  }
0x3b5: {  	[tilespmem:$0x1F680] =	vst v2;
	v2 =	vor.u32 $0x70, v23;
	_ =	sdelay $0x1  }
0x3b6: {  	v47 =	vld.idx.msk [tilespmem:v1+s12+$0x0], $0xffff;
	[tilespmem:$0x1F6A0] =	vst v3;
	v3 =	vor.u32 $0x6C, v23  }
0x3b7: {  	v49 =	vld.idx.msk [tilespmem:v1+s13+$0x0], $0xffff  }
0x3b8: {  	v1 =	vld.idx.msk [tilespmem:v0+s12+$0x0], $0xffff  }
0x3b9: {  	v45 =	vld.idx.msk [tilespmem:v2+s12+$0x0], $0xffff  }
0x3ba: {  	v46 =	vld.idx.msk [tilespmem:v2+s13+$0x0], $0xffff  }
0x3bb: {  	v2 =	vor.u32 $0x6D, v23;
	v56 =	vld.idx.msk [tilespmem:v3+s12+$0x0], $0xffff  }
0x3bc: {  	v3 =	vld.idx.msk [tilespmem:v3+s13+$0x0], $0xffff  }
0x3bd: {  	[tilespmem:$0x1F6B0] =	vst v1;
	v1 =	vor.u32 $0x6E, v23  }
0x3be: {  	v0 =	vld.idx.msk [tilespmem:v0+s13+$0x0], $0xffff;
	_ =	sdelay $0x1  }
0x3bf: {  	v22 =	vld.idx.msk [tilespmem:v2+s13+$0x0], $0xffff  }
0x3c0: {  	[tilespmem:$0x1EAB0] =	vst v3;
	v3 =	vld.idx.msk [tilespmem:v2+s12+$0x0], $0xffff  }
0x3c1: {  	v2 =	vld.idx.msk [tilespmem:v1+s12+$0x0], $0xffff  }
0x3c2: {  	[tilespmem:$0x1F6C0] =	vst v0;
	v0 =	vor.u32 $0x68, v23;
	v1 =	vld.idx.msk [tilespmem:v1+s13+$0x0], $0xffff;
	_ =	sdelay $0x4  }
0x3c3: {  	[tilespmem:$0x1F6E0] =	vst v1;
	v1 =	vld.idx.msk [tilespmem:v0+s12+$0x0], $0xffff  }
0x3c4: {  	[tilespmem:$0x1EAC0] =	vst v3;
	v3 =	vor.u32 $0x69, v23;
	v0 =	vld.idx.msk [tilespmem:v0+s13+$0x0], $0xffff;
	_ =	sdelay $0x4  }
0x3c5: {  	[tilespmem:$0x1EAE0] =	vst v0;
	v0 =	vld.idx.msk [tilespmem:v3+s12+$0x0], $0xffff  }
0x3c6: {  	[tilespmem:$0x1F6D0] =	vst v2;
	v2 =	vor.u32 $0x6A, v23;
	v3 =	vld.idx.msk [tilespmem:v3+s13+$0x0], $0xffff;
	_ =	sdelay $0x4  }
0x3c7: {  	[tilespmem:$0x1EB00] =	vst v3;
	v3 =	vld.idx.msk [tilespmem:v2+s12+$0x0], $0xffff  }
0x3c8: {  	[tilespmem:$0x1EAD0] =	vst v1;
	v1 =	vor.u32 $0x64, v23;
	v2 =	vld.idx.msk [tilespmem:v2+s13+$0x0], $0xffff;
	_ =	sdelay $0x3  }
0x3c9: {  	[tilespmem:$0x1EAF0] =	vst v0  }
0x3ca: {  	v0 =	vor.u32 $0x65, v23;
	[tilespmem:$0x1F700] =	vst v2;
	v2 =	vld.idx.msk [tilespmem:v1+s12+$0x0], $0xffff  }
0x3cb: {  	v1 =	vld.idx.msk [tilespmem:v1+s13+$0x0], $0xffff  }
0x3cc: {  	[tilespmem:$0x1F6F0] =	vst v3;
	v3 =	vor.u32 $0x66, v23;
	_ =	sdelay $0x2  }
0x3cd: {  	v26 =	vld.idx.msk [tilespmem:v0+s13+$0x0], $0xffff  }
0x3ce: {  	[tilespmem:$0x1EB20] =	vst v1;
	v1 =	vld.idx.msk [tilespmem:v0+s12+$0x0], $0xffff  }
0x3cf: {  	v0 =	vld.idx.msk [tilespmem:v3+s12+$0x0], $0xffff  }
0x3d0: {  	[tilespmem:$0x1EB10] =	vst v2;
	v2 =	vor.u32 $0x60, v23;
	v3 =	vld.idx.msk [tilespmem:v3+s13+$0x0], $0xffff;
	_ =	sdelay $0x4  }
0x3d1: {  	[tilespmem:$0x1F720] =	vst v3;
	v3 =	vld.idx.msk [tilespmem:v2+s12+$0x0], $0xffff  }
0x3d2: {  	[tilespmem:$0x1EB30] =	vst v1;
	v1 =	vor.u32 $0x61, v23;
	v2 =	vld.idx.msk [tilespmem:v2+s13+$0x0], $0xffff;
	_ =	sdelay $0x4  }
0x3d3: {  	[tilespmem:$0x1EB50] =	vst v2;
	v2 =	vld.idx.msk [tilespmem:v1+s12+$0x0], $0xffff  }
0x3d4: {  	[tilespmem:$0x1F710] =	vst v0;
	v0 =	vor.u32 $0x62, v23;
	v1 =	vld.idx.msk [tilespmem:v1+s13+$0x0], $0xffff;
	_ =	sdelay $0x4  }
0x3d5: {  	[tilespmem:$0x1EB70] =	vst v1;
	v1 =	vld.idx.msk [tilespmem:v0+s12+$0x0], $0xffff  }
0x3d6: {  	[tilespmem:$0x1EB40] =	vst v3;
	v3 =	vor.u32 $0x5C, v23;
	v0 =	vld.idx.msk [tilespmem:v0+s13+$0x0], $0xffff;
	_ =	sdelay $0x3  }
0x3d7: {  	[tilespmem:$0x1EB60] =	vst v2  }
0x3d8: {  	v2 =	vor.u32 $0x5D, v23;
	[tilespmem:$0x1F740] =	vst v0;
	v0 =	vld.idx.msk [tilespmem:v3+s12+$0x0], $0xffff  }
0x3d9: {  	v3 =	vld.idx.msk [tilespmem:v3+s13+$0x0], $0xffff  }
0x3da: {  	[tilespmem:$0x1F730] =	vst v1;
	v1 =	vor.u32 $0x5E, v23;
	_ =	sdelay $0x2  }
0x3db: {  	v31 =	vld.idx.msk [tilespmem:v2+s13+$0x0], $0xffff  }
0x3dc: {  	[tilespmem:$0x1EB90] =	vst v3;
	v3 =	vld.idx.msk [tilespmem:v2+s12+$0x0], $0xffff  }
0x3dd: {  	v2 =	vld.idx.msk [tilespmem:v1+s12+$0x0], $0xffff  }
0x3de: {  	[tilespmem:$0x1EB80] =	vst v0;
	v0 =	vor.u32 $0x58, v23;
	v1 =	vld.idx.msk [tilespmem:v1+s13+$0x0], $0xffff;
	_ =	sdelay $0x4  }
0x3df: {  	[tilespmem:$0x1F760] =	vst v1;
	v1 =	vld.idx.msk [tilespmem:v0+s12+$0x0], $0xffff  }
0x3e0: {  	[tilespmem:$0x1EBA0] =	vst v3;
	v3 =	vor.u32 $0x59, v23;
	v0 =	vld.idx.msk [tilespmem:v0+s13+$0x0], $0xffff;
	_ =	sdelay $0x4  }
0x3e1: {  	[tilespmem:$0x1EBC0] =	vst v0;
	v0 =	vld.idx.msk [tilespmem:v3+s12+$0x0], $0xffff  }
0x3e2: {  	[tilespmem:$0x1F750] =	vst v2;
	v2 =	vor.u32 $0x5A, v23;
	v3 =	vld.idx.msk [tilespmem:v3+s13+$0x0], $0xffff;
	_ =	sdelay $0x4  }
0x3e3: {  	[tilespmem:$0x1EBE0] =	vst v3;
	v3 =	vld.idx.msk [tilespmem:v2+s12+$0x0], $0xffff  }
0x3e4: {  	[tilespmem:$0x1EBB0] =	vst v1;
	v1 =	vor.u32 $0x54, v23;
	v2 =	vld.idx.msk [tilespmem:v2+s13+$0x0], $0xffff;
	_ =	sdelay $0x3  }
0x3e5: {  	[tilespmem:$0x1EBD0] =	vst v0  }
0x3e6: {  	v0 =	vor.u32 $0x55, v23;
	[tilespmem:$0x1F780] =	vst v2;
	v2 =	vld.idx.msk [tilespmem:v1+s12+$0x0], $0xffff  }
0x3e7: {  	v1 =	vld.idx.msk [tilespmem:v1+s13+$0x0], $0xffff  }
0x3e8: {  	[tilespmem:$0x1F770] =	vst v3;
	v3 =	vor.u32 $0x56, v23;
	_ =	sdelay $0x2  }
0x3e9: {  	v38 =	vld.idx.msk [tilespmem:v0+s13+$0x0], $0xffff  }
0x3ea: {  	[tilespmem:$0x1EC00] =	vst v1;
	v1 =	vld.idx.msk [tilespmem:v0+s12+$0x0], $0xffff  }
0x3eb: {  	v0 =	vld.idx.msk [tilespmem:v3+s12+$0x0], $0xffff  }
0x3ec: {  	[tilespmem:$0x1EBF0] =	vst v2;
	v2 =	vor.u32 $0x50, v23;
	v3 =	vld.idx.msk [tilespmem:v3+s13+$0x0], $0xffff;
	_ =	sdelay $0x4  }
0x3ed: {  	[tilespmem:$0x1F7A0] =	vst v3;
	v3 =	vld.idx.msk [tilespmem:v2+s12+$0x0], $0xffff  }
0x3ee: {  	[tilespmem:$0x1EC10] =	vst v1;
	v1 =	vor.u32 $0x51, v23;
	v2 =	vld.idx.msk [tilespmem:v2+s13+$0x0], $0xffff;
	_ =	sdelay $0x4  }
0x3ef: {  	[tilespmem:$0x1EC30] =	vst v2;
	v2 =	vld.idx.msk [tilespmem:v1+s12+$0x0], $0xffff  }
0x3f0: {  	[tilespmem:$0x1F790] =	vst v0;
	v0 =	vor.u32 $0x52, v23;
	v1 =	vld.idx.msk [tilespmem:v1+s13+$0x0], $0xffff;
	_ =	sdelay $0x4  }
0x3f1: {  	[tilespmem:$0x1EC50] =	vst v1;
	v1 =	vld.idx.msk [tilespmem:v0+s12+$0x0], $0xffff  }
0x3f2: {  	[tilespmem:$0x1EC20] =	vst v3;
	v3 =	vor.u32 $0x4C, v23;
	v0 =	vld.idx.msk [tilespmem:v0+s13+$0x0], $0xffff;
	_ =	sdelay $0x3  }
0x3f3: {  	[tilespmem:$0x1EC40] =	vst v2  }
0x3f4: {  	v2 =	vor.u32 $0x4D, v23;
	[tilespmem:$0x1F7C0] =	vst v0;
	v0 =	vld.idx.msk [tilespmem:v3+s12+$0x0], $0xffff  }
0x3f5: {  	v3 =	vld.idx.msk [tilespmem:v3+s13+$0x0], $0xffff  }
0x3f6: {  	[tilespmem:$0x1F7B0] =	vst v1;
	v1 =	vor.u32 $0x4E, v23;
	_ =	sdelay $0x2  }
0x3f7: {  	v41 =	vld.idx.msk [tilespmem:v2+s13+$0x0], $0xffff  }
0x3f8: {  	[tilespmem:$0x1EC70] =	vst v3;
	v3 =	vld.idx.msk [tilespmem:v2+s12+$0x0], $0xffff  }
0x3f9: {  	v2 =	vld.idx.msk [tilespmem:v1+s12+$0x0], $0xffff  }
0x3fa: {  	[tilespmem:$0x1EC60] =	vst v0;
	v0 =	vor.u32 $0x48, v23;
	v1 =	vld.idx.msk [tilespmem:v1+s13+$0x0], $0xffff;
	_ =	sdelay $0x4  }
0x3fb: {  	[tilespmem:$0x1F7E0] =	vst v1;
	v1 =	vld.idx.msk [tilespmem:v0+s12+$0x0], $0xffff  }
0x3fc: {  	[tilespmem:$0x1EC80] =	vst v3;
	v3 =	vor.u32 $0x49, v23;
	v0 =	vld.idx.msk [tilespmem:v0+s13+$0x0], $0xffff;
	_ =	sdelay $0x1  }
0x3fd: {  	[tilespmem:$0x1F7D0] =	vst v2;
	v2 =	vor.u32 $0x4A, v23;
	_ =	sdelay $0x2  }
0x3fe: {  	[tilespmem:$0x1ECA0] =	vst v0;
	v0 =	vld.idx.msk [tilespmem:v3+s12+$0x0], $0xffff  }
0x3ff: {  	v50 =	vld.idx.msk [tilespmem:v3+s13+$0x0], $0xffff  }
0x400: {  	v3 =	vld.idx.msk [tilespmem:v2+s12+$0x0], $0xffff  }
0x401: {  	[tilespmem:$0x1EC90] =	vst v1;
	v1 =	vor.u32 $0x44, v23;
	v2 =	vld.idx.msk [tilespmem:v2+s13+$0x0], $0xffff;
	_ =	sdelay $0x4  }
0x402: {  	[tilespmem:$0x1F800] =	vst v2;
	v2 =	vld.idx.msk [tilespmem:v1+s12+$0x0], $0xffff  }
0x403: {  	[tilespmem:$0x1ECB0] =	vst v0;
	v0 =	vor.u32 $0x45, v23;
	v1 =	vld.idx.msk [tilespmem:v1+s13+$0x0], $0xffff;
	_ =	sdelay $0x1  }
0x404: {  	[tilespmem:$0x1F7F0] =	vst v3;
	v3 =	vor.u32 $0x46, v23;
	_ =	sdelay $0x2  }
0x405: {  	[tilespmem:$0x1ECD0] =	vst v1;
	v1 =	vld.idx.msk [tilespmem:v0+s12+$0x0], $0xffff  }
0x406: {  	v58 =	vld.idx.msk [tilespmem:v0+s13+$0x0], $0xffff  }
0x407: {  	v0 =	vld.idx.msk [tilespmem:v3+s12+$0x0], $0xffff  }
0x408: {  	[tilespmem:$0x1ECC0] =	vst v2;
	v2 =	vor.u32 $0x40, v23;
	v3 =	vld.idx.msk [tilespmem:v3+s13+$0x0], $0xffff;
	_ =	sdelay $0x4  }
0x409: {  	[tilespmem:$0x1F820] =	vst v3;
	v3 =	vld.idx.msk [tilespmem:v2+s12+$0x0], $0xffff  }
0x40a: {  	[tilespmem:$0x1ECE0] =	vst v1;
	v1 =	vor.u32 $0x41, v23;
	v2 =	vld.idx.msk [tilespmem:v2+s13+$0x0], $0xffff;
	_ =	sdelay $0x4  }
0x40b: {  	[tilespmem:$0x1ED00] =	vst v2;
	v2 =	vld.idx.msk [tilespmem:v1+s12+$0x0], $0xffff  }
0x40c: {  	[tilespmem:$0x1F810] =	vst v0;
	v0 =	vor.u32 $0x42, v23;
	v1 =	vld.idx.msk [tilespmem:v1+s13+$0x0], $0xffff;
	_ =	sdelay $0x4  }
0x40d: {  	[tilespmem:$0x1ED20] =	vst v1;
	v1 =	vld.idx.msk [tilespmem:v0+s12+$0x0], $0xffff  }
0x40e: {  	[tilespmem:$0x1ECF0] =	vst v3;
	v3 =	vor.u32 $0x3C, v23;
	v0 =	vld.idx.msk [tilespmem:v0+s13+$0x0], $0xffff;
	_ =	sdelay $0x4  }
0x40f: {  	[tilespmem:$0x1F840] =	vst v0;
	v0 =	vld.idx.msk [tilespmem:v3+s12+$0x0], $0xffff  }
0x410: {  	[tilespmem:$0x1ED10] =	vst v2;
	v2 =	vor.u32 $0x3D, v23;
	v3 =	vld.idx.msk [tilespmem:v3+s13+$0x0], $0xffff;
	_ =	sdelay $0x4  }
0x411: {  	[tilespmem:$0x1ED40] =	vst v3;
	v3 =	vld.idx.msk [tilespmem:v2+s12+$0x0], $0xffff  }
0x412: {  	[tilespmem:$0x1F830] =	vst v1;
	v1 =	vor.u32 $0x3E, v23;
	v2 =	vld.idx.msk [tilespmem:v2+s13+$0x0], $0xffff;
	_ =	sdelay $0x4  }
0x413: {  	[tilespmem:$0x1ED60] =	vst v2;
	v2 =	vld.idx.msk [tilespmem:v1+s12+$0x0], $0xffff  }
0x414: {  	[tilespmem:$0x1ED30] =	vst v0;
	v0 =	vor.u32 $0x38, v23;
	v1 =	vld.idx.msk [tilespmem:v1+s13+$0x0], $0xffff;
	_ =	sdelay $0x3  }
0x415: {  	[tilespmem:$0x1ED50] =	vst v3  }
0x416: {  	v3 =	vor.u32 $0x39, v23;
	[tilespmem:$0x1F860] =	vst v1;
	v1 =	vld.idx.msk [tilespmem:v0+s12+$0x0], $0xffff  }
0x417: {  	v0 =	vld.idx.msk [tilespmem:v0+s13+$0x0], $0xffff  }
0x418: {  	[tilespmem:$0x1F850] =	vst v2;
	v2 =	vor.u32 $0x3A, v23;
	_ =	sdelay $0x2  }
0x419: {  	v11 =	vld.idx.msk [tilespmem:v3+s13+$0x0], $0xffff  }
0x41a: {  	[tilespmem:$0x1ED80] =	vst v0;
	v0 =	vld.idx.msk [tilespmem:v3+s12+$0x0], $0xffff  }
0x41b: {  	v3 =	vld.idx.msk [tilespmem:v2+s12+$0x0], $0xffff  }
0x41c: {  	[tilespmem:$0x1ED70] =	vst v1;
	v1 =	vor.u32 $0x34, v23;
	v2 =	vld.idx.msk [tilespmem:v2+s13+$0x0], $0xffff;
	_ =	sdelay $0x4  }
0x41d: {  	[tilespmem:$0x1F880] =	vst v2;
	v2 =	vld.idx.msk [tilespmem:v1+s12+$0x0], $0xffff  }
0x41e: {  	[tilespmem:$0x1ED90] =	vst v0;
	v0 =	vor.u32 $0x35, v23;
	v1 =	vld.idx.msk [tilespmem:v1+s13+$0x0], $0xffff;
	_ =	sdelay $0x4  }
0x41f: {  	[tilespmem:$0x1EDB0] =	vst v1;
	v1 =	vld.idx.msk [tilespmem:v0+s12+$0x0], $0xffff  }
0x420: {  	[tilespmem:$0x1F870] =	vst v3;
	v3 =	vor.u32 $0x36, v23;
	v0 =	vld.idx.msk [tilespmem:v0+s13+$0x0], $0xffff;
	_ =	sdelay $0x4  }
0x421: {  	[tilespmem:$0x1EDD0] =	vst v0;
	v0 =	vld.idx.msk [tilespmem:v3+s12+$0x0], $0xffff  }
0x422: {  	[tilespmem:$0x1EDA0] =	vst v2;
	v2 =	vor.u32 $0x30, v23;
	v3 =	vld.idx.msk [tilespmem:v3+s13+$0x0], $0xffff;
	_ =	sdelay $0x1  }
0x423: {  	[tilespmem:$0x1EDC0] =	vst v1;
	v1 =	vor.u32 $0x31, v23;
	_ =	sdelay $0x1  }
0x424: {  	[tilespmem:$0x1F890] =	vst v0;
	v0 =	vor.u32 $0x32, v23  }
0x425: {  	[tilespmem:$0x1F8A0] =	vst v3;
	v3 =	vld.idx.msk [tilespmem:v2+s12+$0x0], $0xffff  }
0x426: {  	v2 =	vld.idx.msk [tilespmem:v2+s13+$0x0], $0xffff  }
0x427: {  	v57 =	vld.idx.msk [tilespmem:v1+s12+$0x0], $0xffff  }
0x428: {  	v40 =	vld.idx.msk [tilespmem:v1+s13+$0x0], $0xffff  }
0x429: {  	v1 =	vld.idx.msk [tilespmem:v0+s12+$0x0], $0xffff;
	_ =	sdelay $0x1  }
0x42a: {  	[tilespmem:$0x1F8B0] =	vst v3;
	v3 =	vor.u32 $0x2C, v23;
	v0 =	vld.idx.msk [tilespmem:v0+s13+$0x0], $0xffff  }
0x42b: {  	[tilespmem:$0x1F8C0] =	vst v2;
	v2 =	vor.u32 $0x2D, v23;
	_ =	sdelay $0x1  }
0x42c: {  	[tilespmem:$0x1F8D0] =	vst v1;
	v1 =	vor.u32 $0x2E, v23;
	_ =	sdelay $0x1  }
0x42d: {  	[tilespmem:$0x1F8E0] =	vst v0;
	v0 =	vld.idx.msk [tilespmem:v3+s12+$0x0], $0xffff  }
0x42e: {  	v52 =	vld.idx.msk [tilespmem:v2+s12+$0x0], $0xffff  }
0x42f: {  	v53 =	vld.idx.msk [tilespmem:v2+s13+$0x0], $0xffff  }
0x430: {  	v2 =	vld.idx.msk [tilespmem:v1+s12+$0x0], $0xffff;
	_ =	sdelay $0x2  }
0x431: {  	v60 =	vld.idx.msk [tilespmem:v3+s13+$0x0], $0xffff;
	v3 =	vor.u32 $0x29, v23  }
0x432: {  	[tilespmem:$0x1F8F0] =	vst v0;
	v0 =	vor.u32 $0x28, v23  }
0x433: {  	v1 =	vld.idx.msk [tilespmem:v1+s13+$0x0], $0xffff;
	[tilespmem:$0x1F900] =	vst v2;
	v2 =	vor.u32 $0x2A, v23;
	_ =	sdelay $0x2  }
0x434: {  	v4 =	vor.u32 $0x7C, v23;
	v63 =	vld.idx.msk [tilespmem:v3+s12+$0x0], $0xffff  }
0x435: {  	v55 =	vld.idx.msk [tilespmem:v0+s12+$0x0], $0xffff  }
0x436: {  	[tilespmem:$0x1F910] =	vst v1;
	v1 =	vld.idx.msk [tilespmem:v2+s12+$0x0], $0xffff  }
0x437: {  	v61 =	vld.idx.msk [tilespmem:v0+s13+$0x0], $0xffff  }
0x438: {  	v0 =	vld.idx.msk [tilespmem:v3+s13+$0x0], $0xffff;
	v3 =	vor.u32 $0x26, v23  }
0x439: {  	v9 =	vld.idx.msk [tilespmem:v4+s12+$0x0], $0xffff  }
0x43a: {  	v32 =	vld.idx.msk [tilespmem:v4+s13+$0x0], $0xffff;
	v4 =	vor.u32 $0x24, v23  }
0x43b: {  	[tilespmem:$0x1F920] =	vst v1;
	v1 =	vld.idx.msk [tilespmem:v2+s13+$0x0], $0xffff;
	_ =	sdelay $0x1  }
0x43c: {  	v8 =	vld.idx.msk [tilespmem:v3+s12+$0x0], $0xffff;
	_ =	sdelay $0x1  }
0x43d: {  	v5 =	vld.idx.msk [tilespmem:v4+s13+$0x0], $0xffff  }
0x43e: {  	[tilespmem:$0x1F930] =	vst v1;
	v1 =	vld.idx.msk [tilespmem:v4+s12+$0x0], $0xffff;
	v4 =	vor.u32 $0x21, v23;
	_ =	sdelay $0x1  }
0x43f: {  	[tilespmem:$0x1F940] =	vst v8;
	v8 =	vor.u32 $0x22, v23;
	_ =	sdelay $0x1  }
0x440: {  	v2 =	vor.u32 $0x20, v23  }
0x441: {  	v51 =	vld.idx.msk [tilespmem:v4+s12+$0x0], $0xffff  }
0x442: {  	v13 =	vld.idx.msk [tilespmem:v4+s13+$0x0], $0xffff  }
0x443: {  	v4 =	vld.idx.msk [tilespmem:v8+s12+$0x0], $0xffff  }
0x444: {  	v3 =	vld.idx.msk [tilespmem:v3+s13+$0x0], $0xffff  }
0x445: {  	v10 =	vld.idx.msk [tilespmem:v2+s12+$0x0], $0xffff  }
0x446: {  	v48 =	vld.idx.msk [tilespmem:v2+s13+$0x0], $0xffff;
	v2 =	vor.u32 $0x1D, v23;
	_ =	sdelay $0x1  }
0x447: {  	[tilespmem:$0x1F960] =	vst v4;
	v4 =	vor.u32 $0x1E, v23  }
0x448: {  	[tilespmem:$0x1F950] =	vst v3;
	v3 =	vor.u32 $0x1C, v23;
	_ =	sdelay $0x1  }
0x449: {  	v16 =	vld.idx.msk [tilespmem:v2+s12+$0x0], $0xffff  }
0x44a: {  	v54 =	vld.idx.msk [tilespmem:v2+s13+$0x0], $0xffff  }
0x44b: {  	v2 =	vld.idx.msk [tilespmem:v4+s12+$0x0], $0xffff  }
0x44c: {  	v14 =	vld.idx.msk [tilespmem:v3+s12+$0x0], $0xffff  }
0x44d: {  	v8 =	vld.idx.msk [tilespmem:v8+s13+$0x0], $0xffff  }
0x44e: {  	v15 =	vld.idx.msk [tilespmem:v3+s13+$0x0], $0xffff;
	v3 =	vor.u32 $0x19, v23;
	_ =	sdelay $0x1  }
0x44f: {  	[tilespmem:$0x1F980] =	vst v2;
	v2 =	vor.u32 $0x1A, v23;
	_ =	sdelay $0x1  }
0x450: {  	[tilespmem:$0x1F970] =	vst v8;
	v8 =	vor.u32 $0x18, v23  }
0x451: {  	v59 =	vld.idx.msk [tilespmem:v3+s12+$0x0], $0xffff  }
0x452: {  	v20 =	vld.idx.msk [tilespmem:v3+s13+$0x0], $0xffff  }
0x453: {  	v3 =	vld.idx.msk [tilespmem:v2+s12+$0x0], $0xffff;
	_ =	sdelay $0x1  }
0x454: {  	v18 =	vld.idx.msk [tilespmem:v8+s12+$0x0], $0xffff  }
0x455: {  	v19 =	vld.idx.msk [tilespmem:v8+s13+$0x0], $0xffff;
	v8 =	vor.u32 $0x15, v23;
	_ =	sdelay $0x1  }
0x456: {  	[tilespmem:$0x1F9A0] =	vst v3;
	v3 =	vor.u32 $0x16, v23;
	_ =	sdelay $0x2  }
0x457: {  	v24 =	vld.idx.msk [tilespmem:v8+s12+$0x0], $0xffff  }
0x458: {  	v25 =	vld.idx.msk [tilespmem:v8+s13+$0x0], $0xffff  }
0x459: {  	v8 =	vld.idx.msk [tilespmem:v3+s12+$0x0], $0xffff  }
0x45a: {  	v3 =	vld.idx.msk [tilespmem:v3+s13+$0x0], $0xffff;
	_ =	sdelay $0x4  }
0x45b: {  	[tilespmem:$0x1FA50] =	vst v3;
	v3 =	vor.u32 $0xC, v23  }
0x45c: {  	v9 =	vmul.f32 v32, v9;
	_ =	sdelay $0x1  }
0x45d: {  	[tilespmem:$0x1F9C0] =	vst v9;
	v9 =	vmul.f32 v12, v33;
	_ =	sdelay $0x1  }
0x45e: {  	[tilespmem:$0x1F9D0] =	vst v9;
	v9 =	vld.idx.msk [tilespmem:v3+s12+$0x0], $0xffff  }
0x45f: {  	v32 =	vld.idx.msk [tilespmem:v3+s13+$0x0], $0xffff;
	v3 =	vmul.f32 v43, v42;
	_ =	sdelay $0x1  }
0x460: {  	[tilespmem:$0x1FA80] =	vst v3;
	v3 =	vmul.f32 v17, v44;
	_ =	sdelay $0x1  }
0x461: {  	[tilespmem:$0x1FAA0] =	vst v3;
	v3 =	vor.u32 $0x5B, v23  }
0x462: {  	[tilespmem:$0x1FFB0] =	vst v3;
	v3 =	vmul.f32 v46, v45;
	_ =	sdelay $0x1  }
0x463: {  	[tilespmem:$0x1FAD0] =	vst v3;
	v3 =	vmul.f32 v49, v47;
	_ =	sdelay $0x1  }
0x464: {  	[tilespmem:$0x1FAF0] =	vst v3;
	v3 =	vld [tilespmem:$0x1EAB0];
	_ =	sdelay $0x4  }
0x465: {  	v3 =	vmul.f32 v3, v56;
	_ =	sdelay $0x1  }
0x466: {  	[tilespmem:$0x1FB20] =	vst v3;
	v3 =	vld [tilespmem:$0x1EAC0];
	_ =	sdelay $0x2  }
0x467: {  	v17 =	vor.u32 $0x57, v23  }
0x468: {  	[tilespmem:$0x1FFC0] =	vst v17;
	v17 =	vld [tilespmem:$0x1EAD0]  }
0x469: {  	v3 =	vmul.f32 v22, v3;
	v22 =	vld [tilespmem:$0x1EAE0];
	_ =	sdelay $0x4  }
0x46a: {  	v17 =	vmul.f32 v22, v17  }
0x46b: {  	v22 =	vld [tilespmem:$0x1EB00]  }
0x46c: {  	[tilespmem:$0x1FB70] =	vst v17;
	v17 =	vld [tilespmem:$0x1EAF0];
	_ =	sdelay $0x4  }
0x46d: {  	v17 =	vmul.f32 v22, v17  }
0x46e: {  	v46 =	vld [tilespmem:$0x1EB20]  }
0x46f: {  	[tilespmem:$0x1FB90] =	vst v17;
	v17 =	vld [tilespmem:$0x1EB10];
	_ =	sdelay $0x4  }
0x470: {  	v17 =	vmul.f32 v46, v17;
	_ =	sdelay $0x1  }
0x471: {  	[tilespmem:$0x1FBC0] =	vst v17;
	v17 =	vld [tilespmem:$0x1EB30];
	_ =	sdelay $0x4  }
0x472: {  	v17 =	vmul.f32 v26, v17;
	_ =	sdelay $0x1  }
0x473: {  	v26 =	vld [tilespmem:$0x1EB50];
	[tilespmem:$0x1FBF0] =	vst v17;
	v17 =	vor.u32 $0x53, v23  }
0x474: {  	[tilespmem:$0x1FFD0] =	vst v17;
	v17 =	vld [tilespmem:$0x1EB40]  }
0x475: {  	v12 =	vor.u32 $0x5F, v23  }
0x476: {  	[tilespmem:$0x1FFA0] =	vst v12;
	v12 =	vmul.f32 v36, v35;
	_ =	sdelay $0x1  }
0x477: {  	[tilespmem:$0x1FA10] =	vst v12;
	v12 =	vmul.f32 v39, v37  }
0x478: {  	v17 =	vmul.f32 v26, v17  }
0x479: {  	[tilespmem:$0x1FA40] =	vst v12;
	v12 =	vor.u32 $0x8, v23;
	v26 =	vld [tilespmem:$0x1EB70]  }
0x47a: {  	[tilespmem:$0x1FC20] =	vst v17;
	v17 =	vld [tilespmem:$0x1EB60];
	_ =	sdelay $0x3  }
0x47b: {  	v36 =	vld.idx.msk [tilespmem:v12+s12+$0x0], $0xffff  }
0x47c: {  	v37 =	vld.idx.msk [tilespmem:v12+s13+$0x0], $0xffff;
	v17 =	vmul.f32 v26, v17  }
0x47d: {  	v12 =	vld [tilespmem:$0x1EB80]  }
0x47e: {  	[tilespmem:$0x1FC40] =	vst v17;
	v17 =	vld [tilespmem:$0x1EB90];
	_ =	sdelay $0x4  }
0x47f: {  	v12 =	vmul.f32 v17, v12;
	_ =	sdelay $0x1  }
0x480: {  	[tilespmem:$0x1FC70] =	vst v12;
	v12 =	vld [tilespmem:$0x1EBA0];
	_ =	sdelay $0x4  }
0x481: {  	v12 =	vmul.f32 v31, v12;
	_ =	sdelay $0x1  }
0x482: {  	v31 =	vld [tilespmem:$0x1EBC0];
	[tilespmem:$0x1FC90] =	vst v12;
	v12 =	vor.u32 $0x4F, v23  }
0x483: {  	[tilespmem:$0x1FFE0] =	vst v12;
	v12 =	vld [tilespmem:$0x1EBB0];
	_ =	sdelay $0x4  }
0x484: {  	v12 =	vmul.f32 v31, v12  }
0x485: {  	v31 =	vld [tilespmem:$0x1EBE0]  }
0x486: {  	[tilespmem:$0x1FCC0] =	vst v12;
	v12 =	vld [tilespmem:$0x1EBD0];
	_ =	sdelay $0x2  }
0x487: {  	v45 =	vor.u32 $0x9, v23;
	_ =	sdelay $0x1  }
0x488: {  	v47 =	vld [tilespmem:$0x1EC00];
	v12 =	vmul.f32 v31, v12  }
0x489: {  	v49 =	vld [tilespmem:$0x1EC20]  }
0x48a: {  	[tilespmem:$0x1FCE0] =	vst v12;
	v12 =	vld [tilespmem:$0x1EBF0]  }
0x48b: {  	v39 =	vld.idx.msk [tilespmem:v45+s13+$0x0], $0xffff  }
0x48c: {  	v56 =	vld [tilespmem:$0x1EC30]  }
0x48d: {  	v46 =	vld [tilespmem:$0x1EC50]  }
0x48e: {  	v17 =	vld.idx.msk [tilespmem:v45+s12+$0x0], $0xffff  }
0x48f: {  	v45 =	vld [tilespmem:$0x1EC40];
	v12 =	vmul.f32 v47, v12;
	_ =	sdelay $0x1  }
0x490: {  	v22 =	vor.u32 $0xA, v23;
	[tilespmem:$0x1FD10] =	vst v12;
	v12 =	vld [tilespmem:$0x1EC10]  }
0x491: {  	v35 =	vmul.f32 v56, v49;
	_ =	sdelay $0x1  }
0x492: {  	[tilespmem:$0x1FD60] =	vst v35;
	v35 =	vmul.f32 v46, v45;
	_ =	sdelay $0x1  }
0x493: {  	[tilespmem:$0x1FD80] =	vst v35;
	v35 =	vld.idx.msk [tilespmem:v22+s13+$0x0], $0xffff;
	v12 =	vmul.f32 v38, v12  }
0x494: {  	v47 =	vld [tilespmem:$0x1EC70]  }
0x495: {  	[tilespmem:$0x1FD30] =	vst v12;
	v12 =	vld.idx.msk [tilespmem:v22+s12+$0x0], $0xffff  }
0x496: {  	v22 =	vld [tilespmem:$0x1EC60];
	_ =	sdelay $0x1  }
0x497: {  	v49 =	vld [tilespmem:$0x1EC90]  }
0x498: {  	v56 =	vld [tilespmem:$0x1ECA0];
	_ =	sdelay $0x1  }
0x499: {  	v46 =	vld [tilespmem:$0x1ECB0];
	v22 =	vmul.f32 v47, v22;
	_ =	sdelay $0x1  }
0x49a: {  	v26 =	vor.u32 $0x4, v23;
	[tilespmem:$0x1FDB0] =	vst v22;
	v22 =	vld [tilespmem:$0x1EC80]  }
0x49b: {  	v42 =	vmul.f32 v56, v49;
	_ =	sdelay $0x1  }
0x49c: {  	[tilespmem:$0x1FE10] =	vst v42;
	v42 =	vmul.f32 v50, v46;
	_ =	sdelay $0x1  }
0x49d: {  	[tilespmem:$0x1FE40] =	vst v42;
	v42 =	vld.idx.msk [tilespmem:v26+s13+$0x0], $0xffff;
	v22 =	vmul.f32 v41, v22  }
0x49e: {  	v47 =	vld [tilespmem:$0x1ECD0]  }
0x49f: {  	[tilespmem:$0x1FDE0] =	vst v22;
	v22 =	vld.idx.msk [tilespmem:v26+s12+$0x0], $0xffff  }
0x4a0: {  	v26 =	vld [tilespmem:$0x1ECC0];
	_ =	sdelay $0x4  }
0x4a1: {  	v26 =	vmul.f32 v47, v26;
	_ =	sdelay $0x1  }
0x4a2: {  	[tilespmem:$0x1FE70] =	vst v26;
	v26 =	vld [tilespmem:$0x1ECE0];
	_ =	sdelay $0x4  }
0x4a3: {  	v26 =	vmul.f32 v58, v26  }
0x4a4: {  	v49 =	vld [tilespmem:$0x1ED00]  }
0x4a5: {  	[tilespmem:$0x1FE90] =	vst v26;
	v26 =	vld [tilespmem:$0x1ECF0];
	_ =	sdelay $0x4  }
0x4a6: {  	v26 =	vmul.f32 v49, v26  }
0x4a7: {  	v56 =	vld [tilespmem:$0x1ED20]  }
0x4a8: {  	[tilespmem:$0x1FEA0] =	vst v26;
	v26 =	vld [tilespmem:$0x1ED10]  }
0x4a9: {  	v31 =	vor.u32 $0x5, v23;
	_ =	sdelay $0x3  }
0x4aa: {  	v46 =	vld [tilespmem:$0x1ED40];
	v26 =	vmul.f32 v56, v26  }
0x4ab: {  	v44 =	vld.idx.msk [tilespmem:v31+s12+$0x0], $0xffff  }
0x4ac: {  	[tilespmem:$0x1FEB0] =	vst v26;
	v26 =	vld.idx.msk [tilespmem:v31+s13+$0x0], $0xffff  }
0x4ad: {  	v31 =	vld [tilespmem:$0x1ED30];
	_ =	sdelay $0x4  }
0x4ae: {  	v4 =	vld.idx.msk [tilespmem:v4+s13+$0x0], $0xffff;
	v31 =	vmul.f32 v46, v31  }
0x4af: {  	v47 =	vld [tilespmem:$0x1ED60]  }
0x4b0: {  	[tilespmem:$0x1FEC0] =	vst v31;
	v31 =	vld [tilespmem:$0x1ED50];
	_ =	sdelay $0x4  }
0x4b1: {  	[tilespmem:$0x1F990] =	vst v4;
	v4 =	vor.u32 $0x14, v23;
	v31 =	vmul.f32 v47, v31  }
0x4b2: {  	v56 =	vld [tilespmem:$0x1ED80]  }
0x4b3: {  	[tilespmem:$0x1FED0] =	vst v31;
	v31 =	vld [tilespmem:$0x1ED70];
	_ =	sdelay $0x1  }
0x4b4: {  	v2 =	vld.idx.msk [tilespmem:v2+s13+$0x0], $0xffff  }
0x4b5: {  	v62 =	vld.idx.msk [tilespmem:v4+s12+$0x0], $0xffff  }
0x4b6: {  	v21 =	vld.idx.msk [tilespmem:v4+s13+$0x0], $0xffff;
	v4 =	vor.u32 $0x11, v23  }
0x4b7: {  	v31 =	vmul.f32 v56, v31;
	_ =	sdelay $0x1  }
0x4b8: {  	[tilespmem:$0x1FEE0] =	vst v31;
	v31 =	vld [tilespmem:$0x1ED90]  }
0x4b9: {  	[tilespmem:$0x1F9B0] =	vst v2;
	v2 =	vor.u32 $0x10, v23  }
0x4ba: {  	v29 =	vld.idx.msk [tilespmem:v4+s12+$0x0], $0xffff  }
0x4bb: {  	v7 =	vor.u32 $0x25, v23;
	v30 =	vld.idx.msk [tilespmem:v4+s13+$0x0], $0xffff  }
0x4bc: {  	v4 =	vor.u32 $0x63, v23;
	v56 =	vld [tilespmem:$0x1EDB0]  }
0x4bd: {  	v34 =	vor.u32 $0xD, v23;
	[tilespmem:$0x1FF70] =	vst v4;
	v4 =	vor.u32 $0x67, v23;
	v11 =	vmul.f32 v11, v31;
	v31 =	vld [tilespmem:$0x1EDA0]  }
0x4be: {  	[tilespmem:$0x1FF80] =	vst v4;
	v4 =	vor.u32 $0x6B, v23;
	v27 =	vld.idx.msk [tilespmem:v2+s12+$0x0], $0xffff  }
0x4bf: {  	[tilespmem:$0x1FF90] =	vst v4;
	v28 =	vld.idx.msk [tilespmem:v2+s13+$0x0], $0xffff;
	v2 =	vor.u32 $0x77, v23  }
0x4c0: {  	v6 =	vld.idx.msk [tilespmem:v7+s12+$0x0], $0xffff;
	[tilespmem:$0x1FF20] =	vst v2  }
0x4c1: {  	v7 =	vld.idx.msk [tilespmem:v7+s13+$0x0], $0xffff;
	v2 =	vor.u32 $0x7B, v23;
	[tilespmem:$0x1F9E0] =	vst v8;
	v8 =	vor.u32 $0x12, v23  }
0x4c2: {  	v33 =	vld.idx.msk [tilespmem:v34+s12+$0x0], $0xffff;
	[tilespmem:$0x1FF30] =	vst v2;
	v2 =	vor.u32 $0x7F, v23;
	v31 =	vmul.f32 v56, v31  }
0x4c3: {  	v4 =	vor.u32 $0xE, v23;
	[tilespmem:$0x1FF40] =	vst v2;
	v56 =	vld [tilespmem:$0x1EDD0]  }
0x4c4: {  	v2 =	vor.u32 $0x6F, v23;
	[tilespmem:$0x1FF00] =	vst v31;
	v31 =	vld [tilespmem:$0x1EDC0]  }
0x4c5: {  	v34 =	vld.idx.msk [tilespmem:v34+s13+$0x0], $0xffff;
	[tilespmem:$0x1FF50] =	vst v2;
	v2 =	vor.u32 $0x73, v23;
	v45 =	vor.u32 $0x6, v23  }
0x4c6: {  	p0 =	sne.s32 s24, $0x70;
	[tilespmem:$0x1FF60] =	vst v2;
	v2 =	vld.idx.msk [tilespmem:v8+s12+$0x0], $0xffff  }
.Ltmp0:
0x4c7: {  	v8 =	vld.idx.msk [tilespmem:v8+s13+$0x0], $0xffff;
	(pc) =	sbr.rel @p0 .LBB2_3-.Ltmp0, $4  }
0x4c8: {  	[tilespmem:$0x1FB40] =	vst v3;
	v3 =	vld.idx.msk [tilespmem:v4+s12+$0x0], $0xffff  }
0x4c9: {  	v4 =	vld.idx.msk [tilespmem:v4+s13+$0x0], $0xffff;
	v50 =	vor.u32 $0x43, v23;
	v31 =	vmul.f32 v56, v31  }
0x4ca: {  	v43 =	vld.idx.msk [tilespmem:v45+s12+$0x0], $0xffff;
	v38 =	vor.u32 $0x4B, v23;
	v41 =	vor.u32 $0x47, v23;
	v58 =	vor.u32 $0x3F, v23;
	[tilespmem:$0x1FEF0] =	vst v11  }
0x4cb: {  	s24 =	sadd.s32 $0x10, s24;
	v45 =	vld.idx.msk [tilespmem:v45+s13+$0x0], $0xffff;
	v49 =	vor.u32 $0x1, v23;
	v47 =	vor.u32 $0x2, v23;
	v11 =	vor.u32 $0x3B, v23;
	[tilespmem:$0x1FF10] =	vst v31  }
0x4cc: {  	_ = 	snop  }
0x4cd: {  	v31 =	vld [tilespmem:$0x1F8B0]  }
0x4ce: {  	v56 =	vld [tilespmem:$0x1F8C0];
	_ =	sdelay $0x1  }
0x4cf: {  	v6 =	vmul.f32 v7, v6;
	v7 =	vmul.f32 v48, v10;
	v10 =	vld.idx.msk [tilespmem:v23+s13+$0x0], $0xffff  }
0x4d0: {  	v14 =	vmul.f32 v15, v14;
	v15 =	vld.idx.msk [tilespmem:v23+s12+$0x0], $0xffff;
	_ =	sdelay $0x1  }
0x4d1: {  	v40 =	vmul.f32 v40, v57;
	v56 =	vmul.f32 v56, v31;
	v31 =	vld [tilespmem:$0x1F8F0]  }
0x4d2: {  	v55 =	vmul.f32 v61, v55;
	v0 =	vmul.f32 v0, v63;
	v61 =	vor.u32 $0x7, v23  }
0x4d3: {  	v1 =	vmul.f32 v5, v1;
	v16 =	vmul.f32 v54, v16  }
0x4d4: {  	v18 =	vmul.f32 v19, v18;
	v19 =	vld.idx.msk [tilespmem:v47+s12+$0x0], $0xffff;
	v10 =	vmul.f32 v10, v15  }
0x4d5: {  	v21 =	vmul.f32 v21, v62;
	v62 =	vld.idx.msk [tilespmem:v47+s13+$0x0], $0xffff;
	v63 =	vor.u32 $0xB, v23;
	v22 =	vmul.f32 v42, v22  }
0x4d6: {  	v5 =	vld.idx.msk [tilespmem:v49+s13+$0x0], $0xffff;
	v10 =	vadd.f32 $0.0e+00, v10;
	v57 =	vmul.f32 v60, v31;
	v60 =	vor.u32 $0x3, v23  }
0x4d7: {  	v20 =	vmul.f32 v20, v59;
	v24 =	vmul.f32 v25, v24;
	v59 =	vld.idx.msk [tilespmem:v61+s12+$0x0], $0xffff  }
0x4d8: {  	v25 =	vmul.f32 v28, v27;
	v54 =	vmul.f32 v37, v36;
	v10 =	vadd.f32 v22, v10;
	v31 =	vld.idx.msk [tilespmem:v49+s12+$0x0], $0xffff  }
0x4d9: {  	v28 =	vmul.f32 v30, v29;
	v9 =	vmul.f32 v32, v9;
	v15 =	vld.idx.msk [tilespmem:v61+s13+$0x0], $0xffff  }
0x4da: {  	v30 =	vor.u32 $0xF, v23;
	v19 =	vmul.f32 v62, v19;
	v61 =	vld.idx.msk [tilespmem:v63+s13+$0x0], $0xffff;
	v10 =	vadd.f32 v54, v10  }
0x4db: {  	v27 =	vld.idx.msk [tilespmem:v60+s12+$0x0], $0xffff  }
0x4dc: {  	v19 =	vadd.f32 $0.0e+00, v19;
	v9 =	vadd.f32 v9, v10;
	v29 =	vld.idx.msk [tilespmem:v60+s13+$0x0], $0xffff  }
0x4dd: {  	v5 =	vmul.f32 v5, v31;
	v31 =	vor.u32 $0x13, v23;
	v60 =	vld.idx.msk [tilespmem:v63+s12+$0x0], $0xffff;
	v63 =	vmul.f32 v45, v43  }
0x4de: {  	v12 =	vmul.f32 v35, v12  }
0x4df: {  	v62 =	vld.idx.msk [tilespmem:v30+s12+$0x0], $0xffff;
	v9 =	vadd.f32 v25, v9;
	v25 =	vor.u32 $0x27, v23;
	v19 =	vadd.f32 v63, v19  }
0x4e0: {  	v3 =	vmul.f32 v4, v3;
	v4 =	vor.u32 $0x1F, v23;
	v22 =	vld.idx.msk [tilespmem:v30+s13+$0x0], $0xffff  }
0x4e1: {  	v26 =	vmul.f32 v26, v44;
	v9 =	vadd.f32 v21, v9;
	v21 =	vld [tilespmem:$0x1F9A0];
	v12 =	vadd.f32 v12, v19  }
0x4e2: {  	v5 =	vadd.f32 $0.0e+00, v5;
	v27 =	vmul.f32 v29, v27;
	v29 =	vor.u32 $0x17, v23;
	v30 =	vld.idx.msk [tilespmem:v31+s12+$0x0], $0xffff  }
0x4e3: {  	v17 =	vmul.f32 v39, v17;
	v2 =	vmul.f32 v8, v2;
	v31 =	vld.idx.msk [tilespmem:v31+s13+$0x0], $0xffff;
	v3 =	vadd.f32 v3, v12  }
0x4e4: {  	v15 =	vmul.f32 v15, v59;
	v5 =	vadd.f32 v26, v5;
	v9 =	vadd.f32 v18, v9;
	v18 =	vld.idx.msk [tilespmem:v25+s12+$0x0], $0xffff  }
0x4e5: {  	v26 =	vadd.f32 $0.0e+00, v27;
	v27 =	vor.u32 $0x1B, v23;
	v2 =	vadd.f32 v2, v3;
	v3 =	vld.idx.msk [tilespmem:v4+s12+$0x0], $0xffff  }
0x4e6: {  	v46 =	vmul.f32 v53, v52;
	v53 =	vmul.f32 v34, v33;
	v5 =	vadd.f32 v17, v5;
	v4 =	vld.idx.msk [tilespmem:v4+s13+$0x0], $0xffff  }
0x4e7: {  	v15 =	vadd.f32 v15, v26;
	v26 =	vmul.f32 v61, v60;
	v17 =	vld.idx.msk [tilespmem:v29+s12+$0x0], $0xffff  }
0x4e8: {  	v19 =	vmul.f32 v22, v62;
	v5 =	vadd.f32 v53, v5;
	v22 =	vld.idx.msk [tilespmem:v29+s13+$0x0], $0xffff  }
0x4e9: {  	v15 =	vadd.f32 v26, v15;
	v26 =	vld [tilespmem:$0x1F9E0]  }
0x4ea: {  	v5 =	vadd.f32 v28, v5;
	v12 =	vld.idx.msk [tilespmem:v27+s12+$0x0], $0xffff  }
0x4eb: {  	v8 =	vadd.f32 v19, v15;
	v19 =	vld.idx.msk [tilespmem:v27+s13+$0x0], $0xffff  }
0x4ec: {  	v5 =	vadd.f32 v24, v5;
	v15 =	vmul.f32 v31, v30;
	v27 =	vld [tilespmem:$0x1FA50]  }
0x4ed: {  	v10 =	vor.u32 $0x23, v23;
	v3 =	vmul.f32 v4, v3;
	v4 =	vadd.f32 v14, v9;
	v14 =	vld [tilespmem:$0x1F970]  }
0x4ee: {  	v5 =	vadd.f32 v20, v5;
	v8 =	vadd.f32 v15, v8;
	v15 =	vmul.f32 v22, v17;
	v22 =	vld [tilespmem:$0x1F9B0]  }
0x4ef: {  	v20 =	vld [tilespmem:$0x1F990]  }
0x4f0: {  	v13 =	vmul.f32 v13, v51;
	v4 =	vadd.f32 v7, v4;
	v7 =	vld [tilespmem:$0x1F940];
	v5 =	vadd.f32 v16, v5  }
0x4f1: {  	v17 =	vor.u32 $0x2B, v23;
	v12 =	vmul.f32 v19, v12;
	v19 =	vld [tilespmem:$0x1F980]  }
0x4f2: {  	v8 =	vadd.f32 v15, v8;
	v5 =	vadd.f32 v13, v5;
	v13 =	vld [tilespmem:$0x1F950]  }
0x4f3: {  	v26 =	vmul.f32 v27, v26;
	v21 =	vmul.f32 v22, v21;
	v22 =	vld.idx.msk [tilespmem:v10+s12+$0x0], $0xffff  }
0x4f4: {  	v8 =	vadd.f32 v12, v8;
	v12 =	vld [tilespmem:$0x1F960]  }
0x4f5: {  	v2 =	vadd.f32 v26, v2;
	v10 =	vld.idx.msk [tilespmem:v10+s13+$0x0], $0xffff  }
0x4f6: {  	v9 =	vld.idx.msk [tilespmem:v17+s12+$0x0], $0xffff  }
0x4f7: {  	v15 =	vor.u32 $0x2F, v23;
	v16 =	vld.idx.msk [tilespmem:v17+s13+$0x0], $0xffff;
	v2 =	vadd.f32 v21, v2;
	v19 =	vmul.f32 v20, v19  }
0x4f8: {  	v1 =	vadd.f32 v1, v4;
	v4 =	vadd.f32 v6, v5;
	v5 =	vld [tilespmem:$0x1F920]  }
0x4f9: {  	v6 =	vld [tilespmem:$0x1F930];
	v12 =	vmul.f32 v14, v12;
	v2 =	vadd.f32 v19, v2  }
0x4fa: {  	v21 =	vor.u32 $0x33, v23;
	v20 =	vld.idx.msk [tilespmem:v25+s13+$0x0], $0xffff  }
0x4fb: {  	v0 =	vadd.f32 v0, v4;
	v4 =	vld [tilespmem:$0x1F900];
	v7 =	vmul.f32 v13, v7;
	v2 =	vadd.f32 v12, v2  }
0x4fc: {  	v3 =	vadd.f32 v3, v8;
	v13 =	vld.idx.msk [tilespmem:v15+s13+$0x0], $0xffff;
	v14 =	vor.u32 $0x37, v23  }
0x4fd: {  	v8 =	vmul.f32 v10, v22;
	v2 =	vadd.f32 v7, v2;
	v7 =	vmul.f32 v16, v9;
	v9 =	vld [tilespmem:$0x1F910]  }
0x4fe: {  	v10 =	vld.idx.msk [tilespmem:v15+s12+$0x0], $0xffff  }
0x4ff: {  	v3 =	vadd.f32 v8, v3;
	v12 =	vld.idx.msk [tilespmem:v21+s12+$0x0], $0xffff;
	v8 =	vmul.f32 v20, v18  }
0x500: {  	v5 =	vmul.f32 v6, v5;
	v6 =	vld.idx.msk [tilespmem:v21+s13+$0x0], $0xffff  }
0x501: {  	v3 =	vadd.f32 v8, v3;
	v8 =	vld.idx.msk [tilespmem:v14+s12+$0x0], $0xffff  }
0x502: {  	v4 =	vmul.f32 v9, v4;
	v9 =	vld.idx.msk [tilespmem:v14+s13+$0x0], $0xffff  }
0x503: {  	v2 =	vadd.f32 v5, v2;
	v5 =	vmul.f32 v13, v10;
	v3 =	vadd.f32 v7, v3;
	_ =	sdelay $0x1  }
0x504: {  	v3 =	vadd.f32 v5, v3;
	v2 =	vadd.f32 v4, v2;
	v4 =	vmul.f32 v6, v12  }
0x505: {  	v1 =	vadd.f32 v55, v1  }
0x506: {  	v3 =	vadd.f32 v4, v3;
	v4 =	vmul.f32 v9, v8;
	v9 =	vld [tilespmem:$0x1FF00]  }
0x507: {  	v1 =	vadd.f32 v57, v1;
	v10 =	vld [tilespmem:$0x1F8D0]  }
0x508: {  	v13 =	vld [tilespmem:$0x1F8E0]  }
0x509: {  	v1 =	vadd.f32 v56, v1  }
0x50a: {  	v7 =	vld.idx.msk [tilespmem:v11+s12+$0x0], $0xffff  }
0x50b: {  	v1 =	vadd.f32 v9, v1;
	v9 =	vld [tilespmem:$0x1FF10]  }
0x50c: {  	v0 =	vadd.f32 v46, v0;
	v11 =	vld.idx.msk [tilespmem:v11+s13+$0x0], $0xffff  }
0x50d: {  	v10 =	vmul.f32 v13, v10;
	v6 =	vld [tilespmem:$0x1F890]  }
0x50e: {  	v0 =	vadd.f32 v40, v0;
	v12 =	vld [tilespmem:$0x1F8A0]  }
0x50f: {  	v2 =	vadd.f32 v10, v2;
	v10 =	vld [tilespmem:$0x1F880]  }
0x510: {  	v0 =	vadd.f32 v9, v0;
	v9 =	vld [tilespmem:$0x1F870];
	_ =	sdelay $0x2  }
0x511: {  	v5 =	vld.idx.msk [tilespmem:v58+s12+$0x0], $0xffff;
	v6 =	vmul.f32 v12, v6  }
0x512: {  	v8 =	vld.idx.msk [tilespmem:v50+s12+$0x0], $0xffff;
	v3 =	vadd.f32 v4, v3  }
0x513: {  	v4 =	vmul.f32 v11, v7;
	v7 =	vld [tilespmem:$0x1FEE0];
	v2 =	vadd.f32 v6, v2;
	v9 =	vmul.f32 v10, v9  }
0x514: {  	v12 =	vld.idx.msk [tilespmem:v58+s13+$0x0], $0xffff  }
0x515: {  	v2 =	vadd.f32 v9, v2;
	v9 =	vld [tilespmem:$0x1FEC0]  }
0x516: {  	v10 =	vld.idx.msk [tilespmem:v50+s13+$0x0], $0xffff;
	_ =	sdelay $0x1  }
0x517: {  	v1 =	vadd.f32 v7, v1;
	v7 =	vld [tilespmem:$0x1FEF0]  }
0x518: {  	v3 =	vadd.f32 v4, v3;
	v4 =	vmul.f32 v12, v5  }
0x519: {  	v1 =	vadd.f32 v9, v1;
	v9 =	vld [tilespmem:$0x1FED0]  }
0x51a: {  	v3 =	vadd.f32 v4, v3;
	v4 =	vmul.f32 v10, v8;
	v8 =	vld [tilespmem:$0x1FEA0]  }
0x51b: {  	v11 =	vld [tilespmem:$0x1F860]  }
0x51c: {  	v0 =	vadd.f32 v7, v0;
	v7 =	vld [tilespmem:$0x1F850]  }
0x51d: {  	v12 =	vld [tilespmem:$0x1F840]  }
0x51e: {  	v0 =	vadd.f32 v9, v0;
	v9 =	vld [tilespmem:$0x1F830]  }
0x51f: {  	v1 =	vadd.f32 v8, v1;
	v8 =	vld [tilespmem:$0x1FEB0]  }
0x520: {  	v13 =	vld [tilespmem:$0x1FFE0]  }
0x521: {  	v7 =	vmul.f32 v11, v7;
	_ =	sdelay $0x1  }
0x522: {  	v2 =	vadd.f32 v7, v2;
	v10 =	vld [tilespmem:$0x1F820];
	v9 =	vmul.f32 v12, v9  }
0x523: {  	v0 =	vadd.f32 v8, v0;
	v8 =	vld [tilespmem:$0x1F810]  }
0x524: {  	v2 =	vadd.f32 v9, v2;
	v9 =	vld [tilespmem:$0x1FE70]  }
0x525: {  	v6 =	vld.idx.msk [tilespmem:v41+s12+$0x0], $0xffff  }
0x526: {  	v11 =	vld.idx.msk [tilespmem:v41+s13+$0x0], $0xffff  }
0x527: {  	v7 =	vld.idx.msk [tilespmem:v13+s12+$0x0], $0xffff  }
0x528: {  	v8 =	vmul.f32 v10, v8;
	v10 =	vld.idx.msk [tilespmem:v13+s13+$0x0], $0xffff  }
0x529: {  	v1 =	vadd.f32 v9, v1;
	v9 =	vld [tilespmem:$0x1FE90]  }
0x52a: {  	v13 =	vld [tilespmem:$0x1FFD0];
	_ =	sdelay $0x1  }
0x52b: {  	v2 =	vadd.f32 v8, v2;
	v8 =	vld [tilespmem:$0x1FE10]  }
0x52c: {  	v3 =	vadd.f32 v4, v3;
	v4 =	vmul.f32 v11, v6;
	v11 =	vld [tilespmem:$0x1F800]  }
0x52d: {  	v0 =	vadd.f32 v9, v0;
	v9 =	vld [tilespmem:$0x1F7F0]  }
0x52e: {  	v5 =	vld.idx.msk [tilespmem:v38+s12+$0x0], $0xffff  }
0x52f: {  	v12 =	vld.idx.msk [tilespmem:v38+s13+$0x0], $0xffff  }
0x530: {  	v1 =	vadd.f32 v8, v1;
	v8 =	vld [tilespmem:$0x1FE40]  }
0x531: {  	v6 =	vld.idx.msk [tilespmem:v13+s12+$0x0], $0xffff  }
0x532: {  	v9 =	vmul.f32 v11, v9;
	v11 =	vld.idx.msk [tilespmem:v13+s13+$0x0], $0xffff  }
0x533: {  	v13 =	vld [tilespmem:$0x1FFC0];
	_ =	sdelay $0x2  }
0x534: {  	v3 =	vadd.f32 v4, v3;
	v4 =	vmul.f32 v12, v5;
	v12 =	vld [tilespmem:$0x1F7E0]  }
0x535: {  	v0 =	vadd.f32 v8, v0;
	v8 =	vld [tilespmem:$0x1F7D0];
	_ =	sdelay $0x3  }
0x536: {  	v5 =	vld.idx.msk [tilespmem:v13+s12+$0x0], $0xffff  }
0x537: {  	v8 =	vmul.f32 v12, v8;
	v12 =	vld.idx.msk [tilespmem:v13+s13+$0x0], $0xffff  }
0x538: {  	v13 =	vld [tilespmem:$0x1FFB0];
	_ =	sdelay $0x7  }
0x539: {  	v3 =	vadd.f32 v4, v3;
	v4 =	vmul.f32 v10, v7;
	v7 =	vld.idx.msk [tilespmem:v13+s12+$0x0], $0xffff  }
0x53a: {  	v2 =	vadd.f32 v9, v2;
	v9 =	vld [tilespmem:$0x1FDB0];
	_ =	sdelay $0x3  }
0x53b: {  	v3 =	vadd.f32 v4, v3;
	v4 =	vmul.f32 v11, v6;
	v11 =	vld [tilespmem:$0x1FD60]  }
0x53c: {  	v1 =	vadd.f32 v9, v1;
	v9 =	vld [tilespmem:$0x1FDE0];
	_ =	sdelay $0x1  }
0x53d: {  	v10 =	vld [tilespmem:$0x1F7C0]  }
0x53e: {  	v2 =	vadd.f32 v8, v2;
	v8 =	vld [tilespmem:$0x1FFA0]  }
0x53f: {  	v1 =	vadd.f32 v11, v1;
	v11 =	vld [tilespmem:$0x1FD80]  }
0x540: {  	v0 =	vadd.f32 v9, v0;
	v9 =	vld [tilespmem:$0x1F7B0];
	_ =	sdelay $0x1  }
0x541: {  	v14 =	vld [tilespmem:$0x1FF70];
	_ =	sdelay $0x1  }
0x542: {  	v0 =	vadd.f32 v11, v0;
	v11 =	vld [tilespmem:$0x1F790]  }
0x543: {  	v9 =	vmul.f32 v10, v9;
	v10 =	vld.idx.msk [tilespmem:v13+s13+$0x0], $0xffff  }
0x544: {  	v13 =	vld [tilespmem:$0x1F7A0]  }
0x545: {  	v6 =	vld.idx.msk [tilespmem:v8+s12+$0x0], $0xffff  }
0x546: {  	v8 =	vld.idx.msk [tilespmem:v8+s13+$0x0], $0xffff  }
0x547: {  	v2 =	vadd.f32 v9, v2;
	v9 =	vld [tilespmem:$0x1FD10]  }
0x548: {  	v3 =	vadd.f32 v4, v3;
	v4 =	vmul.f32 v12, v5;
	v5 =	vld.idx.msk [tilespmem:v14+s13+$0x0], $0xffff  }
0x549: {  	v11 =	vmul.f32 v13, v11;
	v13 =	vld.idx.msk [tilespmem:v14+s12+$0x0], $0xffff  }
0x54a: {  	v14 =	vld [tilespmem:$0x1FF80]  }
0x54b: {  	v3 =	vadd.f32 v4, v3;
	v4 =	vmul.f32 v10, v7;
	v10 =	vld [tilespmem:$0x1FCC0]  }
0x54c: {  	v1 =	vadd.f32 v9, v1;
	v9 =	vld [tilespmem:$0x1FD30];
	_ =	sdelay $0x1  }
0x54d: {  	v3 =	vadd.f32 v4, v3;
	v4 =	vmul.f32 v8, v6;
	v8 =	vld [tilespmem:$0x1FC70]  }
0x54e: {  	v12 =	vld [tilespmem:$0x1F780]  }
0x54f: {  	v1 =	vadd.f32 v10, v1;
	v10 =	vld [tilespmem:$0x1FCE0]  }
0x550: {  	v0 =	vadd.f32 v9, v0;
	v9 =	vld [tilespmem:$0x1F770]  }
0x551: {  	v2 =	vadd.f32 v11, v2;
	v11 =	vld [tilespmem:$0x1F760]  }
0x552: {  	v1 =	vadd.f32 v8, v1;
	v8 =	vld [tilespmem:$0x1FC90]  }
0x553: {  	v7 =	vld.idx.msk [tilespmem:v14+s13+$0x0], $0xffff  }
0x554: {  	v0 =	vadd.f32 v10, v0;
	v10 =	vld [tilespmem:$0x1F750]  }
0x555: {  	v9 =	vmul.f32 v12, v9;
	v12 =	vld.idx.msk [tilespmem:v14+s12+$0x0], $0xffff  }
0x556: {  	v14 =	vld [tilespmem:$0x1FF90];
	_ =	sdelay $0x2  }
0x557: {  	v0 =	vadd.f32 v8, v0;
	v8 =	vld [tilespmem:$0x1F730]  }
0x558: {  	v2 =	vadd.f32 v9, v2;
	v9 =	vld [tilespmem:$0x1F740]  }
0x559: {  	v10 =	vmul.f32 v11, v10;
	_ =	sdelay $0x1  }
0x55a: {  	v2 =	vadd.f32 v10, v2;
	v10 =	vld [tilespmem:$0x1FC20]  }
0x55b: {  	v11 =	vld.idx.msk [tilespmem:v14+s12+$0x0], $0xffff  }
0x55c: {  	v8 =	vmul.f32 v9, v8;
	v6 =	vld.idx.msk [tilespmem:v14+s13+$0x0], $0xffff  }
0x55d: {  	v14 =	vld [tilespmem:$0x1FF50]  }
0x55e: {  	v2 =	vadd.f32 v8, v2;
	v8 =	vld [tilespmem:$0x1FBC0]  }
0x55f: {  	v1 =	vadd.f32 v10, v1;
	v10 =	vld [tilespmem:$0x1FC40];
	_ =	sdelay $0x2  }
0x560: {  	v3 =	vadd.f32 v4, v3;
	v4 =	vmul.f32 v5, v13;
	v13 =	vld [tilespmem:$0x1F720]  }
0x561: {  	v1 =	vadd.f32 v8, v1;
	v8 =	vld [tilespmem:$0x1FBF0]  }
0x562: {  	v0 =	vadd.f32 v10, v0;
	v10 =	vld [tilespmem:$0x1F710]  }
0x563: {  	v9 =	vld.idx.msk [tilespmem:v14+s12+$0x0], $0xffff  }
0x564: {  	v5 =	vld.idx.msk [tilespmem:v14+s13+$0x0], $0xffff  }
0x565: {  	v14 =	vld [tilespmem:$0x1FF60];
	_ =	sdelay $0x2  }
0x566: {  	v3 =	vadd.f32 v4, v3;
	v4 =	vmul.f32 v7, v12;
	v12 =	vld [tilespmem:$0x1F700]  }
0x567: {  	v0 =	vadd.f32 v8, v0;
	v8 =	vld [tilespmem:$0x1F6F0]  }
0x568: {  	v10 =	vmul.f32 v13, v10;
	_ =	sdelay $0x1  }
0x569: {  	v2 =	vadd.f32 v10, v2;
	v10 =	vld [tilespmem:$0x1FB70]  }
0x56a: {  	v13 =	vld.idx.msk [tilespmem:v14+s12+$0x0], $0xffff  }
0x56b: {  	v7 =	vld.idx.msk [tilespmem:v14+s13+$0x0], $0xffff;
	v8 =	vmul.f32 v12, v8  }
0x56c: {  	v14 =	vld [tilespmem:$0x1FF20]  }
0x56d: {  	v2 =	vadd.f32 v8, v2;
	v8 =	vld [tilespmem:$0x1FB20]  }
0x56e: {  	v1 =	vadd.f32 v10, v1;
	v10 =	vld [tilespmem:$0x1FB90];
	_ =	sdelay $0x2  }
0x56f: {  	v3 =	vadd.f32 v4, v3;
	v4 =	vmul.f32 v6, v11;
	v11 =	vld [tilespmem:$0x1F6E0]  }
0x570: {  	v1 =	vadd.f32 v8, v1;
	v8 =	vld [tilespmem:$0x1FB40]  }
0x571: {  	v0 =	vadd.f32 v10, v0;
	v10 =	vld [tilespmem:$0x1F6D0]  }
0x572: {  	v12 =	vld.idx.msk [tilespmem:v14+s12+$0x0], $0xffff  }
0x573: {  	v6 =	vld.idx.msk [tilespmem:v14+s13+$0x0], $0xffff  }
0x574: {  	v14 =	vld [tilespmem:$0x1FF30];
	_ =	sdelay $0x1  }
0x575: {  	v3 =	vadd.f32 v4, v3;
	v4 =	vmul.f32 v5, v9;
	v10 =	vmul.f32 v11, v10  }
0x576: {  	v9 =	vld [tilespmem:$0x1F6C0]  }
0x577: {  	v3 =	vadd.f32 v4, v3;
	v4 =	vmul.f32 v7, v13;
	v2 =	vadd.f32 v10, v2;
	v10 =	vld [tilespmem:$0x1FAD0]  }
0x578: {  	v0 =	vadd.f32 v8, v0;
	v8 =	vld [tilespmem:$0x1F6B0]  }
0x579: {  	v3 =	vadd.f32 v4, v3;
	v4 =	vmul.f32 v6, v12;
	v6 =	vld [tilespmem:$0x1FA80]  }
0x57a: {  	v13 =	vld [tilespmem:$0x1F6A0]  }
0x57b: {  	v11 =	vld.idx.msk [tilespmem:v14+s12+$0x0], $0xffff  }
0x57c: {  	v1 =	vadd.f32 v10, v1;
	v10 =	vld [tilespmem:$0x1FAF0]  }
0x57d: {  	v5 =	vld.idx.msk [tilespmem:v14+s13+$0x0], $0xffff  }
0x57e: {  	v8 =	vmul.f32 v9, v8;
	v1 =	vadd.f32 v6, v1;
	v6 =	vld [tilespmem:$0x1FAA0]  }
0x57f: {  	v14 =	vld [tilespmem:$0x1FF40]  }
0x580: {  	v2 =	vadd.f32 v8, v2;
	v8 =	vld [tilespmem:$0x1F680]  }
0x581: {  	v0 =	vadd.f32 v10, v0;
	v10 =	vld [tilespmem:$0x1F690]  }
0x582: {  	v3 =	vadd.f32 v4, v3;
	v4 =	vmul.f32 v5, v11;
	v5 =	vld [tilespmem:$0x1FA10]  }
0x583: {  	v0 =	vadd.f32 v6, v0;
	v6 =	vld [tilespmem:$0x1F670];
	_ =	sdelay $0x2  }
0x584: {  	v10 =	vmul.f32 v13, v10  }
0x585: {  	v1 =	vadd.f32 v5, v1;
	v5 =	vld [tilespmem:$0x1FA40]  }
0x586: {  	v6 =	vmul.f32 v8, v6;
	v2 =	vadd.f32 v10, v2  }
0x587: {  	v9 =	vld.idx.msk [tilespmem:v14+s12+$0x0], $0xffff  }
0x588: {  	v2 =	vadd.f32 v6, v2;
	v6 =	vld [tilespmem:$0x1F9C0]  }
0x589: {  	v7 =	vld.idx.msk [tilespmem:v14+s13+$0x0], $0xffff  }
0x58a: {  	v0 =	vadd.f32 v5, v0;
	v5 =	vld [tilespmem:$0x1F650]  }
0x58b: {  	v8 =	vld [tilespmem:$0x1F660];
	_ =	sdelay $0x1  }
0x58c: {  	v1 =	vadd.f32 v6, v1;
	v6 =	vld [tilespmem:$0x1F9D0];
	_ =	sdelay $0x1  }
0x58d: {  	v3 =	vadd.f32 v4, v3;
	v4 =	vmul.f32 v7, v9  }
0x58e: {  	v5 =	vmul.f32 v8, v5  }
0x58f: {  	v3 =	vadd.f32 v4, v3  }
0x590: {  	v2 =	vadd.f32 v5, v2;
	v0 =	vadd.f32 v6, v0;
	_ =	sdelay $0x1  }
0x591: {  	v0 =	vadd.f32 v0, v1;
	v1 =	vadd.f32 v3, v2  }
0x592: {  	s24 =	sshll.u32 s22, $0x1  }
0x593: {  	s24 =	smin.u32 s24, $0x4D;
	v0 =	vadd.f32 v1, v0  }
0x594: {  	s23 =	sadd.s32 $0x10, s23;
	s24 =	sshll.u32 s24, $0x7  }
0x595: {  	s29 =	sadd.s32 $0x100, s24;
	[tilespmem:s23+$0x0] =	vst v0  }
0x596: {  	[tilespmem:s12], [sflag:$0x1] =	stream.indirect.gather [hbm4b:s2+s8], $0x80, s29, s8, $0xb8;
	[tilespmem:$0x17800] =	vst v63  }
0x597: {  	s24 =	sadd.s32 $0x2900, s24  }
0x598: {  	[tilespmem:s13], [sflag:$0x1] =	stream.indirect.gather [hbm4b:s2+s8], $0x80, s24, s8, $0xb8;
	[tilespmem:$0x17800] =	vst v63  }
0x599: {  	_ =	swait.ge [sflag:s17], $0x4000  }
0x59a: {  	v1 =	vld [tilespmem:$0x1FFF0];
	_ =	sdelay $0x1  }
0x59b: {  	s30 =	simm.s32 $0x0  }
0x59c: {  	v0 =	vmov s30  }
0x59d: {  	v0 =	vshll.u32 v0, $0x7  }
0x59e: {  	v8 =	vor.u32 v1, v0  }
0x59f: {  	[sflag:s17] =	ssyncset.done $0x0;
	v1 =	vor.u32 $0x7D, v8  }
0x5a0: {  	[sflag:s17] =	ssyncadd.s32 $0xFFFFC000  }
0x5a1: {  	_ =	swait.ge [sflag:s17], $0x4000;
	v2 =	vor.u32 $0x7E, v8  }
0x5a2: {  	[sflag:s17] =	ssyncset.done $0x0  }
0x5a3: {  	[sflag:s17] =	ssyncadd.s32 $0xFFFFC000;
	v0 =	vor.u32 $0x7C, v8  }
0x5a4: {  	v6 =	vld.idx.msk [tilespmem:v1+s14+$0x0], $0xffff  }
0x5a5: {  	v9 =	vld.idx.msk [tilespmem:v1+s15+$0x0], $0xffff  }
0x5a6: {  	v1 =	vld.idx.msk [tilespmem:v2+s14+$0x0], $0xffff  }
0x5a7: {  	v3 =	vor.u32 $0x78, v8  }
0x5a8: {  	v4 =	vld.idx.msk [tilespmem:v0+s14+$0x0], $0xffff  }
0x5a9: {  	v7 =	vld.idx.msk [tilespmem:v0+s15+$0x0], $0xffff;
	v0 =	vor.u32 $0x79, v8;
	_ =	sdelay $0x1  }
0x5aa: {  	[tilespmem:$0x1E0B0] =	vst v1;
	v1 =	vor.u32 $0x7A, v8  }
0x5ab: {  	v11 =	vld.idx.msk [tilespmem:v3+s14+$0x0], $0xffff  }
0x5ac: {  	v13 =	vld.idx.msk [tilespmem:v3+s15+$0x0], $0xffff  }
0x5ad: {  	v12 =	vld.idx.msk [tilespmem:v0+s14+$0x0], $0xffff  }
0x5ae: {  	v3 =	vor.u32 $0x75, v8;
	v14 =	vld.idx.msk [tilespmem:v0+s15+$0x0], $0xffff  }
0x5af: {  	v0 =	vld.idx.msk [tilespmem:v1+s14+$0x0], $0xffff;
	_ =	sdelay $0x2  }
0x5b0: {  	v2 =	vld.idx.msk [tilespmem:v2+s15+$0x0], $0xffff  }
0x5b1: {  	v30 =	vld.idx.msk [tilespmem:v3+s14+$0x0], $0xffff  }
0x5b2: {  	v3 =	vld.idx.msk [tilespmem:v3+s15+$0x0], $0xffff;
	[tilespmem:$0x1E070] =	vst v0;
	v0 =	vor.u32 $0x76, v8  }
0x5b3: {  	v1 =	vld.idx.msk [tilespmem:v1+s15+$0x0], $0xffff;
	_ =	sdelay $0x2  }
0x5b4: {  	[tilespmem:$0x1E0C0] =	vst v2;
	v2 =	vor.u32 $0x74, v8  }
0x5b5: {  	[tilespmem:$0x1D880] =	vst v3;
	v3 =	vld.idx.msk [tilespmem:v0+s14+$0x0], $0xffff  }
0x5b6: {  	[tilespmem:$0x1E080] =	vst v1;
	v1 =	vor.u32 $0x70, v8;
	v0 =	vld.idx.msk [tilespmem:v0+s15+$0x0], $0xffff;
	_ =	sdelay $0x2  }
0x5b7: {  	v15 =	vld.idx.msk [tilespmem:v2+s14+$0x0], $0xffff  }
0x5b8: {  	v33 =	vld.idx.msk [tilespmem:v2+s15+$0x0], $0xffff  }
0x5b9: {  	[tilespmem:$0x1E040] =	vst v0;
	v0 =	vld.idx.msk [tilespmem:v1+s14+$0x0], $0xffff  }
0x5ba: {  	v2 =	vor.u32 $0x71, v8;
	v1 =	vld.idx.msk [tilespmem:v1+s15+$0x0], $0xffff;
	_ =	sdelay $0x4  }
0x5bb: {  	[tilespmem:$0x1D8A0] =	vst v1;
	v1 =	vld.idx.msk [tilespmem:v2+s14+$0x0], $0xffff  }
0x5bc: {  	[tilespmem:$0x1E030] =	vst v3;
	v3 =	vor.u32 $0x72, v8;
	v2 =	vld.idx.msk [tilespmem:v2+s15+$0x0], $0xffff;
	_ =	sdelay $0x4  }
0x5bd: {  	[tilespmem:$0x1D8C0] =	vst v2;
	v2 =	vld.idx.msk [tilespmem:v3+s14+$0x0], $0xffff  }
0x5be: {  	[tilespmem:$0x1D890] =	vst v0;
	v0 =	vor.u32 $0x6C, v8;
	v3 =	vld.idx.msk [tilespmem:v3+s15+$0x0], $0xffff;
	_ =	sdelay $0x4  }
0x5bf: {  	[tilespmem:$0x1E000] =	vst v3;
	v3 =	vld.idx.msk [tilespmem:v0+s14+$0x0], $0xffff  }
0x5c0: {  	[tilespmem:$0x1D8B0] =	vst v1;
	v1 =	vor.u32 $0x6D, v8;
	v0 =	vld.idx.msk [tilespmem:v0+s15+$0x0], $0xffff;
	_ =	sdelay $0x4  }
0x5c1: {  	[tilespmem:$0x1D8E0] =	vst v0;
	v0 =	vld.idx.msk [tilespmem:v1+s14+$0x0], $0xffff  }
0x5c2: {  	[tilespmem:$0x1DFF0] =	vst v2;
	v2 =	vor.u32 $0x6E, v8;
	v1 =	vld.idx.msk [tilespmem:v1+s15+$0x0], $0xffff;
	_ =	sdelay $0x4  }
0x5c3: {  	[tilespmem:$0x1D900] =	vst v1;
	v1 =	vld.idx.msk [tilespmem:v2+s14+$0x0], $0xffff  }
0x5c4: {  	[tilespmem:$0x1D8D0] =	vst v3;
	v3 =	vor.u32 $0x68, v8;
	v2 =	vld.idx.msk [tilespmem:v2+s15+$0x0], $0xffff;
	_ =	sdelay $0x4  }
0x5c5: {  	[tilespmem:$0x1DFC0] =	vst v2;
	v2 =	vld.idx.msk [tilespmem:v3+s14+$0x0], $0xffff  }
0x5c6: {  	[tilespmem:$0x1D8F0] =	vst v0;
	v0 =	vor.u32 $0x69, v8;
	v3 =	vld.idx.msk [tilespmem:v3+s15+$0x0], $0xffff;
	_ =	sdelay $0x4  }
0x5c7: {  	[tilespmem:$0x1D920] =	vst v3;
	v3 =	vld.idx.msk [tilespmem:v0+s14+$0x0], $0xffff  }
0x5c8: {  	[tilespmem:$0x1DFB0] =	vst v1;
	v1 =	vor.u32 $0x6A, v8;
	v0 =	vld.idx.msk [tilespmem:v0+s15+$0x0], $0xffff;
	_ =	sdelay $0x4  }
0x5c9: {  	[tilespmem:$0x1D940] =	vst v0;
	v0 =	vld.idx.msk [tilespmem:v1+s14+$0x0], $0xffff  }
0x5ca: {  	[tilespmem:$0x1D910] =	vst v2;
	v2 =	vor.u32 $0x64, v8;
	v1 =	vld.idx.msk [tilespmem:v1+s15+$0x0], $0xffff;
	_ =	sdelay $0x4  }
0x5cb: {  	[tilespmem:$0x1DF80] =	vst v1;
	v1 =	vld.idx.msk [tilespmem:v2+s14+$0x0], $0xffff  }
0x5cc: {  	[tilespmem:$0x1D930] =	vst v3;
	v3 =	vor.u32 $0x65, v8;
	v2 =	vld.idx.msk [tilespmem:v2+s15+$0x0], $0xffff;
	_ =	sdelay $0x4  }
0x5cd: {  	[tilespmem:$0x1D960] =	vst v2;
	v2 =	vld.idx.msk [tilespmem:v3+s14+$0x0], $0xffff  }
0x5ce: {  	[tilespmem:$0x1DF70] =	vst v0;
	v0 =	vor.u32 $0x66, v8;
	v3 =	vld.idx.msk [tilespmem:v3+s15+$0x0], $0xffff;
	_ =	sdelay $0x4  }
0x5cf: {  	[tilespmem:$0x1D980] =	vst v3;
	v3 =	vld.idx.msk [tilespmem:v0+s14+$0x0], $0xffff  }
0x5d0: {  	[tilespmem:$0x1D950] =	vst v1;
	v1 =	vor.u32 $0x60, v8;
	v0 =	vld.idx.msk [tilespmem:v0+s15+$0x0], $0xffff;
	_ =	sdelay $0x4  }
0x5d1: {  	[tilespmem:$0x1DF40] =	vst v0;
	v0 =	vld.idx.msk [tilespmem:v1+s14+$0x0], $0xffff  }
0x5d2: {  	[tilespmem:$0x1D970] =	vst v2;
	v2 =	vor.u32 $0x61, v8;
	v1 =	vld.idx.msk [tilespmem:v1+s15+$0x0], $0xffff;
	_ =	sdelay $0x4  }
0x5d3: {  	[tilespmem:$0x1D9A0] =	vst v1;
	v1 =	vld.idx.msk [tilespmem:v2+s14+$0x0], $0xffff  }
0x5d4: {  	[tilespmem:$0x1DF30] =	vst v3;
	v3 =	vor.u32 $0x62, v8;
	v2 =	vld.idx.msk [tilespmem:v2+s15+$0x0], $0xffff;
	_ =	sdelay $0x4  }
0x5d5: {  	[tilespmem:$0x1D9C0] =	vst v2;
	v2 =	vld.idx.msk [tilespmem:v3+s14+$0x0], $0xffff  }
0x5d6: {  	[tilespmem:$0x1D990] =	vst v0;
	v0 =	vor.u32 $0x5C, v8;
	v3 =	vld.idx.msk [tilespmem:v3+s15+$0x0], $0xffff;
	_ =	sdelay $0x4  }
0x5d7: {  	[tilespmem:$0x1DF00] =	vst v3;
	v3 =	vld.idx.msk [tilespmem:v0+s14+$0x0], $0xffff  }
0x5d8: {  	[tilespmem:$0x1D9B0] =	vst v1;
	v1 =	vor.u32 $0x5D, v8;
	v0 =	vld.idx.msk [tilespmem:v0+s15+$0x0], $0xffff;
	_ =	sdelay $0x4  }
0x5d9: {  	[tilespmem:$0x1D9E0] =	vst v0;
	v0 =	vld.idx.msk [tilespmem:v1+s14+$0x0], $0xffff  }
0x5da: {  	[tilespmem:$0x1DEF0] =	vst v2;
	v2 =	vor.u32 $0x5E, v8;
	v1 =	vld.idx.msk [tilespmem:v1+s15+$0x0], $0xffff;
	_ =	sdelay $0x4  }
0x5db: {  	[tilespmem:$0x1DA00] =	vst v1;
	v1 =	vld.idx.msk [tilespmem:v2+s14+$0x0], $0xffff  }
0x5dc: {  	[tilespmem:$0x1D9D0] =	vst v3;
	v3 =	vor.u32 $0x58, v8;
	v2 =	vld.idx.msk [tilespmem:v2+s15+$0x0], $0xffff;
	_ =	sdelay $0x4  }
0x5dd: {  	[tilespmem:$0x1DEC0] =	vst v2;
	v2 =	vld.idx.msk [tilespmem:v3+s14+$0x0], $0xffff  }
0x5de: {  	[tilespmem:$0x1D9F0] =	vst v0;
	v0 =	vor.u32 $0x59, v8;
	v3 =	vld.idx.msk [tilespmem:v3+s15+$0x0], $0xffff;
	_ =	sdelay $0x4  }
0x5df: {  	[tilespmem:$0x1DA20] =	vst v3;
	v3 =	vld.idx.msk [tilespmem:v0+s14+$0x0], $0xffff  }
0x5e0: {  	[tilespmem:$0x1DEB0] =	vst v1;
	v1 =	vor.u32 $0x5A, v8;
	v0 =	vld.idx.msk [tilespmem:v0+s15+$0x0], $0xffff;
	_ =	sdelay $0x4  }
0x5e1: {  	[tilespmem:$0x1DA40] =	vst v0;
	v0 =	vld.idx.msk [tilespmem:v1+s14+$0x0], $0xffff  }
0x5e2: {  	[tilespmem:$0x1DA10] =	vst v2;
	v2 =	vor.u32 $0x54, v8;
	_ =	sdelay $0x3  }
0x5e3: {  	[tilespmem:$0x1DE70] =	vst v0;
	v0 =	vld.idx.msk [tilespmem:v1+s15+$0x0], $0xffff  }
0x5e4: {  	v1 =	vld.idx.msk [tilespmem:v2+s14+$0x0], $0xffff  }
0x5e5: {  	[tilespmem:$0x1DA30] =	vst v3;
	v3 =	vor.u32 $0x55, v8;
	_ =	sdelay $0x3  }
0x5e6: {  	[tilespmem:$0x1DA50] =	vst v1;
	v1 =	vld.idx.msk [tilespmem:v2+s15+$0x0], $0xffff  }
0x5e7: {  	v2 =	vld.idx.msk [tilespmem:v3+s14+$0x0], $0xffff  }
0x5e8: {  	[tilespmem:$0x1DE80] =	vst v0;
	v0 =	vor.u32 $0x50, v8;
	_ =	sdelay $0x3  }
0x5e9: {  	[tilespmem:$0x1DA70] =	vst v2;
	v2 =	vld.idx.msk [tilespmem:v3+s15+$0x0], $0xffff  }
0x5ea: {  	[tilespmem:$0x1DA60] =	vst v1;
	v1 =	vor.u32 $0x51, v8;
	v3 =	vld.idx.msk [tilespmem:v0+s14+$0x0], $0xffff;
	_ =	sdelay $0x3  }
0x5eb: {  	v0 =	vld.idx.msk [tilespmem:v0+s15+$0x0], $0xffff;
	[tilespmem:$0x1DA80] =	vst v2  }
0x5ec: {  	v2 =	vor.u32 $0x52, v8;
	[tilespmem:$0x1DA90] =	vst v3;
	v3 =	vld.idx.msk [tilespmem:v1+s14+$0x0], $0xffff;
	_ =	sdelay $0x3  }
0x5ed: {  	[tilespmem:$0x1DAA0] =	vst v0;
	v1 =	vld.idx.msk [tilespmem:v1+s15+$0x0], $0xffff  }
0x5ee: {  	v0 =	vor.u32 $0x4C, v8;
	[tilespmem:$0x1DAB0] =	vst v3;
	v3 =	vld.idx.msk [tilespmem:v2+s14+$0x0], $0xffff;
	_ =	sdelay $0x3  }
0x5ef: {  	[tilespmem:$0x1DAC0] =	vst v1;
	v2 =	vld.idx.msk [tilespmem:v2+s15+$0x0], $0xffff  }
0x5f0: {  	v1 =	vor.u32 $0x4D, v8;
	[tilespmem:$0x1DE10] =	vst v3;
	v3 =	vld.idx.msk [tilespmem:v0+s14+$0x0], $0xffff;
	_ =	sdelay $0x3  }
0x5f1: {  	[tilespmem:$0x1DE20] =	vst v2;
	v0 =	vld.idx.msk [tilespmem:v0+s15+$0x0], $0xffff  }
0x5f2: {  	v2 =	vor.u32 $0x48, v8;
	[tilespmem:$0x1DAD0] =	vst v3;
	v3 =	vld.idx.msk [tilespmem:v1+s14+$0x0], $0xffff;
	_ =	sdelay $0x3  }
0x5f3: {  	[tilespmem:$0x1DAE0] =	vst v0;
	v1 =	vld.idx.msk [tilespmem:v1+s15+$0x0], $0xffff  }
0x5f4: {  	v0 =	vor.u32 $0x49, v8;
	[tilespmem:$0x1DAF0] =	vst v3;
	v3 =	vld.idx.msk [tilespmem:v2+s14+$0x0], $0xffff;
	_ =	sdelay $0x3  }
0x5f5: {  	[tilespmem:$0x1DB00] =	vst v1;
	v2 =	vld.idx.msk [tilespmem:v2+s15+$0x0], $0xffff  }
0x5f6: {  	v1 =	vor.u32 $0x4A, v8;
	[tilespmem:$0x1DB10] =	vst v3;
	v3 =	vld.idx.msk [tilespmem:v0+s14+$0x0], $0xffff;
	_ =	sdelay $0x3  }
0x5f7: {  	[tilespmem:$0x1DB20] =	vst v2;
	v0 =	vld.idx.msk [tilespmem:v0+s15+$0x0], $0xffff  }
0x5f8: {  	v2 =	vor.u32 $0x44, v8;
	[tilespmem:$0x1DB30] =	vst v3;
	v3 =	vld.idx.msk [tilespmem:v1+s14+$0x0], $0xffff;
	_ =	sdelay $0x3  }
0x5f9: {  	[tilespmem:$0x1DB40] =	vst v0;
	v1 =	vld.idx.msk [tilespmem:v1+s15+$0x0], $0xffff  }
0x5fa: {  	v0 =	vor.u32 $0x45, v8;
	[tilespmem:$0x1DDB0] =	vst v3;
	v3 =	vld.idx.msk [tilespmem:v2+s14+$0x0], $0xffff;
	_ =	sdelay $0x3  }
0x5fb: {  	[tilespmem:$0x1DDC0] =	vst v1;
	v2 =	vld.idx.msk [tilespmem:v2+s15+$0x0], $0xffff  }
0x5fc: {  	v1 =	vor.u32 $0x46, v8;
	[tilespmem:$0x1DB50] =	vst v3;
	v3 =	vld.idx.msk [tilespmem:v0+s14+$0x0], $0xffff;
	_ =	sdelay $0x3  }
0x5fd: {  	[tilespmem:$0x1DB60] =	vst v2;
	v0 =	vld.idx.msk [tilespmem:v0+s15+$0x0], $0xffff  }
0x5fe: {  	v2 =	vor.u32 $0x40, v8;
	[tilespmem:$0x1DD40] =	vst v3;
	v3 =	vld.idx.msk [tilespmem:v1+s14+$0x0], $0xffff;
	_ =	sdelay $0x3  }
0x5ff: {  	[tilespmem:$0x1DD50] =	vst v0;
	v1 =	vld.idx.msk [tilespmem:v1+s15+$0x0], $0xffff  }
0x600: {  	v0 =	vor.u32 $0x41, v8;
	[tilespmem:$0x1DD80] =	vst v3;
	v3 =	vld.idx.msk [tilespmem:v2+s14+$0x0], $0xffff;
	_ =	sdelay $0x3  }
0x601: {  	[tilespmem:$0x1DD90] =	vst v1;
	v2 =	vld.idx.msk [tilespmem:v2+s15+$0x0], $0xffff  }
0x602: {  	v1 =	vor.u32 $0x42, v8;
	[tilespmem:$0x1DB70] =	vst v3;
	v3 =	vld.idx.msk [tilespmem:v0+s14+$0x0], $0xffff;
	_ =	sdelay $0x3  }
0x603: {  	[tilespmem:$0x1DB80] =	vst v2;
	v0 =	vld.idx.msk [tilespmem:v0+s15+$0x0], $0xffff  }
0x604: {  	v2 =	vor.u32 $0x3C, v8;
	[tilespmem:$0x1DB90] =	vst v3;
	v3 =	vld.idx.msk [tilespmem:v1+s14+$0x0], $0xffff;
	_ =	sdelay $0x3  }
0x605: {  	[tilespmem:$0x1DBA0] =	vst v0  }
0x606: {  	v0 =	vor.u32 $0x3D, v8;
	[tilespmem:$0x1DD20] =	vst v3;
	v3 =	vld.idx.msk [tilespmem:v2+s14+$0x0], $0xffff  }
0x607: {  	v1 =	vld.idx.msk [tilespmem:v1+s15+$0x0], $0xffff;
	_ =	sdelay $0x3  }
0x608: {  	[tilespmem:$0x1DBB0] =	vst v3;
	v3 =	vld.idx.msk [tilespmem:v0+s14+$0x0], $0xffff  }
0x609: {  	[tilespmem:$0x1DD30] =	vst v1;
	v1 =	vor.u32 $0x38, v8;
	v0 =	vld.idx.msk [tilespmem:v0+s15+$0x0], $0xffff;
	_ =	sdelay $0x3  }
0x60a: {  	[tilespmem:$0x1DBE0] =	vst v3  }
0x60b: {  	[tilespmem:$0x1DBD0] =	vst v0;
	v0 =	vor.u32 $0x3A, v8;
	v3 =	vld.idx.msk [tilespmem:v1+s14+$0x0], $0xffff;
	_ =	sdelay $0x4  }
0x60c: {  	[tilespmem:$0x1DBF0] =	vst v3;
	v3 =	vld.idx.msk [tilespmem:v0+s14+$0x0], $0xffff;
	_ =	sdelay $0x4  }
0x60d: {  	[tilespmem:$0x1DCE0] =	vst v3;
	v3 =	vmul.f32 v7, v4;
	_ =	sdelay $0x1  }
0x60e: {  	[tilespmem:$0x1E0D0] =	vst v3;
	v3 =	vmul.f32 v9, v6;
	_ =	sdelay $0x1  }
0x60f: {  	[tilespmem:$0x1E0E0] =	vst v3;
	v3 =	vmul.f32 v13, v11;
	_ =	sdelay $0x1  }
0x610: {  	[tilespmem:$0x1E090] =	vst v3;
	v3 =	vmul.f32 v14, v12;
	_ =	sdelay $0x1  }
0x611: {  	[tilespmem:$0x1E0A0] =	vst v3;
	v3 =	vmul.f32 v33, v15;
	_ =	sdelay $0x1  }
0x612: {  	[tilespmem:$0x1E050] =	vst v3;
	v3 =	vld [tilespmem:$0x1D880];
	_ =	sdelay $0x4  }
0x613: {  	v3 =	vmul.f32 v3, v30  }
0x614: {  	v4 =	vld [tilespmem:$0x1D8A0]  }
0x615: {  	[tilespmem:$0x1E060] =	vst v3;
	v3 =	vld [tilespmem:$0x1D890];
	_ =	sdelay $0x4  }
0x616: {  	v3 =	vmul.f32 v4, v3  }
0x617: {  	v4 =	vld [tilespmem:$0x1D8C0]  }
0x618: {  	[tilespmem:$0x1E010] =	vst v3;
	v3 =	vld [tilespmem:$0x1D8B0];
	_ =	sdelay $0x4  }
0x619: {  	v3 =	vmul.f32 v4, v3  }
0x61a: {  	v4 =	vld [tilespmem:$0x1D8E0]  }
0x61b: {  	[tilespmem:$0x1E020] =	vst v3;
	v3 =	vld [tilespmem:$0x1D8D0]  }
0x61c: {  	v2 =	vld.idx.msk [tilespmem:v2+s15+$0x0], $0xffff;
	_ =	sdelay $0x3  }
0x61d: {  	v3 =	vmul.f32 v4, v3  }
0x61e: {  	[tilespmem:$0x1DBC0] =	vst v2;
	v2 =	vor.u32 $0x39, v8;
	v4 =	vld [tilespmem:$0x1D900]  }
0x61f: {  	[tilespmem:$0x1DFD0] =	vst v3;
	v3 =	vld [tilespmem:$0x1D8F0]  }
0x620: {  	v0 =	vld.idx.msk [tilespmem:v0+s15+$0x0], $0xffff;
	_ =	sdelay $0x2  }
0x621: {  	v61 =	vld.idx.msk [tilespmem:v2+s14+$0x0], $0xffff  }
0x622: {  	v60 =	vld.idx.msk [tilespmem:v2+s15+$0x0], $0xffff;
	v2 =	vor.u32 $0x35, v8;
	v3 =	vmul.f32 v4, v3  }
0x623: {  	[tilespmem:$0x1DCF0] =	vst v0;
	v4 =	vld [tilespmem:$0x1D920]  }
0x624: {  	v0 =	vor.u32 $0x36, v8;
	[tilespmem:$0x1DFE0] =	vst v3;
	v3 =	vld [tilespmem:$0x1D910];
	_ =	sdelay $0x1  }
0x625: {  	v63 =	vld.idx.msk [tilespmem:v1+s15+$0x0], $0xffff  }
0x626: {  	v56 =	vld.idx.msk [tilespmem:v2+s14+$0x0], $0xffff  }
0x627: {  	v55 =	vld.idx.msk [tilespmem:v2+s15+$0x0], $0xffff  }
0x628: {  	v1 =	vor.u32 $0x34, v8;
	v2 =	vld.idx.msk [tilespmem:v0+s14+$0x0], $0xffff;
	v3 =	vmul.f32 v4, v3  }
0x629: {  	v4 =	vld [tilespmem:$0x1D940]  }
0x62a: {  	v5 =	vor.u32 $0x31, v8;
	[tilespmem:$0x1DF90] =	vst v3;
	v3 =	vld [tilespmem:$0x1D930]  }
0x62b: {  	v0 =	vld.idx.msk [tilespmem:v0+s15+$0x0], $0xffff;
	_ =	sdelay $0x1  }
0x62c: {  	v59 =	vld.idx.msk [tilespmem:v1+s14+$0x0], $0xffff  }
0x62d: {  	v57 =	vld.idx.msk [tilespmem:v1+s15+$0x0], $0xffff;
	v1 =	vor.u32 $0x30, v8  }
0x62e: {  	v52 =	vld.idx.msk [tilespmem:v5+s14+$0x0], $0xffff;
	v3 =	vmul.f32 v4, v3  }
0x62f: {  	[tilespmem:$0x1DCD0] =	vst v0;
	v0 =	vor.u32 $0x32, v8;
	v4 =	vld [tilespmem:$0x1D960]  }
0x630: {  	[tilespmem:$0x1DFA0] =	vst v3;
	v3 =	vld [tilespmem:$0x1D950]  }
0x631: {  	v51 =	vld.idx.msk [tilespmem:v5+s15+$0x0], $0xffff  }
0x632: {  	v54 =	vld.idx.msk [tilespmem:v1+s14+$0x0], $0xffff  }
0x633: {  	v53 =	vld.idx.msk [tilespmem:v1+s15+$0x0], $0xffff  }
0x634: {  	v1 =	vld.idx.msk [tilespmem:v0+s14+$0x0], $0xffff  }
0x635: {  	v5 =	vor.u32 $0x2D, v8;
	v0 =	vld.idx.msk [tilespmem:v0+s15+$0x0], $0xffff;
	v3 =	vmul.f32 v4, v3  }
0x636: {  	v4 =	vld [tilespmem:$0x1D980]  }
0x637: {  	v32 =	vor.u32 $0x2E, v8;
	[tilespmem:$0x1DF50] =	vst v3;
	v3 =	vld [tilespmem:$0x1D970];
	_ =	sdelay $0x2  }
0x638: {  	v48 =	vld.idx.msk [tilespmem:v5+s14+$0x0], $0xffff  }
0x639: {  	v47 =	vld.idx.msk [tilespmem:v5+s15+$0x0], $0xffff  }
0x63a: {  	v5 =	vor.u32 $0x29, v8;
	[tilespmem:$0x1DCB0] =	vst v0;
	v0 =	vld.idx.msk [tilespmem:v32+s14+$0x0], $0xffff;
	v3 =	vmul.f32 v4, v3  }
0x63b: {  	v4 =	vld [tilespmem:$0x1D9A0]  }
0x63c: {  	[tilespmem:$0x1DF60] =	vst v3;
	v3 =	vld [tilespmem:$0x1D990];
	_ =	sdelay $0x2  }
0x63d: {  	v44 =	vld.idx.msk [tilespmem:v5+s14+$0x0], $0xffff  }
0x63e: {  	v41 =	vld.idx.msk [tilespmem:v5+s15+$0x0], $0xffff  }
0x63f: {  	[tilespmem:$0x1DC80] =	vst v0;
	v0 =	vld.idx.msk [tilespmem:v32+s15+$0x0], $0xffff;
	v3 =	vmul.f32 v4, v3  }
0x640: {  	v4 =	vld [tilespmem:$0x1D9C0]  }
0x641: {  	v5 =	vor.u32 $0x26, v8;
	[tilespmem:$0x1DF10] =	vst v3;
	v3 =	vld [tilespmem:$0x1D9B0];
	_ =	sdelay $0x4  }
0x642: {  	[tilespmem:$0x1DC90] =	vst v0;
	v0 =	vld.idx.msk [tilespmem:v5+s14+$0x0], $0xffff;
	v3 =	vmul.f32 v4, v3  }
0x643: {  	v4 =	vld [tilespmem:$0x1D9E0]  }
0x644: {  	[tilespmem:$0x1DF20] =	vst v3;
	v3 =	vld [tilespmem:$0x1D9D0];
	_ =	sdelay $0x4  }
0x645: {  	v10 =	vor.u32 $0x2C, v8;
	[tilespmem:$0x1DC60] =	vst v0;
	v0 =	vld.idx.msk [tilespmem:v5+s15+$0x0], $0xffff;
	v3 =	vmul.f32 v4, v3  }
0x646: {  	v4 =	vld [tilespmem:$0x1DA00]  }
0x647: {  	v5 =	vor.u32 $0x22, v8;
	[tilespmem:$0x1DED0] =	vst v3;
	v3 =	vld [tilespmem:$0x1D9F0];
	_ =	sdelay $0x2  }
0x648: {  	v34 =	vor.u32 $0x24, v8;
	v50 =	vld.idx.msk [tilespmem:v10+s14+$0x0], $0xffff  }
0x649: {  	v49 =	vld.idx.msk [tilespmem:v10+s15+$0x0], $0xffff  }
0x64a: {  	v10 =	vor.u32 $0x28, v8;
	[tilespmem:$0x1DC70] =	vst v0;
	v0 =	vld.idx.msk [tilespmem:v5+s14+$0x0], $0xffff;
	v3 =	vmul.f32 v4, v3  }
0x64b: {  	v4 =	vld [tilespmem:$0x1DA20]  }
0x64c: {  	[tilespmem:$0x1DEE0] =	vst v3;
	v3 =	vld [tilespmem:$0x1DA10]  }
0x64d: {  	v43 =	vld.idx.msk [tilespmem:v34+s14+$0x0], $0xffff  }
0x64e: {  	v40 =	vld.idx.msk [tilespmem:v34+s15+$0x0], $0xffff  }
0x64f: {  	v35 =	vor.u32 $0x20, v8;
	v46 =	vld.idx.msk [tilespmem:v10+s14+$0x0], $0xffff  }
0x650: {  	v45 =	vld.idx.msk [tilespmem:v10+s15+$0x0], $0xffff;
	v10 =	vor.u32 $0x25, v8  }
0x651: {  	[tilespmem:$0x1DC40] =	vst v0;
	v0 =	vld.idx.msk [tilespmem:v5+s15+$0x0], $0xffff;
	v5 =	vor.u32 $0x1E, v8;
	v3 =	vmul.f32 v4, v3  }
0x652: {  	v4 =	vld [tilespmem:$0x1DA40]  }
0x653: {  	[tilespmem:$0x1DE90] =	vst v3;
	v3 =	vld [tilespmem:$0x1DA30]  }
0x654: {  	v37 =	vld.idx.msk [tilespmem:v35+s14+$0x0], $0xffff  }
0x655: {  	v39 =	vld.idx.msk [tilespmem:v10+s14+$0x0], $0xffff  }
0x656: {  	[tilespmem:$0x1DC50] =	vst v0;
	v0 =	vld.idx.msk [tilespmem:v5+s14+$0x0], $0xffff  }
0x657: {  	v38 =	vld.idx.msk [tilespmem:v10+s15+$0x0], $0xffff;
	v10 =	vor.u32 $0x21, v8  }
0x658: {  	v36 =	vld.idx.msk [tilespmem:v35+s15+$0x0], $0xffff;
	v3 =	vmul.f32 v4, v3  }
0x659: {  	v4 =	vld [tilespmem:$0x1DA60]  }
0x65a: {  	[tilespmem:$0x1DEA0] =	vst v3;
	v3 =	vld [tilespmem:$0x1DA50]  }
0x65b: {  	[tilespmem:$0x1DC20] =	vst v0;
	v0 =	vld.idx.msk [tilespmem:v5+s15+$0x0], $0xffff  }
0x65c: {  	v35 =	vld.idx.msk [tilespmem:v10+s14+$0x0], $0xffff  }
0x65d: {  	v34 =	vld.idx.msk [tilespmem:v10+s15+$0x0], $0xffff;
	v10 =	vor.u32 $0x1D, v8;
	_ =	sdelay $0x1  }
0x65e: {  	v5 =	vor.u32 $0x1A, v8;
	v3 =	vmul.f32 v4, v3  }
0x65f: {  	[tilespmem:$0x1DC30] =	vst v0;
	v0 =	vor.u32 $0x14, v8;
	v4 =	vld [tilespmem:$0x1DA80]  }
0x660: {  	[tilespmem:$0x1DE50] =	vst v3;
	v3 =	vld [tilespmem:$0x1DA70]  }
0x661: {  	v29 =	vld.idx.msk [tilespmem:v10+s14+$0x0], $0xffff  }
0x662: {  	v28 =	vld.idx.msk [tilespmem:v10+s15+$0x0], $0xffff  }
0x663: {  	v10 =	vor.u32 $0x19, v8;
	[tilespmem:$0x1DCA0] =	vst v1;
	v1 =	vld.idx.msk [tilespmem:v5+s14+$0x0], $0xffff  }
0x664: {  	v23 =	vld.idx.msk [tilespmem:v0+s14+$0x0], $0xffff  }
0x665: {  	v22 =	vld.idx.msk [tilespmem:v0+s15+$0x0], $0xffff;
	v3 =	vmul.f32 v4, v3  }
0x666: {  	v0 =	vor.u32 $0x11, v8;
	v4 =	vld [tilespmem:$0x1DAA0]  }
0x667: {  	[tilespmem:$0x1DE60] =	vst v3;
	v3 =	vld [tilespmem:$0x1DA90]  }
0x668: {  	v25 =	vld.idx.msk [tilespmem:v10+s14+$0x0], $0xffff  }
0x669: {  	v24 =	vld.idx.msk [tilespmem:v10+s15+$0x0], $0xffff  }
0x66a: {  	v10 =	vor.u32 $0x15, v8;
	[tilespmem:$0x1DC00] =	vst v1;
	v1 =	vld.idx.msk [tilespmem:v5+s15+$0x0], $0xffff  }
0x66b: {  	v17 =	vld.idx.msk [tilespmem:v0+s14+$0x0], $0xffff  }
0x66c: {  	v16 =	vld.idx.msk [tilespmem:v0+s15+$0x0], $0xffff;
	v0 =	vor.u32 $0xD, v8;
	v3 =	vmul.f32 v4, v3  }
0x66d: {  	v4 =	vld [tilespmem:$0x1DAC0]  }
0x66e: {  	v5 =	vor.u32 $0x10, v8;
	[tilespmem:$0x1DE30] =	vst v3;
	v3 =	vld [tilespmem:$0x1DAB0]  }
0x66f: {  	v21 =	vld.idx.msk [tilespmem:v10+s14+$0x0], $0xffff  }
0x670: {  	v19 =	vld.idx.msk [tilespmem:v10+s15+$0x0], $0xffff  }
0x671: {  	v12 =	vld.idx.msk [tilespmem:v0+s14+$0x0], $0xffff  }
0x672: {  	v10 =	vld.idx.msk [tilespmem:v0+s15+$0x0], $0xffff;
	v0 =	vor.u32 $0x9, v8  }
0x673: {  	v20 =	vld.idx.msk [tilespmem:v5+s14+$0x0], $0xffff;
	v3 =	vmul.f32 v4, v3  }
0x674: {  	v4 =	vld [tilespmem:$0x1DAE0]  }
0x675: {  	[tilespmem:$0x1DE40] =	vst v3;
	v3 =	vld [tilespmem:$0x1DAD0]  }
0x676: {  	v18 =	vld.idx.msk [tilespmem:v5+s15+$0x0], $0xffff  }
0x677: {  	v6 =	vld.idx.msk [tilespmem:v0+s14+$0x0], $0xffff  }
0x678: {  	v5 =	vld.idx.msk [tilespmem:v0+s15+$0x0], $0xffff  }
0x679: {  	v0 =	vld [tilespmem:$0x1DAF0]  }
0x67a: {  	v3 =	vmul.f32 v4, v3;
	v4 =	vld [tilespmem:$0x1DB00];
	_ =	sdelay $0x3  }
0x67b: {  	v58 =	vor.u32 $0x1C, v8  }
0x67c: {  	v0 =	vmul.f32 v4, v0  }
0x67d: {  	[tilespmem:$0x1DC10] =	vst v1;
	v1 =	vor.u32 $0x12, v8;
	v4 =	vld [tilespmem:$0x1DB20]  }
0x67e: {  	[tilespmem:$0x1DE00] =	vst v0;
	v0 =	vld [tilespmem:$0x1DB10];
	_ =	sdelay $0x1  }
0x67f: {  	v31 =	vld.idx.msk [tilespmem:v58+s15+$0x0], $0xffff  }
0x680: {  	v32 =	vld.idx.msk [tilespmem:v58+s14+$0x0], $0xffff  }
0x681: {  	v58 =	vld.idx.msk [tilespmem:v1+s14+$0x0], $0xffff  }
0x682: {  	v42 =	vld.idx.msk [tilespmem:v1+s15+$0x0], $0xffff;
	v1 =	vor.u32 $0xE, v8;
	v0 =	vmul.f32 v4, v0  }
0x683: {  	v4 =	vld [tilespmem:$0x1DB40]  }
0x684: {  	[tilespmem:$0x1DDD0] =	vst v0;
	v0 =	vld [tilespmem:$0x1DB30];
	_ =	sdelay $0x2  }
0x685: {  	v33 =	vld.idx.msk [tilespmem:v1+s14+$0x0], $0xffff  }
0x686: {  	v30 =	vld.idx.msk [tilespmem:v1+s15+$0x0], $0xffff;
	v1 =	vor.u32 $0xA, v8  }
0x687: {  	v0 =	vmul.f32 v4, v0  }
0x688: {  	v4 =	vld [tilespmem:$0x1DB60]  }
0x689: {  	[tilespmem:$0x1DDE0] =	vst v0;
	v0 =	vld [tilespmem:$0x1DB50];
	_ =	sdelay $0x1  }
0x68a: {  	v13 =	vld.idx.msk [tilespmem:v1+s14+$0x0], $0xffff  }
0x68b: {  	v11 =	vld.idx.msk [tilespmem:v1+s15+$0x0], $0xffff  }
0x68c: {  	v1 =	vld [tilespmem:$0x1DB70]  }
0x68d: {  	v0 =	vmul.f32 v4, v0;
	v4 =	vld [tilespmem:$0x1DB80];
	_ =	sdelay $0x2  }
0x68e: {  	v62 =	vor.u32 $0x18, v8;
	_ =	sdelay $0x1  }
0x68f: {  	v1 =	vmul.f32 v4, v1  }
0x690: {  	[tilespmem:$0x1DCC0] =	vst v2;
	v4 =	vld [tilespmem:$0x1DBA0]  }
0x691: {  	v2 =	vor.u32 $0xC, v8;
	[tilespmem:$0x1DD60] =	vst v1;
	v1 =	vld [tilespmem:$0x1DB90]  }
0x692: {  	v27 =	vld.idx.msk [tilespmem:v62+s14+$0x0], $0xffff  }
0x693: {  	v26 =	vld.idx.msk [tilespmem:v62+s15+$0x0], $0xffff  }
0x694: {  	v28 =	vmul.f32 v28, v29;
	v29 =	vld.idx.msk [tilespmem:v8+s14+$0x0], $0xffff;
	v57 =	vmul.f32 v57, v59;
	v59 =	vor.u32 $0x2, v8  }
0x695: {  	v62 =	vld [tilespmem:$0x1DBC0]  }
0x696: {  	v15 =	vld.idx.msk [tilespmem:v2+s14+$0x0], $0xffff;
	[tilespmem:$0x1DDF0] =	vst v3;
	v3 =	vor.u32 $0x5, v8;
	v1 =	vmul.f32 v4, v1  }
0x697: {  	v14 =	vld.idx.msk [tilespmem:v2+s15+$0x0], $0xffff  }
0x698: {  	v2 =	vor.u32 $0x8, v8;
	[tilespmem:$0x1DD70] =	vst v1;
	v1 =	vld [tilespmem:$0x1DBB0]  }
0x699: {  	v24 =	vmul.f32 v24, v25;
	v25 =	vld.idx.msk [tilespmem:v59+s14+$0x0], $0xffff  }
0x69a: {  	v19 =	vmul.f32 v19, v21;
	v21 =	vld.idx.msk [tilespmem:v59+s15+$0x0], $0xffff  }
0x69b: {  	v60 =	vmul.f32 v60, v61;
	v61 =	vld.idx.msk [tilespmem:v3+s14+$0x0], $0xffff  }
0x69c: {  	v55 =	vmul.f32 v55, v56;
	v56 =	vld.idx.msk [tilespmem:v3+s15+$0x0], $0xffff;
	v3 =	vmul.f32 v49, v50;
	v50 =	vor.u32 $0x7, v8  }
0x69d: {  	v9 =	vld.idx.msk [tilespmem:v2+s14+$0x0], $0xffff;
	[tilespmem:$0x1DDA0] =	vst v0;
	v0 =	vor.u32 $0x6, v8;
	v1 =	vmul.f32 v62, v1  }
0x69e: {  	v62 =	vld [tilespmem:$0x1DBE0]  }
0x69f: {  	[tilespmem:$0x1DD00] =	vst v1;
	v1 =	vld [tilespmem:$0x1DBD0]  }
0x6a0: {  	v7 =	vld.idx.msk [tilespmem:v2+s15+$0x0], $0xffff;
	v2 =	vor.u32 $0x4, v8  }
0x6a1: {  	v5 =	vmul.f32 v5, v6;
	v6 =	vld.idx.msk [tilespmem:v50+s14+$0x0], $0xffff  }
0x6a2: {  	v51 =	vmul.f32 v51, v52;
	v52 =	vld.idx.msk [tilespmem:v0+s14+$0x0], $0xffff  }
0x6a3: {  	v53 =	vmul.f32 v53, v54;
	v54 =	vld.idx.msk [tilespmem:v0+s15+$0x0], $0xffff  }
0x6a4: {  	v0 =	vmul.f32 v45, v46;
	v45 =	vor.u32 $0x3, v8;
	v46 =	vld.idx.msk [tilespmem:v8+s15+$0x0], $0xffff;
	v1 =	vmul.f32 v1, v62  }
0x6a5: {  	v4 =	vld.idx.msk [tilespmem:v2+s14+$0x0], $0xffff  }
0x6a6: {  	v62 =	vld [tilespmem:$0x1DBF0];
	[tilespmem:$0x1DD10] =	vst v1;
	v1 =	vor.u32 $0x1, v8  }
0x6a7: {  	v2 =	vld.idx.msk [tilespmem:v2+s15+$0x0], $0xffff  }
0x6a8: {  	v7 =	vmul.f32 v7, v9;
	v22 =	vmul.f32 v22, v23;
	v23 =	vor.u32 $0xB, v8;
	v9 =	vld.idx.msk [tilespmem:v50+s15+$0x0], $0xffff  }
0x6a9: {  	v16 =	vmul.f32 v16, v17;
	v17 =	vld.idx.msk [tilespmem:v45+s14+$0x0], $0xffff  }
0x6aa: {  	v14 =	vmul.f32 v14, v15;
	v15 =	vor.u32 $0xF, v8;
	v10 =	vmul.f32 v10, v12;
	v12 =	vld.idx.msk [tilespmem:v45+s15+$0x0], $0xffff  }
0x6ab: {  	v18 =	vmul.f32 v18, v20;
	v63 =	vmul.f32 v63, v62;
	v62 =	vld.idx.msk [tilespmem:v1+s14+$0x0], $0xffff  }
0x6ac: {  	v20 =	vor.u32 $0x13, v8;
	v2 =	vmul.f32 v2, v4;
	v4 =	vmul.f32 v46, v29;
	v1 =	vld.idx.msk [tilespmem:v1+s15+$0x0], $0xffff  }
0x6ad: {  	v29 =	vld.idx.msk [tilespmem:v23+s14+$0x0], $0xffff  }
0x6ae: {  	v21 =	vmul.f32 v21, v25;
	v6 =	vmul.f32 v9, v6;
	v23 =	vld.idx.msk [tilespmem:v23+s15+$0x0], $0xffff;
	v4 =	vadd.f32 $0.0e+00, v4  }
0x6af: {  	v25 =	vor.u32 $0x16, v8;
	v12 =	vmul.f32 v12, v17;
	v17 =	vmul.f32 v54, v52;
	v54 =	vld.idx.msk [tilespmem:v15+s14+$0x0], $0xffff  }
0x6b0: {  	v9 =	vadd.f32 $0.0e+00, v21;
	v2 =	vadd.f32 v2, v4;
	v4 =	vld.idx.msk [tilespmem:v15+s15+$0x0], $0xffff;
	v15 =	vor.u32 $0x17, v8  }
0x6b1: {  	v11 =	vmul.f32 v11, v13;
	v13 =	vld.idx.msk [tilespmem:v20+s15+$0x0], $0xffff;
	v1 =	vmul.f32 v1, v62  }
0x6b2: {  	v21 =	vld.idx.msk [tilespmem:v20+s14+$0x0], $0xffff;
	v20 =	vor.u32 $0x1B, v8;
	v12 =	vadd.f32 $0.0e+00, v12;
	v9 =	vadd.f32 v17, v9  }
0x6b3: {  	v26 =	vmul.f32 v26, v27;
	v27 =	vmul.f32 v56, v61;
	v1 =	vadd.f32 $0.0e+00, v1  }
0x6b4: {  	v17 =	vld.idx.msk [tilespmem:v25+s14+$0x0], $0xffff;
	v6 =	vadd.f32 v6, v12;
	v9 =	vadd.f32 v11, v9;
	v12 =	vmul.f32 v23, v29  }
0x6b5: {  	v2 =	vadd.f32 v7, v2;
	v7 =	vor.u32 $0x1F, v8;
	v11 =	vld.idx.msk [tilespmem:v15+s14+$0x0], $0xffff;
	v1 =	vadd.f32 v27, v1  }
0x6b6: {  	v23 =	vmul.f32 v30, v33;
	v6 =	vadd.f32 v12, v6;
	v4 =	vmul.f32 v4, v54;
	v12 =	vld.idx.msk [tilespmem:v15+s15+$0x0], $0xffff  }
0x6b7: {  	v2 =	vadd.f32 v14, v2;
	v14 =	vor.u32 $0x23, v8;
	v15 =	vld.idx.msk [tilespmem:v20+s14+$0x0], $0xffff;
	v1 =	vadd.f32 v5, v1  }
0x6b8: {  	v4 =	vadd.f32 v4, v6;
	v6 =	vmul.f32 v13, v21;
	v13 =	vld.idx.msk [tilespmem:v20+s15+$0x0], $0xffff  }
0x6b9: {  	v9 =	vadd.f32 v23, v9;
	v5 =	vld.idx.msk [tilespmem:v25+s15+$0x0], $0xffff;
	v1 =	vadd.f32 v10, v1  }
0x6ba: {  	v20 =	vor.u32 $0x27, v8;
	v4 =	vadd.f32 v6, v4;
	v6 =	vld.idx.msk [tilespmem:v7+s15+$0x0], $0xffff;
	v10 =	vmul.f32 v42, v58  }
0x6bb: {  	v1 =	vadd.f32 v16, v1;
	v16 =	vld.idx.msk [tilespmem:v7+s14+$0x0], $0xffff  }
0x6bc: {  	v9 =	vadd.f32 v10, v9;
	v10 =	vmul.f32 v12, v11;
	v11 =	vld.idx.msk [tilespmem:v14+s14+$0x0], $0xffff  }
0x6bd: {  	v12 =	vld [tilespmem:$0x1DC00]  }
0x6be: {  	v5 =	vmul.f32 v5, v17;
	v17 =	vld [tilespmem:$0x1DC10]  }
0x6bf: {  	v4 =	vadd.f32 v10, v4;
	v10 =	vmul.f32 v13, v15;
	v13 =	vld.idx.msk [tilespmem:v20+s14+$0x0], $0xffff  }
0x6c0: {  	v7 =	vor.u32 $0x2A, v8;
	v15 =	vld [tilespmem:$0x1DC20]  }
0x6c1: {  	v1 =	vadd.f32 v19, v1;
	v19 =	vld [tilespmem:$0x1DC50]  }
0x6c2: {  	v5 =	vadd.f32 v5, v9;
	v9 =	vld.idx.msk [tilespmem:v14+s15+$0x0], $0xffff;
	v14 =	vor.u32 $0x2B, v8  }
0x6c3: {  	v12 =	vmul.f32 v17, v12;
	v17 =	vld [tilespmem:$0x1DC30]  }
0x6c4: {  	v2 =	vadd.f32 v18, v2;
	v6 =	vmul.f32 v6, v16;
	v16 =	vld [tilespmem:$0x1DC40]  }
0x6c5: {  	v4 =	vadd.f32 v10, v4;
	v10 =	vld.idx.msk [tilespmem:v7+s14+$0x0], $0xffff  }
0x6c6: {  	v2 =	vadd.f32 v22, v2;
	v7 =	vld.idx.msk [tilespmem:v7+s15+$0x0], $0xffff  }
0x6c7: {  	v4 =	vadd.f32 v6, v4;
	v5 =	vadd.f32 v12, v5;
	v6 =	vld.idx.msk [tilespmem:v14+s14+$0x0], $0xffff  }
0x6c8: {  	v12 =	vor.u32 $0x33, v8;
	v9 =	vmul.f32 v9, v11;
	v11 =	vld.idx.msk [tilespmem:v14+s15+$0x0], $0xffff;
	v15 =	vmul.f32 v17, v15  }
0x6c9: {  	v31 =	vmul.f32 v31, v32;
	v16 =	vmul.f32 v19, v16;
	v19 =	vld [tilespmem:$0x1DC70]  }
0x6ca: {  	v18 =	vor.u32 $0x2F, v8;
	v2 =	vadd.f32 v26, v2;
	v5 =	vadd.f32 v15, v5;
	v15 =	vld [tilespmem:$0x1DC60]  }
0x6cb: {  	v17 =	vld.idx.msk [tilespmem:v20+s15+$0x0], $0xffff  }
0x6cc: {  	v36 =	vmul.f32 v36, v37;
	v2 =	vadd.f32 v31, v2  }
0x6cd: {  	v14 =	vor.u32 $0x37, v8;
	v7 =	vmul.f32 v7, v10;
	v10 =	vld.idx.msk [tilespmem:v12+s14+$0x0], $0xffff  }
0x6ce: {  	v40 =	vmul.f32 v40, v43;
	v2 =	vadd.f32 v36, v2;
	v6 =	vmul.f32 v11, v6;
	v11 =	vld [tilespmem:$0x1DC80]  }
0x6cf: {  	v5 =	vadd.f32 v16, v5;
	v16 =	vld.idx.msk [tilespmem:v18+s14+$0x0], $0xffff;
	v15 =	vmul.f32 v19, v15  }
0x6d0: {  	v2 =	vadd.f32 v40, v2;
	v4 =	vadd.f32 v9, v4;
	v9 =	vmul.f32 v17, v13;
	v13 =	vld.idx.msk [tilespmem:v18+s15+$0x0], $0xffff  }
0x6d1: {  	v5 =	vadd.f32 v15, v5;
	v15 =	vld [tilespmem:$0x1DC90]  }
0x6d2: {  	v0 =	vadd.f32 v0, v2;
	v2 =	vld.idx.msk [tilespmem:v14+s14+$0x0], $0xffff;
	v17 =	vor.u32 $0x3B, v8  }
0x6d3: {  	v4 =	vadd.f32 v9, v4;
	v9 =	vld.idx.msk [tilespmem:v12+s15+$0x0], $0xffff;
	v12 =	vor.u32 $0x3E, v8  }
0x6d4: {  	v5 =	vadd.f32 v7, v5;
	v7 =	vld.idx.msk [tilespmem:v14+s15+$0x0], $0xffff  }
0x6d5: {  	v4 =	vadd.f32 v6, v4;
	v6 =	vmul.f32 v13, v16;
	v13 =	vld [tilespmem:$0x1DCA0]  }
0x6d6: {  	v11 =	vmul.f32 v15, v11;
	v15 =	vld [tilespmem:$0x1DCB0]  }
0x6d7: {  	v0 =	vadd.f32 v3, v0;
	v3 =	vld.idx.msk [tilespmem:v17+s14+$0x0], $0xffff  }
0x6d8: {  	v4 =	vadd.f32 v6, v4;
	v6 =	vmul.f32 v9, v10;
	v9 =	vld.idx.msk [tilespmem:v12+s14+$0x0], $0xffff  }
0x6d9: {  	v14 =	vor.u32 $0x3F, v8;
	v10 =	vld.idx.msk [tilespmem:v12+s15+$0x0], $0xffff  }
0x6da: {  	v12 =	vld [tilespmem:$0x1DCC0]  }
0x6db: {  	v13 =	vmul.f32 v15, v13;
	v15 =	vld.idx.msk [tilespmem:v17+s15+$0x0], $0xffff  }
0x6dc: {  	v17 =	vld [tilespmem:$0x1DCD0];
	_ =	sdelay $0x1  }
0x6dd: {  	v4 =	vadd.f32 v6, v4;
	v6 =	vld.idx.msk [tilespmem:v14+s14+$0x0], $0xffff  }
0x6de: {  	v2 =	vmul.f32 v7, v2;
	v7 =	vld.idx.msk [tilespmem:v14+s15+$0x0], $0xffff  }
0x6df: {  	v16 =	vor.u32 $0x43, v8;
	v14 =	vld [tilespmem:$0x1DCE0]  }
0x6e0: {  	v12 =	vmul.f32 v17, v12;
	v17 =	vld [tilespmem:$0x1DCF0]  }
0x6e1: {  	v5 =	vadd.f32 v11, v5;
	_ =	sdelay $0x1  }
0x6e2: {  	v5 =	vadd.f32 v13, v5  }
0x6e3: {  	v2 =	vadd.f32 v2, v4;
	v4 =	vld.idx.msk [tilespmem:v16+s15+$0x0], $0xffff  }
0x6e4: {  	v5 =	vadd.f32 v12, v5;
	v12 =	vld.idx.msk [tilespmem:v16+s14+$0x0], $0xffff;
	v14 =	vmul.f32 v17, v14  }
0x6e5: {  	v16 =	vld [tilespmem:$0x1DD30]  }
0x6e6: {  	v1 =	vadd.f32 v24, v1;
	v5 =	vadd.f32 v14, v5;
	v14 =	vld [tilespmem:$0x1DD20];
	_ =	sdelay $0x1  }
0x6e7: {  	v34 =	vmul.f32 v34, v35;
	v1 =	vadd.f32 v28, v1;
	_ =	sdelay $0x1  }
0x6e8: {  	v38 =	vmul.f32 v38, v39;
	v1 =	vadd.f32 v34, v1;
	v17 =	vld [tilespmem:$0x1DD50]  }
0x6e9: {  	v14 =	vmul.f32 v16, v14;
	v16 =	vld [tilespmem:$0x1DD40]  }
0x6ea: {  	v41 =	vmul.f32 v41, v44;
	v1 =	vadd.f32 v38, v1  }
0x6eb: {  	v0 =	vadd.f32 v53, v0;
	v11 =	vor.u32 $0x47, v8  }
0x6ec: {  	v47 =	vmul.f32 v47, v48;
	v1 =	vadd.f32 v41, v1;
	v6 =	vmul.f32 v7, v6;
	v7 =	vld [tilespmem:$0x1DD00]  }
0x6ed: {  	v0 =	vadd.f32 v57, v0  }
0x6ee: {  	v1 =	vadd.f32 v47, v1;
	v16 =	vmul.f32 v17, v16;
	v17 =	vld [tilespmem:$0x1DD60]  }
0x6ef: {  	v0 =	vadd.f32 v63, v0  }
0x6f0: {  	v1 =	vadd.f32 v51, v1;
	v9 =	vmul.f32 v10, v9;
	v10 =	vld.idx.msk [tilespmem:v11+s14+$0x0], $0xffff;
	v3 =	vmul.f32 v15, v3  }
0x6f1: {  	v15 =	vor.u32 $0x4E, v8;
	v0 =	vadd.f32 v7, v0;
	v7 =	vld [tilespmem:$0x1DD10]  }
0x6f2: {  	v1 =	vadd.f32 v55, v1;
	v2 =	vadd.f32 v3, v2;
	v3 =	vld.idx.msk [tilespmem:v11+s15+$0x0], $0xffff  }
0x6f3: {  	v0 =	vadd.f32 v17, v0;
	v17 =	vld [tilespmem:$0x1DD70]  }
0x6f4: {  	v1 =	vadd.f32 v60, v1  }
0x6f5: {  	v18 =	vld [tilespmem:$0x1DD90];
	v13 =	vor.u32 $0x4B, v8  }
0x6f6: {  	v2 =	vadd.f32 v6, v2;
	v6 =	vld.idx.msk [tilespmem:v15+s14+$0x0], $0xffff;
	v1 =	vadd.f32 v7, v1  }
0x6f7: {  	v11 =	vor.u32 $0x4F, v8;
	v3 =	vmul.f32 v3, v10;
	v10 =	vld [tilespmem:$0x1DDA0]  }
0x6f8: {  	v1 =	vadd.f32 v17, v1;
	v17 =	vld [tilespmem:$0x1DD80]  }
0x6f9: {  	v15 =	vld.idx.msk [tilespmem:v15+s15+$0x0], $0xffff  }
0x6fa: {  	v7 =	vld.idx.msk [tilespmem:v13+s14+$0x0], $0xffff;
	v4 =	vmul.f32 v4, v12;
	v5 =	vadd.f32 v9, v5  }
0x6fb: {  	v12 =	vor.u32 $0x53, v8;
	v9 =	vld.idx.msk [tilespmem:v13+s15+$0x0], $0xffff  }
0x6fc: {  	v2 =	vadd.f32 v4, v2;
	v4 =	vld.idx.msk [tilespmem:v11+s14+$0x0], $0xffff;
	v5 =	vadd.f32 v14, v5  }
0x6fd: {  	v0 =	vadd.f32 v10, v0;
	v10 =	vld.idx.msk [tilespmem:v11+s15+$0x0], $0xffff;
	v11 =	vor.u32 $0x57, v8;
	v17 =	vmul.f32 v18, v17  }
0x6fe: {  	v6 =	vmul.f32 v15, v6;
	v15 =	vld [tilespmem:$0x1DDF0]  }
0x6ff: {  	v5 =	vadd.f32 v17, v5;
	v17 =	vld [tilespmem:$0x1DDD0]  }
0x700: {  	v2 =	vadd.f32 v3, v2;
	v3 =	vmul.f32 v9, v7;
	v9 =	vld.idx.msk [tilespmem:v12+s14+$0x0], $0xffff  }
0x701: {  	v12 =	vld.idx.msk [tilespmem:v12+s15+$0x0], $0xffff  }
0x702: {  	v4 =	vmul.f32 v10, v4;
	v10 =	vld.idx.msk [tilespmem:v11+s14+$0x0], $0xffff  }
0x703: {  	v11 =	vld.idx.msk [tilespmem:v11+s15+$0x0], $0xffff  }
0x704: {  	v2 =	vadd.f32 v3, v2;
	v0 =	vadd.f32 v17, v0;
	v17 =	vld [tilespmem:$0x1DDE0]  }
0x705: {  	v20 =	vld [tilespmem:$0x1DE30]  }
0x706: {  	v14 =	vld [tilespmem:$0x1DDB0];
	v9 =	vmul.f32 v12, v9;
	v2 =	vadd.f32 v4, v2  }
0x707: {  	v13 =	vor.u32 $0x56, v8;
	v1 =	vadd.f32 v16, v1;
	v16 =	vld [tilespmem:$0x1DDC0]  }
0x708: {  	v2 =	vadd.f32 v9, v2;
	v9 =	vmul.f32 v11, v10;
	v11 =	vld [tilespmem:$0x1DE50]  }
0x709: {  	v0 =	vadd.f32 v15, v0;
	v1 =	vadd.f32 v17, v1;
	v17 =	vld [tilespmem:$0x1DE00]  }
0x70a: {  	v19 =	vld [tilespmem:$0x1DE20]  }
0x70b: {  	v21 =	vld [tilespmem:$0x1DE40];
	v7 =	vor.u32 $0x5B, v8;
	v0 =	vadd.f32 v20, v0  }
0x70c: {  	v14 =	vmul.f32 v16, v14;
	v16 =	vld.idx.msk [tilespmem:v13+s14+$0x0], $0xffff  }
0x70d: {  	v0 =	vadd.f32 v11, v0;
	v11 =	vld [tilespmem:$0x1DE60]  }
0x70e: {  	v13 =	vld.idx.msk [tilespmem:v13+s15+$0x0], $0xffff;
	v5 =	vadd.f32 v14, v5;
	v1 =	vadd.f32 v17, v1;
	v17 =	vor.u32 $0x63, v8  }
0x70f: {  	v18 =	vld [tilespmem:$0x1DE10]  }
0x710: {  	v5 =	vadd.f32 v6, v5;
	v6 =	vld.idx.msk [tilespmem:v7+s14+$0x0], $0xffff;
	v1 =	vadd.f32 v21, v1  }
0x711: {  	v7 =	vld.idx.msk [tilespmem:v7+s15+$0x0], $0xffff  }
0x712: {  	v1 =	vadd.f32 v11, v1;
	v11 =	vld [tilespmem:$0x1DE70]  }
0x713: {  	v13 =	vmul.f32 v13, v16;
	v16 =	vld.idx.msk [tilespmem:v17+s14+$0x0], $0xffff  }
0x714: {  	v10 =	vld.idx.msk [tilespmem:v17+s15+$0x0], $0xffff  }
0x715: {  	v17 =	vld [tilespmem:$0x1DE80]  }
0x716: {  	v14 =	vor.u32 $0x5F, v8;
	v18 =	vmul.f32 v19, v18;
	_ =	sdelay $0x1  }
0x717: {  	v5 =	vadd.f32 v18, v5  }
0x718: {  	v6 =	vmul.f32 v7, v6;
	v7 =	vld [tilespmem:$0x1DE90]  }
0x719: {  	v5 =	vadd.f32 v13, v5;
	v11 =	vmul.f32 v17, v11  }
0x71a: {  	v20 =	vld.idx.msk [tilespmem:v14+s14+$0x0], $0xffff  }
0x71b: {  	v5 =	vadd.f32 v11, v5;
	v11 =	vld [tilespmem:$0x1DED0]  }
0x71c: {  	v14 =	vld.idx.msk [tilespmem:v14+s15+$0x0], $0xffff  }
0x71d: {  	v0 =	vadd.f32 v7, v0;
	v7 =	vld [tilespmem:$0x1DEA0]  }
0x71e: {  	v4 =	vor.u32 $0x67, v8  }
0x71f: {  	v3 =	vor.u32 $0x77, v8;
	v2 =	vadd.f32 v9, v2;
	v9 =	vld [tilespmem:$0x1DEC0]  }
0x720: {  	v12 =	vor.u32 $0x6F, v8;
	v19 =	vor.u32 $0x7F, v8;
	v0 =	vadd.f32 v11, v0;
	v11 =	vld [tilespmem:$0x1DEE0]  }
0x721: {  	v15 =	vor.u32 $0x7B, v8;
	v13 =	vld [tilespmem:$0x1DF00];
	v2 =	vadd.f32 v6, v2;
	v6 =	vmul.f32 v14, v20  }
0x722: {  	v21 =	vor.u32 $0x73, v8;
	v8 =	vor.u32 $0x6B, v8;
	v1 =	vadd.f32 v7, v1;
	v7 =	vld [tilespmem:$0x1DEB0]  }
0x723: {  	v17 =	vld.idx.msk [tilespmem:v4+s14+$0x0], $0xffff  }
0x724: {  	v2 =	vadd.f32 v6, v2;
	v6 =	vmul.f32 v10, v16;
	v10 =	vld [tilespmem:$0x1DF10]  }
0x725: {  	v1 =	vadd.f32 v11, v1;
	v11 =	vld [tilespmem:$0x1DEF0]  }
0x726: {  	v4 =	vld.idx.msk [tilespmem:v4+s15+$0x0], $0xffff  }
0x727: {  	v7 =	vmul.f32 v9, v7;
	v9 =	vld.idx.msk [tilespmem:v8+s14+$0x0], $0xffff  }
0x728: {  	v8 =	vld.idx.msk [tilespmem:v8+s15+$0x0], $0xffff  }
0x729: {  	v0 =	vadd.f32 v10, v0;
	v10 =	vld [tilespmem:$0x1DF20]  }
0x72a: {  	v14 =	vld [tilespmem:$0x1DF80];
	v5 =	vadd.f32 v7, v5;
	v11 =	vmul.f32 v13, v11  }
0x72b: {  	v2 =	vadd.f32 v6, v2;
	v7 =	vld.idx.msk [tilespmem:v12+s15+$0x0], $0xffff;
	v4 =	vmul.f32 v4, v17  }
0x72c: {  	v5 =	vadd.f32 v11, v5;
	v11 =	vld [tilespmem:$0x1DF50]  }
0x72d: {  	v2 =	vadd.f32 v4, v2;
	v4 =	vmul.f32 v8, v9;
	v8 =	vld [tilespmem:$0x1DF90]  }
0x72e: {  	v1 =	vadd.f32 v10, v1;
	v10 =	vld [tilespmem:$0x1DF30]  }
0x72f: {  	v13 =	vld.idx.msk [tilespmem:v12+s14+$0x0], $0xffff  }
0x730: {  	v12 =	vld [tilespmem:$0x1DF40]  }
0x731: {  	v0 =	vadd.f32 v11, v0;
	v11 =	vld [tilespmem:$0x1DF60]  }
0x732: {  	v6 =	vld.idx.msk [tilespmem:v21+s15+$0x0], $0xffff  }
0x733: {  	v0 =	vadd.f32 v8, v0;
	v8 =	vld [tilespmem:$0x1DFA0]  }
0x734: {  	v9 =	vld [tilespmem:$0x1DFC0]  }
0x735: {  	v10 =	vmul.f32 v12, v10;
	v12 =	vld.idx.msk [tilespmem:v21+s14+$0x0], $0xffff  }
0x736: {  	v1 =	vadd.f32 v11, v1;
	v11 =	vld [tilespmem:$0x1DF70]  }
0x737: {  	v5 =	vadd.f32 v10, v5;
	v10 =	vld [tilespmem:$0x1DFD0]  }
0x738: {  	v1 =	vadd.f32 v8, v1;
	v8 =	vld [tilespmem:$0x1DFB0]  }
0x739: {  	v2 =	vadd.f32 v4, v2;
	v4 =	vmul.f32 v7, v13  }
0x73a: {  	v7 =	vld.idx.msk [tilespmem:v15+s15+$0x0], $0xffff  }
0x73b: {  	v2 =	vadd.f32 v4, v2;
	v4 =	vmul.f32 v6, v12;
	v6 =	vld.idx.msk [tilespmem:v19+s15+$0x0], $0xffff;
	v11 =	vmul.f32 v14, v11  }
0x73c: {  	v0 =	vadd.f32 v10, v0;
	v10 =	vld [tilespmem:$0x1DFE0]  }
0x73d: {  	v14 =	vld.idx.msk [tilespmem:v3+s14+$0x0], $0xffff;
	v8 =	vmul.f32 v9, v8;
	v5 =	vadd.f32 v11, v5  }
0x73e: {  	v3 =	vld.idx.msk [tilespmem:v3+s15+$0x0], $0xffff  }
0x73f: {  	v5 =	vadd.f32 v8, v5;
	v8 =	vld [tilespmem:$0x1E010]  }
0x740: {  	v9 =	vld.idx.msk [tilespmem:v15+s14+$0x0], $0xffff  }
0x741: {  	v1 =	vadd.f32 v10, v1;
	v10 =	vld [tilespmem:$0x1DFF0]  }
0x742: {  	v11 =	vld [tilespmem:$0x1E000]  }
0x743: {  	v2 =	vadd.f32 v4, v2;
	v4 =	vld [tilespmem:$0x1E050];
	v3 =	vmul.f32 v3, v14  }
0x744: {  	v0 =	vadd.f32 v8, v0;
	v8 =	vld [tilespmem:$0x1E020]  }
0x745: {  	v2 =	vadd.f32 v3, v2;
	v3 =	vmul.f32 v7, v9;
	v7 =	vld [tilespmem:$0x1E090]  }
0x746: {  	v12 =	vld [tilespmem:$0x1E040]  }
0x747: {  	v10 =	vmul.f32 v11, v10;
	v11 =	vld.idx.msk [tilespmem:v19+s14+$0x0], $0xffff  }
0x748: {  	v0 =	vadd.f32 v4, v0;
	v4 =	vld [tilespmem:$0x1E060]  }
0x749: {  	v1 =	vadd.f32 v8, v1;
	v8 =	vld [tilespmem:$0x1E030]  }
0x74a: {  	v0 =	vadd.f32 v7, v0;
	v7 =	vld [tilespmem:$0x1E0A0];
	_ =	sdelay $0x1  }
0x74b: {  	v5 =	vadd.f32 v10, v5;
	v10 =	vld [tilespmem:$0x1E080]  }
0x74c: {  	v2 =	vadd.f32 v3, v2;
	v3 =	vmul.f32 v6, v11;
	v6 =	vld [tilespmem:$0x1E0D0];
	v1 =	vadd.f32 v4, v1  }
0x74d: {  	v4 =	vld [tilespmem:$0x1E070];
	v8 =	vmul.f32 v12, v8  }
0x74e: {  	v1 =	vadd.f32 v7, v1;
	v7 =	vld [tilespmem:$0x1E0B0]  }
0x74f: {  	v5 =	vadd.f32 v8, v5;
	v8 =	vld [tilespmem:$0x1E0C0];
	_ =	sdelay $0x1  }
0x750: {  	v0 =	vadd.f32 v6, v0;
	v6 =	vld [tilespmem:$0x1E0E0]  }
0x751: {  	v2 =	vadd.f32 v3, v2;
	v3 =	vld [tilespmem:$0x1FFF0];
	v4 =	vmul.f32 v10, v4;
	_ =	sdelay $0x1  }
0x752: {  	s31 =	simm.s32 $0x10;
	v4 =	vadd.f32 v4, v5;
	v7 =	vmul.f32 v8, v7  }
0x753: {  	v5 =	vmov s31  }
0x754: {  	v1 =	vadd.f32 v6, v1;
	v5 =	vshll.u32 v5, $0x7;
	v4 =	vadd.f32 v7, v4  }
0x755: {  	v23 =	vor.u32 v3, v5  }
0x756: {  	v0 =	vadd.f32 v1, v0;
	v1 =	vadd.f32 v2, v4;
	v2 =	vor.u32 $0x7D, v23;
	_ =	sdelay $0x1  }
0x757: {  	v0 =	vadd.f32 v1, v0;
	v1 =	vor.u32 $0x7E, v23;
	_ =	sdelay $0x1  }
0x758: {  	[tilespmem:s20+$0x0] =	vst v0  }
0x759: {  	v46 =	vld.idx.msk [tilespmem:v2+s14+$0x0], $0xffff  }
0x75a: {  	v3 =	vor.u32 $0x7C, v23;
	v56 =	vld.idx.msk [tilespmem:v2+s15+$0x0], $0xffff  }
0x75b: {  	v2 =	vld.idx.msk [tilespmem:v1+s14+$0x0], $0xffff  }
0x75c: {  	v0 =	vor.u32 $0x78, v23;
	v1 =	vld.idx.msk [tilespmem:v1+s15+$0x0], $0xffff;
	_ =	sdelay $0x2  }
0x75d: {  	v11 =	vld.idx.msk [tilespmem:v3+s14+$0x0], $0xffff  }
0x75e: {  	v12 =	vld.idx.msk [tilespmem:v3+s15+$0x0], $0xffff  }
0x75f: {  	[tilespmem:$0x1E100] =	vst v1;
	v1 =	vld.idx.msk [tilespmem:v0+s14+$0x0], $0xffff  }
0x760: {  	v3 =	vor.u32 $0x79, v23;
	v0 =	vld.idx.msk [tilespmem:v0+s15+$0x0], $0xffff;
	_ =	sdelay $0x4  }
0x761: {  	[tilespmem:$0x1E4A0] =	vst v0;
	v0 =	vld.idx.msk [tilespmem:v3+s14+$0x0], $0xffff  }
0x762: {  	[tilespmem:$0x1E0F0] =	vst v2;
	v2 =	vor.u32 $0x7A, v23;
	v3 =	vld.idx.msk [tilespmem:v3+s15+$0x0], $0xffff;
	_ =	sdelay $0x4  }
0x763: {  	[tilespmem:$0x1E4D0] =	vst v3;
	v3 =	vld.idx.msk [tilespmem:v2+s14+$0x0], $0xffff  }
0x764: {  	[tilespmem:$0x1E490] =	vst v1;
	v1 =	vor.u32 $0x74, v23;
	v2 =	vld.idx.msk [tilespmem:v2+s15+$0x0], $0xffff;
	_ =	sdelay $0x3  }
0x765: {  	[tilespmem:$0x1E4C0] =	vst v0  }
0x766: {  	v0 =	vor.u32 $0x75, v23;
	[tilespmem:$0x1E120] =	vst v2;
	v2 =	vld.idx.msk [tilespmem:v1+s14+$0x0], $0xffff  }
0x767: {  	v1 =	vld.idx.msk [tilespmem:v1+s15+$0x0], $0xffff  }
0x768: {  	[tilespmem:$0x1E110] =	vst v3;
	v3 =	vor.u32 $0x76, v23;
	_ =	sdelay $0x2  }
0x769: {  	v27 =	vld.idx.msk [tilespmem:v0+s15+$0x0], $0xffff  }
0x76a: {  	[tilespmem:$0x1E510] =	vst v1;
	v1 =	vld.idx.msk [tilespmem:v0+s14+$0x0], $0xffff  }
0x76b: {  	v0 =	vld.idx.msk [tilespmem:v3+s14+$0x0], $0xffff  }
0x76c: {  	[tilespmem:$0x1E500] =	vst v2;
	v2 =	vor.u32 $0x70, v23;
	v3 =	vld.idx.msk [tilespmem:v3+s15+$0x0], $0xffff;
	_ =	sdelay $0x4  }
0x76d: {  	[tilespmem:$0x1E140] =	vst v3;
	v3 =	vld.idx.msk [tilespmem:v2+s14+$0x0], $0xffff  }
0x76e: {  	[tilespmem:$0x1E530] =	vst v1;
	v1 =	vor.u32 $0x71, v23;
	v2 =	vld.idx.msk [tilespmem:v2+s15+$0x0], $0xffff;
	_ =	sdelay $0x1  }
0x76f: {  	[tilespmem:$0x1E130] =	vst v0;
	v0 =	vor.u32 $0x72, v23;
	_ =	sdelay $0x2  }
0x770: {  	[tilespmem:$0x1E560] =	vst v2;
	v2 =	vld.idx.msk [tilespmem:v1+s14+$0x0], $0xffff  }
0x771: {  	v28 =	vld.idx.msk [tilespmem:v1+s15+$0x0], $0xffff  }
0x772: {  	v1 =	vld.idx.msk [tilespmem:v0+s14+$0x0], $0xffff  }
0x773: {  	[tilespmem:$0x1E550] =	vst v3;
	v3 =	vor.u32 $0x6C, v23;
	v0 =	vld.idx.msk [tilespmem:v0+s15+$0x0], $0xffff;
	_ =	sdelay $0x4  }
0x774: {  	[tilespmem:$0x1E160] =	vst v0;
	v0 =	vld.idx.msk [tilespmem:v3+s14+$0x0], $0xffff  }
0x775: {  	[tilespmem:$0x1E580] =	vst v2;
	v2 =	vor.u32 $0x6D, v23;
	v3 =	vld.idx.msk [tilespmem:v3+s15+$0x0], $0xffff;
	_ =	sdelay $0x1  }
0x776: {  	[tilespmem:$0x1E150] =	vst v1;
	v1 =	vor.u32 $0x6E, v23;
	_ =	sdelay $0x2  }
0x777: {  	[tilespmem:$0x1E5B0] =	vst v3;
	v3 =	vld.idx.msk [tilespmem:v2+s14+$0x0], $0xffff  }
0x778: {  	v29 =	vld.idx.msk [tilespmem:v2+s15+$0x0], $0xffff  }
0x779: {  	v2 =	vld.idx.msk [tilespmem:v1+s14+$0x0], $0xffff  }
0x77a: {  	[tilespmem:$0x1E5A0] =	vst v0;
	v0 =	vor.u32 $0x68, v23;
	v1 =	vld.idx.msk [tilespmem:v1+s15+$0x0], $0xffff;
	_ =	sdelay $0x4  }
0x77b: {  	[tilespmem:$0x1E180] =	vst v1;
	v1 =	vld.idx.msk [tilespmem:v0+s14+$0x0], $0xffff  }
0x77c: {  	[tilespmem:$0x1E5D0] =	vst v3;
	v3 =	vor.u32 $0x69, v23;
	v0 =	vld.idx.msk [tilespmem:v0+s15+$0x0], $0xffff;
	_ =	sdelay $0x1  }
0x77d: {  	[tilespmem:$0x1E170] =	vst v2;
	v2 =	vor.u32 $0x6A, v23;
	_ =	sdelay $0x2  }
0x77e: {  	[tilespmem:$0x1E600] =	vst v0;
	v0 =	vld.idx.msk [tilespmem:v3+s14+$0x0], $0xffff  }
0x77f: {  	v30 =	vld.idx.msk [tilespmem:v3+s15+$0x0], $0xffff  }
0x780: {  	v3 =	vld.idx.msk [tilespmem:v2+s14+$0x0], $0xffff  }
0x781: {  	[tilespmem:$0x1E5F0] =	vst v1;
	v1 =	vor.u32 $0x64, v23;
	v2 =	vld.idx.msk [tilespmem:v2+s15+$0x0], $0xffff;
	_ =	sdelay $0x3  }
0x782: {  	[tilespmem:$0x1E190] =	vst v3  }
0x783: {  	v3 =	vor.u32 $0x66, v23;
	[tilespmem:$0x1E1A0] =	vst v2;
	v2 =	vld.idx.msk [tilespmem:v1+s14+$0x0], $0xffff;
	_ =	sdelay $0x2  }
0x784: {  	[tilespmem:$0x1E620] =	vst v0;
	v0 =	vor.u32 $0x65, v23;
	v1 =	vld.idx.msk [tilespmem:v1+s15+$0x0], $0xffff;
	_ =	sdelay $0x1  }
0x785: {  	v4 =	vor.u32 $0x60, v23;
	[tilespmem:$0x1E640] =	vst v2;
	v2 =	vld.idx.msk [tilespmem:v3+s15+$0x0], $0xffff;
	_ =	sdelay $0x2  }
0x786: {  	[tilespmem:$0x1E650] =	vst v1;
	v1 =	vld.idx.msk [tilespmem:v0+s14+$0x0], $0xffff  }
0x787: {  	v0 =	vld.idx.msk [tilespmem:v0+s15+$0x0], $0xffff  }
0x788: {  	[tilespmem:$0x1E1C0] =	vst v2;
	v2 =	vld.idx.msk [tilespmem:v4+s14+$0x0], $0xffff;
	_ =	sdelay $0x2  }
0x789: {  	[tilespmem:$0x1E670] =	vst v1  }
0x78a: {  	[tilespmem:$0x1E680] =	vst v0;
	v0 =	vld.idx.msk [tilespmem:v3+s14+$0x0], $0xffff  }
0x78b: {  	v1 =	vor.u32 $0x61, v23;
	[tilespmem:$0x1E6A0] =	vst v2;
	v2 =	vld.idx.msk [tilespmem:v4+s15+$0x0], $0xffff;
	_ =	sdelay $0x3  }
0x78c: {  	[tilespmem:$0x1E1B0] =	vst v0;
	v0 =	vor.u32 $0x62, v23  }
0x78d: {  	v3 =	vor.u32 $0x5C, v23;
	[tilespmem:$0x1E6B0] =	vst v2;
	v2 =	vld.idx.msk [tilespmem:v1+s14+$0x0], $0xffff;
	_ =	sdelay $0x2  }
0x78e: {  	v9 =	vld.idx.msk [tilespmem:v1+s15+$0x0], $0xffff  }
0x78f: {  	v1 =	vld.idx.msk [tilespmem:v0+s14+$0x0], $0xffff  }
0x790: {  	v4 =	vor.u32 $0x5D, v23;
	[tilespmem:$0x1E6D0] =	vst v2;
	v2 =	vld.idx.msk [tilespmem:v3+s15+$0x0], $0xffff  }
0x791: {  	v0 =	vld.idx.msk [tilespmem:v0+s15+$0x0], $0xffff;
	_ =	sdelay $0x2  }
0x792: {  	[tilespmem:$0x1E1D0] =	vst v1  }
0x793: {  	v1 =	vor.u32 $0x5E, v23;
	[tilespmem:$0x1E700] =	vst v2;
	v2 =	vld.idx.msk [tilespmem:v4+s14+$0x0], $0xffff  }
0x794: {  	[tilespmem:$0x1E1E0] =	vst v0;
	v0 =	vld.idx.msk [tilespmem:v3+s14+$0x0], $0xffff;
	_ =	sdelay $0x3  }
0x795: {  	[tilespmem:$0x1E720] =	vst v2;
	v2 =	vld.idx.msk [tilespmem:v1+s14+$0x0], $0xffff  }
0x796: {  	[tilespmem:$0x1E6F0] =	vst v0;
	v0 =	vor.u32 $0x58, v23;
	v1 =	vld.idx.msk [tilespmem:v1+s15+$0x0], $0xffff;
	_ =	sdelay $0x1  }
0x797: {  	v8 =	vld.idx.msk [tilespmem:v4+s15+$0x0], $0xffff;
	v4 =	vor.u32 $0x5A, v23;
	_ =	sdelay $0x2  }
0x798: {  	[tilespmem:$0x1E200] =	vst v1;
	v1 =	vld.idx.msk [tilespmem:v0+s14+$0x0], $0xffff  }
0x799: {  	v3 =	vor.u32 $0x59, v23;
	v0 =	vld.idx.msk [tilespmem:v0+s15+$0x0], $0xffff  }
0x79a: {  	[tilespmem:$0x1E1F0] =	vst v2;
	v2 =	vld.idx.msk [tilespmem:v4+s14+$0x0], $0xffff;
	_ =	sdelay $0x2  }
0x79b: {  	[tilespmem:$0x1E740] =	vst v1  }
0x79c: {  	[tilespmem:$0x1E750] =	vst v0;
	v0 =	vld.idx.msk [tilespmem:v3+s14+$0x0], $0xffff  }
0x79d: {  	v1 =	vor.u32 $0x54, v23;
	[tilespmem:$0x1E210] =	vst v2;
	v2 =	vld.idx.msk [tilespmem:v4+s15+$0x0], $0xffff;
	_ =	sdelay $0x3  }
0x79e: {  	[tilespmem:$0x1E770] =	vst v0  }
0x79f: {  	v0 =	vor.u32 $0x55, v23;
	[tilespmem:$0x1E220] =	vst v2;
	v2 =	vld.idx.msk [tilespmem:v1+s14+$0x0], $0xffff;
	_ =	sdelay $0x3  }
0x7a0: {  	v32 =	vld.idx.msk [tilespmem:v3+s15+$0x0], $0xffff  }
0x7a1: {  	v3 =	vor.u32 $0x56, v23;
	[tilespmem:$0x1E790] =	vst v2;
	v2 =	vld.idx.msk [tilespmem:v0+s14+$0x0], $0xffff;
	_ =	sdelay $0x3  }
0x7a2: {  	v1 =	vld.idx.msk [tilespmem:v1+s15+$0x0], $0xffff  }
0x7a3: {  	[tilespmem:$0x1E7C0] =	vst v2;
	v2 =	vld.idx.msk [tilespmem:v3+s14+$0x0], $0xffff;
	_ =	sdelay $0x3  }
0x7a4: {  	[tilespmem:$0x1E7A0] =	vst v1  }
0x7a5: {  	v1 =	vor.u32 $0x50, v23;
	[tilespmem:$0x1E230] =	vst v2;
	v2 =	vld.idx.msk [tilespmem:v3+s15+$0x0], $0xffff;
	_ =	sdelay $0x3  }
0x7a6: {  	v33 =	vld.idx.msk [tilespmem:v0+s15+$0x0], $0xffff  }
0x7a7: {  	v0 =	vor.u32 $0x51, v23;
	[tilespmem:$0x1E240] =	vst v2;
	v2 =	vld.idx.msk [tilespmem:v1+s14+$0x0], $0xffff;
	_ =	sdelay $0x4  }
0x7a8: {  	v3 =	vor.u32 $0x52, v23;
	[tilespmem:$0x1E7E0] =	vst v2;
	v2 =	vld.idx.msk [tilespmem:v0+s14+$0x0], $0xffff;
	_ =	sdelay $0x3  }
0x7a9: {  	v1 =	vld.idx.msk [tilespmem:v1+s15+$0x0], $0xffff  }
0x7aa: {  	[tilespmem:$0x1E810] =	vst v2;
	v2 =	vld.idx.msk [tilespmem:v3+s14+$0x0], $0xffff;
	_ =	sdelay $0x3  }
0x7ab: {  	[tilespmem:$0x1E7F0] =	vst v1  }
0x7ac: {  	v1 =	vor.u32 $0x4C, v23;
	[tilespmem:$0x1E250] =	vst v2;
	v2 =	vld.idx.msk [tilespmem:v3+s15+$0x0], $0xffff;
	_ =	sdelay $0x3  }
0x7ad: {  	v34 =	vld.idx.msk [tilespmem:v0+s15+$0x0], $0xffff  }
0x7ae: {  	v0 =	vor.u32 $0x4D, v23;
	[tilespmem:$0x1E260] =	vst v2;
	v2 =	vld.idx.msk [tilespmem:v1+s14+$0x0], $0xffff;
	_ =	sdelay $0x4  }
0x7af: {  	v4 =	vor.u32 $0x4E, v23;
	[tilespmem:$0x1E830] =	vst v2;
	v2 =	vld.idx.msk [tilespmem:v0+s14+$0x0], $0xffff;
	_ =	sdelay $0x3  }
0x7b0: {  	v1 =	vld.idx.msk [tilespmem:v1+s15+$0x0], $0xffff  }
0x7b1: {  	[tilespmem:$0x1E860] =	vst v2;
	v2 =	vld.idx.msk [tilespmem:v4+s14+$0x0], $0xffff;
	_ =	sdelay $0x3  }
0x7b2: {  	[tilespmem:$0x1E840] =	vst v1;
	v0 =	vld.idx.msk [tilespmem:v0+s15+$0x0], $0xffff  }
0x7b3: {  	v1 =	vor.u32 $0x48, v23;
	[tilespmem:$0x1E270] =	vst v2;
	v2 =	vld.idx.msk [tilespmem:v4+s15+$0x0], $0xffff;
	_ =	sdelay $0x3  }
0x7b4: {  	[tilespmem:$0x1E870] =	vst v0  }
0x7b5: {  	v0 =	vor.u32 $0x49, v23;
	[tilespmem:$0x1E280] =	vst v2;
	v2 =	vld.idx.msk [tilespmem:v1+s14+$0x0], $0xffff;
	_ =	sdelay $0x4  }
0x7b6: {  	v5 =	vor.u32 $0x4A, v23;
	[tilespmem:$0x1E890] =	vst v2;
	v2 =	vld.idx.msk [tilespmem:v0+s14+$0x0], $0xffff;
	_ =	sdelay $0x3  }
0x7b7: {  	v1 =	vld.idx.msk [tilespmem:v1+s15+$0x0], $0xffff  }
0x7b8: {  	[tilespmem:$0x1E8C0] =	vst v2;
	v2 =	vld.idx.msk [tilespmem:v5+s14+$0x0], $0xffff;
	_ =	sdelay $0x3  }
0x7b9: {  	[tilespmem:$0x1E8A0] =	vst v1;
	v0 =	vld.idx.msk [tilespmem:v0+s15+$0x0], $0xffff  }
0x7ba: {  	v1 =	vor.u32 $0x44, v23;
	[tilespmem:$0x1E290] =	vst v2;
	v2 =	vld.idx.msk [tilespmem:v5+s15+$0x0], $0xffff;
	_ =	sdelay $0x3  }
0x7bb: {  	[tilespmem:$0x1E8D0] =	vst v0  }
0x7bc: {  	v0 =	vor.u32 $0x45, v23;
	[tilespmem:$0x1E2A0] =	vst v2;
	v2 =	vld.idx.msk [tilespmem:v1+s14+$0x0], $0xffff;
	_ =	sdelay $0x4  }
0x7bd: {  	v5 =	vor.u32 $0x46, v23;
	[tilespmem:$0x1E8F0] =	vst v2;
	v2 =	vld.idx.msk [tilespmem:v0+s14+$0x0], $0xffff;
	_ =	sdelay $0x4  }
0x7be: {  	[tilespmem:$0x1E920] =	vst v2;
	v2 =	vld.idx.msk [tilespmem:v5+s14+$0x0], $0xffff;
	_ =	sdelay $0x4  }
0x7bf: {  	[tilespmem:$0x1E2B0] =	vst v2;
	v2 =	vld.idx.msk [tilespmem:v5+s15+$0x0], $0xffff;
	v5 =	vor.u32 $0x42, v23;
	_ =	sdelay $0x4  }
0x7c0: {  	[tilespmem:$0x1E2C0] =	vst v2;
	v2 =	vld.idx.msk [tilespmem:v5+s14+$0x0], $0xffff;
	_ =	sdelay $0x3  }
0x7c1: {  	v1 =	vld.idx.msk [tilespmem:v1+s15+$0x0], $0xffff  }
0x7c2: {  	[tilespmem:$0x1E2D0] =	vst v2;
	v2 =	vld.idx.msk [tilespmem:v5+s15+$0x0], $0xffff;
	v5 =	vor.u32 $0x3E, v23;
	_ =	sdelay $0x3  }
0x7c3: {  	[tilespmem:$0x1E900] =	vst v1;
	v1 =	vor.u32 $0x40, v23  }
0x7c4: {  	[tilespmem:$0x1E2E0] =	vst v2;
	v2 =	vld.idx.msk [tilespmem:v5+s14+$0x0], $0xffff;
	_ =	sdelay $0x3  }
0x7c5: {  	v58 =	vld.idx.msk [tilespmem:v1+s14+$0x0], $0xffff  }
0x7c6: {  	[tilespmem:$0x1E2F0] =	vst v2;
	v2 =	vld.idx.msk [tilespmem:v5+s15+$0x0], $0xffff;
	v5 =	vor.u32 $0x3A, v23  }
0x7c7: {  	v50 =	vld.idx.msk [tilespmem:v1+s15+$0x0], $0xffff;
	v1 =	vor.u32 $0x3C, v23;
	_ =	sdelay $0x3  }
0x7c8: {  	[tilespmem:$0x1E300] =	vst v2;
	v2 =	vld.idx.msk [tilespmem:v5+s14+$0x0], $0xffff  }
0x7c9: {  	v47 =	vld.idx.msk [tilespmem:v1+s14+$0x0], $0xffff  }
0x7ca: {  	v43 =	vld.idx.msk [tilespmem:v1+s15+$0x0], $0xffff;
	v1 =	vor.u32 $0x38, v23;
	_ =	sdelay $0x2  }
0x7cb: {  	[tilespmem:$0x1E310] =	vst v2;
	v2 =	vld.idx.msk [tilespmem:v5+s15+$0x0], $0xffff;
	v5 =	vor.u32 $0x36, v23;
	_ =	sdelay $0x1  }
0x7cc: {  	v42 =	vld.idx.msk [tilespmem:v1+s14+$0x0], $0xffff  }
0x7cd: {  	v41 =	vld.idx.msk [tilespmem:v1+s15+$0x0], $0xffff;
	v1 =	vor.u32 $0x34, v23;
	_ =	sdelay $0x1  }
0x7ce: {  	[tilespmem:$0x1E320] =	vst v2;
	v2 =	vld.idx.msk [tilespmem:v5+s14+$0x0], $0xffff;
	_ =	sdelay $0x2  }
0x7cf: {  	v35 =	vld.idx.msk [tilespmem:v1+s14+$0x0], $0xffff  }
0x7d0: {  	v31 =	vld.idx.msk [tilespmem:v1+s15+$0x0], $0xffff  }
0x7d1: {  	v1 =	vor.u32 $0x30, v23;
	[tilespmem:$0x1E330] =	vst v2;
	v2 =	vld.idx.msk [tilespmem:v5+s15+$0x0], $0xffff;
	_ =	sdelay $0x4  }
0x7d2: {  	v5 =	vor.u32 $0x32, v23;
	[tilespmem:$0x1E340] =	vst v2;
	v2 =	vld.idx.msk [tilespmem:v1+s14+$0x0], $0xffff;
	_ =	sdelay $0x3  }
0x7d3: {  	v1 =	vld.idx.msk [tilespmem:v1+s15+$0x0], $0xffff  }
0x7d4: {  	[tilespmem:$0x1E350] =	vst v2;
	v2 =	vld.idx.msk [tilespmem:v5+s14+$0x0], $0xffff;
	_ =	sdelay $0x3  }
0x7d5: {  	[tilespmem:$0x1E360] =	vst v1  }
0x7d6: {  	v1 =	vor.u32 $0x2C, v23;
	[tilespmem:$0x1E370] =	vst v2;
	v2 =	vld.idx.msk [tilespmem:v5+s15+$0x0], $0xffff;
	_ =	sdelay $0x4  }
0x7d7: {  	v5 =	vor.u32 $0x2E, v23;
	[tilespmem:$0x1E380] =	vst v2;
	v2 =	vld.idx.msk [tilespmem:v1+s14+$0x0], $0xffff;
	_ =	sdelay $0x4  }
0x7d8: {  	[tilespmem:$0x1E390] =	vst v2;
	v2 =	vld.idx.msk [tilespmem:v5+s14+$0x0], $0xffff;
	_ =	sdelay $0x4  }
0x7d9: {  	v10 =	vor.u32 $0x26, v23;
	[tilespmem:$0x1E3A0] =	vst v2;
	v2 =	vld.idx.msk [tilespmem:v5+s15+$0x0], $0xffff;
	_ =	sdelay $0x4  }
0x7da: {  	[tilespmem:$0x1E3B0] =	vst v2;
	v2 =	vld.idx.msk [tilespmem:v10+s14+$0x0], $0xffff;
	_ =	sdelay $0x4  }
0x7db: {  	v15 =	vor.u32 $0x22, v23;
	[tilespmem:$0x1E3E0] =	vst v2;
	v2 =	vld.idx.msk [tilespmem:v10+s15+$0x0], $0xffff;
	_ =	sdelay $0x4  }
0x7dc: {  	[tilespmem:$0x1E3F0] =	vst v2;
	v2 =	vld.idx.msk [tilespmem:v15+s14+$0x0], $0xffff;
	_ =	sdelay $0x4  }
0x7dd: {  	v19 =	vor.u32 $0x1E, v23;
	[tilespmem:$0x1E400] =	vst v2;
	v2 =	vld.idx.msk [tilespmem:v15+s15+$0x0], $0xffff;
	_ =	sdelay $0x4  }
0x7de: {  	[tilespmem:$0x1E410] =	vst v2;
	v2 =	vld.idx.msk [tilespmem:v19+s14+$0x0], $0xffff;
	_ =	sdelay $0x4  }
0x7df: {  	v24 =	vor.u32 $0x1A, v23;
	[tilespmem:$0x1E420] =	vst v2;
	v2 =	vld.idx.msk [tilespmem:v19+s15+$0x0], $0xffff;
	_ =	sdelay $0x4  }
0x7e0: {  	[tilespmem:$0x1E430] =	vst v2;
	v2 =	vld.idx.msk [tilespmem:v24+s14+$0x0], $0xffff;
	_ =	sdelay $0x4  }
0x7e1: {  	[tilespmem:$0x1E440] =	vst v2;
	v2 =	vld.idx.msk [tilespmem:v24+s15+$0x0], $0xffff;
	_ =	sdelay $0x4  }
0x7e2: {  	[tilespmem:$0x1E450] =	vst v2;
	v2 =	vor.u32 $0x16, v23  }
0x7e3: {  	v4 =	vmul.f32 v12, v11;
	_ =	sdelay $0x1  }
0x7e4: {  	[tilespmem:$0x1E460] =	vst v4;
	v4 =	vmul.f32 v56, v46;
	_ =	sdelay $0x1  }
0x7e5: {  	[tilespmem:$0x1E470] =	vst v4;
	v4 =	vld.idx.msk [tilespmem:v2+s14+$0x0], $0xffff;
	_ =	sdelay $0x3  }
0x7e6: {  	v11 =	vld [tilespmem:$0x1E4A0]  }
0x7e7: {  	[tilespmem:$0x1E480] =	vst v4;
	v4 =	vld [tilespmem:$0x1E490];
	_ =	sdelay $0x4  }
0x7e8: {  	v2 =	vld.idx.msk [tilespmem:v2+s15+$0x0], $0xffff;
	v4 =	vmul.f32 v11, v4  }
0x7e9: {  	v11 =	vld [tilespmem:$0x1E4D0]  }
0x7ea: {  	[tilespmem:$0x1E4B0] =	vst v4;
	v4 =	vld [tilespmem:$0x1E4C0];
	_ =	sdelay $0x3  }
0x7eb: {  	[tilespmem:$0x1E4F0] =	vst v2;
	v2 =	vld [tilespmem:$0x1E500]  }
0x7ec: {  	v4 =	vmul.f32 v11, v4;
	v11 =	vld [tilespmem:$0x1E510];
	_ =	sdelay $0x4  }
0x7ed: {  	v2 =	vmul.f32 v11, v2;
	_ =	sdelay $0x1  }
0x7ee: {  	[tilespmem:$0x1E520] =	vst v2;
	v2 =	vld [tilespmem:$0x1E530];
	_ =	sdelay $0x4  }
0x7ef: {  	v2 =	vmul.f32 v27, v2  }
0x7f0: {  	v11 =	vld [tilespmem:$0x1E560]  }
0x7f1: {  	[tilespmem:$0x1E540] =	vst v2;
	v2 =	vld [tilespmem:$0x1E550];
	_ =	sdelay $0x4  }
0x7f2: {  	v2 =	vmul.f32 v11, v2;
	_ =	sdelay $0x1  }
0x7f3: {  	[tilespmem:$0x1E570] =	vst v2;
	v2 =	vld [tilespmem:$0x1E580];
	_ =	sdelay $0x4  }
0x7f4: {  	v2 =	vmul.f32 v28, v2  }
0x7f5: {  	v11 =	vld [tilespmem:$0x1E5B0]  }
0x7f6: {  	[tilespmem:$0x1E590] =	vst v2;
	v2 =	vld [tilespmem:$0x1E5A0];
	_ =	sdelay $0x4  }
0x7f7: {  	v2 =	vmul.f32 v11, v2;
	_ =	sdelay $0x1  }
0x7f8: {  	[tilespmem:$0x1E5C0] =	vst v2;
	v2 =	vld [tilespmem:$0x1E5D0];
	_ =	sdelay $0x4  }
0x7f9: {  	v2 =	vmul.f32 v29, v2  }
0x7fa: {  	v11 =	vld [tilespmem:$0x1E600]  }
0x7fb: {  	[tilespmem:$0x1E5E0] =	vst v2;
	v2 =	vld [tilespmem:$0x1E5F0];
	_ =	sdelay $0x4  }
0x7fc: {  	v2 =	vmul.f32 v11, v2;
	_ =	sdelay $0x1  }
0x7fd: {  	[tilespmem:$0x1E610] =	vst v2;
	v2 =	vld [tilespmem:$0x1E620];
	_ =	sdelay $0x4  }
0x7fe: {  	v2 =	vmul.f32 v30, v2  }
0x7ff: {  	v11 =	vld [tilespmem:$0x1E650]  }
0x800: {  	[tilespmem:$0x1E630] =	vst v2;
	v2 =	vld [tilespmem:$0x1E640];
	_ =	sdelay $0x4  }
0x801: {  	v2 =	vmul.f32 v11, v2  }
0x802: {  	v11 =	vld [tilespmem:$0x1E680]  }
0x803: {  	[tilespmem:$0x1E660] =	vst v2;
	v2 =	vld [tilespmem:$0x1E670];
	_ =	sdelay $0x3  }
0x804: {  	v12 =	vld [tilespmem:$0x1E6B0]  }
0x805: {  	v2 =	vmul.f32 v11, v2;
	v11 =	vld [tilespmem:$0x1E6A0];
	_ =	sdelay $0x4  }
0x806: {  	v11 =	vmul.f32 v12, v11;
	_ =	sdelay $0x1  }
0x807: {  	[tilespmem:$0x1E6C0] =	vst v11;
	v11 =	vld [tilespmem:$0x1E6D0];
	_ =	sdelay $0x3  }
0x808: {  	v12 =	vld [tilespmem:$0x1E700]  }
0x809: {  	v9 =	vmul.f32 v9, v11;
	v11 =	vld [tilespmem:$0x1E6F0];
	_ =	sdelay $0x4  }
0x80a: {  	v11 =	vmul.f32 v12, v11;
	_ =	sdelay $0x1  }
0x80b: {  	[tilespmem:$0x1E710] =	vst v11;
	v11 =	vld [tilespmem:$0x1E720];
	_ =	sdelay $0x3  }
0x80c: {  	v12 =	vld [tilespmem:$0x1E750]  }
0x80d: {  	v3 =	vor.u32 $0x10, v23;
	v8 =	vmul.f32 v8, v11;
	v11 =	vld [tilespmem:$0x1E740];
	_ =	sdelay $0x4  }
0x80e: {  	v27 =	vld.idx.msk [tilespmem:v3+s14+$0x0], $0xffff;
	v11 =	vmul.f32 v12, v11  }
0x80f: {  	v28 =	vld.idx.msk [tilespmem:v3+s15+$0x0], $0xffff;
	v3 =	vor.u32 $0xC, v23  }
0x810: {  	[tilespmem:$0x1E760] =	vst v11;
	v11 =	vld [tilespmem:$0x1E770];
	_ =	sdelay $0x2  }
0x811: {  	v36 =	vld.idx.msk [tilespmem:v0+s15+$0x0], $0xffff  }
0x812: {  	[tilespmem:$0x1E730] =	vst v8;
	v8 =	vld.idx.msk [tilespmem:v3+s14+$0x0], $0xffff  }
0x813: {  	v11 =	vmul.f32 v32, v11;
	v32 =	vld.idx.msk [tilespmem:v3+s15+$0x0], $0xffff  }
0x814: {  	v3 =	vld [tilespmem:$0x1E790]  }
0x815: {  	v0 =	vor.u32 $0x41, v23;
	[tilespmem:$0x1E780] =	vst v11;
	v11 =	vld [tilespmem:$0x1E7A0];
	_ =	sdelay $0x4  }
0x816: {  	v49 =	vld.idx.msk [tilespmem:v0+s14+$0x0], $0xffff;
	v3 =	vmul.f32 v11, v3  }
0x817: {  	v37 =	vld.idx.msk [tilespmem:v0+s15+$0x0], $0xffff;
	v0 =	vor.u32 $0x3D, v23  }
0x818: {  	[tilespmem:$0x1E7B0] =	vst v3;
	v3 =	vld [tilespmem:$0x1E7C0];
	_ =	sdelay $0x3  }
0x819: {  	v44 =	vld.idx.msk [tilespmem:v0+s14+$0x0], $0xffff  }
0x81a: {  	v17 =	vld.idx.msk [tilespmem:v0+s15+$0x0], $0xffff;
	v3 =	vmul.f32 v33, v3  }
0x81b: {  	v11 =	vld [tilespmem:$0x1E7F0]  }
0x81c: {  	v0 =	vor.u32 $0x39, v23;
	[tilespmem:$0x1E7D0] =	vst v3;
	v3 =	vld [tilespmem:$0x1E7E0];
	_ =	sdelay $0x4  }
0x81d: {  	v39 =	vld.idx.msk [tilespmem:v0+s14+$0x0], $0xffff;
	v3 =	vmul.f32 v11, v3  }
0x81e: {  	v38 =	vld.idx.msk [tilespmem:v0+s15+$0x0], $0xffff;
	v0 =	vor.u32 $0x35, v23  }
0x81f: {  	[tilespmem:$0x1E800] =	vst v3;
	v3 =	vld [tilespmem:$0x1E810];
	_ =	sdelay $0x3  }
0x820: {  	v26 =	vld.idx.msk [tilespmem:v0+s14+$0x0], $0xffff  }
0x821: {  	v13 =	vor.u32 $0x20, v23;
	v22 =	vld.idx.msk [tilespmem:v0+s15+$0x0], $0xffff;
	v3 =	vmul.f32 v34, v3  }
0x822: {  	v14 =	vor.u32 $0x21, v23;
	v11 =	vld [tilespmem:$0x1E840]  }
0x823: {  	v0 =	vor.u32 $0x31, v23;
	[tilespmem:$0x1E820] =	vst v3;
	v3 =	vld [tilespmem:$0x1E830];
	_ =	sdelay $0x2  }
0x824: {  	v48 =	vld.idx.msk [tilespmem:v13+s15+$0x0], $0xffff  }
0x825: {  	v51 =	vld.idx.msk [tilespmem:v14+s14+$0x0], $0xffff;
	v56 =	vor.u32 $0xD, v23  }
0x826: {  	v57 =	vld.idx.msk [tilespmem:v0+s14+$0x0], $0xffff;
	v3 =	vmul.f32 v11, v3  }
0x827: {  	v11 =	vld [tilespmem:$0x1E870]  }
0x828: {  	[tilespmem:$0x1E850] =	vst v3;
	v3 =	vld [tilespmem:$0x1E860]  }
0x829: {  	v18 =	vor.u32 $0x1D, v23;
	v40 =	vld.idx.msk [tilespmem:v0+s15+$0x0], $0xffff  }
0x82a: {  	v20 =	vor.u32 $0x18, v23;
	v33 =	vld.idx.msk [tilespmem:v56+s14+$0x0], $0xffff  }
0x82b: {  	v34 =	vld.idx.msk [tilespmem:v56+s15+$0x0], $0xffff  }
0x82c: {  	v56 =	vld [tilespmem:$0x1E8A0]  }
0x82d: {  	v0 =	vor.u32 $0x2D, v23;
	v3 =	vmul.f32 v11, v3;
	v11 =	vld [tilespmem:$0x1E890]  }
0x82e: {  	v54 =	vld.idx.msk [tilespmem:v18+s15+$0x0], $0xffff  }
0x82f: {  	v59 =	vld.idx.msk [tilespmem:v20+s14+$0x0], $0xffff  }
0x830: {  	v46 =	vld [tilespmem:$0x1E8F0]  }
0x831: {  	v60 =	vld.idx.msk [tilespmem:v1+s15+$0x0], $0xffff;
	v1 =	vor.u32 $0x28, v23  }
0x832: {  	v52 =	vld.idx.msk [tilespmem:v0+s14+$0x0], $0xffff;
	v11 =	vmul.f32 v56, v11  }
0x833: {  	v5 =	vor.u32 $0x2A, v23;
	v56 =	vld [tilespmem:$0x1E8D0]  }
0x834: {  	[tilespmem:$0x1E8B0] =	vst v11;
	v11 =	vld [tilespmem:$0x1E8C0]  }
0x835: {  	v21 =	vor.u32 $0x19, v23;
	v53 =	vld.idx.msk [tilespmem:v0+s15+$0x0], $0xffff  }
0x836: {  	v0 =	vor.u32 $0x29, v23;
	v55 =	vld.idx.msk [tilespmem:v1+s14+$0x0], $0xffff  }
0x837: {  	v61 =	vld.idx.msk [tilespmem:v1+s15+$0x0], $0xffff  }
0x838: {  	v1 =	vld.idx.msk [tilespmem:v5+s14+$0x0], $0xffff  }
0x839: {  	v6 =	vor.u32 $0x24, v23;
	v11 =	vmul.f32 v56, v11;
	v56 =	vld [tilespmem:$0x1E900]  }
0x83a: {  	v62 =	vld.idx.msk [tilespmem:v21+s15+$0x0], $0xffff  }
0x83b: {  	v63 =	vld.idx.msk [tilespmem:v0+s14+$0x0], $0xffff  }
0x83c: {  	v0 =	vld.idx.msk [tilespmem:v0+s15+$0x0], $0xffff  }
0x83d: {  	v16 =	vor.u32 $0x1C, v23;
	[tilespmem:$0x1E3C0] =	vst v1;
	v1 =	vld.idx.msk [tilespmem:v5+s15+$0x0], $0xffff  }
0x83e: {  	v5 =	vld.idx.msk [tilespmem:v6+s15+$0x0], $0xffff;
	v56 =	vmul.f32 v56, v46  }
0x83f: {  	v10 =	vld.idx.msk [tilespmem:v13+s14+$0x0], $0xffff  }
0x840: {  	[tilespmem:$0x1E910] =	vst v56;
	v56 =	vld [tilespmem:$0x1E920]  }
0x841: {  	v13 =	vld.idx.msk [tilespmem:v14+s15+$0x0], $0xffff;
	v12 =	vor.u32 $0x8, v23  }
0x842: {  	v14 =	vld.idx.msk [tilespmem:v16+s14+$0x0], $0xffff  }
0x843: {  	v50 =	vmul.f32 v50, v58;
	[tilespmem:$0x1E3D0] =	vst v1;
	v1 =	vld.idx.msk [tilespmem:v6+s14+$0x0], $0xffff  }
0x844: {  	v25 =	vor.u32 $0x14, v23;
	v37 =	vmul.f32 v37, v49;
	v15 =	vld.idx.msk [tilespmem:v16+s15+$0x0], $0xffff  }
0x845: {  	[tilespmem:$0x1E940] =	vst v50;
	v16 =	vld.idx.msk [tilespmem:v18+s14+$0x0], $0xffff;
	v36 =	vmul.f32 v36, v56  }
0x846: {  	[tilespmem:$0x1E950] =	vst v37;
	v37 =	vld.idx.msk [tilespmem:v12+s15+$0x0], $0xffff  }
0x847: {  	v45 =	vor.u32 $0x15, v23;
	[tilespmem:$0x1E930] =	vst v36;
	v36 =	vld.idx.msk [tilespmem:v12+s14+$0x0], $0xffff;
	v12 =	vmul.f32 v43, v47  }
0x848: {  	v18 =	vld.idx.msk [tilespmem:v20+s15+$0x0], $0xffff;
	[tilespmem:$0x1E4E0] =	vst v4  }
0x849: {  	v20 =	vld.idx.msk [tilespmem:v25+s14+$0x0], $0xffff;
	v4 =	vor.u32 $0x12, v23;
	[tilespmem:$0x1E960] =	vst v12;
	v12 =	vmul.f32 v17, v44  }
0x84a: {  	v19 =	vld.idx.msk [tilespmem:v21+s14+$0x0], $0xffff;
	[tilespmem:$0x1E690] =	vst v2  }
0x84b: {  	v7 =	vor.u32 $0x25, v23;
	v21 =	vld.idx.msk [tilespmem:v25+s15+$0x0], $0xffff;
	[tilespmem:$0x1E970] =	vst v12;
	v12 =	vmul.f32 v41, v42  }
0x84c: {  	v25 =	vld.idx.msk [tilespmem:v45+s15+$0x0], $0xffff;
	[tilespmem:$0x1E6E0] =	vst v9  }
0x84d: {  	v24 =	vld.idx.msk [tilespmem:v45+s14+$0x0], $0xffff;
	v45 =	vor.u32 $0x11, v23;
	[tilespmem:$0x1E980] =	vst v12;
	v12 =	vmul.f32 v38, v39  }
0x84e: {  	v2 =	vld.idx.msk [tilespmem:v4+s14+$0x0], $0xffff;
	[tilespmem:$0x1E880] =	vst v3  }
0x84f: {  	v9 =	vld.idx.msk [tilespmem:v4+s15+$0x0], $0xffff;
	v4 =	vor.u32 $0xE, v23;
	[tilespmem:$0x1E990] =	vst v12;
	v12 =	vmul.f32 v31, v35  }
0x850: {  	v6 =	vld.idx.msk [tilespmem:v7+s14+$0x0], $0xffff;
	[tilespmem:$0x1E8E0] =	vst v11;
	v11 =	vor.u32 $0xA, v23  }
0x851: {  	v7 =	vld.idx.msk [tilespmem:v7+s15+$0x0], $0xffff;
	[tilespmem:$0x1E9A0] =	vst v12;
	v12 =	vmul.f32 v22, v26;
	v22 =	vor.u32 $0x7F, v23  }
0x852: {  	v29 =	vld.idx.msk [tilespmem:v45+s14+$0x0], $0xffff;
	v26 =	vor.u32 $0x63, v23;
	[tilespmem:$0x1E9E0] =	vst v22  }
0x853: {  	v30 =	vld.idx.msk [tilespmem:v45+s15+$0x0], $0xffff;
	v45 =	vor.u32 $0x9, v23;
	[tilespmem:$0x1EA10] =	vst v26  }
0x854: {  	v58 =	vor.u32 $0x5, v23;
	v3 =	vld.idx.msk [tilespmem:v4+s14+$0x0], $0xffff;
	v22 =	vor.u32 $0x6F, v23;
	[tilespmem:$0x1E9B0] =	vst v12  }
0x855: {  	v56 =	vor.u32 $0x4, v23;
	v35 =	vld.idx.msk [tilespmem:v11+s15+$0x0], $0xffff;
	v26 =	vor.u32 $0x67, v23;
	[tilespmem:$0x1E9F0] =	vst v22  }
0x856: {  	v12 =	vld.idx.msk [tilespmem:v11+s14+$0x0], $0xffff;
	v11 =	vor.u32 $0x77, v23;
	[tilespmem:$0x1EA20] =	vst v26  }
0x857: {  	v4 =	vld.idx.msk [tilespmem:v4+s15+$0x0], $0xffff;
	v22 =	vor.u32 $0x73, v23;
	[tilespmem:$0x1E9C0] =	vst v11  }
0x858: {  	v17 =	vld.idx.msk [tilespmem:v45+s14+$0x0], $0xffff;
	v11 =	vor.u32 $0x7B, v23;
	[tilespmem:$0x1EA00] =	vst v22  }
0x859: {  	v44 =	vld.idx.msk [tilespmem:v58+s14+$0x0], $0xffff;
	v26 =	vor.u32 $0x6B, v23;
	[tilespmem:$0x1E9D0] =	vst v11;
	v11 =	vor.u32 $0x6, v23  }
0x85a: {  	v42 =	vld.idx.msk [tilespmem:v56+s15+$0x0], $0xffff;
	[tilespmem:$0x1EA30] =	vst v26;
	v26 =	vor.u32 $0x5F, v23  }
0x85b: {  	v39 =	vld.idx.msk [tilespmem:v45+s15+$0x0], $0xffff;
	[tilespmem:$0x1EA40] =	vst v26;
	v26 =	vor.u32 $0x5B, v23  }
0x85c: {  	v22 =	vld.idx.msk [tilespmem:v56+s14+$0x0], $0xffff;
	[tilespmem:$0x1EA50] =	vst v26;
	v26 =	vor.u32 $0x57, v23  }
0x85d: {  	v49 =	vor.u32 $0x1, v23;
	v50 =	vor.u32 $0x43, v23;
	v31 =	vor.u32 $0x53, v23;
	[tilespmem:$0x1EA60] =	vst v26;
	v26 =	vld.idx.msk [tilespmem:v58+s15+$0x0], $0xffff  }
0x85e: {  	v47 =	vor.u32 $0x2, v23;
	v41 =	vor.u32 $0x47, v23;
	[tilespmem:$0x1EA70] =	vst v31;
	v31 =	vor.u32 $0x4F, v23;
	v43 =	vld.idx.msk [tilespmem:v11+s14+$0x0], $0xffff  }
0x85f: {  	s23 =	smov.u32 s20;
	s24 =	simm.s32 $0x20;
	v38 =	vor.u32 $0x4B, v23;
	[tilespmem:$0x1EA80] =	vst v31;
	v58 =	vor.u32 $0x3F, v23;
	v45 =	vld.idx.msk [tilespmem:v11+s15+$0x0], $0xffff;
	v11 =	vor.u32 $0x3B, v23  }
.LBB2_5:
0x860: {  	v31 =	vld [tilespmem:$0x1E350]  }
0x861: {  	v46 =	vmov v40;
	v40 =	vmov v57;
	v57 =	vld [tilespmem:$0x1E360]  }
0x862: {  	v52 =	vmul.f32 v53, v52;
	v53 =	vmul.f32 v61, v55;
	v61 =	vor.u32 $0x7, v23  }
0x863: {  	v56 =	vld.idx.msk [tilespmem:v23+s15+$0x0], $0xffff;
	v0 =	vmul.f32 v0, v63  }
0x864: {  	v1 =	vmul.f32 v5, v1;
	v63 =	vld.idx.msk [tilespmem:v47+s14+$0x0], $0xffff;
	v19 =	vmul.f32 v62, v19  }
0x865: {  	v62 =	vor.u32 $0x1F, v23;
	v5 =	vmul.f32 v7, v6;
	v7 =	vmul.f32 v13, v51;
	v13 =	vld.idx.msk [tilespmem:v47+s15+$0x0], $0xffff  }
0x866: {  	v14 =	vmul.f32 v15, v14;
	v47 =	vor.u32 $0xB, v23;
	v31 =	vmul.f32 v57, v31;
	v57 =	vld.idx.msk [tilespmem:v23+s14+$0x0], $0xffff  }
0x867: {  	v20 =	vmul.f32 v21, v20;
	v21 =	vmul.f32 v25, v24;
	v24 =	vld.idx.msk [tilespmem:v61+s14+$0x0], $0xffff  }
0x868: {  	v15 =	vmul.f32 v54, v16;
	[tilespmem:$0x1D520] =	vst v31;
	v31 =	vmul.f32 v46, v40;
	v46 =	vld [tilespmem:$0x1E390]  }
0x869: {  	v55 =	vor.u32 $0x33, v23;
	v25 =	vmul.f32 v28, v27;
	v27 =	vmul.f32 v30, v29;
	v29 =	vld.idx.msk [tilespmem:v61+s15+$0x0], $0xffff  }
0x86a: {  	v18 =	vmul.f32 v18, v59;
	v2 =	vmul.f32 v9, v2;
	v9 =	vld.idx.msk [tilespmem:v62+s14+$0x0], $0xffff;
	[tilespmem:$0x1D530] =	vst v31;
	v31 =	vor.u32 $0x3, v23  }
0x86b: {  	v28 =	vor.u32 $0x27, v23;
	v8 =	vmul.f32 v32, v8;
	v30 =	vmul.f32 v34, v33;
	v34 =	vld.idx.msk [tilespmem:v47+s14+$0x0], $0xffff  }
0x86c: {  	v51 =	vor.u32 $0xF, v23;
	v33 =	vmul.f32 v37, v36;
	v37 =	vld.idx.msk [tilespmem:v47+s15+$0x0], $0xffff;
	v59 =	vmul.f32 v56, v57  }
0x86d: {  	v32 =	vor.u32 $0x13, v23;
	v22 =	vmul.f32 v42, v22;
	v46 =	vmul.f32 v60, v46;
	v60 =	vld.idx.msk [tilespmem:v49+s14+$0x0], $0xffff  }
0x86e: {  	v54 =	vor.u32 $0x17, v23;
	v6 =	vmul.f32 v48, v10;
	v49 =	vld.idx.msk [tilespmem:v49+s15+$0x0], $0xffff;
	v42 =	vadd.f32 $0.0e+00, v59  }
0x86f: {  	v10 =	vor.u32 $0x2F, v23;
	v48 =	vor.u32 $0x2B, v23;
	v36 =	vor.u32 $0x23, v23;
	v16 =	vld.idx.msk [tilespmem:v31+s14+$0x0], $0xffff  }
0x870: {  	v40 =	vor.u32 $0x37, v23;
	v23 =	vor.u32 $0x1B, v23;
	v31 =	vld.idx.msk [tilespmem:v31+s15+$0x0], $0xffff;
	v22 =	vadd.f32 v22, v42  }
0x871: {  	v61 =	vld.idx.msk [tilespmem:v51+s14+$0x0], $0xffff  }
0x872: {  	v13 =	vmul.f32 v13, v63;
	v63 =	vld.idx.msk [tilespmem:v32+s14+$0x0], $0xffff;
	v22 =	vadd.f32 v33, v22  }
0x873: {  	v24 =	vmul.f32 v29, v24;
	v29 =	vld.idx.msk [tilespmem:v32+s15+$0x0], $0xffff  }
0x874: {  	v17 =	vmul.f32 v39, v17;
	v42 =	vld.idx.msk [tilespmem:v54+s14+$0x0], $0xffff;
	v60 =	vmul.f32 v49, v60;
	v8 =	vadd.f32 v8, v22  }
0x875: {  	v3 =	vmul.f32 v4, v3;
	v4 =	vld.idx.msk [tilespmem:v23+s14+$0x0], $0xffff;
	v16 =	vmul.f32 v31, v16  }
0x876: {  	v26 =	vmul.f32 v26, v44;
	v31 =	vld.idx.msk [tilespmem:v51+s15+$0x0], $0xffff;
	v44 =	vadd.f32 $0.0e+00, v60;
	v8 =	vadd.f32 v25, v8  }
0x877: {  	v43 =	vmul.f32 v45, v43;
	v13 =	vadd.f32 $0.0e+00, v13;
	v23 =	vld.idx.msk [tilespmem:v23+s15+$0x0], $0xffff;
	v16 =	vadd.f32 $0.0e+00, v16  }
0x878: {  	v12 =	vmul.f32 v35, v12;
	v22 =	vld [tilespmem:$0x1E480];
	v26 =	vadd.f32 v26, v44;
	v8 =	vadd.f32 v20, v8  }
0x879: {  	v13 =	vadd.f32 v43, v13;
	v44 =	vld.idx.msk [tilespmem:v54+s15+$0x0], $0xffff;
	v16 =	vadd.f32 v24, v16;
	v24 =	vmul.f32 v37, v34  }
0x87a: {  	v20 =	vld [tilespmem:$0x1E440];
	v17 =	vadd.f32 v17, v26;
	v8 =	vadd.f32 v18, v8  }
0x87b: {  	v12 =	vadd.f32 v12, v13;
	v18 =	vld [tilespmem:$0x1E420];
	v13 =	vadd.f32 v24, v16;
	v16 =	vmul.f32 v31, v61  }
0x87c: {  	v17 =	vadd.f32 v30, v17;
	v24 =	vld [tilespmem:$0x1E4F0];
	v8 =	vadd.f32 v14, v8  }
0x87d: {  	v3 =	vadd.f32 v3, v12;
	v12 =	vadd.f32 v16, v13;
	v13 =	vmul.f32 v29, v63;
	v16 =	vld.idx.msk [tilespmem:v62+s15+$0x0], $0xffff  }
0x87e: {  	v17 =	vadd.f32 v27, v17;
	v6 =	vadd.f32 v6, v8;
	v8 =	vld [tilespmem:$0x1E3E0]  }
0x87f: {  	v2 =	vadd.f32 v2, v3;
	v3 =	vadd.f32 v13, v12;
	v13 =	vld.idx.msk [tilespmem:v36+s15+$0x0], $0xffff  }
0x880: {  	v17 =	vadd.f32 v21, v17;
	v21 =	vld [tilespmem:$0x1E450]  }
0x881: {  	v12 =	vmul.f32 v44, v42;
	v22 =	vmul.f32 v24, v22;
	v24 =	vld.idx.msk [tilespmem:v36+s14+$0x0], $0xffff  }
0x882: {  	v1 =	vadd.f32 v1, v6;
	v6 =	vld [tilespmem:$0x1E3C0]  }
0x883: {  	v4 =	vmul.f32 v23, v4;
	v3 =	vadd.f32 v12, v3;
	v12 =	vld.idx.msk [tilespmem:v28+s15+$0x0], $0xffff  }
0x884: {  	v17 =	vadd.f32 v19, v17;
	v19 =	vld [tilespmem:$0x1E430]  }
0x885: {  	v3 =	vadd.f32 v4, v3;
	v4 =	vmul.f32 v16, v9;
	v9 =	vld.idx.msk [tilespmem:v48+s15+$0x0], $0xffff  }
0x886: {  	v14 =	vadd.f32 v15, v17;
	v15 =	vld [tilespmem:$0x1E400]  }
0x887: {  	v16 =	vld [tilespmem:$0x1E410]  }
0x888: {  	v20 =	vmul.f32 v21, v20;
	v21 =	vld.idx.msk [tilespmem:v28+s14+$0x0], $0xffff  }
0x889: {  	v3 =	vadd.f32 v4, v3;
	v4 =	vmul.f32 v13, v24;
	v7 =	vadd.f32 v7, v14;
	v13 =	vld [tilespmem:$0x1E3F0]  }
0x88a: {  	v2 =	vadd.f32 v22, v2;
	v18 =	vmul.f32 v19, v18;
	v19 =	vld.idx.msk [tilespmem:v48+s14+$0x0], $0xffff  }
0x88b: {  	v5 =	vadd.f32 v5, v7;
	v7 =	vld [tilespmem:$0x1E3D0]  }
0x88c: {  	v2 =	vadd.f32 v20, v2;
	v15 =	vmul.f32 v16, v15;
	v16 =	vld.idx.msk [tilespmem:v10+s14+$0x0], $0xffff  }
0x88d: {  	v10 =	vld.idx.msk [tilespmem:v10+s15+$0x0], $0xffff  }
0x88e: {  	v3 =	vadd.f32 v4, v3;
	v2 =	vadd.f32 v18, v2;
	v4 =	vmul.f32 v12, v21;
	v12 =	vld.idx.msk [tilespmem:v55+s15+$0x0], $0xffff  }
0x88f: {  	v0 =	vadd.f32 v0, v5;
	v5 =	vld [tilespmem:$0x1E3A0]  }
0x890: {  	v8 =	vmul.f32 v13, v8;
	v13 =	vld.idx.msk [tilespmem:v55+s14+$0x0], $0xffff;
	v2 =	vadd.f32 v15, v2  }
0x891: {  	v3 =	vadd.f32 v4, v3;
	v4 =	vmul.f32 v9, v19;
	v6 =	vmul.f32 v7, v6;
	v7 =	vld.idx.msk [tilespmem:v40+s14+$0x0], $0xffff  }
0x892: {  	v2 =	vadd.f32 v8, v2;
	v8 =	vld.idx.msk [tilespmem:v40+s15+$0x0], $0xffff  }
0x893: {  	v9 =	vld [tilespmem:$0x1E3B0];
	v3 =	vadd.f32 v4, v3;
	v4 =	vmul.f32 v10, v16  }
0x894: {  	v10 =	vld [tilespmem:$0x1E370]  }
0x895: {  	v3 =	vadd.f32 v4, v3;
	v4 =	vmul.f32 v12, v13;
	v12 =	vld [tilespmem:$0x1D520]  }
0x896: {  	v1 =	vadd.f32 v53, v1;
	v2 =	vadd.f32 v6, v2;
	v6 =	vld.idx.msk [tilespmem:v11+s15+$0x0], $0xffff  }
0x897: {  	v3 =	vadd.f32 v4, v3;
	v4 =	vmul.f32 v8, v7;
	v8 =	vld [tilespmem:$0x1E9A0]  }
0x898: {  	v1 =	vadd.f32 v46, v1;
	v5 =	vmul.f32 v9, v5;
	v9 =	vld.idx.msk [tilespmem:v11+s14+$0x0], $0xffff  }
0x899: {  	v11 =	vld [tilespmem:$0x1E380]  }
0x89a: {  	v1 =	vadd.f32 v12, v1;
	v12 =	vld [tilespmem:$0x1D530];
	_ =	sdelay $0x1  }
0x89b: {  	v1 =	vadd.f32 v8, v1;
	v8 =	vld [tilespmem:$0x1E9B0]  }
0x89c: {  	v0 =	vadd.f32 v52, v0  }
0x89d: {  	v13 =	vld [tilespmem:$0x1E340];
	v2 =	vadd.f32 v5, v2;
	v10 =	vmul.f32 v11, v10  }
0x89e: {  	v0 =	vadd.f32 v12, v0;
	v12 =	vld [tilespmem:$0x1E330]  }
0x89f: {  	v2 =	vadd.f32 v10, v2;
	v10 =	vld [tilespmem:$0x1E320]  }
0x8a0: {  	v0 =	vadd.f32 v8, v0;
	v8 =	vld [tilespmem:$0x1E310];
	_ =	sdelay $0x2  }
0x8a1: {  	v12 =	vmul.f32 v13, v12  }
0x8a2: {  	v3 =	vadd.f32 v4, v3  }
0x8a3: {  	v4 =	vmul.f32 v6, v9;
	v9 =	vld [tilespmem:$0x1E980];
	v8 =	vmul.f32 v10, v8;
	v2 =	vadd.f32 v12, v2  }
0x8a4: {  	v14 =	vld [tilespmem:$0x1EA80]  }
0x8a5: {  	v2 =	vadd.f32 v8, v2;
	v8 =	vld [tilespmem:$0x1E960]  }
0x8a6: {  	v5 =	vld.idx.msk [tilespmem:v58+s15+$0x0], $0xffff  }
0x8a7: {  	v11 =	vld.idx.msk [tilespmem:v58+s14+$0x0], $0xffff  }
0x8a8: {  	v1 =	vadd.f32 v9, v1;
	v9 =	vld [tilespmem:$0x1E990]  }
0x8a9: {  	v7 =	vld.idx.msk [tilespmem:v50+s15+$0x0], $0xffff  }
0x8aa: {  	v1 =	vadd.f32 v8, v1;
	v8 =	vld [tilespmem:$0x1E970]  }
0x8ab: {  	v6 =	vld.idx.msk [tilespmem:v41+s15+$0x0], $0xffff  }
0x8ac: {  	v3 =	vadd.f32 v4, v3;
	v4 =	vmul.f32 v5, v11;
	v11 =	vld [tilespmem:$0x1E2E0]  }
0x8ad: {  	v0 =	vadd.f32 v9, v0;
	v9 =	vld [tilespmem:$0x1E2F0]  }
0x8ae: {  	v12 =	vld [tilespmem:$0x1E300]  }
0x8af: {  	v0 =	vadd.f32 v8, v0;
	v8 =	vld [tilespmem:$0x1E2D0]  }
0x8b0: {  	v5 =	vld.idx.msk [tilespmem:v38+s15+$0x0], $0xffff  }
0x8b1: {  	v13 =	vld.idx.msk [tilespmem:v50+s14+$0x0], $0xffff  }
0x8b2: {  	v10 =	vld.idx.msk [tilespmem:v41+s14+$0x0], $0xffff  }
0x8b3: {  	v9 =	vmul.f32 v12, v9;
	v12 =	vld.idx.msk [tilespmem:v38+s14+$0x0], $0xffff  }
0x8b4: {  	v8 =	vmul.f32 v11, v8;
	v11 =	vld.idx.msk [tilespmem:v14+s14+$0x0], $0xffff  }
0x8b5: {  	v2 =	vadd.f32 v9, v2;
	v9 =	vld [tilespmem:$0x1E940];
	_ =	sdelay $0x3  }
0x8b6: {  	v3 =	vadd.f32 v4, v3;
	v4 =	vmul.f32 v7, v13;
	v7 =	vld.idx.msk [tilespmem:v14+s15+$0x0], $0xffff  }
0x8b7: {  	v1 =	vadd.f32 v9, v1;
	v9 =	vld [tilespmem:$0x1E950]  }
0x8b8: {  	v14 =	vld [tilespmem:$0x1EA70];
	_ =	sdelay $0x1  }
0x8b9: {  	v2 =	vadd.f32 v8, v2;
	v8 =	vld [tilespmem:$0x1E910]  }
0x8ba: {  	v13 =	vld [tilespmem:$0x1E2C0]  }
0x8bb: {  	v0 =	vadd.f32 v9, v0;
	v9 =	vld [tilespmem:$0x1E2B0];
	_ =	sdelay $0x2  }
0x8bc: {  	v1 =	vadd.f32 v8, v1;
	v8 =	vld [tilespmem:$0x1E930]  }
0x8bd: {  	v3 =	vadd.f32 v4, v3;
	v4 =	vmul.f32 v6, v10;
	v6 =	vld.idx.msk [tilespmem:v14+s15+$0x0], $0xffff  }
0x8be: {  	v9 =	vmul.f32 v13, v9;
	v13 =	vld.idx.msk [tilespmem:v14+s14+$0x0], $0xffff  }
0x8bf: {  	v14 =	vld [tilespmem:$0x1EA60]  }
0x8c0: {  	v10 =	vld [tilespmem:$0x1E2A0]  }
0x8c1: {  	v2 =	vadd.f32 v9, v2;
	v9 =	vld [tilespmem:$0x1E8B0]  }
0x8c2: {  	v0 =	vadd.f32 v8, v0;
	v8 =	vld [tilespmem:$0x1E290];
	_ =	sdelay $0x3  }
0x8c3: {  	v1 =	vadd.f32 v9, v1;
	v9 =	vld [tilespmem:$0x1E8E0]  }
0x8c4: {  	v8 =	vmul.f32 v10, v8;
	v10 =	vld.idx.msk [tilespmem:v14+s14+$0x0], $0xffff  }
0x8c5: {  	v3 =	vadd.f32 v4, v3;
	v4 =	vmul.f32 v5, v12;
	v5 =	vld.idx.msk [tilespmem:v14+s15+$0x0], $0xffff  }
0x8c6: {  	v14 =	vld [tilespmem:$0x1EA50];
	_ =	sdelay $0x1  }
0x8c7: {  	v2 =	vadd.f32 v8, v2;
	v8 =	vld [tilespmem:$0x1E850]  }
0x8c8: {  	v12 =	vld [tilespmem:$0x1E280]  }
0x8c9: {  	v0 =	vadd.f32 v9, v0;
	v9 =	vld [tilespmem:$0x1E270];
	_ =	sdelay $0x2  }
0x8ca: {  	v1 =	vadd.f32 v8, v1;
	v8 =	vld [tilespmem:$0x1E880]  }
0x8cb: {  	v3 =	vadd.f32 v4, v3;
	v4 =	vmul.f32 v7, v11;
	v7 =	vld.idx.msk [tilespmem:v14+s15+$0x0], $0xffff  }
0x8cc: {  	v9 =	vmul.f32 v12, v9;
	v12 =	vld.idx.msk [tilespmem:v14+s14+$0x0], $0xffff  }
0x8cd: {  	v14 =	vld [tilespmem:$0x1EA40]  }
0x8ce: {  	v11 =	vld [tilespmem:$0x1E260]  }
0x8cf: {  	v2 =	vadd.f32 v9, v2;
	v9 =	vld [tilespmem:$0x1E800]  }
0x8d0: {  	v0 =	vadd.f32 v8, v0;
	v8 =	vld [tilespmem:$0x1E250];
	_ =	sdelay $0x3  }
0x8d1: {  	v1 =	vadd.f32 v9, v1;
	v9 =	vld [tilespmem:$0x1E820]  }
0x8d2: {  	v8 =	vmul.f32 v11, v8;
	v11 =	vld.idx.msk [tilespmem:v14+s14+$0x0], $0xffff  }
0x8d3: {  	v3 =	vadd.f32 v4, v3;
	v4 =	vmul.f32 v6, v13;
	v6 =	vld.idx.msk [tilespmem:v14+s15+$0x0], $0xffff  }
0x8d4: {  	v14 =	vld [tilespmem:$0x1EA10];
	_ =	sdelay $0x1  }
0x8d5: {  	v2 =	vadd.f32 v8, v2;
	v8 =	vld [tilespmem:$0x1E7B0]  }
0x8d6: {  	v13 =	vld [tilespmem:$0x1E240]  }
0x8d7: {  	v0 =	vadd.f32 v9, v0;
	v9 =	vld [tilespmem:$0x1E230];
	_ =	sdelay $0x2  }
0x8d8: {  	v1 =	vadd.f32 v8, v1;
	v8 =	vld [tilespmem:$0x1E7D0]  }
0x8d9: {  	v3 =	vadd.f32 v4, v3;
	v4 =	vmul.f32 v5, v10;
	v5 =	vld.idx.msk [tilespmem:v14+s15+$0x0], $0xffff  }
0x8da: {  	v9 =	vmul.f32 v13, v9;
	v13 =	vld.idx.msk [tilespmem:v14+s14+$0x0], $0xffff  }
0x8db: {  	v14 =	vld [tilespmem:$0x1EA20]  }
0x8dc: {  	v10 =	vld [tilespmem:$0x1E220]  }
0x8dd: {  	v2 =	vadd.f32 v9, v2;
	v9 =	vld [tilespmem:$0x1E760]  }
0x8de: {  	v0 =	vadd.f32 v8, v0;
	v8 =	vld [tilespmem:$0x1E210];
	_ =	sdelay $0x3  }
0x8df: {  	v1 =	vadd.f32 v9, v1;
	v9 =	vld [tilespmem:$0x1E780]  }
0x8e0: {  	v8 =	vmul.f32 v10, v8;
	v10 =	vld.idx.msk [tilespmem:v14+s14+$0x0], $0xffff  }
0x8e1: {  	v3 =	vadd.f32 v4, v3;
	v4 =	vmul.f32 v7, v12;
	v7 =	vld.idx.msk [tilespmem:v14+s15+$0x0], $0xffff  }
0x8e2: {  	v14 =	vld [tilespmem:$0x1EA30];
	_ =	sdelay $0x1  }
0x8e3: {  	v2 =	vadd.f32 v8, v2;
	v8 =	vld [tilespmem:$0x1E710]  }
0x8e4: {  	v12 =	vld [tilespmem:$0x1E200]  }
0x8e5: {  	v0 =	vadd.f32 v9, v0;
	v9 =	vld [tilespmem:$0x1E1F0];
	_ =	sdelay $0x2  }
0x8e6: {  	v1 =	vadd.f32 v8, v1;
	v8 =	vld [tilespmem:$0x1E730]  }
0x8e7: {  	v3 =	vadd.f32 v4, v3;
	v4 =	vmul.f32 v6, v11;
	v6 =	vld.idx.msk [tilespmem:v14+s15+$0x0], $0xffff  }
0x8e8: {  	v9 =	vmul.f32 v12, v9;
	v12 =	vld.idx.msk [tilespmem:v14+s14+$0x0], $0xffff  }
0x8e9: {  	v14 =	vld [tilespmem:$0x1E9F0]  }
0x8ea: {  	v11 =	vld [tilespmem:$0x1E1E0]  }
0x8eb: {  	v2 =	vadd.f32 v9, v2;
	v9 =	vld [tilespmem:$0x1E6C0]  }
0x8ec: {  	v0 =	vadd.f32 v8, v0;
	v8 =	vld [tilespmem:$0x1E1D0];
	_ =	sdelay $0x3  }
0x8ed: {  	v1 =	vadd.f32 v9, v1;
	v9 =	vld [tilespmem:$0x1E6E0]  }
0x8ee: {  	v8 =	vmul.f32 v11, v8;
	v11 =	vld.idx.msk [tilespmem:v14+s14+$0x0], $0xffff  }
0x8ef: {  	v3 =	vadd.f32 v4, v3;
	v4 =	vmul.f32 v5, v13;
	v5 =	vld.idx.msk [tilespmem:v14+s15+$0x0], $0xffff  }
0x8f0: {  	v14 =	vld [tilespmem:$0x1EA00];
	_ =	sdelay $0x1  }
0x8f1: {  	v2 =	vadd.f32 v8, v2;
	v8 =	vld [tilespmem:$0x1E660]  }
0x8f2: {  	v13 =	vld [tilespmem:$0x1E1C0]  }
0x8f3: {  	v0 =	vadd.f32 v9, v0;
	v9 =	vld [tilespmem:$0x1E1B0];
	_ =	sdelay $0x2  }
0x8f4: {  	v1 =	vadd.f32 v8, v1;
	v8 =	vld [tilespmem:$0x1E690]  }
0x8f5: {  	v3 =	vadd.f32 v4, v3;
	v4 =	vmul.f32 v7, v10;
	v7 =	vld.idx.msk [tilespmem:v14+s15+$0x0], $0xffff  }
0x8f6: {  	v9 =	vmul.f32 v13, v9;
	v13 =	vld.idx.msk [tilespmem:v14+s14+$0x0], $0xffff  }
0x8f7: {  	v14 =	vld [tilespmem:$0x1E9C0]  }
0x8f8: {  	v10 =	vld [tilespmem:$0x1E1A0]  }
0x8f9: {  	v2 =	vadd.f32 v9, v2;
	v9 =	vld [tilespmem:$0x1E610]  }
0x8fa: {  	v0 =	vadd.f32 v8, v0;
	v8 =	vld [tilespmem:$0x1E190];
	_ =	sdelay $0x3  }
0x8fb: {  	v1 =	vadd.f32 v9, v1;
	v9 =	vld [tilespmem:$0x1E630]  }
0x8fc: {  	v8 =	vmul.f32 v10, v8;
	v10 =	vld.idx.msk [tilespmem:v14+s14+$0x0], $0xffff  }
0x8fd: {  	v3 =	vadd.f32 v4, v3;
	v4 =	vmul.f32 v6, v12;
	v6 =	vld.idx.msk [tilespmem:v14+s15+$0x0], $0xffff  }
0x8fe: {  	v14 =	vld [tilespmem:$0x1E9D0];
	_ =	sdelay $0x1  }
0x8ff: {  	v2 =	vadd.f32 v8, v2;
	v8 =	vld [tilespmem:$0x1E5C0]  }
0x900: {  	v12 =	vld [tilespmem:$0x1E180]  }
0x901: {  	v0 =	vadd.f32 v9, v0;
	v9 =	vld [tilespmem:$0x1E170];
	_ =	sdelay $0x2  }
0x902: {  	v1 =	vadd.f32 v8, v1;
	v8 =	vld [tilespmem:$0x1E5E0]  }
0x903: {  	v3 =	vadd.f32 v4, v3;
	v4 =	vmul.f32 v5, v11;
	v5 =	vld.idx.msk [tilespmem:v14+s15+$0x0], $0xffff  }
0x904: {  	v9 =	vmul.f32 v12, v9;
	v12 =	vld.idx.msk [tilespmem:v14+s14+$0x0], $0xffff  }
0x905: {  	v14 =	vld [tilespmem:$0x1E9E0]  }
0x906: {  	v3 =	vadd.f32 v4, v3;
	v4 =	vmul.f32 v7, v13;
	v2 =	vadd.f32 v9, v2;
	v9 =	vld [tilespmem:$0x1E570]  }
0x907: {  	v11 =	vld [tilespmem:$0x1E160]  }
0x908: {  	v3 =	vadd.f32 v4, v3;
	v4 =	vmul.f32 v6, v10;
	v6 =	vld [tilespmem:$0x1E520]  }
0x909: {  	v0 =	vadd.f32 v8, v0;
	v8 =	vld [tilespmem:$0x1E150]  }
0x90a: {  	v13 =	vld [tilespmem:$0x1E140]  }
0x90b: {  	v1 =	vadd.f32 v9, v1;
	v9 =	vld [tilespmem:$0x1E590]  }
0x90c: {  	v3 =	vadd.f32 v4, v3;
	v4 =	vmul.f32 v5, v12;
	v5 =	vld [tilespmem:$0x1E4B0]  }
0x90d: {  	v1 =	vadd.f32 v6, v1;
	v6 =	vld [tilespmem:$0x1E540]  }
0x90e: {  	v8 =	vmul.f32 v11, v8;
	v11 =	vld.idx.msk [tilespmem:v14+s14+$0x0], $0xffff  }
0x90f: {  	v7 =	vld.idx.msk [tilespmem:v14+s15+$0x0], $0xffff  }
0x910: {  	v2 =	vadd.f32 v8, v2;
	v8 =	vld [tilespmem:$0x1E120];
	v0 =	vadd.f32 v9, v0  }
0x911: {  	v1 =	vadd.f32 v5, v1;
	v5 =	vld [tilespmem:$0x1E4E0]  }
0x912: {  	v0 =	vadd.f32 v6, v0;
	v6 =	vld [tilespmem:$0x1E110]  }
0x913: {  	v9 =	vld [tilespmem:$0x1E130]  }
0x914: {  	v3 =	vadd.f32 v4, v3;
	v4 =	vmul.f32 v7, v11;
	v7 =	vld [tilespmem:$0x1E460];
	_ =	sdelay $0x1  }
0x915: {  	v0 =	vadd.f32 v5, v0;
	v5 =	vld [tilespmem:$0x1E0F0]  }
0x916: {  	v6 =	vmul.f32 v8, v6;
	v8 =	vld [tilespmem:$0x1E100]  }
0x917: {  	v9 =	vmul.f32 v13, v9  }
0x918: {  	v1 =	vadd.f32 v7, v1;
	v7 =	vld [tilespmem:$0x1E470]  }
0x919: {  	v3 =	vadd.f32 v4, v3;
	v4 =	vld [tilespmem:$0x1FFF0];
	v2 =	vadd.f32 v9, v2;
	_ =	sdelay $0x1  }
0x91a: {  	v2 =	vadd.f32 v6, v2;
	v5 =	vmul.f32 v8, v5  }
0x91b: {  	v6 =	vmov s24  }
0x91c: {  	v6 =	vshll.u32 v6, $0x7;
	v0 =	vadd.f32 v7, v0;
	v2 =	vadd.f32 v5, v2  }
0x91d: {  	v23 =	vor.u32 v4, v6  }
0x91e: {  	v0 =	vadd.f32 v0, v1;
	v1 =	vadd.f32 v3, v2;
	v2 =	vor.u32 $0x7D, v23;
	_ =	sdelay $0x1  }
0x91f: {  	v0 =	vadd.f32 v1, v0;
	v1 =	vor.u32 $0x7E, v23  }
0x920: {  	s23 =	sadd.s32 $0x10, s23  }
0x921: {  	[tilespmem:s23+$0x0] =	vst v0  }
0x922: {  	v35 =	vld.idx.msk [tilespmem:v2+s14+$0x0], $0xffff  }
0x923: {  	v12 =	vld.idx.msk [tilespmem:v2+s15+$0x0], $0xffff  }
0x924: {  	v2 =	vld.idx.msk [tilespmem:v1+s14+$0x0], $0xffff;
	_ =	sdelay $0x2  }
0x925: {  	v3 =	vor.u32 $0x79, v23;
	_ =	sdelay $0x1  }
0x926: {  	[tilespmem:$0x1E0F0] =	vst v2;
	v2 =	vor.u32 $0x7A, v23;
	_ =	sdelay $0x1  }
0x927: {  	v0 =	vor.u32 $0x78, v23  }
0x928: {  	v39 =	vld.idx.msk [tilespmem:v3+s14+$0x0], $0xffff  }
0x929: {  	v42 =	vld.idx.msk [tilespmem:v3+s15+$0x0], $0xffff  }
0x92a: {  	v3 =	vld.idx.msk [tilespmem:v2+s14+$0x0], $0xffff  }
0x92b: {  	v1 =	vld.idx.msk [tilespmem:v1+s15+$0x0], $0xffff  }
0x92c: {  	v36 =	vld.idx.msk [tilespmem:v0+s14+$0x0], $0xffff  }
0x92d: {  	v37 =	vld.idx.msk [tilespmem:v0+s15+$0x0], $0xffff;
	v0 =	vor.u32 $0x75, v23;
	_ =	sdelay $0x1  }
0x92e: {  	[tilespmem:$0x1E110] =	vst v3;
	v3 =	vor.u32 $0x76, v23;
	_ =	sdelay $0x1  }
0x92f: {  	[tilespmem:$0x1E100] =	vst v1;
	v1 =	vor.u32 $0x74, v23  }
0x930: {  	v45 =	vld.idx.msk [tilespmem:v0+s14+$0x0], $0xffff  }
0x931: {  	v17 =	vld.idx.msk [tilespmem:v0+s15+$0x0], $0xffff  }
0x932: {  	v0 =	vld.idx.msk [tilespmem:v3+s14+$0x0], $0xffff;
	_ =	sdelay $0x1  }
0x933: {  	v43 =	vld.idx.msk [tilespmem:v1+s14+$0x0], $0xffff  }
0x934: {  	v44 =	vld.idx.msk [tilespmem:v1+s15+$0x0], $0xffff;
	v1 =	vor.u32 $0x71, v23  }
0x935: {  	v2 =	vld.idx.msk [tilespmem:v2+s15+$0x0], $0xffff  }
0x936: {  	[tilespmem:$0x1E130] =	vst v0;
	v0 =	vor.u32 $0x72, v23  }
0x937: {  	v3 =	vld.idx.msk [tilespmem:v3+s15+$0x0], $0xffff;
	_ =	sdelay $0x1  }
0x938: {  	v49 =	vld.idx.msk [tilespmem:v1+s14+$0x0], $0xffff  }
0x939: {  	[tilespmem:$0x1E120] =	vst v2;
	v2 =	vor.u32 $0x70, v23;
	v56 =	vld.idx.msk [tilespmem:v1+s15+$0x0], $0xffff  }
0x93a: {  	v1 =	vld.idx.msk [tilespmem:v0+s14+$0x0], $0xffff  }
0x93b: {  	[tilespmem:$0x1E140] =	vst v3;
	v3 =	vor.u32 $0x6C, v23;
	v0 =	vld.idx.msk [tilespmem:v0+s15+$0x0], $0xffff;
	_ =	sdelay $0x2  }
0x93c: {  	v46 =	vld.idx.msk [tilespmem:v2+s14+$0x0], $0xffff  }
0x93d: {  	v47 =	vld.idx.msk [tilespmem:v2+s15+$0x0], $0xffff  }
0x93e: {  	v2 =	vor.u32 $0x6D, v23;
	[tilespmem:$0x1E160] =	vst v0;
	v0 =	vld.idx.msk [tilespmem:v3+s14+$0x0], $0xffff  }
0x93f: {  	v3 =	vld.idx.msk [tilespmem:v3+s15+$0x0], $0xffff  }
0x940: {  	[tilespmem:$0x1E150] =	vst v1;
	v1 =	vor.u32 $0x6E, v23;
	_ =	sdelay $0x2  }
0x941: {  	v22 =	vld.idx.msk [tilespmem:v2+s15+$0x0], $0xffff  }
0x942: {  	[tilespmem:$0x1D550] =	vst v3;
	v3 =	vld.idx.msk [tilespmem:v2+s14+$0x0], $0xffff  }
0x943: {  	v2 =	vld.idx.msk [tilespmem:v1+s14+$0x0], $0xffff  }
0x944: {  	[tilespmem:$0x1D540] =	vst v0;
	v0 =	vor.u32 $0x68, v23;
	v1 =	vld.idx.msk [tilespmem:v1+s15+$0x0], $0xffff;
	_ =	sdelay $0x4  }
0x945: {  	[tilespmem:$0x1E180] =	vst v1;
	v1 =	vld.idx.msk [tilespmem:v0+s14+$0x0], $0xffff  }
0x946: {  	[tilespmem:$0x1D560] =	vst v3;
	v3 =	vor.u32 $0x69, v23;
	v0 =	vld.idx.msk [tilespmem:v0+s15+$0x0], $0xffff;
	_ =	sdelay $0x4  }
0x947: {  	[tilespmem:$0x1D580] =	vst v0;
	v0 =	vld.idx.msk [tilespmem:v3+s14+$0x0], $0xffff  }
0x948: {  	[tilespmem:$0x1E170] =	vst v2;
	v2 =	vor.u32 $0x6A, v23;
	v3 =	vld.idx.msk [tilespmem:v3+s15+$0x0], $0xffff;
	_ =	sdelay $0x4  }
0x949: {  	[tilespmem:$0x1D5A0] =	vst v3;
	v3 =	vld.idx.msk [tilespmem:v2+s14+$0x0], $0xffff  }
0x94a: {  	[tilespmem:$0x1D570] =	vst v1;
	v1 =	vor.u32 $0x64, v23;
	v2 =	vld.idx.msk [tilespmem:v2+s15+$0x0], $0xffff;
	_ =	sdelay $0x3  }
0x94b: {  	[tilespmem:$0x1D590] =	vst v0  }
0x94c: {  	v0 =	vor.u32 $0x65, v23;
	[tilespmem:$0x1E1A0] =	vst v2;
	v2 =	vld.idx.msk [tilespmem:v1+s14+$0x0], $0xffff  }
0x94d: {  	v1 =	vld.idx.msk [tilespmem:v1+s15+$0x0], $0xffff  }
0x94e: {  	[tilespmem:$0x1E190] =	vst v3;
	v3 =	vor.u32 $0x66, v23;
	_ =	sdelay $0x2  }
0x94f: {  	v26 =	vld.idx.msk [tilespmem:v0+s15+$0x0], $0xffff  }
0x950: {  	[tilespmem:$0x1D5C0] =	vst v1;
	v1 =	vld.idx.msk [tilespmem:v0+s14+$0x0], $0xffff  }
0x951: {  	v0 =	vld.idx.msk [tilespmem:v3+s14+$0x0], $0xffff  }
0x952: {  	[tilespmem:$0x1D5B0] =	vst v2;
	v2 =	vor.u32 $0x60, v23;
	v3 =	vld.idx.msk [tilespmem:v3+s15+$0x0], $0xffff;
	_ =	sdelay $0x4  }
0x953: {  	[tilespmem:$0x1E1C0] =	vst v3;
	v3 =	vld.idx.msk [tilespmem:v2+s14+$0x0], $0xffff  }
0x954: {  	[tilespmem:$0x1D5D0] =	vst v1;
	v1 =	vor.u32 $0x61, v23;
	v2 =	vld.idx.msk [tilespmem:v2+s15+$0x0], $0xffff;
	_ =	sdelay $0x4  }
0x955: {  	[tilespmem:$0x1D5F0] =	vst v2;
	v2 =	vld.idx.msk [tilespmem:v1+s14+$0x0], $0xffff  }
0x956: {  	[tilespmem:$0x1E1B0] =	vst v0;
	v0 =	vor.u32 $0x62, v23;
	v1 =	vld.idx.msk [tilespmem:v1+s15+$0x0], $0xffff;
	_ =	sdelay $0x4  }
0x957: {  	[tilespmem:$0x1D610] =	vst v1;
	v1 =	vld.idx.msk [tilespmem:v0+s14+$0x0], $0xffff  }
0x958: {  	[tilespmem:$0x1D5E0] =	vst v3;
	v3 =	vor.u32 $0x5C, v23;
	v0 =	vld.idx.msk [tilespmem:v0+s15+$0x0], $0xffff;
	_ =	sdelay $0x3  }
0x959: {  	[tilespmem:$0x1D600] =	vst v2  }
0x95a: {  	v2 =	vor.u32 $0x5D, v23;
	[tilespmem:$0x1E1E0] =	vst v0;
	v0 =	vld.idx.msk [tilespmem:v3+s14+$0x0], $0xffff  }
0x95b: {  	v3 =	vld.idx.msk [tilespmem:v3+s15+$0x0], $0xffff  }
0x95c: {  	[tilespmem:$0x1E1D0] =	vst v1;
	v1 =	vor.u32 $0x5E, v23;
	_ =	sdelay $0x2  }
0x95d: {  	v31 =	vld.idx.msk [tilespmem:v2+s15+$0x0], $0xffff  }
0x95e: {  	[tilespmem:$0x1D630] =	vst v3;
	v3 =	vld.idx.msk [tilespmem:v2+s14+$0x0], $0xffff  }
0x95f: {  	v2 =	vld.idx.msk [tilespmem:v1+s14+$0x0], $0xffff  }
0x960: {  	[tilespmem:$0x1D620] =	vst v0;
	v0 =	vor.u32 $0x58, v23;
	v1 =	vld.idx.msk [tilespmem:v1+s15+$0x0], $0xffff;
	_ =	sdelay $0x4  }
0x961: {  	[tilespmem:$0x1E200] =	vst v1;
	v1 =	vld.idx.msk [tilespmem:v0+s14+$0x0], $0xffff  }
0x962: {  	[tilespmem:$0x1D640] =	vst v3;
	v3 =	vor.u32 $0x59, v23;
	v0 =	vld.idx.msk [tilespmem:v0+s15+$0x0], $0xffff;
	_ =	sdelay $0x4  }
0x963: {  	[tilespmem:$0x1D660] =	vst v0;
	v0 =	vld.idx.msk [tilespmem:v3+s14+$0x0], $0xffff  }
0x964: {  	[tilespmem:$0x1E1F0] =	vst v2;
	v2 =	vor.u32 $0x5A, v23;
	v3 =	vld.idx.msk [tilespmem:v3+s15+$0x0], $0xffff;
	_ =	sdelay $0x4  }
0x965: {  	[tilespmem:$0x1D680] =	vst v3;
	v3 =	vld.idx.msk [tilespmem:v2+s14+$0x0], $0xffff  }
0x966: {  	[tilespmem:$0x1D650] =	vst v1;
	v1 =	vor.u32 $0x54, v23;
	v2 =	vld.idx.msk [tilespmem:v2+s15+$0x0], $0xffff;
	_ =	sdelay $0x3  }
0x967: {  	[tilespmem:$0x1D670] =	vst v0  }
0x968: {  	v0 =	vor.u32 $0x55, v23;
	[tilespmem:$0x1E220] =	vst v2;
	v2 =	vld.idx.msk [tilespmem:v1+s14+$0x0], $0xffff  }
0x969: {  	v1 =	vld.idx.msk [tilespmem:v1+s15+$0x0], $0xffff  }
0x96a: {  	[tilespmem:$0x1E210] =	vst v3;
	v3 =	vor.u32 $0x56, v23;
	_ =	sdelay $0x2  }
0x96b: {  	v38 =	vld.idx.msk [tilespmem:v0+s15+$0x0], $0xffff  }
0x96c: {  	[tilespmem:$0x1D6A0] =	vst v1;
	v1 =	vld.idx.msk [tilespmem:v0+s14+$0x0], $0xffff  }
0x96d: {  	v0 =	vld.idx.msk [tilespmem:v3+s14+$0x0], $0xffff  }
0x96e: {  	[tilespmem:$0x1D690] =	vst v2;
	v2 =	vor.u32 $0x50, v23;
	v3 =	vld.idx.msk [tilespmem:v3+s15+$0x0], $0xffff;
	_ =	sdelay $0x4  }
0x96f: {  	[tilespmem:$0x1E240] =	vst v3;
	v3 =	vld.idx.msk [tilespmem:v2+s14+$0x0], $0xffff  }
0x970: {  	[tilespmem:$0x1D6B0] =	vst v1;
	v1 =	vor.u32 $0x51, v23;
	v2 =	vld.idx.msk [tilespmem:v2+s15+$0x0], $0xffff;
	_ =	sdelay $0x4  }
0x971: {  	[tilespmem:$0x1D6D0] =	vst v2;
	v2 =	vld.idx.msk [tilespmem:v1+s14+$0x0], $0xffff  }
0x972: {  	[tilespmem:$0x1E230] =	vst v0;
	v0 =	vor.u32 $0x52, v23;
	v1 =	vld.idx.msk [tilespmem:v1+s15+$0x0], $0xffff;
	_ =	sdelay $0x4  }
0x973: {  	[tilespmem:$0x1D6F0] =	vst v1;
	v1 =	vld.idx.msk [tilespmem:v0+s14+$0x0], $0xffff  }
0x974: {  	[tilespmem:$0x1D6C0] =	vst v3;
	v3 =	vor.u32 $0x4C, v23;
	v0 =	vld.idx.msk [tilespmem:v0+s15+$0x0], $0xffff;
	_ =	sdelay $0x3  }
0x975: {  	[tilespmem:$0x1D6E0] =	vst v2  }
0x976: {  	v2 =	vor.u32 $0x4D, v23;
	[tilespmem:$0x1E260] =	vst v0;
	v0 =	vld.idx.msk [tilespmem:v3+s14+$0x0], $0xffff  }
0x977: {  	v3 =	vld.idx.msk [tilespmem:v3+s15+$0x0], $0xffff  }
0x978: {  	[tilespmem:$0x1E250] =	vst v1;
	v1 =	vor.u32 $0x4E, v23;
	_ =	sdelay $0x2  }
0x979: {  	v41 =	vld.idx.msk [tilespmem:v2+s15+$0x0], $0xffff  }
0x97a: {  	[tilespmem:$0x1D710] =	vst v3;
	v3 =	vld.idx.msk [tilespmem:v2+s14+$0x0], $0xffff  }
0x97b: {  	v2 =	vld.idx.msk [tilespmem:v1+s14+$0x0], $0xffff  }
0x97c: {  	[tilespmem:$0x1D700] =	vst v0;
	v0 =	vor.u32 $0x48, v23;
	v1 =	vld.idx.msk [tilespmem:v1+s15+$0x0], $0xffff;
	_ =	sdelay $0x4  }
0x97d: {  	[tilespmem:$0x1E280] =	vst v1;
	v1 =	vld.idx.msk [tilespmem:v0+s14+$0x0], $0xffff  }
0x97e: {  	[tilespmem:$0x1D720] =	vst v3;
	v3 =	vor.u32 $0x49, v23;
	v0 =	vld.idx.msk [tilespmem:v0+s15+$0x0], $0xffff;
	_ =	sdelay $0x1  }
0x97f: {  	[tilespmem:$0x1E270] =	vst v2;
	v2 =	vor.u32 $0x4A, v23;
	_ =	sdelay $0x2  }
0x980: {  	[tilespmem:$0x1D740] =	vst v0;
	v0 =	vld.idx.msk [tilespmem:v3+s14+$0x0], $0xffff  }
0x981: {  	v50 =	vld.idx.msk [tilespmem:v3+s15+$0x0], $0xffff  }
0x982: {  	v3 =	vld.idx.msk [tilespmem:v2+s14+$0x0], $0xffff  }
0x983: {  	[tilespmem:$0x1D730] =	vst v1;
	v1 =	vor.u32 $0x44, v23;
	v2 =	vld.idx.msk [tilespmem:v2+s15+$0x0], $0xffff;
	_ =	sdelay $0x4  }
0x984: {  	[tilespmem:$0x1E2A0] =	vst v2;
	v2 =	vld.idx.msk [tilespmem:v1+s14+$0x0], $0xffff  }
0x985: {  	[tilespmem:$0x1D750] =	vst v0;
	v0 =	vor.u32 $0x45, v23;
	v1 =	vld.idx.msk [tilespmem:v1+s15+$0x0], $0xffff;
	_ =	sdelay $0x1  }
0x986: {  	[tilespmem:$0x1E290] =	vst v3;
	v3 =	vor.u32 $0x46, v23;
	_ =	sdelay $0x2  }
0x987: {  	[tilespmem:$0x1D770] =	vst v1;
	v1 =	vld.idx.msk [tilespmem:v0+s14+$0x0], $0xffff  }
0x988: {  	v58 =	vld.idx.msk [tilespmem:v0+s15+$0x0], $0xffff  }
0x989: {  	v0 =	vld.idx.msk [tilespmem:v3+s14+$0x0], $0xffff  }
0x98a: {  	[tilespmem:$0x1D760] =	vst v2;
	v2 =	vor.u32 $0x40, v23;
	v3 =	vld.idx.msk [tilespmem:v3+s15+$0x0], $0xffff;
	_ =	sdelay $0x4  }
0x98b: {  	[tilespmem:$0x1E2C0] =	vst v3;
	v3 =	vld.idx.msk [tilespmem:v2+s14+$0x0], $0xffff  }
0x98c: {  	[tilespmem:$0x1D780] =	vst v1;
	v1 =	vor.u32 $0x41, v23;
	v2 =	vld.idx.msk [tilespmem:v2+s15+$0x0], $0xffff;
	_ =	sdelay $0x4  }
0x98d: {  	[tilespmem:$0x1D7A0] =	vst v2;
	v2 =	vld.idx.msk [tilespmem:v1+s14+$0x0], $0xffff  }
0x98e: {  	[tilespmem:$0x1E2B0] =	vst v0;
	v0 =	vor.u32 $0x42, v23;
	v1 =	vld.idx.msk [tilespmem:v1+s15+$0x0], $0xffff;
	_ =	sdelay $0x4  }
0x98f: {  	[tilespmem:$0x1D7C0] =	vst v1;
	v1 =	vld.idx.msk [tilespmem:v0+s14+$0x0], $0xffff  }
0x990: {  	[tilespmem:$0x1D790] =	vst v3;
	v3 =	vor.u32 $0x3C, v23;
	v0 =	vld.idx.msk [tilespmem:v0+s15+$0x0], $0xffff;
	_ =	sdelay $0x4  }
0x991: {  	[tilespmem:$0x1E2E0] =	vst v0;
	v0 =	vld.idx.msk [tilespmem:v3+s14+$0x0], $0xffff  }
0x992: {  	[tilespmem:$0x1D7B0] =	vst v2;
	v2 =	vor.u32 $0x3D, v23;
	v3 =	vld.idx.msk [tilespmem:v3+s15+$0x0], $0xffff;
	_ =	sdelay $0x4  }
0x993: {  	[tilespmem:$0x1D7E0] =	vst v3;
	v3 =	vld.idx.msk [tilespmem:v2+s14+$0x0], $0xffff  }
0x994: {  	[tilespmem:$0x1E2D0] =	vst v1;
	v1 =	vor.u32 $0x3E, v23;
	v2 =	vld.idx.msk [tilespmem:v2+s15+$0x0], $0xffff;
	_ =	sdelay $0x4  }
0x995: {  	[tilespmem:$0x1D800] =	vst v2;
	v2 =	vld.idx.msk [tilespmem:v1+s14+$0x0], $0xffff  }
0x996: {  	[tilespmem:$0x1D7D0] =	vst v0;
	v0 =	vor.u32 $0x38, v23;
	v1 =	vld.idx.msk [tilespmem:v1+s15+$0x0], $0xffff;
	_ =	sdelay $0x3  }
0x997: {  	[tilespmem:$0x1D7F0] =	vst v3  }
0x998: {  	v3 =	vor.u32 $0x39, v23;
	[tilespmem:$0x1E300] =	vst v1;
	v1 =	vld.idx.msk [tilespmem:v0+s14+$0x0], $0xffff  }
0x999: {  	v0 =	vld.idx.msk [tilespmem:v0+s15+$0x0], $0xffff  }
0x99a: {  	[tilespmem:$0x1E2F0] =	vst v2;
	v2 =	vor.u32 $0x3A, v23;
	_ =	sdelay $0x2  }
0x99b: {  	v11 =	vld.idx.msk [tilespmem:v3+s15+$0x0], $0xffff  }
0x99c: {  	[tilespmem:$0x1D820] =	vst v0;
	v0 =	vld.idx.msk [tilespmem:v3+s14+$0x0], $0xffff  }
0x99d: {  	v3 =	vld.idx.msk [tilespmem:v2+s14+$0x0], $0xffff  }
0x99e: {  	[tilespmem:$0x1D810] =	vst v1;
	v1 =	vor.u32 $0x34, v23;
	v2 =	vld.idx.msk [tilespmem:v2+s15+$0x0], $0xffff;
	_ =	sdelay $0x4  }
0x99f: {  	[tilespmem:$0x1E320] =	vst v2;
	v2 =	vld.idx.msk [tilespmem:v1+s14+$0x0], $0xffff  }
0x9a0: {  	[tilespmem:$0x1D830] =	vst v0;
	v0 =	vor.u32 $0x35, v23;
	v1 =	vld.idx.msk [tilespmem:v1+s15+$0x0], $0xffff;
	_ =	sdelay $0x4  }
0x9a1: {  	[tilespmem:$0x1D850] =	vst v1;
	v1 =	vld.idx.msk [tilespmem:v0+s14+$0x0], $0xffff  }
0x9a2: {  	[tilespmem:$0x1E310] =	vst v3;
	v3 =	vor.u32 $0x36, v23;
	v0 =	vld.idx.msk [tilespmem:v0+s15+$0x0], $0xffff;
	_ =	sdelay $0x4  }
0x9a3: {  	[tilespmem:$0x1D870] =	vst v0;
	v0 =	vld.idx.msk [tilespmem:v3+s14+$0x0], $0xffff  }
0x9a4: {  	[tilespmem:$0x1D840] =	vst v2;
	v2 =	vor.u32 $0x30, v23;
	v3 =	vld.idx.msk [tilespmem:v3+s15+$0x0], $0xffff;
	_ =	sdelay $0x1  }
0x9a5: {  	[tilespmem:$0x1D860] =	vst v1;
	v1 =	vor.u32 $0x31, v23;
	_ =	sdelay $0x1  }
0x9a6: {  	[tilespmem:$0x1E330] =	vst v0;
	v0 =	vor.u32 $0x32, v23  }
0x9a7: {  	[tilespmem:$0x1E340] =	vst v3;
	v3 =	vld.idx.msk [tilespmem:v2+s14+$0x0], $0xffff  }
0x9a8: {  	v2 =	vld.idx.msk [tilespmem:v2+s15+$0x0], $0xffff  }
0x9a9: {  	v57 =	vld.idx.msk [tilespmem:v1+s14+$0x0], $0xffff  }
0x9aa: {  	v40 =	vld.idx.msk [tilespmem:v1+s15+$0x0], $0xffff  }
0x9ab: {  	v1 =	vld.idx.msk [tilespmem:v0+s14+$0x0], $0xffff;
	_ =	sdelay $0x1  }
0x9ac: {  	[tilespmem:$0x1E350] =	vst v3;
	v3 =	vor.u32 $0x2C, v23;
	v0 =	vld.idx.msk [tilespmem:v0+s15+$0x0], $0xffff  }
0x9ad: {  	[tilespmem:$0x1E360] =	vst v2;
	v2 =	vor.u32 $0x2D, v23;
	_ =	sdelay $0x1  }
0x9ae: {  	[tilespmem:$0x1E370] =	vst v1;
	v1 =	vor.u32 $0x2E, v23;
	_ =	sdelay $0x1  }
0x9af: {  	[tilespmem:$0x1E380] =	vst v0;
	v0 =	vld.idx.msk [tilespmem:v3+s14+$0x0], $0xffff  }
0x9b0: {  	v52 =	vld.idx.msk [tilespmem:v2+s14+$0x0], $0xffff  }
0x9b1: {  	v53 =	vld.idx.msk [tilespmem:v2+s15+$0x0], $0xffff  }
0x9b2: {  	v2 =	vld.idx.msk [tilespmem:v1+s14+$0x0], $0xffff;
	_ =	sdelay $0x2  }
0x9b3: {  	v60 =	vld.idx.msk [tilespmem:v3+s15+$0x0], $0xffff;
	v3 =	vor.u32 $0x29, v23  }
0x9b4: {  	[tilespmem:$0x1E390] =	vst v0;
	v0 =	vor.u32 $0x28, v23  }
0x9b5: {  	v1 =	vld.idx.msk [tilespmem:v1+s15+$0x0], $0xffff;
	[tilespmem:$0x1E3A0] =	vst v2;
	v2 =	vor.u32 $0x2A, v23;
	_ =	sdelay $0x2  }
0x9b6: {  	v4 =	vor.u32 $0x7C, v23;
	v63 =	vld.idx.msk [tilespmem:v3+s14+$0x0], $0xffff  }
0x9b7: {  	v55 =	vld.idx.msk [tilespmem:v0+s14+$0x0], $0xffff  }
0x9b8: {  	[tilespmem:$0x1E3B0] =	vst v1;
	v1 =	vld.idx.msk [tilespmem:v2+s14+$0x0], $0xffff  }
0x9b9: {  	v61 =	vld.idx.msk [tilespmem:v0+s15+$0x0], $0xffff  }
0x9ba: {  	v0 =	vld.idx.msk [tilespmem:v3+s15+$0x0], $0xffff;
	v3 =	vor.u32 $0x26, v23  }
0x9bb: {  	v32 =	vld.idx.msk [tilespmem:v4+s14+$0x0], $0xffff  }
0x9bc: {  	v33 =	vld.idx.msk [tilespmem:v4+s15+$0x0], $0xffff;
	v4 =	vor.u32 $0x24, v23  }
0x9bd: {  	[tilespmem:$0x1E3C0] =	vst v1;
	v1 =	vld.idx.msk [tilespmem:v2+s15+$0x0], $0xffff;
	_ =	sdelay $0x1  }
0x9be: {  	v8 =	vld.idx.msk [tilespmem:v3+s14+$0x0], $0xffff;
	_ =	sdelay $0x1  }
0x9bf: {  	v5 =	vld.idx.msk [tilespmem:v4+s15+$0x0], $0xffff  }
0x9c0: {  	[tilespmem:$0x1E3D0] =	vst v1;
	v1 =	vld.idx.msk [tilespmem:v4+s14+$0x0], $0xffff;
	v4 =	vor.u32 $0x21, v23;
	_ =	sdelay $0x1  }
0x9c1: {  	[tilespmem:$0x1E3E0] =	vst v8;
	v8 =	vor.u32 $0x22, v23;
	_ =	sdelay $0x1  }
0x9c2: {  	v2 =	vor.u32 $0x20, v23  }
0x9c3: {  	v51 =	vld.idx.msk [tilespmem:v4+s14+$0x0], $0xffff  }
0x9c4: {  	v13 =	vld.idx.msk [tilespmem:v4+s15+$0x0], $0xffff  }
0x9c5: {  	v4 =	vld.idx.msk [tilespmem:v8+s14+$0x0], $0xffff  }
0x9c6: {  	v3 =	vld.idx.msk [tilespmem:v3+s15+$0x0], $0xffff  }
0x9c7: {  	v10 =	vld.idx.msk [tilespmem:v2+s14+$0x0], $0xffff  }
0x9c8: {  	v48 =	vld.idx.msk [tilespmem:v2+s15+$0x0], $0xffff;
	v2 =	vor.u32 $0x1D, v23;
	_ =	sdelay $0x1  }
0x9c9: {  	[tilespmem:$0x1E400] =	vst v4;
	v4 =	vor.u32 $0x1E, v23;
	_ =	sdelay $0x1  }
0x9ca: {  	[tilespmem:$0x1E3F0] =	vst v3;
	v3 =	vor.u32 $0x1C, v23  }
0x9cb: {  	v16 =	vld.idx.msk [tilespmem:v2+s14+$0x0], $0xffff  }
0x9cc: {  	v54 =	vld.idx.msk [tilespmem:v2+s15+$0x0], $0xffff  }
0x9cd: {  	v2 =	vld.idx.msk [tilespmem:v4+s14+$0x0], $0xffff  }
0x9ce: {  	v8 =	vld.idx.msk [tilespmem:v8+s15+$0x0], $0xffff  }
0x9cf: {  	v14 =	vld.idx.msk [tilespmem:v3+s14+$0x0], $0xffff  }
0x9d0: {  	v15 =	vld.idx.msk [tilespmem:v3+s15+$0x0], $0xffff;
	v3 =	vor.u32 $0x19, v23;
	_ =	sdelay $0x1  }
0x9d1: {  	[tilespmem:$0x1E420] =	vst v2;
	v2 =	vor.u32 $0x1A, v23  }
0x9d2: {  	[tilespmem:$0x1E410] =	vst v8;
	v8 =	vor.u32 $0x18, v23;
	_ =	sdelay $0x1  }
0x9d3: {  	v19 =	vld.idx.msk [tilespmem:v3+s14+$0x0], $0xffff  }
0x9d4: {  	v62 =	vld.idx.msk [tilespmem:v3+s15+$0x0], $0xffff  }
0x9d5: {  	v3 =	vld.idx.msk [tilespmem:v2+s14+$0x0], $0xffff  }
0x9d6: {  	v59 =	vld.idx.msk [tilespmem:v8+s14+$0x0], $0xffff  }
0x9d7: {  	v2 =	vld.idx.msk [tilespmem:v2+s15+$0x0], $0xffff  }
0x9d8: {  	v18 =	vld.idx.msk [tilespmem:v8+s15+$0x0], $0xffff;
	v8 =	vor.u32 $0x15, v23;
	_ =	sdelay $0x1  }
0x9d9: {  	[tilespmem:$0x1E440] =	vst v3;
	v3 =	vor.u32 $0x16, v23;
	_ =	sdelay $0x1  }
0x9da: {  	[tilespmem:$0x1E450] =	vst v2;
	v2 =	vor.u32 $0x10, v23  }
0x9db: {  	v24 =	vld.idx.msk [tilespmem:v8+s14+$0x0], $0xffff  }
0x9dc: {  	v25 =	vld.idx.msk [tilespmem:v8+s15+$0x0], $0xffff  }
0x9dd: {  	v8 =	vld.idx.msk [tilespmem:v3+s14+$0x0], $0xffff;
	_ =	sdelay $0x1  }
0x9de: {  	v27 =	vld.idx.msk [tilespmem:v2+s14+$0x0], $0xffff  }
0x9df: {  	v28 =	vld.idx.msk [tilespmem:v2+s15+$0x0], $0xffff;
	v2 =	vor.u32 $0x77, v23  }
0x9e0: {  	v3 =	vld.idx.msk [tilespmem:v3+s15+$0x0], $0xffff;
	[tilespmem:$0x1E9C0] =	vst v2  }
0x9e1: {  	v2 =	vor.u32 $0x7B, v23;
	[tilespmem:$0x1E480] =	vst v8;
	v8 =	vor.u32 $0x12, v23  }
0x9e2: {  	[tilespmem:$0x1E9D0] =	vst v2;
	v2 =	vor.u32 $0x7F, v23  }
0x9e3: {  	[tilespmem:$0x1E9E0] =	vst v2;
	v2 =	vor.u32 $0x6F, v23  }
0x9e4: {  	[tilespmem:$0x1E9F0] =	vst v2  }
0x9e5: {  	v2 =	vor.u32 $0x73, v23;
	[tilespmem:$0x1E4F0] =	vst v3;
	v3 =	vor.u32 $0xC, v23  }
0x9e6: {  	[tilespmem:$0x1EA00] =	vst v2;
	v2 =	vld.idx.msk [tilespmem:v8+s14+$0x0], $0xffff  }
0x9e7: {  	v9 =	vld.idx.msk [tilespmem:v8+s15+$0x0], $0xffff;
	v8 =	vmul.f32 v33, v32;
	_ =	sdelay $0x1  }
0x9e8: {  	[tilespmem:$0x1E460] =	vst v8;
	v8 =	vmul.f32 v12, v35  }
0x9e9: {  	v32 =	vld.idx.msk [tilespmem:v3+s15+$0x0], $0xffff  }
0x9ea: {  	[tilespmem:$0x1E470] =	vst v8;
	v8 =	vld.idx.msk [tilespmem:v3+s14+$0x0], $0xffff;
	v3 =	vmul.f32 v44, v43;
	_ =	sdelay $0x1  }
0x9eb: {  	[tilespmem:$0x1E520] =	vst v3;
	v3 =	vmul.f32 v17, v45;
	_ =	sdelay $0x1  }
0x9ec: {  	[tilespmem:$0x1E540] =	vst v3;
	v3 =	vor.u32 $0x5B, v23  }
0x9ed: {  	[tilespmem:$0x1EA50] =	vst v3;
	v3 =	vmul.f32 v47, v46;
	_ =	sdelay $0x1  }
0x9ee: {  	[tilespmem:$0x1E570] =	vst v3;
	v3 =	vmul.f32 v56, v49  }
0x9ef: {  	v17 =	vld [tilespmem:$0x1D550]  }
0x9f0: {  	[tilespmem:$0x1E590] =	vst v3;
	v3 =	vld [tilespmem:$0x1D540];
	_ =	sdelay $0x4  }
0x9f1: {  	v3 =	vmul.f32 v17, v3;
	_ =	sdelay $0x1  }
0x9f2: {  	[tilespmem:$0x1E5C0] =	vst v3;
	v3 =	vld [tilespmem:$0x1D560];
	_ =	sdelay $0x2  }
0x9f3: {  	v17 =	vor.u32 $0x57, v23  }
0x9f4: {  	[tilespmem:$0x1EA60] =	vst v17;
	v17 =	vld [tilespmem:$0x1D570]  }
0x9f5: {  	v3 =	vmul.f32 v22, v3;
	v22 =	vld [tilespmem:$0x1D580];
	_ =	sdelay $0x4  }
0x9f6: {  	v17 =	vmul.f32 v22, v17  }
0x9f7: {  	v22 =	vld [tilespmem:$0x1D5A0]  }
0x9f8: {  	[tilespmem:$0x1E610] =	vst v17;
	v17 =	vld [tilespmem:$0x1D590];
	_ =	sdelay $0x4  }
0x9f9: {  	v17 =	vmul.f32 v22, v17  }
0x9fa: {  	v46 =	vld [tilespmem:$0x1D5C0]  }
0x9fb: {  	[tilespmem:$0x1E630] =	vst v17;
	v17 =	vld [tilespmem:$0x1D5B0];
	_ =	sdelay $0x4  }
0x9fc: {  	v17 =	vmul.f32 v46, v17;
	_ =	sdelay $0x1  }
0x9fd: {  	[tilespmem:$0x1E660] =	vst v17;
	v17 =	vld [tilespmem:$0x1D5D0];
	_ =	sdelay $0x4  }
0x9fe: {  	v17 =	vmul.f32 v26, v17;
	_ =	sdelay $0x1  }
0x9ff: {  	v26 =	vld [tilespmem:$0x1D5F0];
	[tilespmem:$0x1E690] =	vst v17;
	v17 =	vor.u32 $0x53, v23  }
0xa00: {  	[tilespmem:$0x1EA70] =	vst v17;
	v17 =	vld [tilespmem:$0x1D5E0]  }
0xa01: {  	v12 =	vor.u32 $0x5F, v23  }
0xa02: {  	[tilespmem:$0x1EA40] =	vst v12;
	v12 =	vmul.f32 v37, v36;
	_ =	sdelay $0x1  }
0xa03: {  	[tilespmem:$0x1E4B0] =	vst v12;
	v12 =	vmul.f32 v42, v39  }
0xa04: {  	v17 =	vmul.f32 v26, v17  }
0xa05: {  	[tilespmem:$0x1E4E0] =	vst v12;
	v12 =	vor.u32 $0x8, v23;
	v26 =	vld [tilespmem:$0x1D610]  }
0xa06: {  	[tilespmem:$0x1E6C0] =	vst v17;
	v17 =	vld [tilespmem:$0x1D600];
	_ =	sdelay $0x3  }
0xa07: {  	v36 =	vld.idx.msk [tilespmem:v12+s14+$0x0], $0xffff  }
0xa08: {  	v37 =	vld.idx.msk [tilespmem:v12+s15+$0x0], $0xffff;
	v17 =	vmul.f32 v26, v17  }
0xa09: {  	v12 =	vld [tilespmem:$0x1D620]  }
0xa0a: {  	[tilespmem:$0x1E6E0] =	vst v17;
	v17 =	vld [tilespmem:$0x1D630];
	_ =	sdelay $0x4  }
0xa0b: {  	v12 =	vmul.f32 v17, v12;
	_ =	sdelay $0x1  }
0xa0c: {  	[tilespmem:$0x1E710] =	vst v12;
	v12 =	vld [tilespmem:$0x1D640];
	_ =	sdelay $0x4  }
0xa0d: {  	v12 =	vmul.f32 v31, v12;
	_ =	sdelay $0x1  }
0xa0e: {  	v31 =	vld [tilespmem:$0x1D660];
	[tilespmem:$0x1E730] =	vst v12;
	v12 =	vor.u32 $0x4F, v23  }
0xa0f: {  	[tilespmem:$0x1EA80] =	vst v12;
	v12 =	vld [tilespmem:$0x1D650];
	_ =	sdelay $0x4  }
0xa10: {  	v12 =	vmul.f32 v31, v12  }
0xa11: {  	v31 =	vld [tilespmem:$0x1D680]  }
0xa12: {  	[tilespmem:$0x1E760] =	vst v12;
	v12 =	vld [tilespmem:$0x1D670]  }
0xa13: {  	v45 =	vor.u32 $0x9, v23;
	_ =	sdelay $0x3  }
0xa14: {  	v47 =	vld [tilespmem:$0x1D6A0];
	v12 =	vmul.f32 v31, v12  }
0xa15: {  	v39 =	vld.idx.msk [tilespmem:v45+s15+$0x0], $0xffff  }
0xa16: {  	[tilespmem:$0x1E780] =	vst v12;
	v12 =	vld [tilespmem:$0x1D690]  }
0xa17: {  	v49 =	vld [tilespmem:$0x1D6C0]  }
0xa18: {  	v56 =	vld [tilespmem:$0x1D6D0]  }
0xa19: {  	v46 =	vld [tilespmem:$0x1D6F0]  }
0xa1a: {  	v17 =	vld.idx.msk [tilespmem:v45+s14+$0x0], $0xffff  }
0xa1b: {  	v45 =	vld [tilespmem:$0x1D6E0];
	v12 =	vmul.f32 v47, v12;
	_ =	sdelay $0x1  }
0xa1c: {  	v22 =	vor.u32 $0xA, v23;
	[tilespmem:$0x1E7B0] =	vst v12;
	v12 =	vld [tilespmem:$0x1D6B0]  }
0xa1d: {  	v35 =	vmul.f32 v56, v49;
	_ =	sdelay $0x1  }
0xa1e: {  	[tilespmem:$0x1E800] =	vst v35;
	v35 =	vmul.f32 v46, v45;
	_ =	sdelay $0x1  }
0xa1f: {  	[tilespmem:$0x1E820] =	vst v35;
	v35 =	vld.idx.msk [tilespmem:v22+s15+$0x0], $0xffff;
	v12 =	vmul.f32 v38, v12  }
0xa20: {  	v47 =	vld [tilespmem:$0x1D710]  }
0xa21: {  	[tilespmem:$0x1E7D0] =	vst v12;
	v12 =	vld.idx.msk [tilespmem:v22+s14+$0x0], $0xffff  }
0xa22: {  	v22 =	vld [tilespmem:$0x1D700];
	_ =	sdelay $0x1  }
0xa23: {  	v49 =	vld [tilespmem:$0x1D730]  }
0xa24: {  	v56 =	vld [tilespmem:$0x1D740];
	_ =	sdelay $0x1  }
0xa25: {  	v46 =	vld [tilespmem:$0x1D750];
	v22 =	vmul.f32 v47, v22;
	_ =	sdelay $0x1  }
0xa26: {  	v26 =	vor.u32 $0x4, v23;
	[tilespmem:$0x1E850] =	vst v22;
	v22 =	vld [tilespmem:$0x1D720]  }
0xa27: {  	v42 =	vmul.f32 v56, v49;
	_ =	sdelay $0x1  }
0xa28: {  	[tilespmem:$0x1E8B0] =	vst v42;
	v42 =	vmul.f32 v50, v46;
	_ =	sdelay $0x1  }
0xa29: {  	[tilespmem:$0x1E8E0] =	vst v42;
	v42 =	vld.idx.msk [tilespmem:v26+s15+$0x0], $0xffff;
	v22 =	vmul.f32 v41, v22  }
0xa2a: {  	v47 =	vld [tilespmem:$0x1D770]  }
0xa2b: {  	[tilespmem:$0x1E880] =	vst v22;
	v22 =	vld.idx.msk [tilespmem:v26+s14+$0x0], $0xffff  }
0xa2c: {  	v26 =	vld [tilespmem:$0x1D760];
	_ =	sdelay $0x4  }
0xa2d: {  	v26 =	vmul.f32 v47, v26;
	_ =	sdelay $0x1  }
0xa2e: {  	[tilespmem:$0x1E910] =	vst v26;
	v26 =	vld [tilespmem:$0x1D780];
	_ =	sdelay $0x4  }
0xa2f: {  	v26 =	vmul.f32 v58, v26  }
0xa30: {  	v49 =	vld [tilespmem:$0x1D7A0]  }
0xa31: {  	[tilespmem:$0x1E930] =	vst v26;
	v26 =	vld [tilespmem:$0x1D790];
	_ =	sdelay $0x4  }
0xa32: {  	v26 =	vmul.f32 v49, v26  }
0xa33: {  	v56 =	vld [tilespmem:$0x1D7C0]  }
0xa34: {  	[tilespmem:$0x1E940] =	vst v26;
	v26 =	vld [tilespmem:$0x1D7B0]  }
0xa35: {  	v31 =	vor.u32 $0x5, v23;
	_ =	sdelay $0x3  }
0xa36: {  	v46 =	vld [tilespmem:$0x1D7E0];
	v26 =	vmul.f32 v56, v26  }
0xa37: {  	v44 =	vld.idx.msk [tilespmem:v31+s14+$0x0], $0xffff  }
0xa38: {  	[tilespmem:$0x1E950] =	vst v26;
	v26 =	vld.idx.msk [tilespmem:v31+s15+$0x0], $0xffff  }
0xa39: {  	v31 =	vld [tilespmem:$0x1D7D0];
	_ =	sdelay $0x4  }
0xa3a: {  	v31 =	vmul.f32 v46, v31  }
0xa3b: {  	v47 =	vld [tilespmem:$0x1D800]  }
0xa3c: {  	[tilespmem:$0x1E960] =	vst v31;
	v31 =	vld [tilespmem:$0x1D7F0];
	_ =	sdelay $0x4  }
0xa3d: {  	v4 =	vld.idx.msk [tilespmem:v4+s15+$0x0], $0xffff;
	v31 =	vmul.f32 v47, v31  }
0xa3e: {  	v56 =	vld [tilespmem:$0x1D820]  }
0xa3f: {  	[tilespmem:$0x1E970] =	vst v31;
	v31 =	vld [tilespmem:$0x1D810];
	_ =	sdelay $0x2  }
0xa40: {  	[tilespmem:$0x1E430] =	vst v4;
	v4 =	vor.u32 $0x14, v23;
	_ =	sdelay $0x1  }
0xa41: {  	v31 =	vmul.f32 v56, v31;
	_ =	sdelay $0x1  }
0xa42: {  	[tilespmem:$0x1E980] =	vst v31;
	v31 =	vld [tilespmem:$0x1D830]  }
0xa43: {  	v20 =	vld.idx.msk [tilespmem:v4+s14+$0x0], $0xffff  }
0xa44: {  	v21 =	vld.idx.msk [tilespmem:v4+s15+$0x0], $0xffff;
	v4 =	vor.u32 $0x11, v23;
	_ =	sdelay $0x1  }
0xa45: {  	v56 =	vld [tilespmem:$0x1D850]  }
0xa46: {  	v7 =	vor.u32 $0x25, v23;
	v11 =	vmul.f32 v11, v31;
	v31 =	vld [tilespmem:$0x1D840];
	_ =	sdelay $0x1  }
0xa47: {  	v29 =	vld.idx.msk [tilespmem:v4+s14+$0x0], $0xffff  }
0xa48: {  	v30 =	vld.idx.msk [tilespmem:v4+s15+$0x0], $0xffff;
	v4 =	vor.u32 $0x63, v23  }
0xa49: {  	v34 =	vor.u32 $0xD, v23;
	[tilespmem:$0x1EA10] =	vst v4;
	v4 =	vor.u32 $0x67, v23  }
0xa4a: {  	v6 =	vld.idx.msk [tilespmem:v7+s14+$0x0], $0xffff;
	[tilespmem:$0x1EA20] =	vst v4;
	v4 =	vor.u32 $0x6B, v23;
	v31 =	vmul.f32 v56, v31  }
0xa4b: {  	[tilespmem:$0x1EA30] =	vst v4;
	v4 =	vor.u32 $0xE, v23;
	v56 =	vld [tilespmem:$0x1D870]  }
0xa4c: {  	[tilespmem:$0x1E9A0] =	vst v31;
	v31 =	vld [tilespmem:$0x1D860]  }
0xa4d: {  	v7 =	vld.idx.msk [tilespmem:v7+s15+$0x0], $0xffff;
	v45 =	vor.u32 $0x6, v23  }
0xa4e: {  	p0 =	sne.s32 s24, $0x70;
	v33 =	vld.idx.msk [tilespmem:v34+s14+$0x0], $0xffff  }
.Ltmp1:
0xa4f: {  	v34 =	vld.idx.msk [tilespmem:v34+s15+$0x0], $0xffff;
	(pc) =	sbr.rel @p0 .LBB2_5-.Ltmp1, $4  }
0xa50: {  	[tilespmem:$0x1E5E0] =	vst v3;
	v3 =	vld.idx.msk [tilespmem:v4+s14+$0x0], $0xffff  }
0xa51: {  	v4 =	vld.idx.msk [tilespmem:v4+s15+$0x0], $0xffff;
	v50 =	vor.u32 $0x43, v23;
	v31 =	vmul.f32 v56, v31  }
0xa52: {  	v43 =	vld.idx.msk [tilespmem:v45+s14+$0x0], $0xffff;
	v38 =	vor.u32 $0x4B, v23;
	v41 =	vor.u32 $0x47, v23;
	v58 =	vor.u32 $0x3F, v23;
	[tilespmem:$0x1E990] =	vst v11  }
0xa53: {  	s24 =	sadd.s32 $0x10, s24;
	v45 =	vld.idx.msk [tilespmem:v45+s15+$0x0], $0xffff;
	v49 =	vor.u32 $0x1, v23;
	v47 =	vor.u32 $0x2, v23;
	v11 =	vor.u32 $0x3B, v23;
	[tilespmem:$0x1E9B0] =	vst v31  }
0xa54: {  	_ = 	snop  }
0xa55: {  	v31 =	vld [tilespmem:$0x1E350]  }
0xa56: {  	v56 =	vld [tilespmem:$0x1E360]  }
0xa57: {  	v40 =	vmul.f32 v40, v57;
	v57 =	vld [tilespmem:$0x1E390]  }
0xa58: {  	v0 =	vmul.f32 v0, v63;
	v1 =	vmul.f32 v5, v1;
	v5 =	vld.idx.msk [tilespmem:v49+s15+$0x0], $0xffff  }
0xa59: {  	v63 =	vor.u32 $0x3, v23;
	v6 =	vmul.f32 v7, v6;
	v7 =	vmul.f32 v48, v10;
	v10 =	vld.idx.msk [tilespmem:v23+s15+$0x0], $0xffff  }
0xa5a: {  	v14 =	vmul.f32 v15, v14;
	v15 =	vld.idx.msk [tilespmem:v23+s14+$0x0], $0xffff  }
0xa5b: {  	v13 =	vmul.f32 v13, v51;
	v48 =	vor.u32 $0x7, v23;
	v51 =	vld.idx.msk [tilespmem:v47+s14+$0x0], $0xffff  }
0xa5c: {  	v16 =	vmul.f32 v54, v16;
	v54 =	vld.idx.msk [tilespmem:v47+s15+$0x0], $0xffff  }
0xa5d: {  	v18 =	vmul.f32 v18, v59;
	v59 =	vor.u32 $0xB, v23;
	v56 =	vmul.f32 v56, v31;
	v31 =	vld.idx.msk [tilespmem:v49+s14+$0x0], $0xffff  }
0xa5e: {  	v57 =	vmul.f32 v60, v57;
	v60 =	vld.idx.msk [tilespmem:v63+s14+$0x0], $0xffff  }
0xa5f: {  	v46 =	vmul.f32 v53, v52;
	v55 =	vmul.f32 v61, v55;
	v52 =	vor.u32 $0x13, v23;
	v61 =	vld.idx.msk [tilespmem:v63+s15+$0x0], $0xffff  }
0xa60: {  	v8 =	vmul.f32 v32, v8;
	v32 =	vmul.f32 v34, v33;
	v34 =	vor.u32 $0x1B, v23;
	v63 =	vld.idx.msk [tilespmem:v48+s14+$0x0], $0xffff  }
0xa61: {  	v49 =	vld.idx.msk [tilespmem:v48+s15+$0x0], $0xffff  }
0xa62: {  	v33 =	vmul.f32 v37, v36;
	v37 =	vor.u32 $0x1F, v23;
	v53 =	vld.idx.msk [tilespmem:v59+s14+$0x0], $0xffff  }
0xa63: {  	v20 =	vmul.f32 v21, v20;
	v21 =	vmul.f32 v54, v51;
	v54 =	vld.idx.msk [tilespmem:v59+s15+$0x0], $0xffff  }
0xa64: {  	v12 =	vmul.f32 v35, v12;
	v35 =	vld.idx.msk [tilespmem:v52+s14+$0x0], $0xffff  }
0xa65: {  	v19 =	vmul.f32 v62, v19;
	v62 =	vor.u32 $0xF, v23;
	v10 =	vmul.f32 v10, v15;
	v48 =	vld.idx.msk [tilespmem:v34+s14+$0x0], $0xffff  }
0xa66: {  	v51 =	vld.idx.msk [tilespmem:v34+s15+$0x0], $0xffff  }
0xa67: {  	v22 =	vmul.f32 v42, v22;
	v3 =	vmul.f32 v4, v3;
	v4 =	vld.idx.msk [tilespmem:v37+s15+$0x0], $0xffff;
	v10 =	vadd.f32 $0.0e+00, v10  }
0xa68: {  	v59 =	vor.u32 $0x17, v23;
	v34 =	vld [tilespmem:$0x1E410]  }
0xa69: {  	v24 =	vmul.f32 v25, v24;
	v10 =	vadd.f32 v22, v10;
	v22 =	vld.idx.msk [tilespmem:v58+s15+$0x0], $0xffff  }
0xa6a: {  	v25 =	vmul.f32 v28, v27;
	v27 =	vmul.f32 v61, v60;
	v60 =	vld.idx.msk [tilespmem:v62+s14+$0x0], $0xffff  }
0xa6b: {  	v62 =	vld.idx.msk [tilespmem:v62+s15+$0x0], $0xffff  }
0xa6c: {  	v5 =	vmul.f32 v5, v31;
	v31 =	vld.idx.msk [tilespmem:v52+s15+$0x0], $0xffff  }
0xa6d: {  	v42 =	vld.idx.msk [tilespmem:v59+s14+$0x0], $0xffff  }
0xa6e: {  	v26 =	vmul.f32 v26, v44;
	v44 =	vld.idx.msk [tilespmem:v59+s15+$0x0], $0xffff  }
0xa6f: {  	v36 =	vmul.f32 v54, v53;
	v53 =	vld [tilespmem:$0x1E480]  }
0xa70: {  	v21 =	vadd.f32 $0.0e+00, v21;
	v61 =	vmul.f32 v45, v43;
	v54 =	vld [tilespmem:$0x1E4F0]  }
0xa71: {  	v45 =	vor.u32 $0x23, v23;
	v10 =	vadd.f32 v33, v10;
	v33 =	vld [tilespmem:$0x1E400]  }
0xa72: {  	v21 =	vadd.f32 v61, v21;
	v61 =	vld [tilespmem:$0x1E440]  }
0xa73: {  	v15 =	vmul.f32 v49, v63;
	v52 =	vor.u32 $0x27, v23;
	v63 =	vadd.f32 $0.0e+00, v27;
	v27 =	vld [tilespmem:$0x1E420]  }
0xa74: {  	v12 =	vadd.f32 v12, v21;
	v21 =	vld [tilespmem:$0x1E340]  }
0xa75: {  	v43 =	vmul.f32 v62, v60;
	v62 =	vld [tilespmem:$0x1E450]  }
0xa76: {  	v15 =	vadd.f32 v15, v63;
	v63 =	vld.idx.msk [tilespmem:v45+s14+$0x0], $0xffff  }
0xa77: {  	v8 =	vadd.f32 v8, v10;
	v10 =	vld.idx.msk [tilespmem:v45+s15+$0x0], $0xffff  }
0xa78: {  	v28 =	vmul.f32 v30, v29;
	v5 =	vadd.f32 $0.0e+00, v5;
	v29 =	vld.idx.msk [tilespmem:v52+s15+$0x0], $0xffff  }
0xa79: {  	v59 =	vmul.f32 v44, v42;
	v42 =	vld [tilespmem:$0x1E3E0]  }
0xa7a: {  	v17 =	vmul.f32 v39, v17;
	v5 =	vadd.f32 v26, v5;
	v8 =	vadd.f32 v25, v8;
	v25 =	vld [tilespmem:$0x1E9A0]  }
0xa7b: {  	v2 =	vmul.f32 v9, v2;
	v3 =	vadd.f32 v3, v12;
	v12 =	vmul.f32 v51, v48;
	v51 =	vld [tilespmem:$0x1E3D0]  }
0xa7c: {  	v5 =	vadd.f32 v17, v5;
	v15 =	vadd.f32 v36, v15;
	v17 =	vld.idx.msk [tilespmem:v11+s15+$0x0], $0xffff  }
0xa7d: {  	v60 =	vor.u32 $0x2B, v23;
	v2 =	vadd.f32 v2, v3;
	v3 =	vld.idx.msk [tilespmem:v37+s14+$0x0], $0xffff  }
0xa7e: {  	v26 =	vmul.f32 v54, v53;
	v47 =	vadd.f32 v43, v15;
	v43 =	vld [tilespmem:$0x1E3F0]  }
0xa7f: {  	v30 =	vor.u32 $0x33, v23;
	v5 =	vadd.f32 v32, v5;
	v15 =	vld [tilespmem:$0x1E6E0]  }
0xa80: {  	v2 =	vadd.f32 v26, v2;
	v26 =	vld.idx.msk [tilespmem:v52+s14+$0x0], $0xffff  }
0xa81: {  	v5 =	vadd.f32 v28, v5;
	v28 =	vld [tilespmem:$0x1E430]  }
0xa82: {  	v49 =	vmul.f32 v31, v35;
	v35 =	vor.u32 $0x37, v23;
	v32 =	vld.idx.msk [tilespmem:v60+s14+$0x0], $0xffff  }
0xa83: {  	v36 =	vld.idx.msk [tilespmem:v60+s15+$0x0], $0xffff  }
0xa84: {  	v9 =	vadd.f32 v49, v47;
	v47 =	vld.idx.msk [tilespmem:v30+s14+$0x0], $0xffff  }
0xa85: {  	v49 =	vld [tilespmem:$0x1E3C0]  }
0xa86: {  	v52 =	vld.idx.msk [tilespmem:v30+s15+$0x0], $0xffff  }
0xa87: {  	v54 =	vld.idx.msk [tilespmem:v35+s14+$0x0], $0xffff  }
0xa88: {  	v8 =	vadd.f32 v20, v8;
	v60 =	vld.idx.msk [tilespmem:v35+s15+$0x0], $0xffff  }
0xa89: {  	v20 =	vmul.f32 v62, v61;
	v62 =	vld.idx.msk [tilespmem:v11+s14+$0x0], $0xffff  }
0xa8a: {  	v8 =	vadd.f32 v18, v8;
	v37 =	vmul.f32 v10, v63;
	v63 =	vld [tilespmem:$0x1E370]  }
0xa8b: {  	v35 =	vld [tilespmem:$0x1E300]  }
0xa8c: {  	v31 =	vadd.f32 v14, v8;
	v14 =	vld [tilespmem:$0x1E6C0]  }
0xa8d: {  	v9 =	vadd.f32 v59, v9;
	v59 =	vld [tilespmem:$0x1E3B0]  }
0xa8e: {  	v2 =	vadd.f32 v20, v2;
	v20 =	vld [tilespmem:$0x1E330]  }
0xa8f: {  	v3 =	vmul.f32 v4, v3;
	v4 =	vadd.f32 v7, v31;
	v31 =	vld.idx.msk [tilespmem:v41+s14+$0x0], $0xffff  }
0xa90: {  	v7 =	vmul.f32 v43, v42;
	v42 =	vld [tilespmem:$0x1E2D0]  }
0xa91: {  	v43 =	vld [tilespmem:$0x1E2E0]  }
0xa92: {  	v9 =	vadd.f32 v12, v9;
	v12 =	vmul.f32 v34, v33;
	v33 =	vld [tilespmem:$0x1E990]  }
0xa93: {  	v5 =	vadd.f32 v24, v5;
	v34 =	vld [tilespmem:$0x1E2F0]  }
0xa94: {  	v45 =	vmul.f32 v29, v26;
	v26 =	vld [tilespmem:$0x1E9B0]  }
0xa95: {  	v5 =	vadd.f32 v19, v5;
	v19 =	vmul.f32 v28, v27;
	v27 =	vld [tilespmem:$0x1E310]  }
0xa96: {  	v28 =	vld [tilespmem:$0x1E320]  }
0xa97: {  	v29 =	vld.idx.msk [tilespmem:v50+s15+$0x0], $0xffff  }
0xa98: {  	v53 =	vmul.f32 v36, v32;
	v32 =	vld [tilespmem:$0x1E980]  }
0xa99: {  	v36 =	vld.idx.msk [tilespmem:v41+s15+$0x0], $0xffff  }
0xa9a: {  	v24 =	vor.u32 $0x2F, v23;
	v41 =	vld [tilespmem:$0x1E970]  }
0xa9b: {  	v23 =	vmul.f32 v60, v54;
	v54 =	vld [tilespmem:$0x1EA70]  }
0xa9c: {  	v30 =	vmul.f32 v17, v62;
	v62 =	vld [tilespmem:$0x1EA60]  }
0xa9d: {  	v17 =	vld [tilespmem:$0x1E8E0]  }
0xa9e: {  	v5 =	vadd.f32 v16, v5;
	v16 =	vld [tilespmem:$0x1E380]  }
0xa9f: {  	v1 =	vadd.f32 v1, v4;
	v39 =	vld.idx.msk [tilespmem:v24+s14+$0x0], $0xffff  }
0xaa0: {  	v44 =	vld.idx.msk [tilespmem:v24+s15+$0x0], $0xffff  }
0xaa1: {  	v1 =	vadd.f32 v55, v1;
	v55 =	vld [tilespmem:$0x1E3A0]  }
0xaa2: {  	v2 =	vadd.f32 v19, v2;
	v19 =	vld.idx.msk [tilespmem:v58+s14+$0x0], $0xffff  }
0xaa3: {  	v24 =	vld.idx.msk [tilespmem:v50+s14+$0x0], $0xffff  }
0xaa4: {  	v50 =	vld [tilespmem:$0x1E2B0]  }
0xaa5: {  	v58 =	vld [tilespmem:$0x1E290];
	v5 =	vadd.f32 v13, v5  }
0xaa6: {  	v1 =	vadd.f32 v57, v1;
	v57 =	vld [tilespmem:$0x1E930]  }
0xaa7: {  	v48 =	vadd.f32 v6, v5;
	v5 =	vmul.f32 v51, v49;
	v49 =	vld [tilespmem:$0x1E950]  }
0xaa8: {  	v51 =	vld [tilespmem:$0x1E2C0]  }
0xaa9: {  	v3 =	vadd.f32 v3, v9;
	v9 =	vmul.f32 v28, v27;
	v27 =	vld [tilespmem:$0x1E260]  }
0xaaa: {  	v2 =	vadd.f32 v12, v2;
	v1 =	vadd.f32 v56, v1;
	v56 =	vld [tilespmem:$0x1E910]  }
0xaab: {  	v10 =	vmul.f32 v16, v63;
	v16 =	vld [tilespmem:$0x1E8B0]  }
0xaac: {  	v2 =	vadd.f32 v7, v2;
	v7 =	vmul.f32 v35, v34;
	v34 =	vld [tilespmem:$0x1E230]  }
0xaad: {  	v35 =	vld [tilespmem:$0x1E240]  }
0xaae: {  	v61 =	vmul.f32 v44, v39;
	v39 =	vld.idx.msk [tilespmem:v38+s14+$0x0], $0xffff  }
0xaaf: {  	v44 =	vld.idx.msk [tilespmem:v38+s15+$0x0], $0xffff  }
0xab0: {  	v0 =	vadd.f32 v0, v48;
	v48 =	vld [tilespmem:$0x1E940]  }
0xab1: {  	v4 =	vmul.f32 v59, v55;
	v59 =	vld [tilespmem:$0x1E2A0]  }
0xab2: {  	v3 =	vadd.f32 v37, v3;
	v37 =	vmul.f32 v22, v19;
	v19 =	vld [tilespmem:$0x1E280]  }
0xab3: {  	v22 =	vld [tilespmem:$0x1EA50]  }
0xab4: {  	v3 =	vadd.f32 v45, v3;
	v45 =	vmul.f32 v29, v24;
	v24 =	vld [tilespmem:$0x1E850]  }
0xab5: {  	v38 =	vld [tilespmem:$0x1EA10]  }
0xab6: {  	v55 =	vld.idx.msk [tilespmem:v54+s14+$0x0], $0xffff  }
0xab7: {  	v60 =	vld.idx.msk [tilespmem:v54+s15+$0x0], $0xffff  }
0xab8: {  	v63 =	vld.idx.msk [tilespmem:v62+s14+$0x0], $0xffff  }
0xab9: {  	v6 =	vmul.f32 v21, v20;
	v20 =	vld.idx.msk [tilespmem:v62+s15+$0x0], $0xffff  }
0xaba: {  	v1 =	vadd.f32 v25, v1;
	v25 =	vld [tilespmem:$0x1E880]  }
0xabb: {  	v54 =	vld [tilespmem:$0x1EA30]  }
0xabc: {  	v62 =	vld [tilespmem:$0x1E9F0]  }
0xabd: {  	v0 =	vadd.f32 v46, v0;
	v46 =	vld [tilespmem:$0x1EA80]  }
0xabe: {  	v3 =	vadd.f32 v53, v3;
	v1 =	vadd.f32 v32, v1;
	v32 =	vld [tilespmem:$0x1E800]  }
0xabf: {  	v8 =	vmul.f32 v51, v50;
	v50 =	vld [tilespmem:$0x1E1F0]  }
0xac0: {  	v18 =	vmul.f32 v52, v47;
	v3 =	vadd.f32 v61, v3;
	v51 =	vld [tilespmem:$0x1E200]  }
0xac1: {  	v0 =	vadd.f32 v40, v0;
	v40 =	vld [tilespmem:$0x1E960]  }
0xac2: {  	v3 =	vadd.f32 v18, v3;
	v18 =	vld [tilespmem:$0x1E270]  }
0xac3: {  	v0 =	vadd.f32 v26, v0;
	v26 =	vld [tilespmem:$0x1E250]  }
0xac4: {  	v3 =	vadd.f32 v23, v3;
	v23 =	vld.idx.msk [tilespmem:v22+s14+$0x0], $0xffff  }
0xac5: {  	v2 =	vadd.f32 v5, v2;
	v28 =	vld.idx.msk [tilespmem:v22+s15+$0x0], $0xffff  }
0xac6: {  	v3 =	vadd.f32 v30, v3;
	v30 =	vld [tilespmem:$0x1EA40]  }
0xac7: {  	v2 =	vadd.f32 v4, v2;
	v0 =	vadd.f32 v33, v0;
	v33 =	vld [tilespmem:$0x1E820]  }
0xac8: {  	v61 =	vmul.f32 v44, v39;
	v39 =	vld.idx.msk [tilespmem:v38+s14+$0x0], $0xffff  }
0xac9: {  	v2 =	vadd.f32 v10, v2;
	v44 =	vld.idx.msk [tilespmem:v38+s15+$0x0], $0xffff  }
0xaca: {  	v22 =	vld [tilespmem:$0x1E660]  }
0xacb: {  	v2 =	vadd.f32 v6, v2;
	v38 =	vld [tilespmem:$0x1E5C0]  }
0xacc: {  	v1 =	vadd.f32 v40, v1;
	v40 =	vld [tilespmem:$0x1E7B0]  }
0xacd: {  	v2 =	vadd.f32 v9, v2;
	v9 =	vmul.f32 v43, v42;
	v42 =	vld [tilespmem:$0x1E210]  }
0xace: {  	v43 =	vld [tilespmem:$0x1E220]  }
0xacf: {  	v29 =	vmul.f32 v60, v55;
	v55 =	vld.idx.msk [tilespmem:v54+s14+$0x0], $0xffff  }
0xad0: {  	v60 =	vld.idx.msk [tilespmem:v54+s15+$0x0], $0xffff  }
0xad1: {  	v54 =	vld [tilespmem:$0x1E110]  }
0xad2: {  	v47 =	vld.idx.msk [tilespmem:v46+s14+$0x0], $0xffff  }
0xad3: {  	v52 =	vld.idx.msk [tilespmem:v46+s15+$0x0], $0xffff  }
0xad4: {  	v0 =	vadd.f32 v41, v0;
	v41 =	vld [tilespmem:$0x1E7D0]  }
0xad5: {  	v46 =	vld [tilespmem:$0x1EA20]  }
0xad6: {  	v3 =	vadd.f32 v37, v3;
	v37 =	vmul.f32 v20, v63;
	v63 =	vld.idx.msk [tilespmem:v62+s14+$0x0], $0xffff  }
0xad7: {  	v20 =	vld [tilespmem:$0x1EA00]  }
0xad8: {  	v1 =	vadd.f32 v48, v1;
	v48 =	vld [tilespmem:$0x1E760]  }
0xad9: {  	v2 =	vadd.f32 v7, v2;
	v0 =	vadd.f32 v49, v0;
	v49 =	vld [tilespmem:$0x1E780]  }
0xada: {  	v1 =	vadd.f32 v56, v1;
	v56 =	vld [tilespmem:$0x1E710]  }
0xadb: {  	v2 =	vadd.f32 v9, v2;
	v9 =	vmul.f32 v59, v58;
	v58 =	vld [tilespmem:$0x1E1D0]  }
0xadc: {  	v59 =	vld [tilespmem:$0x1E1E0]  }
0xadd: {  	v3 =	vadd.f32 v45, v3;
	v45 =	vmul.f32 v28, v23;
	v23 =	vld [tilespmem:$0x1E690]  }
0xade: {  	v28 =	vld [tilespmem:$0x1E9C0]  }
0xadf: {  	v0 =	vadd.f32 v57, v0;
	v57 =	vld [tilespmem:$0x1E730]  }
0xae0: {  	v1 =	vadd.f32 v16, v1;
	v16 =	vld [tilespmem:$0x1E1B0]  }
0xae1: {  	v2 =	vadd.f32 v8, v2;
	v8 =	vmul.f32 v19, v18;
	v18 =	vld.idx.msk [tilespmem:v62+s15+$0x0], $0xffff  }
0xae2: {  	v62 =	vld [tilespmem:$0x1E460]  }
0xae3: {  	v53 =	vmul.f32 v36, v31;
	v31 =	vld.idx.msk [tilespmem:v30+s14+$0x0], $0xffff  }
0xae4: {  	v36 =	vld.idx.msk [tilespmem:v30+s15+$0x0], $0xffff  }
0xae5: {  	v3 =	vadd.f32 v53, v3;
	v0 =	vadd.f32 v17, v0;
	v17 =	vld [tilespmem:$0x1E1C0]  }
0xae6: {  	v30 =	vld [tilespmem:$0x1E610]  }
0xae7: {  	v3 =	vadd.f32 v61, v3;
	v61 =	vmul.f32 v44, v39;
	v39 =	vld [tilespmem:$0x1E5E0]  }
0xae8: {  	v44 =	vld [tilespmem:$0x1E9E0]  }
0xae9: {  	v1 =	vadd.f32 v24, v1;
	v24 =	vld [tilespmem:$0x1E190]  }
0xaea: {  	v2 =	vadd.f32 v9, v2;
	v9 =	vmul.f32 v27, v26;
	v27 =	vmul.f32 v60, v55;
	v55 =	vld [tilespmem:$0x1E120]  }
0xaeb: {  	v60 =	vld [tilespmem:$0x1E100]  }
0xaec: {  	v21 =	vmul.f32 v52, v47;
	v47 =	vld.idx.msk [tilespmem:v46+s14+$0x0], $0xffff  }
0xaed: {  	v52 =	vld.idx.msk [tilespmem:v46+s15+$0x0], $0xffff  }
0xaee: {  	v3 =	vadd.f32 v21, v3;
	v21 =	vld.idx.msk [tilespmem:v20+s14+$0x0], $0xffff  }
0xaef: {  	v0 =	vadd.f32 v25, v0;
	v25 =	vld [tilespmem:$0x1E1A0]  }
0xaf0: {  	v26 =	vld.idx.msk [tilespmem:v20+s15+$0x0], $0xffff  }
0xaf1: {  	v46 =	vld [tilespmem:$0x1E570]  }
0xaf2: {  	v1 =	vadd.f32 v32, v1;
	v32 =	vld [tilespmem:$0x1E170]  }
0xaf3: {  	v0 =	vadd.f32 v33, v0;
	v33 =	vld [tilespmem:$0x1E180]  }
0xaf4: {  	v2 =	vadd.f32 v8, v2;
	v3 =	vadd.f32 v29, v3;
	v29 =	vld.idx.msk [tilespmem:v28+s14+$0x0], $0xffff  }
0xaf5: {  	v53 =	vmul.f32 v36, v31;
	v31 =	vld [tilespmem:$0x1E630]  }
0xaf6: {  	v8 =	vmul.f32 v35, v34;
	v2 =	vadd.f32 v9, v2;
	v34 =	vld.idx.msk [tilespmem:v28+s15+$0x0], $0xffff  }
0xaf7: {  	v1 =	vadd.f32 v40, v1;
	v36 =	vld [tilespmem:$0x1E9D0];
	v0 =	vadd.f32 v41, v0  }
0xaf8: {  	v9 =	vmul.f32 v43, v42;
	v40 =	vld [tilespmem:$0x1E150];
	v3 =	vadd.f32 v37, v3;
	v2 =	vadd.f32 v8, v2  }
0xaf9: {  	v41 =	vld [tilespmem:$0x1E160];
	v1 =	vadd.f32 v48, v1;
	v8 =	vmul.f32 v51, v50;
	v0 =	vadd.f32 v49, v0  }
0xafa: {  	v19 =	vmul.f32 v52, v47;
	v47 =	vld [tilespmem:$0x1E590];
	v3 =	vadd.f32 v45, v3;
	v2 =	vadd.f32 v9, v2  }
0xafb: {  	v48 =	vld [tilespmem:$0x1E130];
	v1 =	vadd.f32 v56, v1;
	v0 =	vadd.f32 v57, v0  }
0xafc: {  	v52 =	vld [tilespmem:$0x1E520];
	v9 =	vmul.f32 v59, v58;
	v3 =	vadd.f32 v53, v3;
	v2 =	vadd.f32 v8, v2  }
0xafd: {  	v45 =	vld.idx.msk [tilespmem:v44+s14+$0x0], $0xffff;
	v1 =	vadd.f32 v14, v1;
	v0 =	vadd.f32 v15, v0  }
0xafe: {  	v49 =	vld [tilespmem:$0x1E140];
	v8 =	vmul.f32 v17, v16;
	v3 =	vadd.f32 v61, v3;
	v2 =	vadd.f32 v9, v2  }
0xaff: {  	v50 =	vld.idx.msk [tilespmem:v44+s15+$0x0], $0xffff;
	v1 =	vadd.f32 v22, v1;
	v0 =	vadd.f32 v23, v0  }
0xb00: {  	v58 =	vld [tilespmem:$0x1E4E0];
	v9 =	vmul.f32 v25, v24;
	v3 =	vadd.f32 v19, v3;
	v2 =	vadd.f32 v8, v2  }
0xb01: {  	v35 =	vmul.f32 v18, v63;
	v53 =	vld [tilespmem:$0x1E540];
	v1 =	vadd.f32 v30, v1;
	v0 =	vadd.f32 v31, v0  }
0xb02: {  	v37 =	vld.idx.msk [tilespmem:v36+s14+$0x0], $0xffff;
	v8 =	vmul.f32 v33, v32;
	v3 =	vadd.f32 v27, v3;
	v2 =	vadd.f32 v9, v2  }
0xb03: {  	v43 =	vmul.f32 v26, v21;
	v42 =	vld.idx.msk [tilespmem:v36+s15+$0x0], $0xffff;
	v1 =	vadd.f32 v38, v1;
	v0 =	vadd.f32 v39, v0  }
0xb04: {  	v57 =	vld [tilespmem:$0x1E4B0];
	v9 =	vmul.f32 v41, v40;
	v3 =	vadd.f32 v35, v3;
	v2 =	vadd.f32 v8, v2  }
0xb05: {  	v59 =	vld [tilespmem:$0x1E0F0];
	v51 =	vmul.f32 v34, v29;
	v1 =	vadd.f32 v46, v1;
	v0 =	vadd.f32 v47, v0  }
0xb06: {  	v63 =	vld [tilespmem:$0x1E470];
	v8 =	vmul.f32 v49, v48;
	v3 =	vadd.f32 v43, v3;
	v2 =	vadd.f32 v9, v2  }
0xb07: {  	v6 =	vmul.f32 v55, v54;
	v1 =	vadd.f32 v52, v1;
	v0 =	vadd.f32 v53, v0  }
0xb08: {  	v56 =	vmul.f32 v42, v37;
	v3 =	vadd.f32 v51, v3;
	v2 =	vadd.f32 v8, v2  }
0xb09: {  	v61 =	vmul.f32 v50, v45;
	v1 =	vadd.f32 v57, v1;
	v0 =	vadd.f32 v58, v0  }
0xb0a: {  	v5 =	vmul.f32 v60, v59;
	v3 =	vadd.f32 v56, v3;
	v2 =	vadd.f32 v6, v2  }
0xb0b: {  	v1 =	vadd.f32 v62, v1;
	v0 =	vadd.f32 v63, v0  }
0xb0c: {  	s22 =	sadd.s32 $0x1, s22;
	v3 =	vadd.f32 v61, v3;
	v2 =	vadd.f32 v5, v2  }
0xb0d: {  	p0 =	sne.s32 s22, $0x28  }
.Ltmp2:
0xb0e: {  	v0 =	vadd.f32 v0, v1;
	v1 =	vadd.f32 v3, v2;
	(pc) =	sbr.rel @p0 .LBB2_2-.Ltmp2, $4  }
0xb0f: {  	_ = 	snop  }
0xb10: {  	v0 =	vadd.f32 v1, v0  }
0xb11: {  	s23 =	sadd.s32 $0x10, s23  }
0xb12: {  	s21 =	sadd.s32 $0x100, s21;
	s20 =	sadd.s32 $0x100, s20;
	v1 =	vld [tilespmem:$0x1FFF0];
	[tilespmem:s23+$0x0] =	vst v0  }
0xb13: {  	_ =	swait.ge [sflag:s16], $0x4000  }
0xb14: {  	[sflag:s16] =	ssyncset.done $0x0  }
0xb15: {  	[sflag:s16] =	ssyncadd.s32 $0xFFFFC000  }
0xb16: {  	s19 =	sadd.s32 $0x1, s19;
	_ =	swait.ge [sflag:s16], $0x4000  }
0xb17: {  	p0 =	sne.s32 s19, s7;
	[sflag:s16] =	ssyncset.done $0x0  }
.Ltmp3:
0xb18: {  	[sflag:s16] =	ssyncadd.s32 $0xFFFFC000;
	(pc) =	sbr.rel @p0 .LBB2_1-.Ltmp3, $4  }
0xb19: {  	[hbm4b:s6+s3] =	stream.linear.scatter [tilespmem:s18], [sflag:$0x3], $0x2800, $0x38;
	[tilespmem:$0x17800] =	vst v63  }
0xb1a: {  	_ =	swait.ge [sflag:s10], $0x2800  }
0xb1b: {  	[sflag:s10] =	ssyncset.done $0x0  }
0xb1c: {  	[sflag:s10] =	ssyncadd.s32 $0xFFFFD800  }
0xb1d: {  	_ =	sfence.sel $0x180000  }
0xb1e: {  	[bflag:$0x0] =	sbarrier.arrive $0xFFFF  }
0xb1f: {  	p0 =	sne.s32 s0, $0x0;
	_ =	strace $0x90000047  }
0xb20: {  	s0 =	sadd.s32 @!p0 $0x100000, s1;
	[bflag:$0x2] =	sbarrier.arrive $0xFFFF  }
0xb21: {  	[sflag:s0] =	ssyncadd.tile.s32 @!p0 $0x1;
	_ =	shalt  }
.Lfunc_end2:
_tile_overlayer_lowered:
.L_overlay_start_2:
0xb22: {  	(tag) =	ssettag $0x2  }
0xb23: {  	s0 =	rddreg [dreg:$0x0];
	s2 =	stileid.u32  }
0xb24: {  	s1 =	rddreg [dreg:$0x1];
	p0 =	sne.s32 s2, $0x0  }
0xb25: {  	s3 =	rddreg [dreg:$0x2];
	[bflag:$0x3] =	sbarrier.arrive $0xFFFF;
	s2 =	simm.s32 @!p0 $0x1C03  }
0xb26: {  	[timem:s3], [sflag:s2] =	dma.local @!p0 [hbm:s0], s1  }
0xb27: {  	s0 =	simm.s32 @!p0 $0x3  }
0xb28: {  	_ =	swait.ge @!p0 [sflag:s0], s1  }
0xb29: {  	s1 =	ssub.s32 @!p0 $0x0, s1;
	[sflag:s0] =	ssyncset.done @!p0 $0x0  }
0xb2a: {  	[sflag:s0] =	ssyncadd.s32 @!p0 s1  }
0xb2b: {  	[bflag:$0x3] =	sbarrier.arrive $0xFFFF  }
0xb2c: {  	_ =	shalt  }

</sc_bundles>
